<compile_context>
chip_gen: v7x
topology: tpu7x:2x2x1
jax: 0.10.2.dev20260603
libtpu: 0.0.44.dev20260713+nightly
codegen_flags: <defaults>
</compile_context>

<pallas_src>
import functools

import jax
import jax.numpy as jnp
from jax import lax
from jax.experimental import pallas as pl
from jax.experimental.pallas import tpu as pltpu
from jax.experimental.pallas import tpu_sc as plsc

N = 10000
D = 128
B = 64
C = 4
NC = 2
NS = 16
NW = NC * NS
K = 128

NP = 10240
E_PAD = NW * 80 * K
NB_PAD = NW * 3 * K
BP = 96
EPS = 1e-5


def _scatter_sum_sc(n_chunks, acc_rows, d, gather):
    units = acc_rows // 8
    per = -(-units // NS)
    assert units % per == 0
    n_active = units // per
    zr = per * 8
    mesh = plsc.VectorSubcoreMesh(core_axis_name="c", subcore_axis_name="s")

    scratch = [
        pltpu.VMEM_SHARED((acc_rows, d), jnp.float32),
        pltpu.VMEM((n_chunks, K), jnp.int32),
        pltpu.VMEM((K, d), jnp.float32),
        pltpu.SemaphoreType.DMA,
    ]
    if gather:
        scratch += [
            pltpu.VMEM((1, K), jnp.int32),
            pltpu.VMEM((1, K), jnp.int32),
            pltpu.VMEM((K, d), jnp.float32),
            pltpu.SemaphoreType.DMA,
            pltpu.SemaphoreType.DMA,
            pltpu.SemaphoreType.DMA,
            pltpu.SemaphoreType.DMA,
        ]

    def body(*refs):
        if gather:
            (table, src, dst, out, acc, idxd, rows, sem, ibuf0, ibuf1,
             rows1, gsem1, ssem, isem0, isem1) = refs
        else:
            dst, out, acc, idxd, rows, sem = refs
        cid = lax.axis_index("c")
        sid = lax.axis_index("s")
        wid = cid * NS + sid

        fill = jnp.zeros((16,), jnp.float32)

        def zrow(r, _):
            for c16 in range(d // 16):
                rows[r, pl.ds(c16 * 16, 16)] = fill
            return 0

        lax.fori_loop(0, K, zrow, 0)

        base_r = sid * zr
        nfull, rem = zr // K, zr % K

        @pl.when(sid < n_active)
        def _():
            for bchunk in range(nfull):
                pltpu.sync_copy(rows, acc.at[pl.ds(base_r + bchunk * K, K)])
            if rem:
                pltpu.sync_copy(rows.at[pl.ds(0, rem)],
                                acc.at[pl.ds(base_r + nfull * K, rem)])

        pltpu.sync_copy(dst.at[wid], idxd)

        if not gather:
            one = jnp.ones((16,), jnp.float32)

            def orow(r, _):
                for c16 in range(d // 16):
                    rows[r, pl.ds(c16 * 16, 16)] = one
                return 0

            lax.fori_loop(0, K, orow, 0)

        plsc.subcore_barrier()

        if not gather:
            def chunk(j, _):
                pltpu.sync_copy(rows, acc.at[idxd.at[j]], add=True)
                return 0

            lax.fori_loop(0, n_chunks, chunk, 0)
        else:
            nt = n_chunks // 2
            tail = n_chunks % 2 == 1

            def i_start(j, ib, s):
                pltpu.async_copy(src.at[wid, j], ib, s)

            def i_wait(j, ib, s):
                pltpu.make_async_copy(src.at[wid, j], ib, s).wait()

            def g_start(j, ib, buf, gs):
                pltpu.async_copy(table.at[ib.at[0]], buf, gs)

            def g_wait(j, ib, buf, gs):
                pltpu.make_async_copy(table.at[ib.at[0]], buf, gs).wait()

            def s_start(j, buf):
                pltpu.async_copy(buf, acc.at[idxd.at[j]], ssem, add=True)

            def s_wait(j, buf):
                pltpu.make_async_copy(buf, acc.at[idxd.at[j]], ssem).wait()

            i_start(0, ibuf0, isem0)
            if n_chunks > 1:
                i_start(1, ibuf1, isem1)
            i_wait(0, ibuf0, isem0)
            g_start(0, ibuf0, rows, sem)

            def pair(t, _):
                j0 = 2 * t
                j1 = j0 + 1
                g_wait(j0, ibuf0, rows, sem)
                if tail:
                    i_start(j0 + 2, ibuf0, isem0)
                else:
                    @pl.when(t < nt - 1)
                    def _():
                        i_start(j0 + 2, ibuf0, isem0)

                @pl.when(t > 0)
                def _():
                    s_wait(j0 - 1, rows1)

                s_start(j0, rows)
                i_wait(j1, ibuf1, isem1)
                g_start(j1, ibuf1, rows1, gsem1)
                g_wait(j1, ibuf1, rows1, gsem1)

                @pl.when(t < nt - 1)
                def _():
                    i_start(j1 + 2, ibuf1, isem1)

                s_wait(j0, rows)
                s_start(j1, rows1)
                if tail:
                    i_wait(j0 + 2, ibuf0, isem0)
                    g_start(j0 + 2, ibuf0, rows, sem)
                else:
                    @pl.when(t < nt - 1)
                    def _():
                        i_wait(j0 + 2, ibuf0, isem0)
                        g_start(j0 + 2, ibuf0, rows, sem)
                return 0

            lax.fori_loop(0, nt, pair, 0)

            if tail:
                jt = n_chunks - 1
                g_wait(jt, ibuf0, rows, sem)
                if nt > 0:
                    s_wait(jt - 1, rows1)
                s_start(jt, rows)
                s_wait(jt, rows)
            else:
                s_wait(n_chunks - 1, rows1)

        plsc.subcore_barrier()

        @pl.when(sid < n_active)
        def _():
            pltpu.sync_copy(acc.at[pl.ds(base_r, zr)],
                            out.at[cid, pl.ds(base_r, zr)])

    return functools.partial(
        pl.kernel,
        out_type=jax.ShapeDtypeStruct((NC, acc_rows, d), jnp.float32),
        mesh=mesh,
        scratch_types=scratch,
    )(body)


def _prep_tc(degP, x, w0):
    R = 1000

    def body(deg_ref, x_ref, w_ref, y_ref, dinv_ref):
        deg = deg_ref[0, :, 0:1] + deg_ref[1, :, 0:1] + 1.0
        dinv = lax.rsqrt(deg)
        y_ref[...] = jnp.dot(x_ref[...], w_ref[...],
                             preferred_element_type=jnp.float32) * dinv
        dinv_ref[...] = dinv

    return pl.pallas_call(
        body,
        grid=(N // R,),
        in_specs=[
            pl.BlockSpec((2, R, 16), lambda i: (0, i, 0)),
            pl.BlockSpec((R, D), lambda i: (i, 0)),
            pl.BlockSpec((D, D), lambda i: (0, 0)),
        ],
        out_specs=[
            pl.BlockSpec((R, D), lambda i: (i, 0)),
            pl.BlockSpec((R, 1), lambda i: (i, 0)),
        ],
        out_shape=[
            jax.ShapeDtypeStruct((N, D), jnp.float32),
            jax.ShapeDtypeStruct((N, 1), jnp.float32),
        ],
    )(degP, x, w0)


def _stats_tc(P, y, dinv, bvec):
    R = 1000
    nblk = N // R

    def body(p_ref, y_ref, dinv_ref, b_ref, out_ref, st_ref, acc):
        i = pl.program_id(0)
        o = (p_ref[0] + p_ref[1] + y_ref[...]) * dinv_ref[...] + b_ref[...]
        out_ref[...] = o

        @pl.when(i == 0)
        def _():
            acc[...] = jnp.zeros_like(acc)

        acc[0:1, :] = acc[0:1, :] + jnp.sum(o, axis=0, keepdims=True)
        acc[1:2, :] = acc[1:2, :] + jnp.sum(o * o, axis=0, keepdims=True)

        @pl.when(i == nblk - 1)
        def _():
            st_ref[...] = acc[...]

    return pl.pallas_call(
        body,
        grid=(nblk,),
        in_specs=[
            pl.BlockSpec((2, R, D), lambda i: (0, i, 0)),
            pl.BlockSpec((R, D), lambda i: (i, 0)),
            pl.BlockSpec((R, 1), lambda i: (i, 0)),
            pl.BlockSpec((1, D), lambda i: (0, 0)),
        ],
        out_specs=[
            pl.BlockSpec((R, D), lambda i: (i, 0)),
            pl.BlockSpec((8, D), lambda i: (0, 0)),
        ],
        out_shape=[
            jax.ShapeDtypeStruct((N, D), jnp.float32),
            jax.ShapeDtypeStruct((8, D), jnp.float32),
        ],
        scratch_shapes=[pltpu.VMEM((8, D), jnp.float32)],
    )(P, y, dinv, bvec)


def _next_tc(conv_out, stats, g, be, dinv, w):
    R = 1000

    def body(o_ref, st_ref, g_ref, be_ref, dinv_ref, w_ref, y_ref):
        m = st_ref[0:1, :] / N
        var = st_ref[1:2, :] / N - m * m
        a = g_ref[...] * lax.rsqrt(var + EPS)
        cv = be_ref[...] - m * a
        h = jnp.maximum(o_ref[...] * a + cv, 0.0)
        y_ref[...] = jnp.dot(h, w_ref[...],
                             preferred_element_type=jnp.float32) * dinv_ref[...]

    return pl.pallas_call(
        body,
        grid=(N // R,),
        in_specs=[
            pl.BlockSpec((R, D), lambda i: (i, 0)),
            pl.BlockSpec((8, D), lambda i: (0, 0)),
            pl.BlockSpec((1, D), lambda i: (0, 0)),
            pl.BlockSpec((1, D), lambda i: (0, 0)),
            pl.BlockSpec((R, 1), lambda i: (i, 0)),
            pl.BlockSpec((D, D), lambda i: (0, 0)),
        ],
        out_specs=pl.BlockSpec((R, D), lambda i: (i, 0)),
        out_shape=jax.ShapeDtypeStruct((N, D), jnp.float32),
    )(conv_out, stats, g, be, dinv, w)


def _act_tc(conv_out, stats, g, be):
    R = 1000

    def body(o_ref, st_ref, g_ref, be_ref, h_ref):
        m = st_ref[0:1, :] / N
        var = st_ref[1:2, :] / N - m * m
        a = g_ref[...] * lax.rsqrt(var + EPS)
        cv = be_ref[...] - m * a
        h_ref[...] = jnp.maximum(o_ref[...] * a + cv, 0.0)

    return pl.pallas_call(
        body,
        grid=(N // R,),
        in_specs=[
            pl.BlockSpec((R, D), lambda i: (i, 0)),
            pl.BlockSpec((8, D), lambda i: (0, 0)),
            pl.BlockSpec((1, D), lambda i: (0, 0)),
            pl.BlockSpec((1, D), lambda i: (0, 0)),
        ],
        out_specs=pl.BlockSpec((R, D), lambda i: (i, 0)),
        out_shape=jax.ShapeDtypeStruct((N, D), jnp.float32),
    )(conv_out, stats, g, be)


def _final_tc(poolP, cntP, wl, bl):

    def body(p_ref, c_ref, w_ref, b_ref, out_ref):
        s = p_ref[0, :B, :] + p_ref[1, :B, :]
        cnt = c_ref[0, :B, 0:1] + c_ref[1, :B, 0:1]
        pooled = s / jnp.maximum(cnt, 1.0)
        out_ref[...] = jnp.dot(pooled, w_ref[...],
                               preferred_element_type=jnp.float32) + b_ref[...]

    return pl.pallas_call(
        body,
        out_shape=jax.ShapeDtypeStruct((B, C), jnp.float32),
    )(poolP, cntP, wl, bl)


def kernel(x, edge_index, batch, W0, b0, g0, be0, W1, b1, g1, be1,
           W2, b2, g2, be2, Wl, bl):
    e = edge_index.shape[1]
    src = edge_index[0]
    dst = edge_index[1]
    src_p = jnp.concatenate(
        [src, jnp.zeros((E_PAD - e,), jnp.int32)]).reshape(NW, -1, 1, K)
    dst_p = jnp.concatenate(
        [dst, jnp.full((E_PAD - e,), N, jnp.int32)]).reshape(NW, -1, K)
    batch_p = jnp.concatenate(
        [batch, jnp.full((NB_PAD - N,), B, jnp.int32)]).reshape(NW, -1, K)
    iota_p = jnp.concatenate([
        jnp.arange(N, dtype=jnp.int32),
        jnp.zeros((NB_PAD - N,), jnp.int32),
    ]).reshape(NW, -1, 1, K)

    degP = _scatter_sum_sc(80, NP, 16, gather=False)(dst_p)
    cntP = _scatter_sum_sc(3, BP, 16, gather=False)(batch_p)

    y, dinv = _prep_tc(degP, x, W0)

    layers = [(b0, g0, be0, W1), (b1, g1, be1, W2), (b2, g2, be2, None)]
    h = None
    for bvec, g, be, w_next in layers:
        P = _scatter_sum_sc(80, NP, D, gather=True)(y, src_p, dst_p)
        conv_out, st = _stats_tc(P, y, dinv, bvec.reshape(1, D))
        if w_next is not None:
            y = _next_tc(conv_out, st, g.reshape(1, D), be.reshape(1, D),
                         dinv, w_next)
        else:
            h = _act_tc(conv_out, st, g.reshape(1, D), be.reshape(1, D))

    poolP = _scatter_sum_sc(3, BP, D, gather=True)(h, iota_p, batch_p)
    return _final_tc(poolP, cntP, Wl, bl.reshape(1, C))

# --- scband reference (transcript-rebuilt; emitter-appended) ---
"""Pipeline reference for scband-eeggcn-51900384805431 (READ-ONLY COPY).

The authoritative reference and input builder live on the scoring server;
editing this copy changes nothing except your own understanding.
"""

import jax, jax.numpy as jnp
import numpy as np

N = 10000
E = 320000
D = 128
H = 128
O = 128
C = 4
B = 64


def setup_inputs(seed: int = 0) -> dict:
    key = jax.random.key(seed)
    ks = jax.random.split(key, 16)
    x = jax.random.normal(ks[0], (N, D), dtype=jnp.float32)
    edge_index = jax.random.randint(ks[1], (2, E), 0, N, dtype=jnp.int32)
    batch = jnp.sort(jax.random.randint(ks[2], (N,), 0, B, dtype=jnp.int32))
    s0 = 1.0 / np.sqrt(D)
    s1 = 1.0 / np.sqrt(H)
    sO = 1.0 / np.sqrt(O)
    inp = {
        'x': x,
        'edge_index': edge_index,
        'batch': batch,
        'W0': jax.random.uniform(ks[3], (D, H), jnp.float32, -s0, s0),
        'b0': jnp.zeros((H,), jnp.float32),
        'g0': jnp.ones((H,), jnp.float32),
        'be0': jnp.zeros((H,), jnp.float32),
        'W1': jax.random.uniform(ks[4], (H, H), jnp.float32, -s1, s1),
        'b1': jnp.zeros((H,), jnp.float32),
        'g1': jnp.ones((H,), jnp.float32),
        'be1': jnp.zeros((H,), jnp.float32),
        'W2': jax.random.uniform(ks[5], (H, O), jnp.float32, -s1, s1),
        'b2': jnp.zeros((O,), jnp.float32),
        'g2': jnp.ones((O,), jnp.float32),
        'be2': jnp.zeros((O,), jnp.float32),
        'Wl': jax.random.uniform(ks[6], (O, C), jnp.float32, -sO, sO),
        'bl': jnp.zeros((C,), jnp.float32),
    }
    return inp


def _gcn_conv(x, edge_index, W, b):
    # PyG GCNConv: add self-loops, symmetric normalization D^-1/2 (A+I) D^-1/2 X W + b
    n = x.shape[0]
    loop = jnp.arange(n, dtype=edge_index.dtype)
    src = jnp.concatenate([edge_index[0], loop])
    dst = jnp.concatenate([edge_index[1], loop])
    deg = jnp.zeros((n,), x.dtype).at[dst].add(1.0)
    dinv = jnp.where(deg > 0, jax.lax.rsqrt(deg), 0.0)
    norm = dinv[src] * dinv[dst]
    xw = x @ W
    msg = jnp.take(xw, src, axis=0) * norm[:, None]
    out = jnp.zeros((n, W.shape[1]), x.dtype).at[dst].add(msg)
    return out + b


def _batch_norm(x, g, be, eps=1e-5):
    m = jnp.mean(x, axis=0)
    v = jnp.mean((x - m) ** 2, axis=0)
    return (x - m) * jax.lax.rsqrt(v + eps) * g + be


def reference(x, edge_index, batch, W0, b0, g0, be0, W1, b1, g1, be1, W2, b2, g2, be2, Wl, bl):
    # Dropout is identity in eval mode
    h = jax.nn.relu(_batch_norm(_gcn_conv(x, edge_index, W0, b0), g0, be0))
    h = jax.nn.relu(_batch_norm(_gcn_conv(h, edge_index, W1, b1), g1, be1))
    h = jax.nn.relu(_batch_norm(_gcn_conv(h, edge_index, W2, b2), g2, be2))
    sums = jax.ops.segment_sum(h, batch, num_segments=B)
    cnt = jax.ops.segment_sum(jnp.ones((h.shape[0],), h.dtype), batch, num_segments=B)
    pooled = sums / jnp.clip(cnt, 1.0)[:, None]
    return pooled @ Wl + bl

if __name__ == "__main__":
    import jax
    _d = setup_inputs()
    print(jax.jit(kernel)(*tuple(_d.values())))

</pallas_src>

<mosaic_0001>
#map = affine_map<(d0, d1) -> (0, 0)>
#map1 = affine_map<(d0, d1) -> (0, 0, 0, 0)>
#map2 = affine_map<(d0, d1) -> (0, 0, 0)>
module attributes {stable_mosaic.version = 14 : i64} {
  func.func @body(%arg0: i32, %arg1: i32, %arg2: memref<10000x128xf32, #tpu.memory_space<hbm>>, %arg3: memref<32x80x1x128xi32, #tpu.memory_space<hbm>>, %arg4: memref<32x80x128xi32, #tpu.memory_space<hbm>>, %arg5: memref<2x10240x128xf32, #tpu.memory_space<hbm>>, %arg6: memref<10240x128xf32, #tpu.memory_space<vmem_shared>>, %arg7: memref<80x128xi32, #tpu.memory_space<vmem>>, %arg8: memref<128x128xf32, #tpu.memory_space<vmem>>, %arg9: memref<!tpu.dma_semaphore, #tpu.memory_space<semaphore_mem>>, %arg10: memref<1x128xi32, #tpu.memory_space<vmem>>, %arg11: memref<1x128xi32, #tpu.memory_space<vmem>>, %arg12: memref<128x128xf32, #tpu.memory_space<vmem>>, %arg13: memref<!tpu.dma_semaphore, #tpu.memory_space<semaphore_mem>>, %arg14: memref<!tpu.dma_semaphore, #tpu.memory_space<semaphore_mem>>, %arg15: memref<!tpu.dma_semaphore, #tpu.memory_space<semaphore_mem>>, %arg16: memref<!tpu.dma_semaphore, #tpu.memory_space<semaphore_mem>>) attributes {dimension_semantics = [#tpu.dimension_semantics<core_parallel>, #tpu.dimension_semantics<subcore_parallel>], iteration_bounds = array<i64: 2, 16>, scalar_prefetch = 0 : i64, scratch_operands = 11 : i64, tpu.core_type = #tpu.core_type<sc_vector_subcore>, window_params = [{transform_indices = #map}, {transform_indices = #map1}, {transform_indices = #map2}, {transform_indices = #map2}]} {
    %mul3A = arith.constant 16 : i32
    %mul3A_0 = arith.muli %arg0, %mul3A : i32
    %add3A = arith.addi %mul3A_0, %arg1 : i32
    %broadcast_in_dim3A = arith.constant 0.000000e+00 : f32
    %broadcast_in_dim3A_1 = vector.broadcast %broadcast_in_dim3A : f32 to vector<16xf32>
    %scan3A = arith.constant 0 : i32
    %scan3A_2 = arith.constant 0 : i32
    %scan3A_3 = arith.constant 128 : i32
    %scan3A_4 = arith.addi %scan3A_2, %scan3A_3 : i32
    %scan3A_5 = arith.constant 1 : i32
    %scan3A_6 = scf.for %scan3A_64 = %scan3A_2 to %scan3A_4 step %scan3A_5 iter_args(%scan3A_65 = %scan3A) -> (i32)  : i32 {
      %swap3A = arith.index_cast %scan3A_64 : i32 to index
      %swap3A_66 = arith.constant 0 : index
      %swap3A_67 = tpu.vector_load %arg8[%swap3A, %swap3A_66] {strides = array<i32>} : memref<128x128xf32, #tpu.memory_space<vmem>>, vector<1x16xf32>,
      %swap3A_68 = vector.shape_cast %swap3A_67 : vector<1x16xf32> to vector<16xf32>
      %swap3A_69 = vector.shape_cast %broadcast_in_dim3A_1 : vector<16xf32> to vector<1x16xf32>
      tpu.vector_store %arg8[%swap3A, %swap3A_66], %swap3A_69 {strides = array<i32>} : memref<128x128xf32, #tpu.memory_space<vmem>>, vector<1x16xf32>,
      %swap3A_70 = arith.index_cast %scan3A_64 : i32 to index
      %swap3A_71 = arith.constant 16 : index
      %swap3A_72 = tpu.vector_load %arg8[%swap3A_70, %swap3A_71] {strides = array<i32>} : memref<128x128xf32, #tpu.memory_space<vmem>>, vector<1x16xf32>,
      %swap3A_73 = vector.shape_cast %swap3A_72 : vector<1x16xf32> to vector<16xf32>
      %swap3A_74 = vector.shape_cast %broadcast_in_dim3A_1 : vector<16xf32> to vector<1x16xf32>
      tpu.vector_store %arg8[%swap3A_70, %swap3A_71], %swap3A_74 {strides = array<i32>} : memref<128x128xf32, #tpu.memory_space<vmem>>, vector<1x16xf32>,
      %swap3A_75 = arith.index_cast %scan3A_64 : i32 to index
      %swap3A_76 = arith.constant 32 : index
      %swap3A_77 = tpu.vector_load %arg8[%swap3A_75, %swap3A_76] {strides = array<i32>} : memref<128x128xf32, #tpu.memory_space<vmem>>, vector<1x16xf32>,
      %swap3A_78 = vector.shape_cast %swap3A_77 : vector<1x16xf32> to vector<16xf32>
      %swap3A_79 = vector.shape_cast %broadcast_in_dim3A_1 : vector<16xf32> to vector<1x16xf32>
      tpu.vector_store %arg8[%swap3A_75, %swap3A_76], %swap3A_79 {strides = array<i32>} : memref<128x128xf32, #tpu.memory_space<vmem>>, vector<1x16xf32>,
      %swap3A_80 = arith.index_cast %scan3A_64 : i32 to index
      %swap3A_81 = arith.constant 48 : index
      %swap3A_82 = tpu.vector_load %arg8[%swap3A_80, %swap3A_81] {strides = array<i32>} : memref<128x128xf32, #tpu.memory_space<vmem>>, vector<1x16xf32>,
      %swap3A_83 = vector.shape_cast %swap3A_82 : vector<1x16xf32> to vector<16xf32>
      %swap3A_84 = vector.shape_cast %broadcast_in_dim3A_1 : vector<16xf32> to vector<1x16xf32>
      tpu.vector_store %arg8[%swap3A_80, %swap3A_81], %swap3A_84 {strides = array<i32>} : memref<128x128xf32, #tpu.memory_space<vmem>>, vector<1x16xf32>,
      %swap3A_85 = arith.index_cast %scan3A_64 : i32 to index
      %swap3A_86 = arith.constant 64 : index
      %swap3A_87 = tpu.vector_load %arg8[%swap3A_85, %swap3A_86] {strides = array<i32>} : memref<128x128xf32, #tpu.memory_space<vmem>>, vector<1x16xf32>,
      %swap3A_88 = vector.shape_cast %swap3A_87 : vector<1x16xf32> to vector<16xf32>
      %swap3A_89 = vector.shape_cast %broadcast_in_dim3A_1 : vector<16xf32> to vector<1x16xf32>
      tpu.vector_store %arg8[%swap3A_85, %swap3A_86], %swap3A_89 {strides = array<i32>} : memref<128x128xf32, #tpu.memory_space<vmem>>, vector<1x16xf32>,
      %swap3A_90 = arith.index_cast %scan3A_64 : i32 to index
      %swap3A_91 = arith.constant 80 : index
      %swap3A_92 = tpu.vector_load %arg8[%swap3A_90, %swap3A_91] {strides = array<i32>} : memref<128x128xf32, #tpu.memory_space<vmem>>, vector<1x16xf32>,
      %swap3A_93 = vector.shape_cast %swap3A_92 : vector<1x16xf32> to vector<16xf32>
      %swap3A_94 = vector.shape_cast %broadcast_in_dim3A_1 : vector<16xf32> to vector<1x16xf32>
      tpu.vector_store %arg8[%swap3A_90, %swap3A_91], %swap3A_94 {strides = array<i32>} : memref<128x128xf32, #tpu.memory_space<vmem>>, vector<1x16xf32>,
      %swap3A_95 = arith.index_cast %scan3A_64 : i32 to index
      %swap3A_96 = arith.constant 96 : index
      %swap3A_97 = tpu.vector_load %arg8[%swap3A_95, %swap3A_96] {strides = array<i32>} : memref<128x128xf32, #tpu.memory_space<vmem>>, vector<1x16xf32>,
      %swap3A_98 = vector.shape_cast %swap3A_97 : vector<1x16xf32> to vector<16xf32>
      %swap3A_99 = vector.shape_cast %broadcast_in_dim3A_1 : vector<16xf32> to vector<1x16xf32>
      tpu.vector_store %arg8[%swap3A_95, %swap3A_96], %swap3A_99 {strides = array<i32>} : memref<128x128xf32, #tpu.memory_space<vmem>>, vector<1x16xf32>,
      %swap3A_100 = arith.index_cast %scan3A_64 : i32 to index
      %swap3A_101 = arith.constant 112 : index
      %swap3A_102 = tpu.vector_load %arg8[%swap3A_100, %swap3A_101] {strides = array<i32>} : memref<128x128xf32, #tpu.memory_space<vmem>>, vector<1x16xf32>,
      %swap3A_103 = vector.shape_cast %swap3A_102 : vector<1x16xf32> to vector<16xf32>
      %swap3A_104 = vector.shape_cast %broadcast_in_dim3A_1 : vector<16xf32> to vector<1x16xf32>
      tpu.vector_store %arg8[%swap3A_100, %swap3A_101], %swap3A_104 {strides = array<i32>} : memref<128x128xf32, #tpu.memory_space<vmem>>, vector<1x16xf32>,
      %scan3A_105 = arith.constant 0 : i32
      scf.yield %scan3A_105 : i32
    }
    %scan3A_7 = arith.constant 128 : i32
    %mul3A_8 = arith.constant 640 : i32
    %mul3A_9 = arith.muli %arg1, %mul3A_8 : i32
    %lt3A = arith.constant 16 : i32
    %lt3A_10 = arith.cmpi slt, %arg1, %lt3A : i32
    %convert_element_type3A = arith.extui %lt3A_10 : i1 to i32
    %cond3A = arith.constant 0 : i32
    %cond3A_11 = arith.cmpi ne, %convert_element_type3A, %cond3A : i32
    scf.if %cond3A_11 {
      %add3A_64 = arith.constant 0 : i32
      %add3A_65 = arith.addi %mul3A_9, %add3A_64 : i32
      "tpu.region"() ({
        %run_scoped3A = tpu.sem_alloc : memref<!tpu.dma_semaphore, #tpu.memory_space<semaphore_mem>>
        %dma_start3A_74 = arith.constant 0 : i32
        %dma_start3A_75 = tpu.memref_slice %arg6[%add3A_65, %dma_start3A_74] : memref<10240x128xf32, #tpu.memory_space<vmem_shared>> -> memref<128x128xf32, #tpu.memory_space<vmem_shared>>
        %dma_start3A_76 = arith.constant 0 : i32
        %dma_start3A_77 = tpu.memref_slice %arg6[%add3A_65, %dma_start3A_76] : memref<10240x128xf32, #tpu.memory_space<vmem_shared>> -> memref<128x128xf32, #tpu.memory_space<vmem_shared>>
        tpu.enqueue_dma source(%arg8 : memref<128x128xf32, #tpu.memory_space<vmem>>) target(%dma_start3A_77 : memref<128x128xf32, #tpu.memory_space<vmem_shared>>) target_semaphore(%run_scoped3A : memref<!tpu.dma_semaphore, #tpu.memory_space<semaphore_mem>>)
        %dma_wait3A_78 = arith.constant 0 : i32
        %dma_wait3A_79 = tpu.memref_slice %arg6[%add3A_65, %dma_wait3A_78] : memref<10240x128xf32, #tpu.memory_space<vmem_shared>> -> memref<128x128xf32, #tpu.memory_space<vmem_shared>>
        %dma_wait3A_80 = arith.constant 0 : i32
        %dma_wait3A_81 = tpu.memref_slice %arg6[%add3A_65, %dma_wait3A_80] : memref<10240x128xf32, #tpu.memory_space<vmem_shared>> -> memref<128x128xf32, #tpu.memory_space<vmem_shared>>
        tpu.wait_dma2 semaphore(%run_scoped3A : memref<!tpu.dma_semaphore, #tpu.memory_space<semaphore_mem>>) src(%arg8 : memref<128x128xf32, #tpu.memory_space<vmem>>) dst(%dma_wait3A_81 : memref<128x128xf32, #tpu.memory_space<vmem_shared>>)
        tpu.yield
      }) : () -> ()
      %add3A_66 = arith.constant 128 : i32
      %add3A_67 = arith.addi %mul3A_9, %add3A_66 : i32
      "tpu.region"() ({
        %run_scoped3A = tpu.sem_alloc : memref<!tpu.dma_semaphore, #tpu.memory_space<semaphore_mem>>
        %dma_start3A_74 = arith.constant 0 : i32
        %dma_start3A_75 = tpu.memref_slice %arg6[%add3A_67, %dma_start3A_74] : memref<10240x128xf32, #tpu.memory_space<vmem_shared>> -> memref<128x128xf32, #tpu.memory_space<vmem_shared>>
        %dma_start3A_76 = arith.constant 0 : i32
        %dma_start3A_77 = tpu.memref_slice %arg6[%add3A_67, %dma_start3A_76] : memref<10240x128xf32, #tpu.memory_space<vmem_shared>> -> memref<128x128xf32, #tpu.memory_space<vmem_shared>>
        tpu.enqueue_dma source(%arg8 : memref<128x128xf32, #tpu.memory_space<vmem>>) target(%dma_start3A_77 : memref<128x128xf32, #tpu.memory_space<vmem_shared>>) target_semaphore(%run_scoped3A : memref<!tpu.dma_semaphore, #tpu.memory_space<semaphore_mem>>)
        %dma_wait3A_78 = arith.constant 0 : i32
        %dma_wait3A_79 = tpu.memref_slice %arg6[%add3A_67, %dma_wait3A_78] : memref<10240x128xf32, #tpu.memory_space<vmem_shared>> -> memref<128x128xf32, #tpu.memory_space<vmem_shared>>
        %dma_wait3A_80 = arith.constant 0 : i32
        %dma_wait3A_81 = tpu.memref_slice %arg6[%add3A_67, %dma_wait3A_80] : memref<10240x128xf32, #tpu.memory_space<vmem_shared>> -> memref<128x128xf32, #tpu.memory_space<vmem_shared>>
        tpu.wait_dma2 semaphore(%run_scoped3A : memref<!tpu.dma_semaphore, #tpu.memory_space<semaphore_mem>>) src(%arg8 : memref<128x128xf32, #tpu.memory_space<vmem>>) dst(%dma_wait3A_81 : memref<128x128xf32, #tpu.memory_space<vmem_shared>>)
        tpu.yield
      }) : () -> ()
      %add3A_68 = arith.constant 256 : i32
      %add3A_69 = arith.addi %mul3A_9, %add3A_68 : i32
      "tpu.region"() ({
        %run_scoped3A = tpu.sem_alloc : memref<!tpu.dma_semaphore, #tpu.memory_space<semaphore_mem>>
        %dma_start3A_74 = arith.constant 0 : i32
        %dma_start3A_75 = tpu.memref_slice %arg6[%add3A_69, %dma_start3A_74] : memref<10240x128xf32, #tpu.memory_space<vmem_shared>> -> memref<128x128xf32, #tpu.memory_space<vmem_shared>>
        %dma_start3A_76 = arith.constant 0 : i32
        %dma_start3A_77 = tpu.memref_slice %arg6[%add3A_69, %dma_start3A_76] : memref<10240x128xf32, #tpu.memory_space<vmem_shared>> -> memref<128x128xf32, #tpu.memory_space<vmem_shared>>
        tpu.enqueue_dma source(%arg8 : memref<128x128xf32, #tpu.memory_space<vmem>>) target(%dma_start3A_77 : memref<128x128xf32, #tpu.memory_space<vmem_shared>>) target_semaphore(%run_scoped3A : memref<!tpu.dma_semaphore, #tpu.memory_space<semaphore_mem>>)
        %dma_wait3A_78 = arith.constant 0 : i32
        %dma_wait3A_79 = tpu.memref_slice %arg6[%add3A_69, %dma_wait3A_78] : memref<10240x128xf32, #tpu.memory_space<vmem_shared>> -> memref<128x128xf32, #tpu.memory_space<vmem_shared>>
        %dma_wait3A_80 = arith.constant 0 : i32
        %dma_wait3A_81 = tpu.memref_slice %arg6[%add3A_69, %dma_wait3A_80] : memref<10240x128xf32, #tpu.memory_space<vmem_shared>> -> memref<128x128xf32, #tpu.memory_space<vmem_shared>>
        tpu.wait_dma2 semaphore(%run_scoped3A : memref<!tpu.dma_semaphore, #tpu.memory_space<semaphore_mem>>) src(%arg8 : memref<128x128xf32, #tpu.memory_space<vmem>>) dst(%dma_wait3A_81 : memref<128x128xf32, #tpu.memory_space<vmem_shared>>)
        tpu.yield
      }) : () -> ()
      %add3A_70 = arith.constant 384 : i32
      %add3A_71 = arith.addi %mul3A_9, %add3A_70 : i32
      "tpu.region"() ({
        %run_scoped3A = tpu.sem_alloc : memref<!tpu.dma_semaphore, #tpu.memory_space<semaphore_mem>>
        %dma_start3A_74 = arith.constant 0 : i32
        %dma_start3A_75 = tpu.memref_slice %arg6[%add3A_71, %dma_start3A_74] : memref<10240x128xf32, #tpu.memory_space<vmem_shared>> -> memref<128x128xf32, #tpu.memory_space<vmem_shared>>
        %dma_start3A_76 = arith.constant 0 : i32
        %dma_start3A_77 = tpu.memref_slice %arg6[%add3A_71, %dma_start3A_76] : memref<10240x128xf32, #tpu.memory_space<vmem_shared>> -> memref<128x128xf32, #tpu.memory_space<vmem_shared>>
        tpu.enqueue_dma source(%arg8 : memref<128x128xf32, #tpu.memory_space<vmem>>) target(%dma_start3A_77 : memref<128x128xf32, #tpu.memory_space<vmem_shared>>) target_semaphore(%run_scoped3A : memref<!tpu.dma_semaphore, #tpu.memory_space<semaphore_mem>>)
        %dma_wait3A_78 = arith.constant 0 : i32
        %dma_wait3A_79 = tpu.memref_slice %arg6[%add3A_71, %dma_wait3A_78] : memref<10240x128xf32, #tpu.memory_space<vmem_shared>> -> memref<128x128xf32, #tpu.memory_space<vmem_shared>>
        %dma_wait3A_80 = arith.constant 0 : i32
        %dma_wait3A_81 = tpu.memref_slice %arg6[%add3A_71, %dma_wait3A_80] : memref<10240x128xf32, #tpu.memory_space<vmem_shared>> -> memref<128x128xf32, #tpu.memory_space<vmem_shared>>
        tpu.wait_dma2 semaphore(%run_scoped3A : memref<!tpu.dma_semaphore, #tpu.memory_space<semaphore_mem>>) src(%arg8 : memref<128x128xf32, #tpu.memory_space<vmem>>) dst(%dma_wait3A_81 : memref<128x128xf32, #tpu.memory_space<vmem_shared>>)
        tpu.yield
      }) : () -> ()
      %add3A_72 = arith.constant 512 : i32
      %add3A_73 = arith.addi %mul3A_9, %add3A_72 : i32
      "tpu.region"() ({
        %run_scoped3A = tpu.sem_alloc : memref<!tpu.dma_semaphore, #tpu.memory_space<semaphore_mem>>
        %dma_start3A_74 = arith.constant 0 : i32
        %dma_start3A_75 = tpu.memref_slice %arg6[%add3A_73, %dma_start3A_74] : memref<10240x128xf32, #tpu.memory_space<vmem_shared>> -> memref<128x128xf32, #tpu.memory_space<vmem_shared>>
        %dma_start3A_76 = arith.constant 0 : i32
        %dma_start3A_77 = tpu.memref_slice %arg6[%add3A_73, %dma_start3A_76] : memref<10240x128xf32, #tpu.memory_space<vmem_shared>> -> memref<128x128xf32, #tpu.memory_space<vmem_shared>>
        tpu.enqueue_dma source(%arg8 : memref<128x128xf32, #tpu.memory_space<vmem>>) target(%dma_start3A_77 : memref<128x128xf32, #tpu.memory_space<vmem_shared>>) target_semaphore(%run_scoped3A : memref<!tpu.dma_semaphore, #tpu.memory_space<semaphore_mem>>)
        %dma_wait3A_78 = arith.constant 0 : i32
        %dma_wait3A_79 = tpu.memref_slice %arg6[%add3A_73, %dma_wait3A_78] : memref<10240x128xf32, #tpu.memory_space<vmem_shared>> -> memref<128x128xf32, #tpu.memory_space<vmem_shared>>
        %dma_wait3A_80 = arith.constant 0 : i32
        %dma_wait3A_81 = tpu.memref_slice %arg6[%add3A_73, %dma_wait3A_80] : memref<10240x128xf32, #tpu.memory_space<vmem_shared>> -> memref<128x128xf32, #tpu.memory_space<vmem_shared>>
        tpu.wait_dma2 semaphore(%run_scoped3A : memref<!tpu.dma_semaphore, #tpu.memory_space<semaphore_mem>>) src(%arg8 : memref<128x128xf32, #tpu.memory_space<vmem>>) dst(%dma_wait3A_81 : memref<128x128xf32, #tpu.memory_space<vmem_shared>>)
        tpu.yield
      }) : () -> ()
    } else {
    }
    "tpu.region"() ({
      %run_scoped3A = tpu.sem_alloc : memref<!tpu.dma_semaphore, #tpu.memory_space<semaphore_mem>>
      %dma_start3A_64 = arith.constant 0 : i32
      %dma_start3A_65 = arith.constant 0 : i32
      %dma_start3A_66 = tpu.memref_slice %arg4[%add3A, %dma_start3A_64, %dma_start3A_65] : memref<32x80x128xi32, #tpu.memory_space<hbm>> -> memref<1x80x128xi32, #tpu.memory_space<hbm>>
      %dma_start3A_67 = tpu.memref_squeeze %dma_start3A_66 : memref<1x80x128xi32, #tpu.memory_space<hbm>> -> memref<80x128xi32, #tpu.memory_space<hbm>>
      %dma_start3A_68 = arith.constant 0 : i32
      %dma_start3A_69 = arith.constant 0 : i32
      %dma_start3A_70 = tpu.memref_slice %arg4[%add3A, %dma_start3A_68, %dma_start3A_69] : memref<32x80x128xi32, #tpu.memory_space<hbm>> -> memref<1x80x128xi32, #tpu.memory_space<hbm>>
      %dma_start3A_71 = tpu.memref_squeeze %dma_start3A_70 : memref<1x80x128xi32, #tpu.memory_space<hbm>> -> memref<80x128xi32, #tpu.memory_space<hbm>>
      tpu.enqueue_dma source(%dma_start3A_71 : memref<80x128xi32, #tpu.memory_space<hbm>>) target(%arg7 : memref<80x128xi32, #tpu.memory_space<vmem>>) target_semaphore(%run_scoped3A : memref<!tpu.dma_semaphore, #tpu.memory_space<semaphore_mem>>)
      %dma_wait3A_72 = arith.constant 0 : i32
      %dma_wait3A_73 = arith.constant 0 : i32
      %dma_wait3A_74 = tpu.memref_slice %arg4[%add3A, %dma_wait3A_72, %dma_wait3A_73] : memref<32x80x128xi32, #tpu.memory_space<hbm>> -> memref<1x80x128xi32, #tpu.memory_space<hbm>>
      %dma_wait3A_75 = tpu.memref_squeeze %dma_wait3A_74 : memref<1x80x128xi32, #tpu.memory_space<hbm>> -> memref<80x128xi32, #tpu.memory_space<hbm>>
      %dma_wait3A_76 = arith.constant 0 : i32
      %dma_wait3A_77 = arith.constant 0 : i32
      %dma_wait3A_78 = tpu.memref_slice %arg4[%add3A, %dma_wait3A_76, %dma_wait3A_77] : memref<32x80x128xi32, #tpu.memory_space<hbm>> -> memref<1x80x128xi32, #tpu.memory_space<hbm>>
      %dma_wait3A_79 = tpu.memref_squeeze %dma_wait3A_78 : memref<1x80x128xi32, #tpu.memory_space<hbm>> -> memref<80x128xi32, #tpu.memory_space<hbm>>
      tpu.wait_dma2 semaphore(%run_scoped3A : memref<!tpu.dma_semaphore, #tpu.memory_space<semaphore_mem>>) src(%dma_wait3A_79 : memref<80x128xi32, #tpu.memory_space<hbm>>) dst(%arg7 : memref<80x128xi32, #tpu.memory_space<vmem>>)
      tpu.yield
    }) : () -> ()
    %barrier3A = arith.constant 0 : index
    tpu.barrier barrier_id(%barrier3A)
    %dma_start3A = arith.constant 0 : i32
    %dma_start3A_12 = arith.constant 0 : i32
    %dma_start3A_13 = arith.constant 0 : i32
    %dma_start3A_14 = tpu.memref_slice %arg3[%add3A, %dma_start3A, %dma_start3A_12, %dma_start3A_13] : memref<32x80x1x128xi32, #tpu.memory_space<hbm>> -> memref<1x1x1x128xi32, #tpu.memory_space<hbm>>
    %dma_start3A_15 = tpu.memref_squeeze %dma_start3A_14 : memref<1x1x1x128xi32, #tpu.memory_space<hbm>> -> memref<1x128xi32, #tpu.memory_space<hbm>>
    %dma_start3A_16 = arith.constant 0 : i32
    %dma_start3A_17 = arith.constant 0 : i32
    %dma_start3A_18 = tpu.memref_slice %arg3[%add3A, %dma_start3A, %dma_start3A_16, %dma_start3A_17] : memref<32x80x1x128xi32, #tpu.memory_space<hbm>> -> memref<1x1x1x128xi32, #tpu.memory_space<hbm>>
    %dma_start3A_19 = tpu.memref_squeeze %dma_start3A_18 : memref<1x1x1x128xi32, #tpu.memory_space<hbm>> -> memref<1x128xi32, #tpu.memory_space<hbm>>
    tpu.enqueue_dma source(%dma_start3A_19 : memref<1x128xi32, #tpu.memory_space<hbm>>) target(%arg10 : memref<1x128xi32, #tpu.memory_space<vmem>>) target_semaphore(%arg15 : memref<!tpu.dma_semaphore, #tpu.memory_space<semaphore_mem>>)
    %dma_start3A_20 = arith.constant 1 : i32
    %dma_start3A_21 = arith.constant 0 : i32
    %dma_start3A_22 = arith.constant 0 : i32
    %dma_start3A_23 = tpu.memref_slice %arg3[%add3A, %dma_start3A_20, %dma_start3A_21, %dma_start3A_22] : memref<32x80x1x128xi32, #tpu.memory_space<hbm>> -> memref<1x1x1x128xi32, #tpu.memory_space<hbm>>
    %dma_start3A_24 = tpu.memref_squeeze %dma_start3A_23 : memref<1x1x1x128xi32, #tpu.memory_space<hbm>> -> memref<1x128xi32, #tpu.memory_space<hbm>>
    %dma_start3A_25 = arith.constant 0 : i32
    %dma_start3A_26 = arith.constant 0 : i32
    %dma_start3A_27 = tpu.memref_slice %arg3[%add3A, %dma_start3A_20, %dma_start3A_25, %dma_start3A_26] : memref<32x80x1x128xi32, #tpu.memory_space<hbm>> -> memref<1x1x1x128xi32, #tpu.memory_space<hbm>>
    %dma_start3A_28 = tpu.memref_squeeze %dma_start3A_27 : memref<1x1x1x128xi32, #tpu.memory_space<hbm>> -> memref<1x128xi32, #tpu.memory_space<hbm>>
    tpu.enqueue_dma source(%dma_start3A_28 : memref<1x128xi32, #tpu.memory_space<hbm>>) target(%arg11 : memref<1x128xi32, #tpu.memory_space<vmem>>) target_semaphore(%arg16 : memref<!tpu.dma_semaphore, #tpu.memory_space<semaphore_mem>>)
    %dma_wait3A = arith.constant 0 : i32
    %dma_wait3A_29 = arith.constant 0 : i32
    %dma_wait3A_30 = arith.constant 0 : i32
    %dma_wait3A_31 = tpu.memref_slice %arg3[%add3A, %dma_wait3A, %dma_wait3A_29, %dma_wait3A_30] : memref<32x80x1x128xi32, #tpu.memory_space<hbm>> -> memref<1x1x1x128xi32, #tpu.memory_space<hbm>>
    %dma_wait3A_32 = tpu.memref_squeeze %dma_wait3A_31 : memref<1x1x1x128xi32, #tpu.memory_space<hbm>> -> memref<1x128xi32, #tpu.memory_space<hbm>>
    %dma_wait3A_33 = arith.constant 0 : i32
    %dma_wait3A_34 = arith.constant 0 : i32
    %dma_wait3A_35 = tpu.memref_slice %arg3[%add3A, %dma_wait3A, %dma_wait3A_33, %dma_wait3A_34] : memref<32x80x1x128xi32, #tpu.memory_space<hbm>> -> memref<1x1x1x128xi32, #tpu.memory_space<hbm>>
    %dma_wait3A_36 = tpu.memref_squeeze %dma_wait3A_35 : memref<1x1x1x128xi32, #tpu.memory_space<hbm>> -> memref<1x128xi32, #tpu.memory_space<hbm>>
    tpu.wait_dma2 semaphore(%arg15 : memref<!tpu.dma_semaphore, #tpu.memory_space<semaphore_mem>>) src(%dma_wait3A_36 : memref<1x128xi32, #tpu.memory_space<hbm>>) dst(%arg10 : memref<1x128xi32, #tpu.memory_space<vmem>>)
    %dma_start3A_37 = arith.constant 0 : i32
    %dma_start3A_38 = arith.constant 0 : i32
    %dma_start3A_39 = tpu.memref_slice %arg10[%dma_start3A_37, %dma_start3A_38] : memref<1x128xi32, #tpu.memory_space<vmem>> -> memref<1x128xi32, #tpu.memory_space<vmem>>
    %dma_start3A_40 = tpu.memref_squeeze %dma_start3A_39 : memref<1x128xi32, #tpu.memory_space<vmem>> -> memref<128xi32, #tpu.memory_space<vmem>>
    %dma_start3A_41 = arith.constant 0 : i32
    %dma_start3A_42 = arith.constant 0 : i32
    %dma_start3A_43 = tpu.memref_slice %arg2[%dma_start3A_41, %dma_start3A_42] : memref<10000x128xf32, #tpu.memory_space<hbm>> -> memref<10000x128xf32, #tpu.memory_space<hbm>>
    tpu.enqueue_indirect_dma source(%dma_start3A_43 : memref<10000x128xf32, #tpu.memory_space<hbm>>) target(%arg8 : memref<128x128xf32, #tpu.memory_space<vmem>>) offsets(%dma_start3A_40 : memref<128xi32, #tpu.memory_space<vmem>>) semaphore(%arg9 : memref<!tpu.dma_semaphore, #tpu.memory_space<semaphore_mem>>)
    %scan3A_44 = arith.constant 0 : i32
    %scan3A_45 = arith.constant 0 : i32
    %scan3A_46 = arith.constant 40 : i32
    %scan3A_47 = arith.addi %scan3A_45, %scan3A_46 : i32
    %scan3A_48 = arith.constant 1 : i32
    %scan3A_49 = scf.for %scan3A_64 = %scan3A_45 to %scan3A_47 step %scan3A_48 iter_args(%scan3A_65 = %scan3A_44) -> (i32)  : i32 {
      %mul3A_66 = arith.constant 2 : i32
      %mul3A_67 = arith.muli %mul3A_66, %scan3A_64 : i32
      %add3A_68 = arith.constant 1 : i32
      %add3A_69 = arith.addi %mul3A_67, %add3A_68 : i32
      %dma_wait3A_70 = arith.constant 0 : i32
      %dma_wait3A_71 = arith.constant 0 : i32
      %dma_wait3A_72 = tpu.memref_slice %arg10[%dma_wait3A_70, %dma_wait3A_71] : memref<1x128xi32, #tpu.memory_space<vmem>> -> memref<1x128xi32, #tpu.memory_space<vmem>>
      %dma_wait3A_73 = tpu.memref_squeeze %dma_wait3A_72 : memref<1x128xi32, #tpu.memory_space<vmem>> -> memref<128xi32, #tpu.memory_space<vmem>>
      %dma_wait3A_74 = arith.constant 0 : i32
      %dma_wait3A_75 = arith.constant 0 : i32
      %dma_wait3A_76 = tpu.memref_slice %arg2[%dma_wait3A_74, %dma_wait3A_75] : memref<10000x128xf32, #tpu.memory_space<hbm>> -> memref<10000x128xf32, #tpu.memory_space<hbm>>
      tpu.wait_indirect_dma semaphore(%arg9 : memref<!tpu.dma_semaphore, #tpu.memory_space<semaphore_mem>>) src(%dma_wait3A_76 : memref<10000x128xf32, #tpu.memory_space<hbm>>) dst(%arg8 : memref<128x128xf32, #tpu.memory_space<vmem>>)
      %lt3A_77 = arith.constant 39 : i32
      %lt3A_78 = arith.cmpi slt, %scan3A_64, %lt3A_77 : i32
      %convert_element_type3A_79 = arith.extui %lt3A_78 : i1 to i32
      %cond3A_80 = arith.constant 0 : i32
      %cond3A_81 = arith.cmpi ne, %convert_element_type3A_79, %cond3A_80 : i32
      scf.if %cond3A_81 {
        %add3A_137 = arith.constant 2 : i32
        %add3A_138 = arith.addi %mul3A_67, %add3A_137 : i32
        %dma_start3A_139 = arith.constant 0 : i32
        %dma_start3A_140 = arith.constant 0 : i32
        %dma_start3A_141 = tpu.memref_slice %arg3[%add3A, %add3A_138, %dma_start3A_139, %dma_start3A_140] : memref<32x80x1x128xi32, #tpu.memory_space<hbm>> -> memref<1x1x1x128xi32, #tpu.memory_space<hbm>>
        %dma_start3A_142 = tpu.memref_squeeze %dma_start3A_141 : memref<1x1x1x128xi32, #tpu.memory_space<hbm>> -> memref<1x128xi32, #tpu.memory_space<hbm>>
        %dma_start3A_143 = arith.constant 0 : i32
        %dma_start3A_144 = arith.constant 0 : i32
        %dma_start3A_145 = tpu.memref_slice %arg3[%add3A, %add3A_138, %dma_start3A_143, %dma_start3A_144] : memref<32x80x1x128xi32, #tpu.memory_space<hbm>> -> memref<1x1x1x128xi32, #tpu.memory_space<hbm>>
        %dma_start3A_146 = tpu.memref_squeeze %dma_start3A_145 : memref<1x1x1x128xi32, #tpu.memory_space<hbm>> -> memref<1x128xi32, #tpu.memory_space<hbm>>
        tpu.enqueue_dma source(%dma_start3A_146 : memref<1x128xi32, #tpu.memory_space<hbm>>) target(%arg10 : memref<1x128xi32, #tpu.memory_space<vmem>>) target_semaphore(%arg15 : memref<!tpu.dma_semaphore, #tpu.memory_space<semaphore_mem>>)
      } else {
      }
      %gt3A = arith.constant 0 : i32
      %gt3A_82 = arith.cmpi sgt, %scan3A_64, %gt3A : i32
      %convert_element_type3A_83 = arith.extui %gt3A_82 : i1 to i32
      %cond3A_84 = arith.constant 0 : i32
      %cond3A_85 = arith.cmpi ne, %convert_element_type3A_83, %cond3A_84 : i32
      scf.if %cond3A_85 {
        %sub3A = arith.constant 1 : i32
        %sub3A_137 = arith.subi %mul3A_67, %sub3A : i32
        %dma_wait3A_138 = arith.constant 0 : i32
        %dma_wait3A_139 = tpu.memref_slice %arg7[%sub3A_137, %dma_wait3A_138] : memref<80x128xi32, #tpu.memory_space<vmem>> -> memref<1x128xi32, #tpu.memory_space<vmem>>
        %dma_wait3A_140 = tpu.memref_squeeze %dma_wait3A_139 : memref<1x128xi32, #tpu.memory_space<vmem>> -> memref<128xi32, #tpu.memory_space<vmem>>
        %dma_wait3A_141 = arith.constant 0 : i32
        %dma_wait3A_142 = arith.constant 0 : i32
        %dma_wait3A_143 = tpu.memref_slice %arg6[%dma_wait3A_141, %dma_wait3A_142] : memref<10240x128xf32, #tpu.memory_space<vmem_shared>> -> memref<10240x128xf32, #tpu.memory_space<vmem_shared>>
        tpu.wait_indirect_dma semaphore(%arg14 : memref<!tpu.dma_semaphore, #tpu.memory_space<semaphore_mem>>) src(%arg12 : memref<128x128xf32, #tpu.memory_space<vmem>>) dst(%dma_wait3A_143 : memref<10240x128xf32, #tpu.memory_space<vmem_shared>>)
      } else {
      }
      %dma_start3A_86 = arith.constant 0 : i32
      %dma_start3A_87 = tpu.memref_slice %arg7[%mul3A_67, %dma_start3A_86] : memref<80x128xi32, #tpu.memory_space<vmem>> -> memref<1x128xi32, #tpu.memory_space<vmem>>
      %dma_start3A_88 = tpu.memref_squeeze %dma_start3A_87 : memref<1x128xi32, #tpu.memory_space<vmem>> -> memref<128xi32, #tpu.memory_space<vmem>>
      %dma_start3A_89 = arith.constant 0 : i32
      %dma_start3A_90 = arith.constant 0 : i32
      %dma_start3A_91 = tpu.memref_slice %arg6[%dma_start3A_89, %dma_start3A_90] : memref<10240x128xf32, #tpu.memory_space<vmem_shared>> -> memref<10240x128xf32, #tpu.memory_space<vmem_shared>>
      tpu.enqueue_indirect_dma source(%arg8 : memref<128x128xf32, #tpu.memory_space<vmem>>) target(%dma_start3A_91 : memref<10240x128xf32, #tpu.memory_space<vmem_shared>>) offsets(%dma_start3A_88 : memref<128xi32, #tpu.memory_space<vmem>>) semaphore(%arg14 : memref<!tpu.dma_semaphore, #tpu.memory_space<semaphore_mem>>) {add = true}
      %dma_wait3A_92 = arith.constant 0 : i32
      %dma_wait3A_93 = arith.constant 0 : i32
      %dma_wait3A_94 = tpu.memref_slice %arg3[%add3A, %add3A_69, %dma_wait3A_92, %dma_wait3A_93] : memref<32x80x1x128xi32, #tpu.memory_space<hbm>> -> memref<1x1x1x128xi32, #tpu.memory_space<hbm>>
      %dma_wait3A_95 = tpu.memref_squeeze %dma_wait3A_94 : memref<1x1x1x128xi32, #tpu.memory_space<hbm>> -> memref<1x128xi32, #tpu.memory_space<hbm>>
      %dma_wait3A_96 = arith.constant 0 : i32
      %dma_wait3A_97 = arith.constant 0 : i32
      %dma_wait3A_98 = tpu.memref_slice %arg3[%add3A, %add3A_69, %dma_wait3A_96, %dma_wait3A_97] : memref<32x80x1x128xi32, #tpu.memory_space<hbm>> -> memref<1x1x1x128xi32, #tpu.memory_space<hbm>>
      %dma_wait3A_99 = tpu.memref_squeeze %dma_wait3A_98 : memref<1x1x1x128xi32, #tpu.memory_space<hbm>> -> memref<1x128xi32, #tpu.memory_space<hbm>>
      tpu.wait_dma2 semaphore(%arg16 : memref<!tpu.dma_semaphore, #tpu.memory_space<semaphore_mem>>) src(%dma_wait3A_99 : memref<1x128xi32, #tpu.memory_space<hbm>>) dst(%arg11 : memref<1x128xi32, #tpu.memory_space<vmem>>)
      %dma_start3A_100 = arith.constant 0 : i32
      %dma_start3A_101 = arith.constant 0 : i32
      %dma_start3A_102 = tpu.memref_slice %arg11[%dma_start3A_100, %dma_start3A_101] : memref<1x128xi32, #tpu.memory_space<vmem>> -> memref<1x128xi32, #tpu.memory_space<vmem>>
      %dma_start3A_103 = tpu.memref_squeeze %dma_start3A_102 : memref<1x128xi32, #tpu.memory_space<vmem>> -> memref<128xi32, #tpu.memory_space<vmem>>
      %dma_start3A_104 = arith.constant 0 : i32
      %dma_start3A_105 = arith.constant 0 : i32
      %dma_start3A_106 = tpu.memref_slice %arg2[%dma_start3A_104, %dma_start3A_105] : memref<10000x128xf32, #tpu.memory_space<hbm>> -> memref<10000x128xf32, #tpu.memory_space<hbm>>
      tpu.enqueue_indirect_dma source(%dma_start3A_106 : memref<10000x128xf32, #tpu.memory_space<hbm>>) target(%arg12 : memref<128x128xf32, #tpu.memory_space<vmem>>) offsets(%dma_start3A_103 : memref<128xi32, #tpu.memory_space<vmem>>) semaphore(%arg13 : memref<!tpu.dma_semaphore, #tpu.memory_space<semaphore_mem>>)
      %dma_wait3A_107 = arith.constant 0 : i32
      %dma_wait3A_108 = arith.constant 0 : i32
      %dma_wait3A_109 = tpu.memref_slice %arg11[%dma_wait3A_107, %dma_wait3A_108] : memref<1x128xi32, #tpu.memory_space<vmem>> -> memref<1x128xi32, #tpu.memory_space<vmem>>
      %dma_wait3A_110 = tpu.memref_squeeze %dma_wait3A_109 : memref<1x128xi32, #tpu.memory_space<vmem>> -> memref<128xi32, #tpu.memory_space<vmem>>
      %dma_wait3A_111 = arith.constant 0 : i32
      %dma_wait3A_112 = arith.constant 0 : i32
      %dma_wait3A_113 = tpu.memref_slice %arg2[%dma_wait3A_111, %dma_wait3A_112] : memref<10000x128xf32, #tpu.memory_space<hbm>> -> memref<10000x128xf32, #tpu.memory_space<hbm>>
      tpu.wait_indirect_dma semaphore(%arg13 : memref<!tpu.dma_semaphore, #tpu.memory_space<semaphore_mem>>) src(%dma_wait3A_113 : memref<10000x128xf32, #tpu.memory_space<hbm>>) dst(%arg12 : memref<128x128xf32, #tpu.memory_space<vmem>>)
      %lt3A_114 = arith.constant 39 : i32
      %lt3A_115 = arith.cmpi slt, %scan3A_64, %lt3A_114 : i32
      %convert_element_type3A_116 = arith.extui %lt3A_115 : i1 to i32
      %cond3A_117 = arith.constant 0 : i32
      %cond3A_118 = arith.cmpi ne, %convert_element_type3A_116, %cond3A_117 : i32
      scf.if %cond3A_118 {
        %add3A_137 = arith.constant 2 : i32
        %add3A_138 = arith.addi %add3A_69, %add3A_137 : i32
        %dma_start3A_139 = arith.constant 0 : i32
        %dma_start3A_140 = arith.constant 0 : i32
        %dma_start3A_141 = tpu.memref_slice %arg3[%add3A, %add3A_138, %dma_start3A_139, %dma_start3A_140] : memref<32x80x1x128xi32, #tpu.memory_space<hbm>> -> memref<1x1x1x128xi32, #tpu.memory_space<hbm>>
        %dma_start3A_142 = tpu.memref_squeeze %dma_start3A_141 : memref<1x1x1x128xi32, #tpu.memory_space<hbm>> -> memref<1x128xi32, #tpu.memory_space<hbm>>
        %dma_start3A_143 = arith.constant 0 : i32
        %dma_start3A_144 = arith.constant 0 : i32
        %dma_start3A_145 = tpu.memref_slice %arg3[%add3A, %add3A_138, %dma_start3A_143, %dma_start3A_144] : memref<32x80x1x128xi32, #tpu.memory_space<hbm>> -> memref<1x1x1x128xi32, #tpu.memory_space<hbm>>
        %dma_start3A_146 = tpu.memref_squeeze %dma_start3A_145 : memref<1x1x1x128xi32, #tpu.memory_space<hbm>> -> memref<1x128xi32, #tpu.memory_space<hbm>>
        tpu.enqueue_dma source(%dma_start3A_146 : memref<1x128xi32, #tpu.memory_space<hbm>>) target(%arg11 : memref<1x128xi32, #tpu.memory_space<vmem>>) target_semaphore(%arg16 : memref<!tpu.dma_semaphore, #tpu.memory_space<semaphore_mem>>)
      } else {
      }
      %dma_wait3A_119 = arith.constant 0 : i32
      %dma_wait3A_120 = tpu.memref_slice %arg7[%mul3A_67, %dma_wait3A_119] : memref<80x128xi32, #tpu.memory_space<vmem>> -> memref<1x128xi32, #tpu.memory_space<vmem>>
      %dma_wait3A_121 = tpu.memref_squeeze %dma_wait3A_120 : memref<1x128xi32, #tpu.memory_space<vmem>> -> memref<128xi32, #tpu.memory_space<vmem>>
      %dma_wait3A_122 = arith.constant 0 : i32
      %dma_wait3A_123 = arith.constant 0 : i32
      %dma_wait3A_124 = tpu.memref_slice %arg6[%dma_wait3A_122, %dma_wait3A_123] : memref<10240x128xf32, #tpu.memory_space<vmem_shared>> -> memref<10240x128xf32, #tpu.memory_space<vmem_shared>>
      tpu.wait_indirect_dma semaphore(%arg14 : memref<!tpu.dma_semaphore, #tpu.memory_space<semaphore_mem>>) src(%arg8 : memref<128x128xf32, #tpu.memory_space<vmem>>) dst(%dma_wait3A_124 : memref<10240x128xf32, #tpu.memory_space<vmem_shared>>)
      %dma_start3A_125 = arith.constant 0 : i32
      %dma_start3A_126 = tpu.memref_slice %arg7[%add3A_69, %dma_start3A_125] : memref<80x128xi32, #tpu.memory_space<vmem>> -> memref<1x128xi32, #tpu.memory_space<vmem>>
      %dma_start3A_127 = tpu.memref_squeeze %dma_start3A_126 : memref<1x128xi32, #tpu.memory_space<vmem>> -> memref<128xi32, #tpu.memory_space<vmem>>
      %dma_start3A_128 = arith.constant 0 : i32
      %dma_start3A_129 = arith.constant 0 : i32
      %dma_start3A_130 = tpu.memref_slice %arg6[%dma_start3A_128, %dma_start3A_129] : memref<10240x128xf32, #tpu.memory_space<vmem_shared>> -> memref<10240x128xf32, #tpu.memory_space<vmem_shared>>
      tpu.enqueue_indirect_dma source(%arg12 : memref<128x128xf32, #tpu.memory_space<vmem>>) target(%dma_start3A_130 : memref<10240x128xf32, #tpu.memory_space<vmem_shared>>) offsets(%dma_start3A_127 : memref<128xi32, #tpu.memory_space<vmem>>) semaphore(%arg14 : memref<!tpu.dma_semaphore, #tpu.memory_space<semaphore_mem>>) {add = true}
      %lt3A_131 = arith.constant 39 : i32
      %lt3A_132 = arith.cmpi slt, %scan3A_64, %lt3A_131 : i32
      %convert_element_type3A_133 = arith.extui %lt3A_132 : i1 to i32
      %cond3A_134 = arith.constant 0 : i32
      %cond3A_135 = arith.cmpi ne, %convert_element_type3A_133, %cond3A_134 : i32
      scf.if %cond3A_135 {
        %add3A_137 = arith.constant 2 : i32
        %add3A_138 = arith.addi %mul3A_67, %add3A_137 : i32
        %dma_wait3A_139 = arith.constant 0 : i32
        %dma_wait3A_140 = arith.constant 0 : i32
        %dma_wait3A_141 = tpu.memref_slice %arg3[%add3A, %add3A_138, %dma_wait3A_139, %dma_wait3A_140] : memref<32x80x1x128xi32, #tpu.memory_space<hbm>> -> memref<1x1x1x128xi32, #tpu.memory_space<hbm>>
        %dma_wait3A_142 = tpu.memref_squeeze %dma_wait3A_141 : memref<1x1x1x128xi32, #tpu.memory_space<hbm>> -> memref<1x128xi32, #tpu.memory_space<hbm>>
        %dma_wait3A_143 = arith.constant 0 : i32
        %dma_wait3A_144 = arith.constant 0 : i32
        %dma_wait3A_145 = tpu.memref_slice %arg3[%add3A, %add3A_138, %dma_wait3A_143, %dma_wait3A_144] : memref<32x80x1x128xi32, #tpu.memory_space<hbm>> -> memref<1x1x1x128xi32, #tpu.memory_space<hbm>>
        %dma_wait3A_146 = tpu.memref_squeeze %dma_wait3A_145 : memref<1x1x1x128xi32, #tpu.memory_space<hbm>> -> memref<1x128xi32, #tpu.memory_space<hbm>>
        tpu.wait_dma2 semaphore(%arg15 : memref<!tpu.dma_semaphore, #tpu.memory_space<semaphore_mem>>) src(%dma_wait3A_146 : memref<1x128xi32, #tpu.memory_space<hbm>>) dst(%arg10 : memref<1x128xi32, #tpu.memory_space<vmem>>)
        %add3A_147 = arith.constant 2 : i32
        %add3A_148 = arith.addi %mul3A_67, %add3A_147 : i32
        %dma_start3A_149 = arith.constant 0 : i32
        %dma_start3A_150 = arith.constant 0 : i32
        %dma_start3A_151 = tpu.memref_slice %arg10[%dma_start3A_149, %dma_start3A_150] : memref<1x128xi32, #tpu.memory_space<vmem>> -> memref<1x128xi32, #tpu.memory_space<vmem>>
        %dma_start3A_152 = tpu.memref_squeeze %dma_start3A_151 : memref<1x128xi32, #tpu.memory_space<vmem>> -> memref<128xi32, #tpu.memory_space<vmem>>
        %dma_start3A_153 = arith.constant 0 : i32
        %dma_start3A_154 = arith.constant 0 : i32
        %dma_start3A_155 = tpu.memref_slice %arg2[%dma_start3A_153, %dma_start3A_154] : memref<10000x128xf32, #tpu.memory_space<hbm>> -> memref<10000x128xf32, #tpu.memory_space<hbm>>
        tpu.enqueue_indirect_dma source(%dma_start3A_155 : memref<10000x128xf32, #tpu.memory_space<hbm>>) target(%arg8 : memref<128x128xf32, #tpu.memory_space<vmem>>) offsets(%dma_start3A_152 : memref<128xi32, #tpu.memory_space<vmem>>) semaphore(%arg9 : memref<!tpu.dma_semaphore, #tpu.memory_space<semaphore_mem>>)
      } else {
      }
      %scan3A_136 = arith.constant 0 : i32
      scf.yield %scan3A_136 : i32
    }
    %scan3A_50 = arith.constant 40 : i32
    %dma_wait3A_51 = arith.constant 79 : i32
    %dma_wait3A_52 = arith.constant 0 : i32
    %dma_wait3A_53 = tpu.memref_slice %arg7[%dma_wait3A_51, %dma_wait3A_52] : memref<80x128xi32, #tpu.memory_space<vmem>> -> memref<1x128xi32, #tpu.memory_space<vmem>>
    %dma_wait3A_54 = tpu.memref_squeeze %dma_wait3A_53 : memref<1x128xi32, #tpu.memory_space<vmem>> -> memref<128xi32, #tpu.memory_space<vmem>>
    %dma_wait3A_55 = arith.constant 0 : i32
    %dma_wait3A_56 = arith.constant 0 : i32
    %dma_wait3A_57 = tpu.memref_slice %arg6[%dma_wait3A_55, %dma_wait3A_56] : memref<10240x128xf32, #tpu.memory_space<vmem_shared>> -> memref<10240x128xf32, #tpu.memory_space<vmem_shared>>
    tpu.wait_indirect_dma semaphore(%arg14 : memref<!tpu.dma_semaphore, #tpu.memory_space<semaphore_mem>>) src(%arg12 : memref<128x128xf32, #tpu.memory_space<vmem>>) dst(%dma_wait3A_57 : memref<10240x128xf32, #tpu.memory_space<vmem_shared>>)
    %barrier3A_58 = arith.constant 0 : index
    tpu.barrier barrier_id(%barrier3A_58)
    %lt3A_59 = arith.constant 16 : i32
    %lt3A_60 = arith.cmpi slt, %arg1, %lt3A_59 : i32
    %convert_element_type3A_61 = arith.extui %lt3A_60 : i1 to i32
    %cond3A_62 = arith.constant 0 : i32
    %cond3A_63 = arith.cmpi ne, %convert_element_type3A_61, %cond3A_62 : i32
    scf.if %cond3A_63 {
      "tpu.region"() ({
        %run_scoped3A = tpu.sem_alloc : memref<!tpu.dma_semaphore, #tpu.memory_space<semaphore_mem>>
        %dma_start3A_64 = arith.constant 0 : i32
        %dma_start3A_65 = tpu.memref_slice %arg5[%arg0, %mul3A_9, %dma_start3A_64] : memref<2x10240x128xf32, #tpu.memory_space<hbm>> -> memref<1x640x128xf32, #tpu.memory_space<hbm>>
        %dma_start3A_66 = tpu.memref_squeeze %dma_start3A_65 : memref<1x640x128xf32, #tpu.memory_space<hbm>> -> memref<640x128xf32, #tpu.memory_space<hbm>>
        %dma_start3A_67 = arith.constant 0 : i32
        %dma_start3A_68 = tpu.memref_slice %arg6[%mul3A_9, %dma_start3A_67] : memref<10240x128xf32, #tpu.memory_space<vmem_shared>> -> memref<640x128xf32, #tpu.memory_space<vmem_shared>>
        tpu.enqueue_dma source(%dma_start3A_68 : memref<640x128xf32, #tpu.memory_space<vmem_shared>>) target(%dma_start3A_66 : memref<640x128xf32, #tpu.memory_space<hbm>>) target_semaphore(%run_scoped3A : memref<!tpu.dma_semaphore, #tpu.memory_space<semaphore_mem>>)
        %dma_wait3A_69 = arith.constant 0 : i32
        %dma_wait3A_70 = tpu.memref_slice %arg5[%arg0, %mul3A_9, %dma_wait3A_69] : memref<2x10240x128xf32, #tpu.memory_space<hbm>> -> memref<1x640x128xf32, #tpu.memory_space<hbm>>
        %dma_wait3A_71 = tpu.memref_squeeze %dma_wait3A_70 : memref<1x640x128xf32, #tpu.memory_space<hbm>> -> memref<640x128xf32, #tpu.memory_space<hbm>>
        %dma_wait3A_72 = arith.constant 0 : i32
        %dma_wait3A_73 = tpu.memref_slice %arg6[%mul3A_9, %dma_wait3A_72] : memref<10240x128xf32, #tpu.memory_space<vmem_shared>> -> memref<640x128xf32, #tpu.memory_space<vmem_shared>>
        tpu.wait_dma2 semaphore(%run_scoped3A : memref<!tpu.dma_semaphore, #tpu.memory_space<semaphore_mem>>) src(%dma_wait3A_73 : memref<640x128xf32, #tpu.memory_space<vmem_shared>>) dst(%dma_wait3A_71 : memref<640x128xf32, #tpu.memory_space<hbm>>)
        tpu.yield
      }) : () -> ()
    } else {
    }
    return
  }
}

#map = affine_map<(d0, d1) -> (0, 0, 0)>
module attributes {stable_mosaic.version = 14 : i64} {
  func.func @body(%arg0: i32, %arg1: i32, %arg2: memref<32x80x128xi32, #tpu.memory_space<hbm>>, %arg3: memref<2x10240x16xf32, #tpu.memory_space<hbm>>, %arg4: memref<10240x16xf32, #tpu.memory_space<vmem_shared>>, %arg5: memref<80x128xi32, #tpu.memory_space<vmem>>, %arg6: memref<128x16xf32, #tpu.memory_space<vmem>>, %arg7: memref<!tpu.dma_semaphore, #tpu.memory_space<semaphore_mem>>) attributes {dimension_semantics = [#tpu.dimension_semantics<core_parallel>, #tpu.dimension_semantics<subcore_parallel>], iteration_bounds = array<i64: 2, 16>, scalar_prefetch = 0 : i64, scratch_operands = 4 : i64, tpu.core_type = #tpu.core_type<sc_vector_subcore>, window_params = [{transform_indices = #map}, {transform_indices = #map}]} {
    %mul3A = arith.constant 16 : i32
    %mul3A_0 = arith.muli %arg0, %mul3A : i32
    %add3A = arith.addi %mul3A_0, %arg1 : i32
    %broadcast_in_dim3A = arith.constant 0.000000e+00 : f32
    %broadcast_in_dim3A_1 = vector.broadcast %broadcast_in_dim3A : f32 to vector<16xf32>
    %scan3A = arith.constant 0 : i32
    %scan3A_2 = arith.constant 0 : i32
    %scan3A_3 = arith.constant 128 : i32
    %scan3A_4 = arith.addi %scan3A_2, %scan3A_3 : i32
    %scan3A_5 = arith.constant 1 : i32
    %scan3A_6 = scf.for %scan3A_34 = %scan3A_2 to %scan3A_4 step %scan3A_5 iter_args(%scan3A_35 = %scan3A) -> (i32)  : i32 {
      %swap3A = arith.index_cast %scan3A_34 : i32 to index
      %swap3A_36 = arith.constant 0 : index
      %swap3A_37 = tpu.vector_load %arg6[%swap3A, %swap3A_36] {strides = array<i32>} : memref<128x16xf32, #tpu.memory_space<vmem>>, vector<1x16xf32>,
      %swap3A_38 = vector.shape_cast %swap3A_37 : vector<1x16xf32> to vector<16xf32>
      %swap3A_39 = vector.shape_cast %broadcast_in_dim3A_1 : vector<16xf32> to vector<1x16xf32>
      tpu.vector_store %arg6[%swap3A, %swap3A_36], %swap3A_39 {strides = array<i32>} : memref<128x16xf32, #tpu.memory_space<vmem>>, vector<1x16xf32>,
      %scan3A_40 = arith.constant 0 : i32
      scf.yield %scan3A_40 : i32
    }
    %scan3A_7 = arith.constant 128 : i32
    %mul3A_8 = arith.constant 640 : i32
    %mul3A_9 = arith.muli %arg1, %mul3A_8 : i32
    %lt3A = arith.constant 16 : i32
    %lt3A_10 = arith.cmpi slt, %arg1, %lt3A : i32
    %convert_element_type3A = arith.extui %lt3A_10 : i1 to i32
    %cond3A = arith.constant 0 : i32
    %cond3A_11 = arith.cmpi ne, %convert_element_type3A, %cond3A : i32
    scf.if %cond3A_11 {
      %add3A_34 = arith.constant 0 : i32
      %add3A_35 = arith.addi %mul3A_9, %add3A_34 : i32
      "tpu.region"() ({
        %run_scoped3A = tpu.sem_alloc : memref<!tpu.dma_semaphore, #tpu.memory_space<semaphore_mem>>
        %dma_start3A = arith.constant 0 : i32
        %dma_start3A_44 = tpu.memref_slice %arg4[%add3A_35, %dma_start3A] : memref<10240x16xf32, #tpu.memory_space<vmem_shared>> -> memref<128x16xf32, #tpu.memory_space<vmem_shared>>
        %dma_start3A_45 = arith.constant 0 : i32
        %dma_start3A_46 = tpu.memref_slice %arg4[%add3A_35, %dma_start3A_45] : memref<10240x16xf32, #tpu.memory_space<vmem_shared>> -> memref<128x16xf32, #tpu.memory_space<vmem_shared>>
        tpu.enqueue_dma source(%arg6 : memref<128x16xf32, #tpu.memory_space<vmem>>) target(%dma_start3A_46 : memref<128x16xf32, #tpu.memory_space<vmem_shared>>) target_semaphore(%run_scoped3A : memref<!tpu.dma_semaphore, #tpu.memory_space<semaphore_mem>>)
        %dma_wait3A = arith.constant 0 : i32
        %dma_wait3A_47 = tpu.memref_slice %arg4[%add3A_35, %dma_wait3A] : memref<10240x16xf32, #tpu.memory_space<vmem_shared>> -> memref<128x16xf32, #tpu.memory_space<vmem_shared>>
        %dma_wait3A_48 = arith.constant 0 : i32
        %dma_wait3A_49 = tpu.memref_slice %arg4[%add3A_35, %dma_wait3A_48] : memref<10240x16xf32, #tpu.memory_space<vmem_shared>> -> memref<128x16xf32, #tpu.memory_space<vmem_shared>>
        tpu.wait_dma2 semaphore(%run_scoped3A : memref<!tpu.dma_semaphore, #tpu.memory_space<semaphore_mem>>) src(%arg6 : memref<128x16xf32, #tpu.memory_space<vmem>>) dst(%dma_wait3A_49 : memref<128x16xf32, #tpu.memory_space<vmem_shared>>)
        tpu.yield
      }) : () -> ()
      %add3A_36 = arith.constant 128 : i32
      %add3A_37 = arith.addi %mul3A_9, %add3A_36 : i32
      "tpu.region"() ({
        %run_scoped3A = tpu.sem_alloc : memref<!tpu.dma_semaphore, #tpu.memory_space<semaphore_mem>>
        %dma_start3A = arith.constant 0 : i32
        %dma_start3A_44 = tpu.memref_slice %arg4[%add3A_37, %dma_start3A] : memref<10240x16xf32, #tpu.memory_space<vmem_shared>> -> memref<128x16xf32, #tpu.memory_space<vmem_shared>>
        %dma_start3A_45 = arith.constant 0 : i32
        %dma_start3A_46 = tpu.memref_slice %arg4[%add3A_37, %dma_start3A_45] : memref<10240x16xf32, #tpu.memory_space<vmem_shared>> -> memref<128x16xf32, #tpu.memory_space<vmem_shared>>
        tpu.enqueue_dma source(%arg6 : memref<128x16xf32, #tpu.memory_space<vmem>>) target(%dma_start3A_46 : memref<128x16xf32, #tpu.memory_space<vmem_shared>>) target_semaphore(%run_scoped3A : memref<!tpu.dma_semaphore, #tpu.memory_space<semaphore_mem>>)
        %dma_wait3A = arith.constant 0 : i32
        %dma_wait3A_47 = tpu.memref_slice %arg4[%add3A_37, %dma_wait3A] : memref<10240x16xf32, #tpu.memory_space<vmem_shared>> -> memref<128x16xf32, #tpu.memory_space<vmem_shared>>
        %dma_wait3A_48 = arith.constant 0 : i32
        %dma_wait3A_49 = tpu.memref_slice %arg4[%add3A_37, %dma_wait3A_48] : memref<10240x16xf32, #tpu.memory_space<vmem_shared>> -> memref<128x16xf32, #tpu.memory_space<vmem_shared>>
        tpu.wait_dma2 semaphore(%run_scoped3A : memref<!tpu.dma_semaphore, #tpu.memory_space<semaphore_mem>>) src(%arg6 : memref<128x16xf32, #tpu.memory_space<vmem>>) dst(%dma_wait3A_49 : memref<128x16xf32, #tpu.memory_space<vmem_shared>>)
        tpu.yield
      }) : () -> ()
      %add3A_38 = arith.constant 256 : i32
      %add3A_39 = arith.addi %mul3A_9, %add3A_38 : i32
      "tpu.region"() ({
        %run_scoped3A = tpu.sem_alloc : memref<!tpu.dma_semaphore, #tpu.memory_space<semaphore_mem>>
        %dma_start3A = arith.constant 0 : i32
        %dma_start3A_44 = tpu.memref_slice %arg4[%add3A_39, %dma_start3A] : memref<10240x16xf32, #tpu.memory_space<vmem_shared>> -> memref<128x16xf32, #tpu.memory_space<vmem_shared>>
        %dma_start3A_45 = arith.constant 0 : i32
        %dma_start3A_46 = tpu.memref_slice %arg4[%add3A_39, %dma_start3A_45] : memref<10240x16xf32, #tpu.memory_space<vmem_shared>> -> memref<128x16xf32, #tpu.memory_space<vmem_shared>>
        tpu.enqueue_dma source(%arg6 : memref<128x16xf32, #tpu.memory_space<vmem>>) target(%dma_start3A_46 : memref<128x16xf32, #tpu.memory_space<vmem_shared>>) target_semaphore(%run_scoped3A : memref<!tpu.dma_semaphore, #tpu.memory_space<semaphore_mem>>)
        %dma_wait3A = arith.constant 0 : i32
        %dma_wait3A_47 = tpu.memref_slice %arg4[%add3A_39, %dma_wait3A] : memref<10240x16xf32, #tpu.memory_space<vmem_shared>> -> memref<128x16xf32, #tpu.memory_space<vmem_shared>>
        %dma_wait3A_48 = arith.constant 0 : i32
        %dma_wait3A_49 = tpu.memref_slice %arg4[%add3A_39, %dma_wait3A_48] : memref<10240x16xf32, #tpu.memory_space<vmem_shared>> -> memref<128x16xf32, #tpu.memory_space<vmem_shared>>
        tpu.wait_dma2 semaphore(%run_scoped3A : memref<!tpu.dma_semaphore, #tpu.memory_space<semaphore_mem>>) src(%arg6 : memref<128x16xf32, #tpu.memory_space<vmem>>) dst(%dma_wait3A_49 : memref<128x16xf32, #tpu.memory_space<vmem_shared>>)
        tpu.yield
      }) : () -> ()
      %add3A_40 = arith.constant 384 : i32
      %add3A_41 = arith.addi %mul3A_9, %add3A_40 : i32
      "tpu.region"() ({
        %run_scoped3A = tpu.sem_alloc : memref<!tpu.dma_semaphore, #tpu.memory_space<semaphore_mem>>
        %dma_start3A = arith.constant 0 : i32
        %dma_start3A_44 = tpu.memref_slice %arg4[%add3A_41, %dma_start3A] : memref<10240x16xf32, #tpu.memory_space<vmem_shared>> -> memref<128x16xf32, #tpu.memory_space<vmem_shared>>
        %dma_start3A_45 = arith.constant 0 : i32
        %dma_start3A_46 = tpu.memref_slice %arg4[%add3A_41, %dma_start3A_45] : memref<10240x16xf32, #tpu.memory_space<vmem_shared>> -> memref<128x16xf32, #tpu.memory_space<vmem_shared>>
        tpu.enqueue_dma source(%arg6 : memref<128x16xf32, #tpu.memory_space<vmem>>) target(%dma_start3A_46 : memref<128x16xf32, #tpu.memory_space<vmem_shared>>) target_semaphore(%run_scoped3A : memref<!tpu.dma_semaphore, #tpu.memory_space<semaphore_mem>>)
        %dma_wait3A = arith.constant 0 : i32
        %dma_wait3A_47 = tpu.memref_slice %arg4[%add3A_41, %dma_wait3A] : memref<10240x16xf32, #tpu.memory_space<vmem_shared>> -> memref<128x16xf32, #tpu.memory_space<vmem_shared>>
        %dma_wait3A_48 = arith.constant 0 : i32
        %dma_wait3A_49 = tpu.memref_slice %arg4[%add3A_41, %dma_wait3A_48] : memref<10240x16xf32, #tpu.memory_space<vmem_shared>> -> memref<128x16xf32, #tpu.memory_space<vmem_shared>>
        tpu.wait_dma2 semaphore(%run_scoped3A : memref<!tpu.dma_semaphore, #tpu.memory_space<semaphore_mem>>) src(%arg6 : memref<128x16xf32, #tpu.memory_space<vmem>>) dst(%dma_wait3A_49 : memref<128x16xf32, #tpu.memory_space<vmem_shared>>)
        tpu.yield
      }) : () -> ()
      %add3A_42 = arith.constant 512 : i32
      %add3A_43 = arith.addi %mul3A_9, %add3A_42 : i32
      "tpu.region"() ({
        %run_scoped3A = tpu.sem_alloc : memref<!tpu.dma_semaphore, #tpu.memory_space<semaphore_mem>>
        %dma_start3A = arith.constant 0 : i32
        %dma_start3A_44 = tpu.memref_slice %arg4[%add3A_43, %dma_start3A] : memref<10240x16xf32, #tpu.memory_space<vmem_shared>> -> memref<128x16xf32, #tpu.memory_space<vmem_shared>>
        %dma_start3A_45 = arith.constant 0 : i32
        %dma_start3A_46 = tpu.memref_slice %arg4[%add3A_43, %dma_start3A_45] : memref<10240x16xf32, #tpu.memory_space<vmem_shared>> -> memref<128x16xf32, #tpu.memory_space<vmem_shared>>
        tpu.enqueue_dma source(%arg6 : memref<128x16xf32, #tpu.memory_space<vmem>>) target(%dma_start3A_46 : memref<128x16xf32, #tpu.memory_space<vmem_shared>>) target_semaphore(%run_scoped3A : memref<!tpu.dma_semaphore, #tpu.memory_space<semaphore_mem>>)
        %dma_wait3A = arith.constant 0 : i32
        %dma_wait3A_47 = tpu.memref_slice %arg4[%add3A_43, %dma_wait3A] : memref<10240x16xf32, #tpu.memory_space<vmem_shared>> -> memref<128x16xf32, #tpu.memory_space<vmem_shared>>
        %dma_wait3A_48 = arith.constant 0 : i32
        %dma_wait3A_49 = tpu.memref_slice %arg4[%add3A_43, %dma_wait3A_48] : memref<10240x16xf32, #tpu.memory_space<vmem_shared>> -> memref<128x16xf32, #tpu.memory_space<vmem_shared>>
        tpu.wait_dma2 semaphore(%run_scoped3A : memref<!tpu.dma_semaphore, #tpu.memory_space<semaphore_mem>>) src(%arg6 : memref<128x16xf32, #tpu.memory_space<vmem>>) dst(%dma_wait3A_49 : memref<128x16xf32, #tpu.memory_space<vmem_shared>>)
        tpu.yield
      }) : () -> ()
    } else {
    }
    "tpu.region"() ({
      %run_scoped3A = tpu.sem_alloc : memref<!tpu.dma_semaphore, #tpu.memory_space<semaphore_mem>>
      %dma_start3A = arith.constant 0 : i32
      %dma_start3A_34 = arith.constant 0 : i32
      %dma_start3A_35 = tpu.memref_slice %arg2[%add3A, %dma_start3A, %dma_start3A_34] : memref<32x80x128xi32, #tpu.memory_space<hbm>> -> memref<1x80x128xi32, #tpu.memory_space<hbm>>
      %dma_start3A_36 = tpu.memref_squeeze %dma_start3A_35 : memref<1x80x128xi32, #tpu.memory_space<hbm>> -> memref<80x128xi32, #tpu.memory_space<hbm>>
      %dma_start3A_37 = arith.constant 0 : i32
      %dma_start3A_38 = arith.constant 0 : i32
      %dma_start3A_39 = tpu.memref_slice %arg2[%add3A, %dma_start3A_37, %dma_start3A_38] : memref<32x80x128xi32, #tpu.memory_space<hbm>> -> memref<1x80x128xi32, #tpu.memory_space<hbm>>
      %dma_start3A_40 = tpu.memref_squeeze %dma_start3A_39 : memref<1x80x128xi32, #tpu.memory_space<hbm>> -> memref<80x128xi32, #tpu.memory_space<hbm>>
      tpu.enqueue_dma source(%dma_start3A_40 : memref<80x128xi32, #tpu.memory_space<hbm>>) target(%arg5 : memref<80x128xi32, #tpu.memory_space<vmem>>) target_semaphore(%run_scoped3A : memref<!tpu.dma_semaphore, #tpu.memory_space<semaphore_mem>>)
      %dma_wait3A = arith.constant 0 : i32
      %dma_wait3A_41 = arith.constant 0 : i32
      %dma_wait3A_42 = tpu.memref_slice %arg2[%add3A, %dma_wait3A, %dma_wait3A_41] : memref<32x80x128xi32, #tpu.memory_space<hbm>> -> memref<1x80x128xi32, #tpu.memory_space<hbm>>
      %dma_wait3A_43 = tpu.memref_squeeze %dma_wait3A_42 : memref<1x80x128xi32, #tpu.memory_space<hbm>> -> memref<80x128xi32, #tpu.memory_space<hbm>>
      %dma_wait3A_44 = arith.constant 0 : i32
      %dma_wait3A_45 = arith.constant 0 : i32
      %dma_wait3A_46 = tpu.memref_slice %arg2[%add3A, %dma_wait3A_44, %dma_wait3A_45] : memref<32x80x128xi32, #tpu.memory_space<hbm>> -> memref<1x80x128xi32, #tpu.memory_space<hbm>>
      %dma_wait3A_47 = tpu.memref_squeeze %dma_wait3A_46 : memref<1x80x128xi32, #tpu.memory_space<hbm>> -> memref<80x128xi32, #tpu.memory_space<hbm>>
      tpu.wait_dma2 semaphore(%run_scoped3A : memref<!tpu.dma_semaphore, #tpu.memory_space<semaphore_mem>>) src(%dma_wait3A_47 : memref<80x128xi32, #tpu.memory_space<hbm>>) dst(%arg5 : memref<80x128xi32, #tpu.memory_space<vmem>>)
      tpu.yield
    }) : () -> ()
    %broadcast_in_dim3A_12 = arith.constant 1.000000e+00 : f32
    %broadcast_in_dim3A_13 = vector.broadcast %broadcast_in_dim3A_12 : f32 to vector<16xf32>
    %scan3A_14 = arith.constant 0 : i32
    %scan3A_15 = arith.constant 0 : i32
    %scan3A_16 = arith.constant 128 : i32
    %scan3A_17 = arith.addi %scan3A_15, %scan3A_16 : i32
    %scan3A_18 = arith.constant 1 : i32
    %scan3A_19 = scf.for %scan3A_34 = %scan3A_15 to %scan3A_17 step %scan3A_18 iter_args(%scan3A_35 = %scan3A_14) -> (i32)  : i32 {
      %swap3A = arith.index_cast %scan3A_34 : i32 to index
      %swap3A_36 = arith.constant 0 : index
      %swap3A_37 = tpu.vector_load %arg6[%swap3A, %swap3A_36] {strides = array<i32>} : memref<128x16xf32, #tpu.memory_space<vmem>>, vector<1x16xf32>,
      %swap3A_38 = vector.shape_cast %swap3A_37 : vector<1x16xf32> to vector<16xf32>
      %swap3A_39 = vector.shape_cast %broadcast_in_dim3A_13 : vector<16xf32> to vector<1x16xf32>
      tpu.vector_store %arg6[%swap3A, %swap3A_36], %swap3A_39 {strides = array<i32>} : memref<128x16xf32, #tpu.memory_space<vmem>>, vector<1x16xf32>,
      %scan3A_40 = arith.constant 0 : i32
      scf.yield %scan3A_40 : i32
    }
    %scan3A_20 = arith.constant 128 : i32
    %barrier3A = arith.constant 0 : index
    tpu.barrier barrier_id(%barrier3A)
    %scan3A_21 = arith.constant 0 : i32
    %scan3A_22 = arith.constant 0 : i32
    %scan3A_23 = arith.constant 80 : i32
    %scan3A_24 = arith.addi %scan3A_22, %scan3A_23 : i32
    %scan3A_25 = arith.constant 1 : i32
    %scan3A_26 = scf.for %scan3A_34 = %scan3A_22 to %scan3A_24 step %scan3A_25 iter_args(%scan3A_35 = %scan3A_21) -> (i32)  : i32 {
      "tpu.region"() ({
        %run_scoped3A = tpu.sem_alloc : memref<!tpu.dma_semaphore, #tpu.memory_space<semaphore_mem>>
        %dma_start3A = arith.constant 0 : i32
        %dma_start3A_37 = tpu.memref_slice %arg5[%scan3A_34, %dma_start3A] : memref<80x128xi32, #tpu.memory_space<vmem>> -> memref<1x128xi32, #tpu.memory_space<vmem>>
        %dma_start3A_38 = tpu.memref_squeeze %dma_start3A_37 : memref<1x128xi32, #tpu.memory_space<vmem>> -> memref<128xi32, #tpu.memory_space<vmem>>
        %dma_start3A_39 = arith.constant 0 : i32
        %dma_start3A_40 = arith.constant 0 : i32
        %dma_start3A_41 = tpu.memref_slice %arg4[%dma_start3A_39, %dma_start3A_40] : memref<10240x16xf32, #tpu.memory_space<vmem_shared>> -> memref<10240x16xf32, #tpu.memory_space<vmem_shared>>
        tpu.enqueue_indirect_dma source(%arg6 : memref<128x16xf32, #tpu.memory_space<vmem>>) target(%dma_start3A_41 : memref<10240x16xf32, #tpu.memory_space<vmem_shared>>) offsets(%dma_start3A_38 : memref<128xi32, #tpu.memory_space<vmem>>) semaphore(%run_scoped3A : memref<!tpu.dma_semaphore, #tpu.memory_space<semaphore_mem>>) {add = true}
        %dma_wait3A = arith.constant 0 : i32
        %dma_wait3A_42 = tpu.memref_slice %arg5[%scan3A_34, %dma_wait3A] : memref<80x128xi32, #tpu.memory_space<vmem>> -> memref<1x128xi32, #tpu.memory_space<vmem>>
        %dma_wait3A_43 = tpu.memref_squeeze %dma_wait3A_42 : memref<1x128xi32, #tpu.memory_space<vmem>> -> memref<128xi32, #tpu.memory_space<vmem>>
        %dma_wait3A_44 = arith.constant 0 : i32
        %dma_wait3A_45 = arith.constant 0 : i32
        %dma_wait3A_46 = tpu.memref_slice %arg4[%dma_wait3A_44, %dma_wait3A_45] : memref<10240x16xf32, #tpu.memory_space<vmem_shared>> -> memref<10240x16xf32, #tpu.memory_space<vmem_shared>>
        tpu.wait_indirect_dma semaphore(%run_scoped3A : memref<!tpu.dma_semaphore, #tpu.memory_space<semaphore_mem>>) src(%arg6 : memref<128x16xf32, #tpu.memory_space<vmem>>) dst(%dma_wait3A_46 : memref<10240x16xf32, #tpu.memory_space<vmem_shared>>)
        tpu.yield
      }) : () -> ()
      %scan3A_36 = arith.constant 0 : i32
      scf.yield %scan3A_36 : i32
    }
    %scan3A_27 = arith.constant 80 : i32
    %barrier3A_28 = arith.constant 0 : index
    tpu.barrier barrier_id(%barrier3A_28)
    %lt3A_29 = arith.constant 16 : i32
    %lt3A_30 = arith.cmpi slt, %arg1, %lt3A_29 : i32
    %convert_element_type3A_31 = arith.extui %lt3A_30 : i1 to i32
    %cond3A_32 = arith.constant 0 : i32
    %cond3A_33 = arith.cmpi ne, %convert_element_type3A_31, %cond3A_32 : i32
    scf.if %cond3A_33 {
      "tpu.region"() ({
        %run_scoped3A = tpu.sem_alloc : memref<!tpu.dma_semaphore, #tpu.memory_space<semaphore_mem>>
        %dma_start3A = arith.constant 0 : i32
        %dma_start3A_34 = tpu.memref_slice %arg3[%arg0, %mul3A_9, %dma_start3A] : memref<2x10240x16xf32, #tpu.memory_space<hbm>> -> memref<1x640x16xf32, #tpu.memory_space<hbm>>
        %dma_start3A_35 = tpu.memref_squeeze %dma_start3A_34 : memref<1x640x16xf32, #tpu.memory_space<hbm>> -> memref<640x16xf32, #tpu.memory_space<hbm>>
        %dma_start3A_36 = arith.constant 0 : i32
        %dma_start3A_37 = tpu.memref_slice %arg4[%mul3A_9, %dma_start3A_36] : memref<10240x16xf32, #tpu.memory_space<vmem_shared>> -> memref<640x16xf32, #tpu.memory_space<vmem_shared>>
        tpu.enqueue_dma source(%dma_start3A_37 : memref<640x16xf32, #tpu.memory_space<vmem_shared>>) target(%dma_start3A_35 : memref<640x16xf32, #tpu.memory_space<hbm>>) target_semaphore(%run_scoped3A : memref<!tpu.dma_semaphore, #tpu.memory_space<semaphore_mem>>)
        %dma_wait3A = arith.constant 0 : i32
        %dma_wait3A_38 = tpu.memref_slice %arg3[%arg0, %mul3A_9, %dma_wait3A] : memref<2x10240x16xf32, #tpu.memory_space<hbm>> -> memref<1x640x16xf32, #tpu.memory_space<hbm>>
        %dma_wait3A_39 = tpu.memref_squeeze %dma_wait3A_38 : memref<1x640x16xf32, #tpu.memory_space<hbm>> -> memref<640x16xf32, #tpu.memory_space<hbm>>
        %dma_wait3A_40 = arith.constant 0 : i32
        %dma_wait3A_41 = tpu.memref_slice %arg4[%mul3A_9, %dma_wait3A_40] : memref<10240x16xf32, #tpu.memory_space<vmem_shared>> -> memref<640x16xf32, #tpu.memory_space<vmem_shared>>
        tpu.wait_dma2 semaphore(%run_scoped3A : memref<!tpu.dma_semaphore, #tpu.memory_space<semaphore_mem>>) src(%dma_wait3A_41 : memref<640x16xf32, #tpu.memory_space<vmem_shared>>) dst(%dma_wait3A_39 : memref<640x16xf32, #tpu.memory_space<hbm>>)
        tpu.yield
      }) : () -> ()
    } else {
    }
    return
  }
}

#map = affine_map<(d0, d1) -> (0, 0)>
#map1 = affine_map<(d0, d1) -> (0, 0, 0, 0)>
#map2 = affine_map<(d0, d1) -> (0, 0, 0)>
module attributes {stable_mosaic.version = 14 : i64} {
  func.func @body(%arg0: i32, %arg1: i32, %arg2: memref<10000x128xf32, #tpu.memory_space<hbm>>, %arg3: memref<32x80x1x128xi32, #tpu.memory_space<hbm>>, %arg4: memref<32x80x128xi32, #tpu.memory_space<hbm>>, %arg5: memref<2x10240x128xf32, #tpu.memory_space<hbm>>, %arg6: memref<10240x128xf32, #tpu.memory_space<vmem_shared>>, %arg7: memref<80x128xi32, #tpu.memory_space<vmem>>, %arg8: memref<128x128xf32, #tpu.memory_space<vmem>>, %arg9: memref<!tpu.dma_semaphore, #tpu.memory_space<semaphore_mem>>, %arg10: memref<1x128xi32, #tpu.memory_space<vmem>>, %arg11: memref<1x128xi32, #tpu.memory_space<vmem>>, %arg12: memref<128x128xf32, #tpu.memory_space<vmem>>, %arg13: memref<!tpu.dma_semaphore, #tpu.memory_space<semaphore_mem>>, %arg14: memref<!tpu.dma_semaphore, #tpu.memory_space<semaphore_mem>>, %arg15: memref<!tpu.dma_semaphore, #tpu.memory_space<semaphore_mem>>, %arg16: memref<!tpu.dma_semaphore, #tpu.memory_space<semaphore_mem>>) attributes {dimension_semantics = [#tpu.dimension_semantics<core_parallel>, #tpu.dimension_semantics<subcore_parallel>], iteration_bounds = array<i64: 2, 16>, scalar_prefetch = 0 : i64, scratch_operands = 11 : i64, tpu.core_type = #tpu.core_type<sc_vector_subcore>, window_params = [{transform_indices = #map}, {transform_indices = #map1}, {transform_indices = #map2}, {transform_indices = #map2}]} {
    %mul3A = arith.constant 16 : i32
    %mul3A_0 = arith.muli %arg0, %mul3A : i32
    %add3A = arith.addi %mul3A_0, %arg1 : i32
    %broadcast_in_dim3A = arith.constant 0.000000e+00 : f32
    %broadcast_in_dim3A_1 = vector.broadcast %broadcast_in_dim3A : f32 to vector<16xf32>
    %scan3A = arith.constant 0 : i32
    %scan3A_2 = arith.constant 0 : i32
    %scan3A_3 = arith.constant 128 : i32
    %scan3A_4 = arith.addi %scan3A_2, %scan3A_3 : i32
    %scan3A_5 = arith.constant 1 : i32
    %scan3A_6 = scf.for %scan3A_64 = %scan3A_2 to %scan3A_4 step %scan3A_5 iter_args(%scan3A_65 = %scan3A) -> (i32)  : i32 {
      %swap3A = arith.index_cast %scan3A_64 : i32 to index
      %swap3A_66 = arith.constant 0 : index
      %swap3A_67 = tpu.vector_load %arg8[%swap3A, %swap3A_66] {strides = array<i32>} : memref<128x128xf32, #tpu.memory_space<vmem>>, vector<1x16xf32>,
      %swap3A_68 = vector.shape_cast %swap3A_67 : vector<1x16xf32> to vector<16xf32>
      %swap3A_69 = vector.shape_cast %broadcast_in_dim3A_1 : vector<16xf32> to vector<1x16xf32>
      tpu.vector_store %arg8[%swap3A, %swap3A_66], %swap3A_69 {strides = array<i32>} : memref<128x128xf32, #tpu.memory_space<vmem>>, vector<1x16xf32>,
      %swap3A_70 = arith.index_cast %scan3A_64 : i32 to index
      %swap3A_71 = arith.constant 16 : index
      %swap3A_72 = tpu.vector_load %arg8[%swap3A_70, %swap3A_71] {strides = array<i32>} : memref<128x128xf32, #tpu.memory_space<vmem>>, vector<1x16xf32>,
      %swap3A_73 = vector.shape_cast %swap3A_72 : vector<1x16xf32> to vector<16xf32>
      %swap3A_74 = vector.shape_cast %broadcast_in_dim3A_1 : vector<16xf32> to vector<1x16xf32>
      tpu.vector_store %arg8[%swap3A_70, %swap3A_71], %swap3A_74 {strides = array<i32>} : memref<128x128xf32, #tpu.memory_space<vmem>>, vector<1x16xf32>,
      %swap3A_75 = arith.index_cast %scan3A_64 : i32 to index
      %swap3A_76 = arith.constant 32 : index
      %swap3A_77 = tpu.vector_load %arg8[%swap3A_75, %swap3A_76] {strides = array<i32>} : memref<128x128xf32, #tpu.memory_space<vmem>>, vector<1x16xf32>,
      %swap3A_78 = vector.shape_cast %swap3A_77 : vector<1x16xf32> to vector<16xf32>
      %swap3A_79 = vector.shape_cast %broadcast_in_dim3A_1 : vector<16xf32> to vector<1x16xf32>
      tpu.vector_store %arg8[%swap3A_75, %swap3A_76], %swap3A_79 {strides = array<i32>} : memref<128x128xf32, #tpu.memory_space<vmem>>, vector<1x16xf32>,
      %swap3A_80 = arith.index_cast %scan3A_64 : i32 to index
      %swap3A_81 = arith.constant 48 : index
      %swap3A_82 = tpu.vector_load %arg8[%swap3A_80, %swap3A_81] {strides = array<i32>} : memref<128x128xf32, #tpu.memory_space<vmem>>, vector<1x16xf32>,
      %swap3A_83 = vector.shape_cast %swap3A_82 : vector<1x16xf32> to vector<16xf32>
      %swap3A_84 = vector.shape_cast %broadcast_in_dim3A_1 : vector<16xf32> to vector<1x16xf32>
      tpu.vector_store %arg8[%swap3A_80, %swap3A_81], %swap3A_84 {strides = array<i32>} : memref<128x128xf32, #tpu.memory_space<vmem>>, vector<1x16xf32>,
      %swap3A_85 = arith.index_cast %scan3A_64 : i32 to index
      %swap3A_86 = arith.constant 64 : index
      %swap3A_87 = tpu.vector_load %arg8[%swap3A_85, %swap3A_86] {strides = array<i32>} : memref<128x128xf32, #tpu.memory_space<vmem>>, vector<1x16xf32>,
      %swap3A_88 = vector.shape_cast %swap3A_87 : vector<1x16xf32> to vector<16xf32>
      %swap3A_89 = vector.shape_cast %broadcast_in_dim3A_1 : vector<16xf32> to vector<1x16xf32>
      tpu.vector_store %arg8[%swap3A_85, %swap3A_86], %swap3A_89 {strides = array<i32>} : memref<128x128xf32, #tpu.memory_space<vmem>>, vector<1x16xf32>,
      %swap3A_90 = arith.index_cast %scan3A_64 : i32 to index
      %swap3A_91 = arith.constant 80 : index
      %swap3A_92 = tpu.vector_load %arg8[%swap3A_90, %swap3A_91] {strides = array<i32>} : memref<128x128xf32, #tpu.memory_space<vmem>>, vector<1x16xf32>,
      %swap3A_93 = vector.shape_cast %swap3A_92 : vector<1x16xf32> to vector<16xf32>
      %swap3A_94 = vector.shape_cast %broadcast_in_dim3A_1 : vector<16xf32> to vector<1x16xf32>
      tpu.vector_store %arg8[%swap3A_90, %swap3A_91], %swap3A_94 {strides = array<i32>} : memref<128x128xf32, #tpu.memory_space<vmem>>, vector<1x16xf32>,
      %swap3A_95 = arith.index_cast %scan3A_64 : i32 to index
      %swap3A_96 = arith.constant 96 : index
      %swap3A_97 = tpu.vector_load %arg8[%swap3A_95, %swap3A_96] {strides = array<i32>} : memref<128x128xf32, #tpu.memory_space<vmem>>, vector<1x16xf32>,
      %swap3A_98 = vector.shape_cast %swap3A_97 : vector<1x16xf32> to vector<16xf32>
      %swap3A_99 = vector.shape_cast %broadcast_in_dim3A_1 : vector<16xf32> to vector<1x16xf32>
      tpu.vector_store %arg8[%swap3A_95, %swap3A_96], %swap3A_99 {strides = array<i32>} : memref<128x128xf32, #tpu.memory_space<vmem>>, vector<1x16xf32>,
      %swap3A_100 = arith.index_cast %scan3A_64 : i32 to index
      %swap3A_101 = arith.constant 112 : index
      %swap3A_102 = tpu.vector_load %arg8[%swap3A_100, %swap3A_101] {strides = array<i32>} : memref<128x128xf32, #tpu.memory_space<vmem>>, vector<1x16xf32>,
      %swap3A_103 = vector.shape_cast %swap3A_102 : vector<1x16xf32> to vector<16xf32>
      %swap3A_104 = vector.shape_cast %broadcast_in_dim3A_1 : vector<16xf32> to vector<1x16xf32>
      tpu.vector_store %arg8[%swap3A_100, %swap3A_101], %swap3A_104 {strides = array<i32>} : memref<128x128xf32, #tpu.memory_space<vmem>>, vector<1x16xf32>,
      %scan3A_105 = arith.constant 0 : i32
      scf.yield %scan3A_105 : i32
    }
    %scan3A_7 = arith.constant 128 : i32
    %mul3A_8 = arith.constant 640 : i32
    %mul3A_9 = arith.muli %arg1, %mul3A_8 : i32
    %lt3A = arith.constant 16 : i32
    %lt3A_10 = arith.cmpi slt, %arg1, %lt3A : i32
    %convert_element_type3A = arith.extui %lt3A_10 : i1 to i32
    %cond3A = arith.constant 0 : i32
    %cond3A_11 = arith.cmpi ne, %convert_element_type3A, %cond3A : i32
    scf.if %cond3A_11 {
      %add3A_64 = arith.constant 0 : i32
      %add3A_65 = arith.addi %mul3A_9, %add3A_64 : i32
      "tpu.region"() ({
        %run_scoped3A = tpu.sem_alloc : memref<!tpu.dma_semaphore, #tpu.memory_space<semaphore_mem>>
        %dma_start3A_74 = arith.constant 0 : i32
        %dma_start3A_75 = tpu.memref_slice %arg6[%add3A_65, %dma_start3A_74] : memref<10240x128xf32, #tpu.memory_space<vmem_shared>> -> memref<128x128xf32, #tpu.memory_space<vmem_shared>>
        %dma_start3A_76 = arith.constant 0 : i32
        %dma_start3A_77 = tpu.memref_slice %arg6[%add3A_65, %dma_start3A_76] : memref<10240x128xf32, #tpu.memory_space<vmem_shared>> -> memref<128x128xf32, #tpu.memory_space<vmem_shared>>
        tpu.enqueue_dma source(%arg8 : memref<128x128xf32, #tpu.memory_space<vmem>>) target(%dma_start3A_77 : memref<128x128xf32, #tpu.memory_space<vmem_shared>>) target_semaphore(%run_scoped3A : memref<!tpu.dma_semaphore, #tpu.memory_space<semaphore_mem>>)
        %dma_wait3A_78 = arith.constant 0 : i32
        %dma_wait3A_79 = tpu.memref_slice %arg6[%add3A_65, %dma_wait3A_78] : memref<10240x128xf32, #tpu.memory_space<vmem_shared>> -> memref<128x128xf32, #tpu.memory_space<vmem_shared>>
        %dma_wait3A_80 = arith.constant 0 : i32
        %dma_wait3A_81 = tpu.memref_slice %arg6[%add3A_65, %dma_wait3A_80] : memref<10240x128xf32, #tpu.memory_space<vmem_shared>> -> memref<128x128xf32, #tpu.memory_space<vmem_shared>>
        tpu.wait_dma2 semaphore(%run_scoped3A : memref<!tpu.dma_semaphore, #tpu.memory_space<semaphore_mem>>) src(%arg8 : memref<128x128xf32, #tpu.memory_space<vmem>>) dst(%dma_wait3A_81 : memref<128x128xf32, #tpu.memory_space<vmem_shared>>)
        tpu.yield
      }) : () -> ()
      %add3A_66 = arith.constant 128 : i32
      %add3A_67 = arith.addi %mul3A_9, %add3A_66 : i32
      "tpu.region"() ({
        %run_scoped3A = tpu.sem_alloc : memref<!tpu.dma_semaphore, #tpu.memory_space<semaphore_mem>>
        %dma_start3A_74 = arith.constant 0 : i32
        %dma_start3A_75 = tpu.memref_slice %arg6[%add3A_67, %dma_start3A_74] : memref<10240x128xf32, #tpu.memory_space<vmem_shared>> -> memref<128x128xf32, #tpu.memory_space<vmem_shared>>
        %dma_start3A_76 = arith.constant 0 : i32
        %dma_start3A_77 = tpu.memref_slice %arg6[%add3A_67, %dma_start3A_76] : memref<10240x128xf32, #tpu.memory_space<vmem_shared>> -> memref<128x128xf32, #tpu.memory_space<vmem_shared>>
        tpu.enqueue_dma source(%arg8 : memref<128x128xf32, #tpu.memory_space<vmem>>) target(%dma_start3A_77 : memref<128x128xf32, #tpu.memory_space<vmem_shared>>) target_semaphore(%run_scoped3A : memref<!tpu.dma_semaphore, #tpu.memory_space<semaphore_mem>>)
        %dma_wait3A_78 = arith.constant 0 : i32
        %dma_wait3A_79 = tpu.memref_slice %arg6[%add3A_67, %dma_wait3A_78] : memref<10240x128xf32, #tpu.memory_space<vmem_shared>> -> memref<128x128xf32, #tpu.memory_space<vmem_shared>>
        %dma_wait3A_80 = arith.constant 0 : i32
        %dma_wait3A_81 = tpu.memref_slice %arg6[%add3A_67, %dma_wait3A_80] : memref<10240x128xf32, #tpu.memory_space<vmem_shared>> -> memref<128x128xf32, #tpu.memory_space<vmem_shared>>
        tpu.wait_dma2 semaphore(%run_scoped3A : memref<!tpu.dma_semaphore, #tpu.memory_space<semaphore_mem>>) src(%arg8 : memref<128x128xf32, #tpu.memory_space<vmem>>) dst(%dma_wait3A_81 : memref<128x128xf32, #tpu.memory_space<vmem_shared>>)
        tpu.yield
      }) : () -> ()
      %add3A_68 = arith.constant 256 : i32
      %add3A_69 = arith.addi %mul3A_9, %add3A_68 : i32
      "tpu.region"() ({
        %run_scoped3A = tpu.sem_alloc : memref<!tpu.dma_semaphore, #tpu.memory_space<semaphore_mem>>
        %dma_start3A_74 = arith.constant 0 : i32
        %dma_start3A_75 = tpu.memref_slice %arg6[%add3A_69, %dma_start3A_74] : memref<10240x128xf32, #tpu.memory_space<vmem_shared>> -> memref<128x128xf32, #tpu.memory_space<vmem_shared>>
        %dma_start3A_76 = arith.constant 0 : i32
        %dma_start3A_77 = tpu.memref_slice %arg6[%add3A_69, %dma_start3A_76] : memref<10240x128xf32, #tpu.memory_space<vmem_shared>> -> memref<128x128xf32, #tpu.memory_space<vmem_shared>>
        tpu.enqueue_dma source(%arg8 : memref<128x128xf32, #tpu.memory_space<vmem>>) target(%dma_start3A_77 : memref<128x128xf32, #tpu.memory_space<vmem_shared>>) target_semaphore(%run_scoped3A : memref<!tpu.dma_semaphore, #tpu.memory_space<semaphore_mem>>)
        %dma_wait3A_78 = arith.constant 0 : i32
        %dma_wait3A_79 = tpu.memref_slice %arg6[%add3A_69, %dma_wait3A_78] : memref<10240x128xf32, #tpu.memory_space<vmem_shared>> -> memref<128x128xf32, #tpu.memory_space<vmem_shared>>
        %dma_wait3A_80 = arith.constant 0 : i32
        %dma_wait3A_81 = tpu.memref_slice %arg6[%add3A_69, %dma_wait3A_80] : memref<10240x128xf32, #tpu.memory_space<vmem_shared>> -> memref<128x128xf32, #tpu.memory_space<vmem_shared>>
        tpu.wait_dma2 semaphore(%run_scoped3A : memref<!tpu.dma_semaphore, #tpu.memory_space<semaphore_mem>>) src(%arg8 : memref<128x128xf32, #tpu.memory_space<vmem>>) dst(%dma_wait3A_81 : memref<128x128xf32, #tpu.memory_space<vmem_shared>>)
        tpu.yield
      }) : () -> ()
      %add3A_70 = arith.constant 384 : i32
      %add3A_71 = arith.addi %mul3A_9, %add3A_70 : i32
      "tpu.region"() ({
        %run_scoped3A = tpu.sem_alloc : memref<!tpu.dma_semaphore, #tpu.memory_space<semaphore_mem>>
        %dma_start3A_74 = arith.constant 0 : i32
        %dma_start3A_75 = tpu.memref_slice %arg6[%add3A_71, %dma_start3A_74] : memref<10240x128xf32, #tpu.memory_space<vmem_shared>> -> memref<128x128xf32, #tpu.memory_space<vmem_shared>>
        %dma_start3A_76 = arith.constant 0 : i32
        %dma_start3A_77 = tpu.memref_slice %arg6[%add3A_71, %dma_start3A_76] : memref<10240x128xf32, #tpu.memory_space<vmem_shared>> -> memref<128x128xf32, #tpu.memory_space<vmem_shared>>
        tpu.enqueue_dma source(%arg8 : memref<128x128xf32, #tpu.memory_space<vmem>>) target(%dma_start3A_77 : memref<128x128xf32, #tpu.memory_space<vmem_shared>>) target_semaphore(%run_scoped3A : memref<!tpu.dma_semaphore, #tpu.memory_space<semaphore_mem>>)
        %dma_wait3A_78 = arith.constant 0 : i32
        %dma_wait3A_79 = tpu.memref_slice %arg6[%add3A_71, %dma_wait3A_78] : memref<10240x128xf32, #tpu.memory_space<vmem_shared>> -> memref<128x128xf32, #tpu.memory_space<vmem_shared>>
        %dma_wait3A_80 = arith.constant 0 : i32
        %dma_wait3A_81 = tpu.memref_slice %arg6[%add3A_71, %dma_wait3A_80] : memref<10240x128xf32, #tpu.memory_space<vmem_shared>> -> memref<128x128xf32, #tpu.memory_space<vmem_shared>>
        tpu.wait_dma2 semaphore(%run_scoped3A : memref<!tpu.dma_semaphore, #tpu.memory_space<semaphore_mem>>) src(%arg8 : memref<128x128xf32, #tpu.memory_space<vmem>>) dst(%dma_wait3A_81 : memref<128x128xf32, #tpu.memory_space<vmem_shared>>)
        tpu.yield
      }) : () -> ()
      %add3A_72 = arith.constant 512 : i32
      %add3A_73 = arith.addi %mul3A_9, %add3A_72 : i32
      "tpu.region"() ({
        %run_scoped3A = tpu.sem_alloc : memref<!tpu.dma_semaphore, #tpu.memory_space<semaphore_mem>>
        %dma_start3A_74 = arith.constant 0 : i32
        %dma_start3A_75 = tpu.memref_slice %arg6[%add3A_73, %dma_start3A_74] : memref<10240x128xf32, #tpu.memory_space<vmem_shared>> -> memref<128x128xf32, #tpu.memory_space<vmem_shared>>
        %dma_start3A_76 = arith.constant 0 : i32
        %dma_start3A_77 = tpu.memref_slice %arg6[%add3A_73, %dma_start3A_76] : memref<10240x128xf32, #tpu.memory_space<vmem_shared>> -> memref<128x128xf32, #tpu.memory_space<vmem_shared>>
        tpu.enqueue_dma source(%arg8 : memref<128x128xf32, #tpu.memory_space<vmem>>) target(%dma_start3A_77 : memref<128x128xf32, #tpu.memory_space<vmem_shared>>) target_semaphore(%run_scoped3A : memref<!tpu.dma_semaphore, #tpu.memory_space<semaphore_mem>>)
        %dma_wait3A_78 = arith.constant 0 : i32
        %dma_wait3A_79 = tpu.memref_slice %arg6[%add3A_73, %dma_wait3A_78] : memref<10240x128xf32, #tpu.memory_space<vmem_shared>> -> memref<128x128xf32, #tpu.memory_space<vmem_shared>>
        %dma_wait3A_80 = arith.constant 0 : i32
        %dma_wait3A_81 = tpu.memref_slice %arg6[%add3A_73, %dma_wait3A_80] : memref<10240x128xf32, #tpu.memory_space<vmem_shared>> -> memref<128x128xf32, #tpu.memory_space<vmem_shared>>
        tpu.wait_dma2 semaphore(%run_scoped3A : memref<!tpu.dma_semaphore, #tpu.memory_space<semaphore_mem>>) src(%arg8 : memref<128x128xf32, #tpu.memory_space<vmem>>) dst(%dma_wait3A_81 : memref<128x128xf32, #tpu.memory_space<vmem_shared>>)
        tpu.yield
      }) : () -> ()
    } else {
    }
    "tpu.region"() ({
      %run_scoped3A = tpu.sem_alloc : memref<!tpu.dma_semaphore, #tpu.memory_space<semaphore_mem>>
      %dma_start3A_64 = arith.constant 0 : i32
      %dma_start3A_65 = arith.constant 0 : i32
      %dma_start3A_66 = tpu.memref_slice %arg4[%add3A, %dma_start3A_64, %dma_start3A_65] : memref<32x80x128xi32, #tpu.memory_space<hbm>> -> memref<1x80x128xi32, #tpu.memory_space<hbm>>
      %dma_start3A_67 = tpu.memref_squeeze %dma_start3A_66 : memref<1x80x128xi32, #tpu.memory_space<hbm>> -> memref<80x128xi32, #tpu.memory_space<hbm>>
      %dma_start3A_68 = arith.constant 0 : i32
      %dma_start3A_69 = arith.constant 0 : i32
      %dma_start3A_70 = tpu.memref_slice %arg4[%add3A, %dma_start3A_68, %dma_start3A_69] : memref<32x80x128xi32, #tpu.memory_space<hbm>> -> memref<1x80x128xi32, #tpu.memory_space<hbm>>
      %dma_start3A_71 = tpu.memref_squeeze %dma_start3A_70 : memref<1x80x128xi32, #tpu.memory_space<hbm>> -> memref<80x128xi32, #tpu.memory_space<hbm>>
      tpu.enqueue_dma source(%dma_start3A_71 : memref<80x128xi32, #tpu.memory_space<hbm>>) target(%arg7 : memref<80x128xi32, #tpu.memory_space<vmem>>) target_semaphore(%run_scoped3A : memref<!tpu.dma_semaphore, #tpu.memory_space<semaphore_mem>>)
      %dma_wait3A_72 = arith.constant 0 : i32
      %dma_wait3A_73 = arith.constant 0 : i32
      %dma_wait3A_74 = tpu.memref_slice %arg4[%add3A, %dma_wait3A_72, %dma_wait3A_73] : memref<32x80x128xi32, #tpu.memory_space<hbm>> -> memref<1x80x128xi32, #tpu.memory_space<hbm>>
      %dma_wait3A_75 = tpu.memref_squeeze %dma_wait3A_74 : memref<1x80x128xi32, #tpu.memory_space<hbm>> -> memref<80x128xi32, #tpu.memory_space<hbm>>
      %dma_wait3A_76 = arith.constant 0 : i32
      %dma_wait3A_77 = arith.constant 0 : i32
      %dma_wait3A_78 = tpu.memref_slice %arg4[%add3A, %dma_wait3A_76, %dma_wait3A_77] : memref<32x80x128xi32, #tpu.memory_space<hbm>> -> memref<1x80x128xi32, #tpu.memory_space<hbm>>
      %dma_wait3A_79 = tpu.memref_squeeze %dma_wait3A_78 : memref<1x80x128xi32, #tpu.memory_space<hbm>> -> memref<80x128xi32, #tpu.memory_space<hbm>>
      tpu.wait_dma2 semaphore(%run_scoped3A : memref<!tpu.dma_semaphore, #tpu.memory_space<semaphore_mem>>) src(%dma_wait3A_79 : memref<80x128xi32, #tpu.memory_space<hbm>>) dst(%arg7 : memref<80x128xi32, #tpu.memory_space<vmem>>)
      tpu.yield
    }) : () -> ()
    %barrier3A = arith.constant 0 : index
    tpu.barrier barrier_id(%barrier3A)
    %dma_start3A = arith.constant 0 : i32
    %dma_start3A_12 = arith.constant 0 : i32
    %dma_start3A_13 = arith.constant 0 : i32
    %dma_start3A_14 = tpu.memref_slice %arg3[%add3A, %dma_start3A, %dma_start3A_12, %dma_start3A_13] : memref<32x80x1x128xi32, #tpu.memory_space<hbm>> -> memref<1x1x1x128xi32, #tpu.memory_space<hbm>>
    %dma_start3A_15 = tpu.memref_squeeze %dma_start3A_14 : memref<1x1x1x128xi32, #tpu.memory_space<hbm>> -> memref<1x128xi32, #tpu.memory_space<hbm>>
    %dma_start3A_16 = arith.constant 0 : i32
    %dma_start3A_17 = arith.constant 0 : i32
    %dma_start3A_18 = tpu.memref_slice %arg3[%add3A, %dma_start3A, %dma_start3A_16, %dma_start3A_17] : memref<32x80x1x128xi32, #tpu.memory_space<hbm>> -> memref<1x1x1x128xi32, #tpu.memory_space<hbm>>
    %dma_start3A_19 = tpu.memref_squeeze %dma_start3A_18 : memref<1x1x1x128xi32, #tpu.memory_space<hbm>> -> memref<1x128xi32, #tpu.memory_space<hbm>>
    tpu.enqueue_dma source(%dma_start3A_19 : memref<1x128xi32, #tpu.memory_space<hbm>>) target(%arg10 : memref<1x128xi32, #tpu.memory_space<vmem>>) target_semaphore(%arg15 : memref<!tpu.dma_semaphore, #tpu.memory_space<semaphore_mem>>)
    %dma_start3A_20 = arith.constant 1 : i32
    %dma_start3A_21 = arith.constant 0 : i32
    %dma_start3A_22 = arith.constant 0 : i32
    %dma_start3A_23 = tpu.memref_slice %arg3[%add3A, %dma_start3A_20, %dma_start3A_21, %dma_start3A_22] : memref<32x80x1x128xi32, #tpu.memory_space<hbm>> -> memref<1x1x1x128xi32, #tpu.memory_space<hbm>>
    %dma_start3A_24 = tpu.memref_squeeze %dma_start3A_23 : memref<1x1x1x128xi32, #tpu.memory_space<hbm>> -> memref<1x128xi32, #tpu.memory_space<hbm>>
    %dma_start3A_25 = arith.constant 0 : i32
    %dma_start3A_26 = arith.constant 0 : i32
    %dma_start3A_27 = tpu.memref_slice %arg3[%add3A, %dma_start3A_20, %dma_start3A_25, %dma_start3A_26] : memref<32x80x1x128xi32, #tpu.memory_space<hbm>> -> memref<1x1x1x128xi32, #tpu.memory_space<hbm>>
    %dma_start3A_28 = tpu.memref_squeeze %dma_start3A_27 : memref<1x1x1x128xi32, #tpu.memory_space<hbm>> -> memref<1x128xi32, #tpu.memory_space<hbm>>
    tpu.enqueue_dma source(%dma_start3A_28 : memref<1x128xi32, #tpu.memory_space<hbm>>) target(%arg11 : memref<1x128xi32, #tpu.memory_space<vmem>>) target_semaphore(%arg16 : memref<!tpu.dma_semaphore, #tpu.memory_space<semaphore_mem>>)
    %dma_wait3A = arith.constant 0 : i32
    %dma_wait3A_29 = arith.constant 0 : i32
    %dma_wait3A_30 = arith.constant 0 : i32
    %dma_wait3A_31 = tpu.memref_slice %arg3[%add3A, %dma_wait3A, %dma_wait3A_29, %dma_wait3A_30] : memref<32x80x1x128xi32, #tpu.memory_space<hbm>> -> memref<1x1x1x128xi32, #tpu.memory_space<hbm>>
    %dma_wait3A_32 = tpu.memref_squeeze %dma_wait3A_31 : memref<1x1x1x128xi32, #tpu.memory_space<hbm>> -> memref<1x128xi32, #tpu.memory_space<hbm>>
    %dma_wait3A_33 = arith.constant 0 : i32
    %dma_wait3A_34 = arith.constant 0 : i32
    %dma_wait3A_35 = tpu.memref_slice %arg3[%add3A, %dma_wait3A, %dma_wait3A_33, %dma_wait3A_34] : memref<32x80x1x128xi32, #tpu.memory_space<hbm>> -> memref<1x1x1x128xi32, #tpu.memory_space<hbm>>
    %dma_wait3A_36 = tpu.memref_squeeze %dma_wait3A_35 : memref<1x1x1x128xi32, #tpu.memory_space<hbm>> -> memref<1x128xi32, #tpu.memory_space<hbm>>
    tpu.wait_dma2 semaphore(%arg15 : memref<!tpu.dma_semaphore, #tpu.memory_space<semaphore_mem>>) src(%dma_wait3A_36 : memref<1x128xi32, #tpu.memory_space<hbm>>) dst(%arg10 : memref<1x128xi32, #tpu.memory_space<vmem>>)
    %dma_start3A_37 = arith.constant 0 : i32
    %dma_start3A_38 = arith.constant 0 : i32
    %dma_start3A_39 = tpu.memref_slice %arg10[%dma_start3A_37, %dma_start3A_38] : memref<1x128xi32, #tpu.memory_space<vmem>> -> memref<1x128xi32, #tpu.memory_space<vmem>>
    %dma_start3A_40 = tpu.memref_squeeze %dma_start3A_39 : memref<1x128xi32, #tpu.memory_space<vmem>> -> memref<128xi32, #tpu.memory_space<vmem>>
    %dma_start3A_41 = arith.constant 0 : i32
    %dma_start3A_42 = arith.constant 0 : i32
    %dma_start3A_43 = tpu.memref_slice %arg2[%dma_start3A_41, %dma_start3A_42] : memref<10000x128xf32, #tpu.memory_space<hbm>> -> memref<10000x128xf32, #tpu.memory_space<hbm>>
    tpu.enqueue_indirect_dma source(%dma_start3A_43 : memref<10000x128xf32, #tpu.memory_space<hbm>>) target(%arg8 : memref<128x128xf32, #tpu.memory_space<vmem>>) offsets(%dma_start3A_40 : memref<128xi32, #tpu.memory_space<vmem>>) semaphore(%arg9 : memref<!tpu.dma_semaphore, #tpu.memory_space<semaphore_mem>>)
    %scan3A_44 = arith.constant 0 : i32
    %scan3A_45 = arith.constant 0 : i32
    %scan3A_46 = arith.constant 40 : i32
    %scan3A_47 = arith.addi %scan3A_45, %scan3A_46 : i32
    %scan3A_48 = arith.constant 1 : i32
    %scan3A_49 = scf.for %scan3A_64 = %scan3A_45 to %scan3A_47 step %scan3A_48 iter_args(%scan3A_65 = %scan3A_44) -> (i32)  : i32 {
      %mul3A_66 = arith.constant 2 : i32
      %mul3A_67 = arith.muli %mul3A_66, %scan3A_64 : i32
      %add3A_68 = arith.constant 1 : i32
      %add3A_69 = arith.addi %mul3A_67, %add3A_68 : i32
      %dma_wait3A_70 = arith.constant 0 : i32
      %dma_wait3A_71 = arith.constant 0 : i32
      %dma_wait3A_72 = tpu.memref_slice %arg10[%dma_wait3A_70, %dma_wait3A_71] : memref<1x128xi32, #tpu.memory_space<vmem>> -> memref<1x128xi32, #tpu.memory_space<vmem>>
      %dma_wait3A_73 = tpu.memref_squeeze %dma_wait3A_72 : memref<1x128xi32, #tpu.memory_space<vmem>> -> memref<128xi32, #tpu.memory_space<vmem>>
      %dma_wait3A_74 = arith.constant 0 : i32
      %dma_wait3A_75 = arith.constant 0 : i32
      %dma_wait3A_76 = tpu.memref_slice %arg2[%dma_wait3A_74, %dma_wait3A_75] : memref<10000x128xf32, #tpu.memory_space<hbm>> -> memref<10000x128xf32, #tpu.memory_space<hbm>>
      tpu.wait_indirect_dma semaphore(%arg9 : memref<!tpu.dma_semaphore, #tpu.memory_space<semaphore_mem>>) src(%dma_wait3A_76 : memref<10000x128xf32, #tpu.memory_space<hbm>>) dst(%arg8 : memref<128x128xf32, #tpu.memory_space<vmem>>)
      %lt3A_77 = arith.constant 39 : i32
      %lt3A_78 = arith.cmpi slt, %scan3A_64, %lt3A_77 : i32
      %convert_element_type3A_79 = arith.extui %lt3A_78 : i1 to i32
      %cond3A_80 = arith.constant 0 : i32
      %cond3A_81 = arith.cmpi ne, %convert_element_type3A_79, %cond3A_80 : i32
      scf.if %cond3A_81 {
        %add3A_137 = arith.constant 2 : i32
        %add3A_138 = arith.addi %mul3A_67, %add3A_137 : i32
        %dma_start3A_139 = arith.constant 0 : i32
        %dma_start3A_140 = arith.constant 0 : i32
        %dma_start3A_141 = tpu.memref_slice %arg3[%add3A, %add3A_138, %dma_start3A_139, %dma_start3A_140] : memref<32x80x1x128xi32, #tpu.memory_space<hbm>> -> memref<1x1x1x128xi32, #tpu.memory_space<hbm>>
        %dma_start3A_142 = tpu.memref_squeeze %dma_start3A_141 : memref<1x1x1x128xi32, #tpu.memory_space<hbm>> -> memref<1x128xi32, #tpu.memory_space<hbm>>
        %dma_start3A_143 = arith.constant 0 : i32
        %dma_start3A_144 = arith.constant 0 : i32
        %dma_start3A_145 = tpu.memref_slice %arg3[%add3A, %add3A_138, %dma_start3A_143, %dma_start3A_144] : memref<32x80x1x128xi32, #tpu.memory_space<hbm>> -> memref<1x1x1x128xi32, #tpu.memory_space<hbm>>
        %dma_start3A_146 = tpu.memref_squeeze %dma_start3A_145 : memref<1x1x1x128xi32, #tpu.memory_space<hbm>> -> memref<1x128xi32, #tpu.memory_space<hbm>>
        tpu.enqueue_dma source(%dma_start3A_146 : memref<1x128xi32, #tpu.memory_space<hbm>>) target(%arg10 : memref<1x128xi32, #tpu.memory_space<vmem>>) target_semaphore(%arg15 : memref<!tpu.dma_semaphore, #tpu.memory_space<semaphore_mem>>)
      } else {
      }
      %gt3A = arith.constant 0 : i32
      %gt3A_82 = arith.cmpi sgt, %scan3A_64, %gt3A : i32
      %convert_element_type3A_83 = arith.extui %gt3A_82 : i1 to i32
      %cond3A_84 = arith.constant 0 : i32
      %cond3A_85 = arith.cmpi ne, %convert_element_type3A_83, %cond3A_84 : i32
      scf.if %cond3A_85 {
        %sub3A = arith.constant 1 : i32
        %sub3A_137 = arith.subi %mul3A_67, %sub3A : i32
        %dma_wait3A_138 = arith.constant 0 : i32
        %dma_wait3A_139 = tpu.memref_slice %arg7[%sub3A_137, %dma_wait3A_138] : memref<80x128xi32, #tpu.memory_space<vmem>> -> memref<1x128xi32, #tpu.memory_space<vmem>>
        %dma_wait3A_140 = tpu.memref_squeeze %dma_wait3A_139 : memref<1x128xi32, #tpu.memory_space<vmem>> -> memref<128xi32, #tpu.memory_space<vmem>>
        %dma_wait3A_141 = arith.constant 0 : i32
        %dma_wait3A_142 = arith.constant 0 : i32
        %dma_wait3A_143 = tpu.memref_slice %arg6[%dma_wait3A_141, %dma_wait3A_142] : memref<10240x128xf32, #tpu.memory_space<vmem_shared>> -> memref<10240x128xf32, #tpu.memory_space<vmem_shared>>
        tpu.wait_indirect_dma semaphore(%arg14 : memref<!tpu.dma_semaphore, #tpu.memory_space<semaphore_mem>>) src(%arg12 : memref<128x128xf32, #tpu.memory_space<vmem>>) dst(%dma_wait3A_143 : memref<10240x128xf32, #tpu.memory_space<vmem_shared>>)
      } else {
      }
      %dma_start3A_86 = arith.constant 0 : i32
      %dma_start3A_87 = tpu.memref_slice %arg7[%mul3A_67, %dma_start3A_86] : memref<80x128xi32, #tpu.memory_space<vmem>> -> memref<1x128xi32, #tpu.memory_space<vmem>>
      %dma_start3A_88 = tpu.memref_squeeze %dma_start3A_87 : memref<1x128xi32, #tpu.memory_space<vmem>> -> memref<128xi32, #tpu.memory_space<vmem>>
      %dma_start3A_89 = arith.constant 0 : i32
      %dma_start3A_90 = arith.constant 0 : i32
      %dma_start3A_91 = tpu.memref_slice %arg6[%dma_start3A_89, %dma_start3A_90] : memref<10240x128xf32, #tpu.memory_space<vmem_shared>> -> memref<10240x128xf32, #tpu.memory_space<vmem_shared>>
      tpu.enqueue_indirect_dma source(%arg8 : memref<128x128xf32, #tpu.memory_space<vmem>>) target(%dma_start3A_91 : memref<10240x128xf32, #tpu.memory_space<vmem_shared>>) offsets(%dma_start3A_88 : memref<128xi32, #tpu.memory_space<vmem>>) semaphore(%arg14 : memref<!tpu.dma_semaphore, #tpu.memory_space<semaphore_mem>>) {add = true}
      %dma_wait3A_92 = arith.constant 0 : i32
      %dma_wait3A_93 = arith.constant 0 : i32
      %dma_wait3A_94 = tpu.memref_slice %arg3[%add3A, %add3A_69, %dma_wait3A_92, %dma_wait3A_93] : memref<32x80x1x128xi32, #tpu.memory_space<hbm>> -> memref<1x1x1x128xi32, #tpu.memory_space<hbm>>
      %dma_wait3A_95 = tpu.memref_squeeze %dma_wait3A_94 : memref<1x1x1x128xi32, #tpu.memory_space<hbm>> -> memref<1x128xi32, #tpu.memory_space<hbm>>
      %dma_wait3A_96 = arith.constant 0 : i32
      %dma_wait3A_97 = arith.constant 0 : i32
      %dma_wait3A_98 = tpu.memref_slice %arg3[%add3A, %add3A_69, %dma_wait3A_96, %dma_wait3A_97] : memref<32x80x1x128xi32, #tpu.memory_space<hbm>> -> memref<1x1x1x128xi32, #tpu.memory_space<hbm>>
      %dma_wait3A_99 = tpu.memref_squeeze %dma_wait3A_98 : memref<1x1x1x128xi32, #tpu.memory_space<hbm>> -> memref<1x128xi32, #tpu.memory_space<hbm>>
      tpu.wait_dma2 semaphore(%arg16 : memref<!tpu.dma_semaphore, #tpu.memory_space<semaphore_mem>>) src(%dma_wait3A_99 : memref<1x128xi32, #tpu.memory_space<hbm>>) dst(%arg11 : memref<1x128xi32, #tpu.memory_space<vmem>>)
      %dma_start3A_100 = arith.constant 0 : i32
      %dma_start3A_101 = arith.constant 0 : i32
      %dma_start3A_102 = tpu.memref_slice %arg11[%dma_start3A_100, %dma_start3A_101] : memref<1x128xi32, #tpu.memory_space<vmem>> -> memref<1x128xi32, #tpu.memory_space<vmem>>
      %dma_start3A_103 = tpu.memref_squeeze %dma_start3A_102 : memref<1x128xi32, #tpu.memory_space<vmem>> -> memref<128xi32, #tpu.memory_space<vmem>>
      %dma_start3A_104 = arith.constant 0 : i32
      %dma_start3A_105 = arith.constant 0 : i32
      %dma_start3A_106 = tpu.memref_slice %arg2[%dma_start3A_104, %dma_start3A_105] : memref<10000x128xf32, #tpu.memory_space<hbm>> -> memref<10000x128xf32, #tpu.memory_space<hbm>>
      tpu.enqueue_indirect_dma source(%dma_start3A_106 : memref<10000x128xf32, #tpu.memory_space<hbm>>) target(%arg12 : memref<128x128xf32, #tpu.memory_space<vmem>>) offsets(%dma_start3A_103 : memref<128xi32, #tpu.memory_space<vmem>>) semaphore(%arg13 : memref<!tpu.dma_semaphore, #tpu.memory_space<semaphore_mem>>)
      %dma_wait3A_107 = arith.constant 0 : i32
      %dma_wait3A_108 = arith.constant 0 : i32
      %dma_wait3A_109 = tpu.memref_slice %arg11[%dma_wait3A_107, %dma_wait3A_108] : memref<1x128xi32, #tpu.memory_space<vmem>> -> memref<1x128xi32, #tpu.memory_space<vmem>>
      %dma_wait3A_110 = tpu.memref_squeeze %dma_wait3A_109 : memref<1x128xi32, #tpu.memory_space<vmem>> -> memref<128xi32, #tpu.memory_space<vmem>>
      %dma_wait3A_111 = arith.constant 0 : i32
      %dma_wait3A_112 = arith.constant 0 : i32
      %dma_wait3A_113 = tpu.memref_slice %arg2[%dma_wait3A_111, %dma_wait3A_112] : memref<10000x128xf32, #tpu.memory_space<hbm>> -> memref<10000x128xf32, #tpu.memory_space<hbm>>
      tpu.wait_indirect_dma semaphore(%arg13 : memref<!tpu.dma_semaphore, #tpu.memory_space<semaphore_mem>>) src(%dma_wait3A_113 : memref<10000x128xf32, #tpu.memory_space<hbm>>) dst(%arg12 : memref<128x128xf32, #tpu.memory_space<vmem>>)
      %lt3A_114 = arith.constant 39 : i32
      %lt3A_115 = arith.cmpi slt, %scan3A_64, %lt3A_114 : i32
      %convert_element_type3A_116 = arith.extui %lt3A_115 : i1 to i32
      %cond3A_117 = arith.constant 0 : i32
      %cond3A_118 = arith.cmpi ne, %convert_element_type3A_116, %cond3A_117 : i32
      scf.if %cond3A_118 {
        %add3A_137 = arith.constant 2 : i32
        %add3A_138 = arith.addi %add3A_69, %add3A_137 : i32
        %dma_start3A_139 = arith.constant 0 : i32
        %dma_start3A_140 = arith.constant 0 : i32
        %dma_start3A_141 = tpu.memref_slice %arg3[%add3A, %add3A_138, %dma_start3A_139, %dma_start3A_140] : memref<32x80x1x128xi32, #tpu.memory_space<hbm>> -> memref<1x1x1x128xi32, #tpu.memory_space<hbm>>
        %dma_start3A_142 = tpu.memref_squeeze %dma_start3A_141 : memref<1x1x1x128xi32, #tpu.memory_space<hbm>> -> memref<1x128xi32, #tpu.memory_space<hbm>>
        %dma_start3A_143 = arith.constant 0 : i32
        %dma_start3A_144 = arith.constant 0 : i32
        %dma_start3A_145 = tpu.memref_slice %arg3[%add3A, %add3A_138, %dma_start3A_143, %dma_start3A_144] : memref<32x80x1x128xi32, #tpu.memory_space<hbm>> -> memref<1x1x1x128xi32, #tpu.memory_space<hbm>>
        %dma_start3A_146 = tpu.memref_squeeze %dma_start3A_145 : memref<1x1x1x128xi32, #tpu.memory_space<hbm>> -> memref<1x128xi32, #tpu.memory_space<hbm>>
        tpu.enqueue_dma source(%dma_start3A_146 : memref<1x128xi32, #tpu.memory_space<hbm>>) target(%arg11 : memref<1x128xi32, #tpu.memory_space<vmem>>) target_semaphore(%arg16 : memref<!tpu.dma_semaphore, #tpu.memory_space<semaphore_mem>>)
      } else {
      }
      %dma_wait3A_119 = arith.constant 0 : i32
      %dma_wait3A_120 = tpu.memref_slice %arg7[%mul3A_67, %dma_wait3A_119] : memref<80x128xi32, #tpu.memory_space<vmem>> -> memref<1x128xi32, #tpu.memory_space<vmem>>
      %dma_wait3A_121 = tpu.memref_squeeze %dma_wait3A_120 : memref<1x128xi32, #tpu.memory_space<vmem>> -> memref<128xi32, #tpu.memory_space<vmem>>
      %dma_wait3A_122 = arith.constant 0 : i32
      %dma_wait3A_123 = arith.constant 0 : i32
      %dma_wait3A_124 = tpu.memref_slice %arg6[%dma_wait3A_122, %dma_wait3A_123] : memref<10240x128xf32, #tpu.memory_space<vmem_shared>> -> memref<10240x128xf32, #tpu.memory_space<vmem_shared>>
      tpu.wait_indirect_dma semaphore(%arg14 : memref<!tpu.dma_semaphore, #tpu.memory_space<semaphore_mem>>) src(%arg8 : memref<128x128xf32, #tpu.memory_space<vmem>>) dst(%dma_wait3A_124 : memref<10240x128xf32, #tpu.memory_space<vmem_shared>>)
      %dma_start3A_125 = arith.constant 0 : i32
      %dma_start3A_126 = tpu.memref_slice %arg7[%add3A_69, %dma_start3A_125] : memref<80x128xi32, #tpu.memory_space<vmem>> -> memref<1x128xi32, #tpu.memory_space<vmem>>
      %dma_start3A_127 = tpu.memref_squeeze %dma_start3A_126 : memref<1x128xi32, #tpu.memory_space<vmem>> -> memref<128xi32, #tpu.memory_space<vmem>>
      %dma_start3A_128 = arith.constant 0 : i32
      %dma_start3A_129 = arith.constant 0 : i32
      %dma_start3A_130 = tpu.memref_slice %arg6[%dma_start3A_128, %dma_start3A_129] : memref<10240x128xf32, #tpu.memory_space<vmem_shared>> -> memref<10240x128xf32, #tpu.memory_space<vmem_shared>>
      tpu.enqueue_indirect_dma source(%arg12 : memref<128x128xf32, #tpu.memory_space<vmem>>) target(%dma_start3A_130 : memref<10240x128xf32, #tpu.memory_space<vmem_shared>>) offsets(%dma_start3A_127 : memref<128xi32, #tpu.memory_space<vmem>>) semaphore(%arg14 : memref<!tpu.dma_semaphore, #tpu.memory_space<semaphore_mem>>) {add = true}
      %lt3A_131 = arith.constant 39 : i32
      %lt3A_132 = arith.cmpi slt, %scan3A_64, %lt3A_131 : i32
      %convert_element_type3A_133 = arith.extui %lt3A_132 : i1 to i32
      %cond3A_134 = arith.constant 0 : i32
      %cond3A_135 = arith.cmpi ne, %convert_element_type3A_133, %cond3A_134 : i32
      scf.if %cond3A_135 {
        %add3A_137 = arith.constant 2 : i32
        %add3A_138 = arith.addi %mul3A_67, %add3A_137 : i32
        %dma_wait3A_139 = arith.constant 0 : i32
        %dma_wait3A_140 = arith.constant 0 : i32
        %dma_wait3A_141 = tpu.memref_slice %arg3[%add3A, %add3A_138, %dma_wait3A_139, %dma_wait3A_140] : memref<32x80x1x128xi32, #tpu.memory_space<hbm>> -> memref<1x1x1x128xi32, #tpu.memory_space<hbm>>
        %dma_wait3A_142 = tpu.memref_squeeze %dma_wait3A_141 : memref<1x1x1x128xi32, #tpu.memory_space<hbm>> -> memref<1x128xi32, #tpu.memory_space<hbm>>
        %dma_wait3A_143 = arith.constant 0 : i32
        %dma_wait3A_144 = arith.constant 0 : i32
        %dma_wait3A_145 = tpu.memref_slice %arg3[%add3A, %add3A_138, %dma_wait3A_143, %dma_wait3A_144] : memref<32x80x1x128xi32, #tpu.memory_space<hbm>> -> memref<1x1x1x128xi32, #tpu.memory_space<hbm>>
        %dma_wait3A_146 = tpu.memref_squeeze %dma_wait3A_145 : memref<1x1x1x128xi32, #tpu.memory_space<hbm>> -> memref<1x128xi32, #tpu.memory_space<hbm>>
        tpu.wait_dma2 semaphore(%arg15 : memref<!tpu.dma_semaphore, #tpu.memory_space<semaphore_mem>>) src(%dma_wait3A_146 : memref<1x128xi32, #tpu.memory_space<hbm>>) dst(%arg10 : memref<1x128xi32, #tpu.memory_space<vmem>>)
        %add3A_147 = arith.constant 2 : i32
        %add3A_148 = arith.addi %mul3A_67, %add3A_147 : i32
        %dma_start3A_149 = arith.constant 0 : i32
        %dma_start3A_150 = arith.constant 0 : i32
        %dma_start3A_151 = tpu.memref_slice %arg10[%dma_start3A_149, %dma_start3A_150] : memref<1x128xi32, #tpu.memory_space<vmem>> -> memref<1x128xi32, #tpu.memory_space<vmem>>
        %dma_start3A_152 = tpu.memref_squeeze %dma_start3A_151 : memref<1x128xi32, #tpu.memory_space<vmem>> -> memref<128xi32, #tpu.memory_space<vmem>>
        %dma_start3A_153 = arith.constant 0 : i32
        %dma_start3A_154 = arith.constant 0 : i32
        %dma_start3A_155 = tpu.memref_slice %arg2[%dma_start3A_153, %dma_start3A_154] : memref<10000x128xf32, #tpu.memory_space<hbm>> -> memref<10000x128xf32, #tpu.memory_space<hbm>>
        tpu.enqueue_indirect_dma source(%dma_start3A_155 : memref<10000x128xf32, #tpu.memory_space<hbm>>) target(%arg8 : memref<128x128xf32, #tpu.memory_space<vmem>>) offsets(%dma_start3A_152 : memref<128xi32, #tpu.memory_space<vmem>>) semaphore(%arg9 : memref<!tpu.dma_semaphore, #tpu.memory_space<semaphore_mem>>)
      } else {
      }
      %scan3A_136 = arith.constant 0 : i32
      scf.yield %scan3A_136 : i32
    }
    %scan3A_50 = arith.constant 40 : i32
    %dma_wait3A_51 = arith.constant 79 : i32
    %dma_wait3A_52 = arith.constant 0 : i32
    %dma_wait3A_53 = tpu.memref_slice %arg7[%dma_wait3A_51, %dma_wait3A_52] : memref<80x128xi32, #tpu.memory_space<vmem>> -> memref<1x128xi32, #tpu.memory_space<vmem>>
    %dma_wait3A_54 = tpu.memref_squeeze %dma_wait3A_53 : memref<1x128xi32, #tpu.memory_space<vmem>> -> memref<128xi32, #tpu.memory_space<vmem>>
    %dma_wait3A_55 = arith.constant 0 : i32
    %dma_wait3A_56 = arith.constant 0 : i32
    %dma_wait3A_57 = tpu.memref_slice %arg6[%dma_wait3A_55, %dma_wait3A_56] : memref<10240x128xf32, #tpu.memory_space<vmem_shared>> -> memref<10240x128xf32, #tpu.memory_space<vmem_shared>>
    tpu.wait_indirect_dma semaphore(%arg14 : memref<!tpu.dma_semaphore, #tpu.memory_space<semaphore_mem>>) src(%arg12 : memref<128x128xf32, #tpu.memory_space<vmem>>) dst(%dma_wait3A_57 : memref<10240x128xf32, #tpu.memory_space<vmem_shared>>)
    %barrier3A_58 = arith.constant 0 : index
    tpu.barrier barrier_id(%barrier3A_58)
    %lt3A_59 = arith.constant 16 : i32
    %lt3A_60 = arith.cmpi slt, %arg1, %lt3A_59 : i32
    %convert_element_type3A_61 = arith.extui %lt3A_60 : i1 to i32
    %cond3A_62 = arith.constant 0 : i32
    %cond3A_63 = arith.cmpi ne, %convert_element_type3A_61, %cond3A_62 : i32
    scf.if %cond3A_63 {
      "tpu.region"() ({
        %run_scoped3A = tpu.sem_alloc : memref<!tpu.dma_semaphore, #tpu.memory_space<semaphore_mem>>
        %dma_start3A_64 = arith.constant 0 : i32
        %dma_start3A_65 = tpu.memref_slice %arg5[%arg0, %mul3A_9, %dma_start3A_64] : memref<2x10240x128xf32, #tpu.memory_space<hbm>> -> memref<1x640x128xf32, #tpu.memory_space<hbm>>
        %dma_start3A_66 = tpu.memref_squeeze %dma_start3A_65 : memref<1x640x128xf32, #tpu.memory_space<hbm>> -> memref<640x128xf32, #tpu.memory_space<hbm>>
        %dma_start3A_67 = arith.constant 0 : i32
        %dma_start3A_68 = tpu.memref_slice %arg6[%mul3A_9, %dma_start3A_67] : memref<10240x128xf32, #tpu.memory_space<vmem_shared>> -> memref<640x128xf32, #tpu.memory_space<vmem_shared>>
        tpu.enqueue_dma source(%dma_start3A_68 : memref<640x128xf32, #tpu.memory_space<vmem_shared>>) target(%dma_start3A_66 : memref<640x128xf32, #tpu.memory_space<hbm>>) target_semaphore(%run_scoped3A : memref<!tpu.dma_semaphore, #tpu.memory_space<semaphore_mem>>)
        %dma_wait3A_69 = arith.constant 0 : i32
        %dma_wait3A_70 = tpu.memref_slice %arg5[%arg0, %mul3A_9, %dma_wait3A_69] : memref<2x10240x128xf32, #tpu.memory_space<hbm>> -> memref<1x640x128xf32, #tpu.memory_space<hbm>>
        %dma_wait3A_71 = tpu.memref_squeeze %dma_wait3A_70 : memref<1x640x128xf32, #tpu.memory_space<hbm>> -> memref<640x128xf32, #tpu.memory_space<hbm>>
        %dma_wait3A_72 = arith.constant 0 : i32
        %dma_wait3A_73 = tpu.memref_slice %arg6[%mul3A_9, %dma_wait3A_72] : memref<10240x128xf32, #tpu.memory_space<vmem_shared>> -> memref<640x128xf32, #tpu.memory_space<vmem_shared>>
        tpu.wait_dma2 semaphore(%run_scoped3A : memref<!tpu.dma_semaphore, #tpu.memory_space<semaphore_mem>>) src(%dma_wait3A_73 : memref<640x128xf32, #tpu.memory_space<vmem_shared>>) dst(%dma_wait3A_71 : memref<640x128xf32, #tpu.memory_space<hbm>>)
        tpu.yield
      }) : () -> ()
    } else {
    }
    return
  }
}

#map = affine_map<(d0, d1) -> (0, 0)>
#map1 = affine_map<(d0, d1) -> (0, 0, 0, 0)>
#map2 = affine_map<(d0, d1) -> (0, 0, 0)>
module attributes {stable_mosaic.version = 14 : i64} {
  func.func @body(%arg0: i32, %arg1: i32, %arg2: memref<10000x128xf32, #tpu.memory_space<hbm>>, %arg3: memref<32x80x1x128xi32, #tpu.memory_space<hbm>>, %arg4: memref<32x80x128xi32, #tpu.memory_space<hbm>>, %arg5: memref<2x10240x128xf32, #tpu.memory_space<hbm>>, %arg6: memref<10240x128xf32, #tpu.memory_space<vmem_shared>>, %arg7: memref<80x128xi32, #tpu.memory_space<vmem>>, %arg8: memref<128x128xf32, #tpu.memory_space<vmem>>, %arg9: memref<!tpu.dma_semaphore, #tpu.memory_space<semaphore_mem>>, %arg10: memref<1x128xi32, #tpu.memory_space<vmem>>, %arg11: memref<1x128xi32, #tpu.memory_space<vmem>>, %arg12: memref<128x128xf32, #tpu.memory_space<vmem>>, %arg13: memref<!tpu.dma_semaphore, #tpu.memory_space<semaphore_mem>>, %arg14: memref<!tpu.dma_semaphore, #tpu.memory_space<semaphore_mem>>, %arg15: memref<!tpu.dma_semaphore, #tpu.memory_space<semaphore_mem>>, %arg16: memref<!tpu.dma_semaphore, #tpu.memory_space<semaphore_mem>>) attributes {dimension_semantics = [#tpu.dimension_semantics<core_parallel>, #tpu.dimension_semantics<subcore_parallel>], iteration_bounds = array<i64: 2, 16>, scalar_prefetch = 0 : i64, scratch_operands = 11 : i64, tpu.core_type = #tpu.core_type<sc_vector_subcore>, window_params = [{transform_indices = #map}, {transform_indices = #map1}, {transform_indices = #map2}, {transform_indices = #map2}]} {
    %mul3A = arith.constant 16 : i32
    %mul3A_0 = arith.muli %arg0, %mul3A : i32
    %add3A = arith.addi %mul3A_0, %arg1 : i32
    %broadcast_in_dim3A = arith.constant 0.000000e+00 : f32
    %broadcast_in_dim3A_1 = vector.broadcast %broadcast_in_dim3A : f32 to vector<16xf32>
    %scan3A = arith.constant 0 : i32
    %scan3A_2 = arith.constant 0 : i32
    %scan3A_3 = arith.constant 128 : i32
    %scan3A_4 = arith.addi %scan3A_2, %scan3A_3 : i32
    %scan3A_5 = arith.constant 1 : i32
    %scan3A_6 = scf.for %scan3A_64 = %scan3A_2 to %scan3A_4 step %scan3A_5 iter_args(%scan3A_65 = %scan3A) -> (i32)  : i32 {
      %swap3A = arith.index_cast %scan3A_64 : i32 to index
      %swap3A_66 = arith.constant 0 : index
      %swap3A_67 = tpu.vector_load %arg8[%swap3A, %swap3A_66] {strides = array<i32>} : memref<128x128xf32, #tpu.memory_space<vmem>>, vector<1x16xf32>,
      %swap3A_68 = vector.shape_cast %swap3A_67 : vector<1x16xf32> to vector<16xf32>
      %swap3A_69 = vector.shape_cast %broadcast_in_dim3A_1 : vector<16xf32> to vector<1x16xf32>
      tpu.vector_store %arg8[%swap3A, %swap3A_66], %swap3A_69 {strides = array<i32>} : memref<128x128xf32, #tpu.memory_space<vmem>>, vector<1x16xf32>,
      %swap3A_70 = arith.index_cast %scan3A_64 : i32 to index
      %swap3A_71 = arith.constant 16 : index
      %swap3A_72 = tpu.vector_load %arg8[%swap3A_70, %swap3A_71] {strides = array<i32>} : memref<128x128xf32, #tpu.memory_space<vmem>>, vector<1x16xf32>,
      %swap3A_73 = vector.shape_cast %swap3A_72 : vector<1x16xf32> to vector<16xf32>
      %swap3A_74 = vector.shape_cast %broadcast_in_dim3A_1 : vector<16xf32> to vector<1x16xf32>
      tpu.vector_store %arg8[%swap3A_70, %swap3A_71], %swap3A_74 {strides = array<i32>} : memref<128x128xf32, #tpu.memory_space<vmem>>, vector<1x16xf32>,
      %swap3A_75 = arith.index_cast %scan3A_64 : i32 to index
      %swap3A_76 = arith.constant 32 : index
      %swap3A_77 = tpu.vector_load %arg8[%swap3A_75, %swap3A_76] {strides = array<i32>} : memref<128x128xf32, #tpu.memory_space<vmem>>, vector<1x16xf32>,
      %swap3A_78 = vector.shape_cast %swap3A_77 : vector<1x16xf32> to vector<16xf32>
      %swap3A_79 = vector.shape_cast %broadcast_in_dim3A_1 : vector<16xf32> to vector<1x16xf32>
      tpu.vector_store %arg8[%swap3A_75, %swap3A_76], %swap3A_79 {strides = array<i32>} : memref<128x128xf32, #tpu.memory_space<vmem>>, vector<1x16xf32>,
      %swap3A_80 = arith.index_cast %scan3A_64 : i32 to index
      %swap3A_81 = arith.constant 48 : index
      %swap3A_82 = tpu.vector_load %arg8[%swap3A_80, %swap3A_81] {strides = array<i32>} : memref<128x128xf32, #tpu.memory_space<vmem>>, vector<1x16xf32>,
      %swap3A_83 = vector.shape_cast %swap3A_82 : vector<1x16xf32> to vector<16xf32>
      %swap3A_84 = vector.shape_cast %broadcast_in_dim3A_1 : vector<16xf32> to vector<1x16xf32>
      tpu.vector_store %arg8[%swap3A_80, %swap3A_81], %swap3A_84 {strides = array<i32>} : memref<128x128xf32, #tpu.memory_space<vmem>>, vector<1x16xf32>,
      %swap3A_85 = arith.index_cast %scan3A_64 : i32 to index
      %swap3A_86 = arith.constant 64 : index
      %swap3A_87 = tpu.vector_load %arg8[%swap3A_85, %swap3A_86] {strides = array<i32>} : memref<128x128xf32, #tpu.memory_space<vmem>>, vector<1x16xf32>,
      %swap3A_88 = vector.shape_cast %swap3A_87 : vector<1x16xf32> to vector<16xf32>
      %swap3A_89 = vector.shape_cast %broadcast_in_dim3A_1 : vector<16xf32> to vector<1x16xf32>
      tpu.vector_store %arg8[%swap3A_85, %swap3A_86], %swap3A_89 {strides = array<i32>} : memref<128x128xf32, #tpu.memory_space<vmem>>, vector<1x16xf32>,
      %swap3A_90 = arith.index_cast %scan3A_64 : i32 to index
      %swap3A_91 = arith.constant 80 : index
      %swap3A_92 = tpu.vector_load %arg8[%swap3A_90, %swap3A_91] {strides = array<i32>} : memref<128x128xf32, #tpu.memory_space<vmem>>, vector<1x16xf32>,
      %swap3A_93 = vector.shape_cast %swap3A_92 : vector<1x16xf32> to vector<16xf32>
      %swap3A_94 = vector.shape_cast %broadcast_in_dim3A_1 : vector<16xf32> to vector<1x16xf32>
      tpu.vector_store %arg8[%swap3A_90, %swap3A_91], %swap3A_94 {strides = array<i32>} : memref<128x128xf32, #tpu.memory_space<vmem>>, vector<1x16xf32>,
      %swap3A_95 = arith.index_cast %scan3A_64 : i32 to index
      %swap3A_96 = arith.constant 96 : index
      %swap3A_97 = tpu.vector_load %arg8[%swap3A_95, %swap3A_96] {strides = array<i32>} : memref<128x128xf32, #tpu.memory_space<vmem>>, vector<1x16xf32>,
      %swap3A_98 = vector.shape_cast %swap3A_97 : vector<1x16xf32> to vector<16xf32>
      %swap3A_99 = vector.shape_cast %broadcast_in_dim3A_1 : vector<16xf32> to vector<1x16xf32>
      tpu.vector_store %arg8[%swap3A_95, %swap3A_96], %swap3A_99 {strides = array<i32>} : memref<128x128xf32, #tpu.memory_space<vmem>>, vector<1x16xf32>,
      %swap3A_100 = arith.index_cast %scan3A_64 : i32 to index
      %swap3A_101 = arith.constant 112 : index
      %swap3A_102 = tpu.vector_load %arg8[%swap3A_100, %swap3A_101] {strides = array<i32>} : memref<128x128xf32, #tpu.memory_space<vmem>>, vector<1x16xf32>,
      %swap3A_103 = vector.shape_cast %swap3A_102 : vector<1x16xf32> to vector<16xf32>
      %swap3A_104 = vector.shape_cast %broadcast_in_dim3A_1 : vector<16xf32> to vector<1x16xf32>
      tpu.vector_store %arg8[%swap3A_100, %swap3A_101], %swap3A_104 {strides = array<i32>} : memref<128x128xf32, #tpu.memory_space<vmem>>, vector<1x16xf32>,
      %scan3A_105 = arith.constant 0 : i32
      scf.yield %scan3A_105 : i32
    }
    %scan3A_7 = arith.constant 128 : i32
    %mul3A_8 = arith.constant 640 : i32
    %mul3A_9 = arith.muli %arg1, %mul3A_8 : i32
    %lt3A = arith.constant 16 : i32
    %lt3A_10 = arith.cmpi slt, %arg1, %lt3A : i32
    %convert_element_type3A = arith.extui %lt3A_10 : i1 to i32
    %cond3A = arith.constant 0 : i32
    %cond3A_11 = arith.cmpi ne, %convert_element_type3A, %cond3A : i32
    scf.if %cond3A_11 {
      %add3A_64 = arith.constant 0 : i32
      %add3A_65 = arith.addi %mul3A_9, %add3A_64 : i32
      "tpu.region"() ({
        %run_scoped3A = tpu.sem_alloc : memref<!tpu.dma_semaphore, #tpu.memory_space<semaphore_mem>>
        %dma_start3A_74 = arith.constant 0 : i32
        %dma_start3A_75 = tpu.memref_slice %arg6[%add3A_65, %dma_start3A_74] : memref<10240x128xf32, #tpu.memory_space<vmem_shared>> -> memref<128x128xf32, #tpu.memory_space<vmem_shared>>
        %dma_start3A_76 = arith.constant 0 : i32
        %dma_start3A_77 = tpu.memref_slice %arg6[%add3A_65, %dma_start3A_76] : memref<10240x128xf32, #tpu.memory_space<vmem_shared>> -> memref<128x128xf32, #tpu.memory_space<vmem_shared>>
        tpu.enqueue_dma source(%arg8 : memref<128x128xf32, #tpu.memory_space<vmem>>) target(%dma_start3A_77 : memref<128x128xf32, #tpu.memory_space<vmem_shared>>) target_semaphore(%run_scoped3A : memref<!tpu.dma_semaphore, #tpu.memory_space<semaphore_mem>>)
        %dma_wait3A_78 = arith.constant 0 : i32
        %dma_wait3A_79 = tpu.memref_slice %arg6[%add3A_65, %dma_wait3A_78] : memref<10240x128xf32, #tpu.memory_space<vmem_shared>> -> memref<128x128xf32, #tpu.memory_space<vmem_shared>>
        %dma_wait3A_80 = arith.constant 0 : i32
        %dma_wait3A_81 = tpu.memref_slice %arg6[%add3A_65, %dma_wait3A_80] : memref<10240x128xf32, #tpu.memory_space<vmem_shared>> -> memref<128x128xf32, #tpu.memory_space<vmem_shared>>
        tpu.wait_dma2 semaphore(%run_scoped3A : memref<!tpu.dma_semaphore, #tpu.memory_space<semaphore_mem>>) src(%arg8 : memref<128x128xf32, #tpu.memory_space<vmem>>) dst(%dma_wait3A_81 : memref<128x128xf32, #tpu.memory_space<vmem_shared>>)
        tpu.yield
      }) : () -> ()
      %add3A_66 = arith.constant 128 : i32
      %add3A_67 = arith.addi %mul3A_9, %add3A_66 : i32
      "tpu.region"() ({
        %run_scoped3A = tpu.sem_alloc : memref<!tpu.dma_semaphore, #tpu.memory_space<semaphore_mem>>
        %dma_start3A_74 = arith.constant 0 : i32
        %dma_start3A_75 = tpu.memref_slice %arg6[%add3A_67, %dma_start3A_74] : memref<10240x128xf32, #tpu.memory_space<vmem_shared>> -> memref<128x128xf32, #tpu.memory_space<vmem_shared>>
        %dma_start3A_76 = arith.constant 0 : i32
        %dma_start3A_77 = tpu.memref_slice %arg6[%add3A_67, %dma_start3A_76] : memref<10240x128xf32, #tpu.memory_space<vmem_shared>> -> memref<128x128xf32, #tpu.memory_space<vmem_shared>>
        tpu.enqueue_dma source(%arg8 : memref<128x128xf32, #tpu.memory_space<vmem>>) target(%dma_start3A_77 : memref<128x128xf32, #tpu.memory_space<vmem_shared>>) target_semaphore(%run_scoped3A : memref<!tpu.dma_semaphore, #tpu.memory_space<semaphore_mem>>)
        %dma_wait3A_78 = arith.constant 0 : i32
        %dma_wait3A_79 = tpu.memref_slice %arg6[%add3A_67, %dma_wait3A_78] : memref<10240x128xf32, #tpu.memory_space<vmem_shared>> -> memref<128x128xf32, #tpu.memory_space<vmem_shared>>
        %dma_wait3A_80 = arith.constant 0 : i32
        %dma_wait3A_81 = tpu.memref_slice %arg6[%add3A_67, %dma_wait3A_80] : memref<10240x128xf32, #tpu.memory_space<vmem_shared>> -> memref<128x128xf32, #tpu.memory_space<vmem_shared>>
        tpu.wait_dma2 semaphore(%run_scoped3A : memref<!tpu.dma_semaphore, #tpu.memory_space<semaphore_mem>>) src(%arg8 : memref<128x128xf32, #tpu.memory_space<vmem>>) dst(%dma_wait3A_81 : memref<128x128xf32, #tpu.memory_space<vmem_shared>>)
        tpu.yield
      }) : () -> ()
      %add3A_68 = arith.constant 256 : i32
      %add3A_69 = arith.addi %mul3A_9, %add3A_68 : i32
      "tpu.region"() ({
        %run_scoped3A = tpu.sem_alloc : memref<!tpu.dma_semaphore, #tpu.memory_space<semaphore_mem>>
        %dma_start3A_74 = arith.constant 0 : i32
        %dma_start3A_75 = tpu.memref_slice %arg6[%add3A_69, %dma_start3A_74] : memref<10240x128xf32, #tpu.memory_space<vmem_shared>> -> memref<128x128xf32, #tpu.memory_space<vmem_shared>>
        %dma_start3A_76 = arith.constant 0 : i32
        %dma_start3A_77 = tpu.memref_slice %arg6[%add3A_69, %dma_start3A_76] : memref<10240x128xf32, #tpu.memory_space<vmem_shared>> -> memref<128x128xf32, #tpu.memory_space<vmem_shared>>
        tpu.enqueue_dma source(%arg8 : memref<128x128xf32, #tpu.memory_space<vmem>>) target(%dma_start3A_77 : memref<128x128xf32, #tpu.memory_space<vmem_shared>>) target_semaphore(%run_scoped3A : memref<!tpu.dma_semaphore, #tpu.memory_space<semaphore_mem>>)
        %dma_wait3A_78 = arith.constant 0 : i32
        %dma_wait3A_79 = tpu.memref_slice %arg6[%add3A_69, %dma_wait3A_78] : memref<10240x128xf32, #tpu.memory_space<vmem_shared>> -> memref<128x128xf32, #tpu.memory_space<vmem_shared>>
        %dma_wait3A_80 = arith.constant 0 : i32
        %dma_wait3A_81 = tpu.memref_slice %arg6[%add3A_69, %dma_wait3A_80] : memref<10240x128xf32, #tpu.memory_space<vmem_shared>> -> memref<128x128xf32, #tpu.memory_space<vmem_shared>>
        tpu.wait_dma2 semaphore(%run_scoped3A : memref<!tpu.dma_semaphore, #tpu.memory_space<semaphore_mem>>) src(%arg8 : memref<128x128xf32, #tpu.memory_space<vmem>>) dst(%dma_wait3A_81 : memref<128x128xf32, #tpu.memory_space<vmem_shared>>)
        tpu.yield
      }) : () -> ()
      %add3A_70 = arith.constant 384 : i32
      %add3A_71 = arith.addi %mul3A_9, %add3A_70 : i32
      "tpu.region"() ({
        %run_scoped3A = tpu.sem_alloc : memref<!tpu.dma_semaphore, #tpu.memory_space<semaphore_mem>>
        %dma_start3A_74 = arith.constant 0 : i32
        %dma_start3A_75 = tpu.memref_slice %arg6[%add3A_71, %dma_start3A_74] : memref<10240x128xf32, #tpu.memory_space<vmem_shared>> -> memref<128x128xf32, #tpu.memory_space<vmem_shared>>
        %dma_start3A_76 = arith.constant 0 : i32
        %dma_start3A_77 = tpu.memref_slice %arg6[%add3A_71, %dma_start3A_76] : memref<10240x128xf32, #tpu.memory_space<vmem_shared>> -> memref<128x128xf32, #tpu.memory_space<vmem_shared>>
        tpu.enqueue_dma source(%arg8 : memref<128x128xf32, #tpu.memory_space<vmem>>) target(%dma_start3A_77 : memref<128x128xf32, #tpu.memory_space<vmem_shared>>) target_semaphore(%run_scoped3A : memref<!tpu.dma_semaphore, #tpu.memory_space<semaphore_mem>>)
        %dma_wait3A_78 = arith.constant 0 : i32
        %dma_wait3A_79 = tpu.memref_slice %arg6[%add3A_71, %dma_wait3A_78] : memref<10240x128xf32, #tpu.memory_space<vmem_shared>> -> memref<128x128xf32, #tpu.memory_space<vmem_shared>>
        %dma_wait3A_80 = arith.constant 0 : i32
        %dma_wait3A_81 = tpu.memref_slice %arg6[%add3A_71, %dma_wait3A_80] : memref<10240x128xf32, #tpu.memory_space<vmem_shared>> -> memref<128x128xf32, #tpu.memory_space<vmem_shared>>
        tpu.wait_dma2 semaphore(%run_scoped3A : memref<!tpu.dma_semaphore, #tpu.memory_space<semaphore_mem>>) src(%arg8 : memref<128x128xf32, #tpu.memory_space<vmem>>) dst(%dma_wait3A_81 : memref<128x128xf32, #tpu.memory_space<vmem_shared>>)
        tpu.yield
      }) : () -> ()
      %add3A_72 = arith.constant 512 : i32
      %add3A_73 = arith.addi %mul3A_9, %add3A_72 : i32
      "tpu.region"() ({
        %run_scoped3A = tpu.sem_alloc : memref<!tpu.dma_semaphore, #tpu.memory_space<semaphore_mem>>
        %dma_start3A_74 = arith.constant 0 : i32
        %dma_start3A_75 = tpu.memref_slice %arg6[%add3A_73, %dma_start3A_74] : memref<10240x128xf32, #tpu.memory_space<vmem_shared>> -> memref<128x128xf32, #tpu.memory_space<vmem_shared>>
        %dma_start3A_76 = arith.constant 0 : i32
        %dma_start3A_77 = tpu.memref_slice %arg6[%add3A_73, %dma_start3A_76] : memref<10240x128xf32, #tpu.memory_space<vmem_shared>> -> memref<128x128xf32, #tpu.memory_space<vmem_shared>>
        tpu.enqueue_dma source(%arg8 : memref<128x128xf32, #tpu.memory_space<vmem>>) target(%dma_start3A_77 : memref<128x128xf32, #tpu.memory_space<vmem_shared>>) target_semaphore(%run_scoped3A : memref<!tpu.dma_semaphore, #tpu.memory_space<semaphore_mem>>)
        %dma_wait3A_78 = arith.constant 0 : i32
        %dma_wait3A_79 = tpu.memref_slice %arg6[%add3A_73, %dma_wait3A_78] : memref<10240x128xf32, #tpu.memory_space<vmem_shared>> -> memref<128x128xf32, #tpu.memory_space<vmem_shared>>
        %dma_wait3A_80 = arith.constant 0 : i32
        %dma_wait3A_81 = tpu.memref_slice %arg6[%add3A_73, %dma_wait3A_80] : memref<10240x128xf32, #tpu.memory_space<vmem_shared>> -> memref<128x128xf32, #tpu.memory_space<vmem_shared>>
        tpu.wait_dma2 semaphore(%run_scoped3A : memref<!tpu.dma_semaphore, #tpu.memory_space<semaphore_mem>>) src(%arg8 : memref<128x128xf32, #tpu.memory_space<vmem>>) dst(%dma_wait3A_81 : memref<128x128xf32, #tpu.memory_space<vmem_shared>>)
        tpu.yield
      }) : () -> ()
    } else {
    }
    "tpu.region"() ({
      %run_scoped3A = tpu.sem_alloc : memref<!tpu.dma_semaphore, #tpu.memory_space<semaphore_mem>>
      %dma_start3A_64 = arith.constant 0 : i32
      %dma_start3A_65 = arith.constant 0 : i32
      %dma_start3A_66 = tpu.memref_slice %arg4[%add3A, %dma_start3A_64, %dma_start3A_65] : memref<32x80x128xi32, #tpu.memory_space<hbm>> -> memref<1x80x128xi32, #tpu.memory_space<hbm>>
      %dma_start3A_67 = tpu.memref_squeeze %dma_start3A_66 : memref<1x80x128xi32, #tpu.memory_space<hbm>> -> memref<80x128xi32, #tpu.memory_space<hbm>>
      %dma_start3A_68 = arith.constant 0 : i32
      %dma_start3A_69 = arith.constant 0 : i32
      %dma_start3A_70 = tpu.memref_slice %arg4[%add3A, %dma_start3A_68, %dma_start3A_69] : memref<32x80x128xi32, #tpu.memory_space<hbm>> -> memref<1x80x128xi32, #tpu.memory_space<hbm>>
      %dma_start3A_71 = tpu.memref_squeeze %dma_start3A_70 : memref<1x80x128xi32, #tpu.memory_space<hbm>> -> memref<80x128xi32, #tpu.memory_space<hbm>>
      tpu.enqueue_dma source(%dma_start3A_71 : memref<80x128xi32, #tpu.memory_space<hbm>>) target(%arg7 : memref<80x128xi32, #tpu.memory_space<vmem>>) target_semaphore(%run_scoped3A : memref<!tpu.dma_semaphore, #tpu.memory_space<semaphore_mem>>)
      %dma_wait3A_72 = arith.constant 0 : i32
      %dma_wait3A_73 = arith.constant 0 : i32
      %dma_wait3A_74 = tpu.memref_slice %arg4[%add3A, %dma_wait3A_72, %dma_wait3A_73] : memref<32x80x128xi32, #tpu.memory_space<hbm>> -> memref<1x80x128xi32, #tpu.memory_space<hbm>>
      %dma_wait3A_75 = tpu.memref_squeeze %dma_wait3A_74 : memref<1x80x128xi32, #tpu.memory_space<hbm>> -> memref<80x128xi32, #tpu.memory_space<hbm>>
      %dma_wait3A_76 = arith.constant 0 : i32
      %dma_wait3A_77 = arith.constant 0 : i32
      %dma_wait3A_78 = tpu.memref_slice %arg4[%add3A, %dma_wait3A_76, %dma_wait3A_77] : memref<32x80x128xi32, #tpu.memory_space<hbm>> -> memref<1x80x128xi32, #tpu.memory_space<hbm>>
      %dma_wait3A_79 = tpu.memref_squeeze %dma_wait3A_78 : memref<1x80x128xi32, #tpu.memory_space<hbm>> -> memref<80x128xi32, #tpu.memory_space<hbm>>
      tpu.wait_dma2 semaphore(%run_scoped3A : memref<!tpu.dma_semaphore, #tpu.memory_space<semaphore_mem>>) src(%dma_wait3A_79 : memref<80x128xi32, #tpu.memory_space<hbm>>) dst(%arg7 : memref<80x128xi32, #tpu.memory_space<vmem>>)
      tpu.yield
    }) : () -> ()
    %barrier3A = arith.constant 0 : index
    tpu.barrier barrier_id(%barrier3A)
    %dma_start3A = arith.constant 0 : i32
    %dma_start3A_12 = arith.constant 0 : i32
    %dma_start3A_13 = arith.constant 0 : i32
    %dma_start3A_14 = tpu.memref_slice %arg3[%add3A, %dma_start3A, %dma_start3A_12, %dma_start3A_13] : memref<32x80x1x128xi32, #tpu.memory_space<hbm>> -> memref<1x1x1x128xi32, #tpu.memory_space<hbm>>
    %dma_start3A_15 = tpu.memref_squeeze %dma_start3A_14 : memref<1x1x1x128xi32, #tpu.memory_space<hbm>> -> memref<1x128xi32, #tpu.memory_space<hbm>>
    %dma_start3A_16 = arith.constant 0 : i32
    %dma_start3A_17 = arith.constant 0 : i32
    %dma_start3A_18 = tpu.memref_slice %arg3[%add3A, %dma_start3A, %dma_start3A_16, %dma_start3A_17] : memref<32x80x1x128xi32, #tpu.memory_space<hbm>> -> memref<1x1x1x128xi32, #tpu.memory_space<hbm>>
    %dma_start3A_19 = tpu.memref_squeeze %dma_start3A_18 : memref<1x1x1x128xi32, #tpu.memory_space<hbm>> -> memref<1x128xi32, #tpu.memory_space<hbm>>
    tpu.enqueue_dma source(%dma_start3A_19 : memref<1x128xi32, #tpu.memory_space<hbm>>) target(%arg10 : memref<1x128xi32, #tpu.memory_space<vmem>>) target_semaphore(%arg15 : memref<!tpu.dma_semaphore, #tpu.memory_space<semaphore_mem>>)
    %dma_start3A_20 = arith.constant 1 : i32
    %dma_start3A_21 = arith.constant 0 : i32
    %dma_start3A_22 = arith.constant 0 : i32
    %dma_start3A_23 = tpu.memref_slice %arg3[%add3A, %dma_start3A_20, %dma_start3A_21, %dma_start3A_22] : memref<32x80x1x128xi32, #tpu.memory_space<hbm>> -> memref<1x1x1x128xi32, #tpu.memory_space<hbm>>
    %dma_start3A_24 = tpu.memref_squeeze %dma_start3A_23 : memref<1x1x1x128xi32, #tpu.memory_space<hbm>> -> memref<1x128xi32, #tpu.memory_space<hbm>>
    %dma_start3A_25 = arith.constant 0 : i32
    %dma_start3A_26 = arith.constant 0 : i32
    %dma_start3A_27 = tpu.memref_slice %arg3[%add3A, %dma_start3A_20, %dma_start3A_25, %dma_start3A_26] : memref<32x80x1x128xi32, #tpu.memory_space<hbm>> -> memref<1x1x1x128xi32, #tpu.memory_space<hbm>>
    %dma_start3A_28 = tpu.memref_squeeze %dma_start3A_27 : memref<1x1x1x128xi32, #tpu.memory_space<hbm>> -> memref<1x128xi32, #tpu.memory_space<hbm>>
    tpu.enqueue_dma source(%dma_start3A_28 : memref<1x128xi32, #tpu.memory_space<hbm>>) target(%arg11 : memref<1x128xi32, #tpu.memory_space<vmem>>) target_semaphore(%arg16 : memref<!tpu.dma_semaphore, #tpu.memory_space<semaphore_mem>>)
    %dma_wait3A = arith.constant 0 : i32
    %dma_wait3A_29 = arith.constant 0 : i32
    %dma_wait3A_30 = arith.constant 0 : i32
    %dma_wait3A_31 = tpu.memref_slice %arg3[%add3A, %dma_wait3A, %dma_wait3A_29, %dma_wait3A_30] : memref<32x80x1x128xi32, #tpu.memory_space<hbm>> -> memref<1x1x1x128xi32, #tpu.memory_space<hbm>>
    %dma_wait3A_32 = tpu.memref_squeeze %dma_wait3A_31 : memref<1x1x1x128xi32, #tpu.memory_space<hbm>> -> memref<1x128xi32, #tpu.memory_space<hbm>>
    %dma_wait3A_33 = arith.constant 0 : i32
    %dma_wait3A_34 = arith.constant 0 : i32
    %dma_wait3A_35 = tpu.memref_slice %arg3[%add3A, %dma_wait3A, %dma_wait3A_33, %dma_wait3A_34] : memref<32x80x1x128xi32, #tpu.memory_space<hbm>> -> memref<1x1x1x128xi32, #tpu.memory_space<hbm>>
    %dma_wait3A_36 = tpu.memref_squeeze %dma_wait3A_35 : memref<1x1x1x128xi32, #tpu.memory_space<hbm>> -> memref<1x128xi32, #tpu.memory_space<hbm>>
    tpu.wait_dma2 semaphore(%arg15 : memref<!tpu.dma_semaphore, #tpu.memory_space<semaphore_mem>>) src(%dma_wait3A_36 : memref<1x128xi32, #tpu.memory_space<hbm>>) dst(%arg10 : memref<1x128xi32, #tpu.memory_space<vmem>>)
    %dma_start3A_37 = arith.constant 0 : i32
    %dma_start3A_38 = arith.constant 0 : i32
    %dma_start3A_39 = tpu.memref_slice %arg10[%dma_start3A_37, %dma_start3A_38] : memref<1x128xi32, #tpu.memory_space<vmem>> -> memref<1x128xi32, #tpu.memory_space<vmem>>
    %dma_start3A_40 = tpu.memref_squeeze %dma_start3A_39 : memref<1x128xi32, #tpu.memory_space<vmem>> -> memref<128xi32, #tpu.memory_space<vmem>>
    %dma_start3A_41 = arith.constant 0 : i32
    %dma_start3A_42 = arith.constant 0 : i32
    %dma_start3A_43 = tpu.memref_slice %arg2[%dma_start3A_41, %dma_start3A_42] : memref<10000x128xf32, #tpu.memory_space<hbm>> -> memref<10000x128xf32, #tpu.memory_space<hbm>>
    tpu.enqueue_indirect_dma source(%dma_start3A_43 : memref<10000x128xf32, #tpu.memory_space<hbm>>) target(%arg8 : memref<128x128xf32, #tpu.memory_space<vmem>>) offsets(%dma_start3A_40 : memref<128xi32, #tpu.memory_space<vmem>>) semaphore(%arg9 : memref<!tpu.dma_semaphore, #tpu.memory_space<semaphore_mem>>)
    %scan3A_44 = arith.constant 0 : i32
    %scan3A_45 = arith.constant 0 : i32
    %scan3A_46 = arith.constant 40 : i32
    %scan3A_47 = arith.addi %scan3A_45, %scan3A_46 : i32
    %scan3A_48 = arith.constant 1 : i32
    %scan3A_49 = scf.for %scan3A_64 = %scan3A_45 to %scan3A_47 step %scan3A_48 iter_args(%scan3A_65 = %scan3A_44) -> (i32)  : i32 {
      %mul3A_66 = arith.constant 2 : i32
      %mul3A_67 = arith.muli %mul3A_66, %scan3A_64 : i32
      %add3A_68 = arith.constant 1 : i32
      %add3A_69 = arith.addi %mul3A_67, %add3A_68 : i32
      %dma_wait3A_70 = arith.constant 0 : i32
      %dma_wait3A_71 = arith.constant 0 : i32
      %dma_wait3A_72 = tpu.memref_slice %arg10[%dma_wait3A_70, %dma_wait3A_71] : memref<1x128xi32, #tpu.memory_space<vmem>> -> memref<1x128xi32, #tpu.memory_space<vmem>>
      %dma_wait3A_73 = tpu.memref_squeeze %dma_wait3A_72 : memref<1x128xi32, #tpu.memory_space<vmem>> -> memref<128xi32, #tpu.memory_space<vmem>>
      %dma_wait3A_74 = arith.constant 0 : i32
      %dma_wait3A_75 = arith.constant 0 : i32
      %dma_wait3A_76 = tpu.memref_slice %arg2[%dma_wait3A_74, %dma_wait3A_75] : memref<10000x128xf32, #tpu.memory_space<hbm>> -> memref<10000x128xf32, #tpu.memory_space<hbm>>
      tpu.wait_indirect_dma semaphore(%arg9 : memref<!tpu.dma_semaphore, #tpu.memory_space<semaphore_mem>>) src(%dma_wait3A_76 : memref<10000x128xf32, #tpu.memory_space<hbm>>) dst(%arg8 : memref<128x128xf32, #tpu.memory_space<vmem>>)
      %lt3A_77 = arith.constant 39 : i32
      %lt3A_78 = arith.cmpi slt, %scan3A_64, %lt3A_77 : i32
      %convert_element_type3A_79 = arith.extui %lt3A_78 : i1 to i32
      %cond3A_80 = arith.constant 0 : i32
      %cond3A_81 = arith.cmpi ne, %convert_element_type3A_79, %cond3A_80 : i32
      scf.if %cond3A_81 {
        %add3A_137 = arith.constant 2 : i32
        %add3A_138 = arith.addi %mul3A_67, %add3A_137 : i32
        %dma_start3A_139 = arith.constant 0 : i32
        %dma_start3A_140 = arith.constant 0 : i32
        %dma_start3A_141 = tpu.memref_slice %arg3[%add3A, %add3A_138, %dma_start3A_139, %dma_start3A_140] : memref<32x80x1x128xi32, #tpu.memory_space<hbm>> -> memref<1x1x1x128xi32, #tpu.memory_space<hbm>>
        %dma_start3A_142 = tpu.memref_squeeze %dma_start3A_141 : memref<1x1x1x128xi32, #tpu.memory_space<hbm>> -> memref<1x128xi32, #tpu.memory_space<hbm>>
        %dma_start3A_143 = arith.constant 0 : i32
        %dma_start3A_144 = arith.constant 0 : i32
        %dma_start3A_145 = tpu.memref_slice %arg3[%add3A, %add3A_138, %dma_start3A_143, %dma_start3A_144] : memref<32x80x1x128xi32, #tpu.memory_space<hbm>> -> memref<1x1x1x128xi32, #tpu.memory_space<hbm>>
        %dma_start3A_146 = tpu.memref_squeeze %dma_start3A_145 : memref<1x1x1x128xi32, #tpu.memory_space<hbm>> -> memref<1x128xi32, #tpu.memory_space<hbm>>
        tpu.enqueue_dma source(%dma_start3A_146 : memref<1x128xi32, #tpu.memory_space<hbm>>) target(%arg10 : memref<1x128xi32, #tpu.memory_space<vmem>>) target_semaphore(%arg15 : memref<!tpu.dma_semaphore, #tpu.memory_space<semaphore_mem>>)
      } else {
      }
      %gt3A = arith.constant 0 : i32
      %gt3A_82 = arith.cmpi sgt, %scan3A_64, %gt3A : i32
      %convert_element_type3A_83 = arith.extui %gt3A_82 : i1 to i32
      %cond3A_84 = arith.constant 0 : i32
      %cond3A_85 = arith.cmpi ne, %convert_element_type3A_83, %cond3A_84 : i32
      scf.if %cond3A_85 {
        %sub3A = arith.constant 1 : i32
        %sub3A_137 = arith.subi %mul3A_67, %sub3A : i32
        %dma_wait3A_138 = arith.constant 0 : i32
        %dma_wait3A_139 = tpu.memref_slice %arg7[%sub3A_137, %dma_wait3A_138] : memref<80x128xi32, #tpu.memory_space<vmem>> -> memref<1x128xi32, #tpu.memory_space<vmem>>
        %dma_wait3A_140 = tpu.memref_squeeze %dma_wait3A_139 : memref<1x128xi32, #tpu.memory_space<vmem>> -> memref<128xi32, #tpu.memory_space<vmem>>
        %dma_wait3A_141 = arith.constant 0 : i32
        %dma_wait3A_142 = arith.constant 0 : i32
        %dma_wait3A_143 = tpu.memref_slice %arg6[%dma_wait3A_141, %dma_wait3A_142] : memref<10240x128xf32, #tpu.memory_space<vmem_shared>> -> memref<10240x128xf32, #tpu.memory_space<vmem_shared>>
        tpu.wait_indirect_dma semaphore(%arg14 : memref<!tpu.dma_semaphore, #tpu.memory_space<semaphore_mem>>) src(%arg12 : memref<128x128xf32, #tpu.memory_space<vmem>>) dst(%dma_wait3A_143 : memref<10240x128xf32, #tpu.memory_space<vmem_shared>>)
      } else {
      }
      %dma_start3A_86 = arith.constant 0 : i32
      %dma_start3A_87 = tpu.memref_slice %arg7[%mul3A_67, %dma_start3A_86] : memref<80x128xi32, #tpu.memory_space<vmem>> -> memref<1x128xi32, #tpu.memory_space<vmem>>
      %dma_start3A_88 = tpu.memref_squeeze %dma_start3A_87 : memref<1x128xi32, #tpu.memory_space<vmem>> -> memref<128xi32, #tpu.memory_space<vmem>>
      %dma_start3A_89 = arith.constant 0 : i32
      %dma_start3A_90 = arith.constant 0 : i32
      %dma_start3A_91 = tpu.memref_slice %arg6[%dma_start3A_89, %dma_start3A_90] : memref<10240x128xf32, #tpu.memory_space<vmem_shared>> -> memref<10240x128xf32, #tpu.memory_space<vmem_shared>>
      tpu.enqueue_indirect_dma source(%arg8 : memref<128x128xf32, #tpu.memory_space<vmem>>) target(%dma_start3A_91 : memref<10240x128xf32, #tpu.memory_space<vmem_shared>>) offsets(%dma_start3A_88 : memref<128xi32, #tpu.memory_space<vmem>>) semaphore(%arg14 : memref<!tpu.dma_semaphore, #tpu.memory_space<semaphore_mem>>) {add = true}
      %dma_wait3A_92 = arith.constant 0 : i32
      %dma_wait3A_93 = arith.constant 0 : i32
      %dma_wait3A_94 = tpu.memref_slice %arg3[%add3A, %add3A_69, %dma_wait3A_92, %dma_wait3A_93] : memref<32x80x1x128xi32, #tpu.memory_space<hbm>> -> memref<1x1x1x128xi32, #tpu.memory_space<hbm>>
      %dma_wait3A_95 = tpu.memref_squeeze %dma_wait3A_94 : memref<1x1x1x128xi32, #tpu.memory_space<hbm>> -> memref<1x128xi32, #tpu.memory_space<hbm>>
      %dma_wait3A_96 = arith.constant 0 : i32
      %dma_wait3A_97 = arith.constant 0 : i32
      %dma_wait3A_98 = tpu.memref_slice %arg3[%add3A, %add3A_69, %dma_wait3A_96, %dma_wait3A_97] : memref<32x80x1x128xi32, #tpu.memory_space<hbm>> -> memref<1x1x1x128xi32, #tpu.memory_space<hbm>>
      %dma_wait3A_99 = tpu.memref_squeeze %dma_wait3A_98 : memref<1x1x1x128xi32, #tpu.memory_space<hbm>> -> memref<1x128xi32, #tpu.memory_space<hbm>>
      tpu.wait_dma2 semaphore(%arg16 : memref<!tpu.dma_semaphore, #tpu.memory_space<semaphore_mem>>) src(%dma_wait3A_99 : memref<1x128xi32, #tpu.memory_space<hbm>>) dst(%arg11 : memref<1x128xi32, #tpu.memory_space<vmem>>)
      %dma_start3A_100 = arith.constant 0 : i32
      %dma_start3A_101 = arith.constant 0 : i32
      %dma_start3A_102 = tpu.memref_slice %arg11[%dma_start3A_100, %dma_start3A_101] : memref<1x128xi32, #tpu.memory_space<vmem>> -> memref<1x128xi32, #tpu.memory_space<vmem>>
      %dma_start3A_103 = tpu.memref_squeeze %dma_start3A_102 : memref<1x128xi32, #tpu.memory_space<vmem>> -> memref<128xi32, #tpu.memory_space<vmem>>
      %dma_start3A_104 = arith.constant 0 : i32
      %dma_start3A_105 = arith.constant 0 : i32
      %dma_start3A_106 = tpu.memref_slice %arg2[%dma_start3A_104, %dma_start3A_105] : memref<10000x128xf32, #tpu.memory_space<hbm>> -> memref<10000x128xf32, #tpu.memory_space<hbm>>
      tpu.enqueue_indirect_dma source(%dma_start3A_106 : memref<10000x128xf32, #tpu.memory_space<hbm>>) target(%arg12 : memref<128x128xf32, #tpu.memory_space<vmem>>) offsets(%dma_start3A_103 : memref<128xi32, #tpu.memory_space<vmem>>) semaphore(%arg13 : memref<!tpu.dma_semaphore, #tpu.memory_space<semaphore_mem>>)
      %dma_wait3A_107 = arith.constant 0 : i32
      %dma_wait3A_108 = arith.constant 0 : i32
      %dma_wait3A_109 = tpu.memref_slice %arg11[%dma_wait3A_107, %dma_wait3A_108] : memref<1x128xi32, #tpu.memory_space<vmem>> -> memref<1x128xi32, #tpu.memory_space<vmem>>
      %dma_wait3A_110 = tpu.memref_squeeze %dma_wait3A_109 : memref<1x128xi32, #tpu.memory_space<vmem>> -> memref<128xi32, #tpu.memory_space<vmem>>
      %dma_wait3A_111 = arith.constant 0 : i32
      %dma_wait3A_112 = arith.constant 0 : i32
      %dma_wait3A_113 = tpu.memref_slice %arg2[%dma_wait3A_111, %dma_wait3A_112] : memref<10000x128xf32, #tpu.memory_space<hbm>> -> memref<10000x128xf32, #tpu.memory_space<hbm>>
      tpu.wait_indirect_dma semaphore(%arg13 : memref<!tpu.dma_semaphore, #tpu.memory_space<semaphore_mem>>) src(%dma_wait3A_113 : memref<10000x128xf32, #tpu.memory_space<hbm>>) dst(%arg12 : memref<128x128xf32, #tpu.memory_space<vmem>>)
      %lt3A_114 = arith.constant 39 : i32
      %lt3A_115 = arith.cmpi slt, %scan3A_64, %lt3A_114 : i32
      %convert_element_type3A_116 = arith.extui %lt3A_115 : i1 to i32
      %cond3A_117 = arith.constant 0 : i32
      %cond3A_118 = arith.cmpi ne, %convert_element_type3A_116, %cond3A_117 : i32
      scf.if %cond3A_118 {
        %add3A_137 = arith.constant 2 : i32
        %add3A_138 = arith.addi %add3A_69, %add3A_137 : i32
        %dma_start3A_139 = arith.constant 0 : i32
        %dma_start3A_140 = arith.constant 0 : i32
        %dma_start3A_141 = tpu.memref_slice %arg3[%add3A, %add3A_138, %dma_start3A_139, %dma_start3A_140] : memref<32x80x1x128xi32, #tpu.memory_space<hbm>> -> memref<1x1x1x128xi32, #tpu.memory_space<hbm>>
        %dma_start3A_142 = tpu.memref_squeeze %dma_start3A_141 : memref<1x1x1x128xi32, #tpu.memory_space<hbm>> -> memref<1x128xi32, #tpu.memory_space<hbm>>
        %dma_start3A_143 = arith.constant 0 : i32
        %dma_start3A_144 = arith.constant 0 : i32
        %dma_start3A_145 = tpu.memref_slice %arg3[%add3A, %add3A_138, %dma_start3A_143, %dma_start3A_144] : memref<32x80x1x128xi32, #tpu.memory_space<hbm>> -> memref<1x1x1x128xi32, #tpu.memory_space<hbm>>
        %dma_start3A_146 = tpu.memref_squeeze %dma_start3A_145 : memref<1x1x1x128xi32, #tpu.memory_space<hbm>> -> memref<1x128xi32, #tpu.memory_space<hbm>>
        tpu.enqueue_dma source(%dma_start3A_146 : memref<1x128xi32, #tpu.memory_space<hbm>>) target(%arg11 : memref<1x128xi32, #tpu.memory_space<vmem>>) target_semaphore(%arg16 : memref<!tpu.dma_semaphore, #tpu.memory_space<semaphore_mem>>)
      } else {
      }
      %dma_wait3A_119 = arith.constant 0 : i32
      %dma_wait3A_120 = tpu.memref_slice %arg7[%mul3A_67, %dma_wait3A_119] : memref<80x128xi32, #tpu.memory_space<vmem>> -> memref<1x128xi32, #tpu.memory_space<vmem>>
      %dma_wait3A_121 = tpu.memref_squeeze %dma_wait3A_120 : memref<1x128xi32, #tpu.memory_space<vmem>> -> memref<128xi32, #tpu.memory_space<vmem>>
      %dma_wait3A_122 = arith.constant 0 : i32
      %dma_wait3A_123 = arith.constant 0 : i32
      %dma_wait3A_124 = tpu.memref_slice %arg6[%dma_wait3A_122, %dma_wait3A_123] : memref<10240x128xf32, #tpu.memory_space<vmem_shared>> -> memref<10240x128xf32, #tpu.memory_space<vmem_shared>>
      tpu.wait_indirect_dma semaphore(%arg14 : memref<!tpu.dma_semaphore, #tpu.memory_space<semaphore_mem>>) src(%arg8 : memref<128x128xf32, #tpu.memory_space<vmem>>) dst(%dma_wait3A_124 : memref<10240x128xf32, #tpu.memory_space<vmem_shared>>)
      %dma_start3A_125 = arith.constant 0 : i32
      %dma_start3A_126 = tpu.memref_slice %arg7[%add3A_69, %dma_start3A_125] : memref<80x128xi32, #tpu.memory_space<vmem>> -> memref<1x128xi32, #tpu.memory_space<vmem>>
      %dma_start3A_127 = tpu.memref_squeeze %dma_start3A_126 : memref<1x128xi32, #tpu.memory_space<vmem>> -> memref<128xi32, #tpu.memory_space<vmem>>
      %dma_start3A_128 = arith.constant 0 : i32
      %dma_start3A_129 = arith.constant 0 : i32
      %dma_start3A_130 = tpu.memref_slice %arg6[%dma_start3A_128, %dma_start3A_129] : memref<10240x128xf32, #tpu.memory_space<vmem_shared>> -> memref<10240x128xf32, #tpu.memory_space<vmem_shared>>
      tpu.enqueue_indirect_dma source(%arg12 : memref<128x128xf32, #tpu.memory_space<vmem>>) target(%dma_start3A_130 : memref<10240x128xf32, #tpu.memory_space<vmem_shared>>) offsets(%dma_start3A_127 : memref<128xi32, #tpu.memory_space<vmem>>) semaphore(%arg14 : memref<!tpu.dma_semaphore, #tpu.memory_space<semaphore_mem>>) {add = true}
      %lt3A_131 = arith.constant 39 : i32
      %lt3A_132 = arith.cmpi slt, %scan3A_64, %lt3A_131 : i32
      %convert_element_type3A_133 = arith.extui %lt3A_132 : i1 to i32
      %cond3A_134 = arith.constant 0 : i32
      %cond3A_135 = arith.cmpi ne, %convert_element_type3A_133, %cond3A_134 : i32
      scf.if %cond3A_135 {
        %add3A_137 = arith.constant 2 : i32
        %add3A_138 = arith.addi %mul3A_67, %add3A_137 : i32
        %dma_wait3A_139 = arith.constant 0 : i32
        %dma_wait3A_140 = arith.constant 0 : i32
        %dma_wait3A_141 = tpu.memref_slice %arg3[%add3A, %add3A_138, %dma_wait3A_139, %dma_wait3A_140] : memref<32x80x1x128xi32, #tpu.memory_space<hbm>> -> memref<1x1x1x128xi32, #tpu.memory_space<hbm>>
        %dma_wait3A_142 = tpu.memref_squeeze %dma_wait3A_141 : memref<1x1x1x128xi32, #tpu.memory_space<hbm>> -> memref<1x128xi32, #tpu.memory_space<hbm>>
        %dma_wait3A_143 = arith.constant 0 : i32
        %dma_wait3A_144 = arith.constant 0 : i32
        %dma_wait3A_145 = tpu.memref_slice %arg3[%add3A, %add3A_138, %dma_wait3A_143, %dma_wait3A_144] : memref<32x80x1x128xi32, #tpu.memory_space<hbm>> -> memref<1x1x1x128xi32, #tpu.memory_space<hbm>>
        %dma_wait3A_146 = tpu.memref_squeeze %dma_wait3A_145 : memref<1x1x1x128xi32, #tpu.memory_space<hbm>> -> memref<1x128xi32, #tpu.memory_space<hbm>>
        tpu.wait_dma2 semaphore(%arg15 : memref<!tpu.dma_semaphore, #tpu.memory_space<semaphore_mem>>) src(%dma_wait3A_146 : memref<1x128xi32, #tpu.memory_space<hbm>>) dst(%arg10 : memref<1x128xi32, #tpu.memory_space<vmem>>)
        %add3A_147 = arith.constant 2 : i32
        %add3A_148 = arith.addi %mul3A_67, %add3A_147 : i32
        %dma_start3A_149 = arith.constant 0 : i32
        %dma_start3A_150 = arith.constant 0 : i32
        %dma_start3A_151 = tpu.memref_slice %arg10[%dma_start3A_149, %dma_start3A_150] : memref<1x128xi32, #tpu.memory_space<vmem>> -> memref<1x128xi32, #tpu.memory_space<vmem>>
        %dma_start3A_152 = tpu.memref_squeeze %dma_start3A_151 : memref<1x128xi32, #tpu.memory_space<vmem>> -> memref<128xi32, #tpu.memory_space<vmem>>
        %dma_start3A_153 = arith.constant 0 : i32
        %dma_start3A_154 = arith.constant 0 : i32
        %dma_start3A_155 = tpu.memref_slice %arg2[%dma_start3A_153, %dma_start3A_154] : memref<10000x128xf32, #tpu.memory_space<hbm>> -> memref<10000x128xf32, #tpu.memory_space<hbm>>
        tpu.enqueue_indirect_dma source(%dma_start3A_155 : memref<10000x128xf32, #tpu.memory_space<hbm>>) target(%arg8 : memref<128x128xf32, #tpu.memory_space<vmem>>) offsets(%dma_start3A_152 : memref<128xi32, #tpu.memory_space<vmem>>) semaphore(%arg9 : memref<!tpu.dma_semaphore, #tpu.memory_space<semaphore_mem>>)
      } else {
      }
      %scan3A_136 = arith.constant 0 : i32
      scf.yield %scan3A_136 : i32
    }
    %scan3A_50 = arith.constant 40 : i32
    %dma_wait3A_51 = arith.constant 79 : i32
    %dma_wait3A_52 = arith.constant 0 : i32
    %dma_wait3A_53 = tpu.memref_slice %arg7[%dma_wait3A_51, %dma_wait3A_52] : memref<80x128xi32, #tpu.memory_space<vmem>> -> memref<1x128xi32, #tpu.memory_space<vmem>>
    %dma_wait3A_54 = tpu.memref_squeeze %dma_wait3A_53 : memref<1x128xi32, #tpu.memory_space<vmem>> -> memref<128xi32, #tpu.memory_space<vmem>>
    %dma_wait3A_55 = arith.constant 0 : i32
    %dma_wait3A_56 = arith.constant 0 : i32
    %dma_wait3A_57 = tpu.memref_slice %arg6[%dma_wait3A_55, %dma_wait3A_56] : memref<10240x128xf32, #tpu.memory_space<vmem_shared>> -> memref<10240x128xf32, #tpu.memory_space<vmem_shared>>
    tpu.wait_indirect_dma semaphore(%arg14 : memref<!tpu.dma_semaphore, #tpu.memory_space<semaphore_mem>>) src(%arg12 : memref<128x128xf32, #tpu.memory_space<vmem>>) dst(%dma_wait3A_57 : memref<10240x128xf32, #tpu.memory_space<vmem_shared>>)
    %barrier3A_58 = arith.constant 0 : index
    tpu.barrier barrier_id(%barrier3A_58)
    %lt3A_59 = arith.constant 16 : i32
    %lt3A_60 = arith.cmpi slt, %arg1, %lt3A_59 : i32
    %convert_element_type3A_61 = arith.extui %lt3A_60 : i1 to i32
    %cond3A_62 = arith.constant 0 : i32
    %cond3A_63 = arith.cmpi ne, %convert_element_type3A_61, %cond3A_62 : i32
    scf.if %cond3A_63 {
      "tpu.region"() ({
        %run_scoped3A = tpu.sem_alloc : memref<!tpu.dma_semaphore, #tpu.memory_space<semaphore_mem>>
        %dma_start3A_64 = arith.constant 0 : i32
        %dma_start3A_65 = tpu.memref_slice %arg5[%arg0, %mul3A_9, %dma_start3A_64] : memref<2x10240x128xf32, #tpu.memory_space<hbm>> -> memref<1x640x128xf32, #tpu.memory_space<hbm>>
        %dma_start3A_66 = tpu.memref_squeeze %dma_start3A_65 : memref<1x640x128xf32, #tpu.memory_space<hbm>> -> memref<640x128xf32, #tpu.memory_space<hbm>>
        %dma_start3A_67 = arith.constant 0 : i32
        %dma_start3A_68 = tpu.memref_slice %arg6[%mul3A_9, %dma_start3A_67] : memref<10240x128xf32, #tpu.memory_space<vmem_shared>> -> memref<640x128xf32, #tpu.memory_space<vmem_shared>>
        tpu.enqueue_dma source(%dma_start3A_68 : memref<640x128xf32, #tpu.memory_space<vmem_shared>>) target(%dma_start3A_66 : memref<640x128xf32, #tpu.memory_space<hbm>>) target_semaphore(%run_scoped3A : memref<!tpu.dma_semaphore, #tpu.memory_space<semaphore_mem>>)
        %dma_wait3A_69 = arith.constant 0 : i32
        %dma_wait3A_70 = tpu.memref_slice %arg5[%arg0, %mul3A_9, %dma_wait3A_69] : memref<2x10240x128xf32, #tpu.memory_space<hbm>> -> memref<1x640x128xf32, #tpu.memory_space<hbm>>
        %dma_wait3A_71 = tpu.memref_squeeze %dma_wait3A_70 : memref<1x640x128xf32, #tpu.memory_space<hbm>> -> memref<640x128xf32, #tpu.memory_space<hbm>>
        %dma_wait3A_72 = arith.constant 0 : i32
        %dma_wait3A_73 = tpu.memref_slice %arg6[%mul3A_9, %dma_wait3A_72] : memref<10240x128xf32, #tpu.memory_space<vmem_shared>> -> memref<640x128xf32, #tpu.memory_space<vmem_shared>>
        tpu.wait_dma2 semaphore(%run_scoped3A : memref<!tpu.dma_semaphore, #tpu.memory_space<semaphore_mem>>) src(%dma_wait3A_73 : memref<640x128xf32, #tpu.memory_space<vmem_shared>>) dst(%dma_wait3A_71 : memref<640x128xf32, #tpu.memory_space<hbm>>)
        tpu.yield
      }) : () -> ()
    } else {
    }
    return
  }
}

#map = affine_map<(d0, d1) -> (0, 0, 0)>
module attributes {stable_mosaic.version = 14 : i64} {
  func.func @body(%arg0: i32, %arg1: i32, %arg2: memref<32x3x128xi32, #tpu.memory_space<hbm>>, %arg3: memref<2x96x16xf32, #tpu.memory_space<hbm>>, %arg4: memref<96x16xf32, #tpu.memory_space<vmem_shared>>, %arg5: memref<3x128xi32, #tpu.memory_space<vmem>>, %arg6: memref<128x16xf32, #tpu.memory_space<vmem>>, %arg7: memref<!tpu.dma_semaphore, #tpu.memory_space<semaphore_mem>>) attributes {dimension_semantics = [#tpu.dimension_semantics<core_parallel>, #tpu.dimension_semantics<subcore_parallel>], iteration_bounds = array<i64: 2, 16>, scalar_prefetch = 0 : i64, scratch_operands = 4 : i64, tpu.core_type = #tpu.core_type<sc_vector_subcore>, window_params = [{transform_indices = #map}, {transform_indices = #map}]} {
    %mul3A = arith.constant 16 : i32
    %mul3A_0 = arith.muli %arg0, %mul3A : i32
    %add3A = arith.addi %mul3A_0, %arg1 : i32
    %broadcast_in_dim3A = arith.constant 0.000000e+00 : f32
    %broadcast_in_dim3A_1 = vector.broadcast %broadcast_in_dim3A : f32 to vector<16xf32>
    %scan3A = arith.constant 0 : i32
    %scan3A_2 = arith.constant 0 : i32
    %scan3A_3 = arith.constant 128 : i32
    %scan3A_4 = arith.addi %scan3A_2, %scan3A_3 : i32
    %scan3A_5 = arith.constant 1 : i32
    %scan3A_6 = scf.for %scan3A_34 = %scan3A_2 to %scan3A_4 step %scan3A_5 iter_args(%scan3A_35 = %scan3A) -> (i32)  : i32 {
      %swap3A = arith.index_cast %scan3A_34 : i32 to index
      %swap3A_36 = arith.constant 0 : index
      %swap3A_37 = tpu.vector_load %arg6[%swap3A, %swap3A_36] {strides = array<i32>} : memref<128x16xf32, #tpu.memory_space<vmem>>, vector<1x16xf32>,
      %swap3A_38 = vector.shape_cast %swap3A_37 : vector<1x16xf32> to vector<16xf32>
      %swap3A_39 = vector.shape_cast %broadcast_in_dim3A_1 : vector<16xf32> to vector<1x16xf32>
      tpu.vector_store %arg6[%swap3A, %swap3A_36], %swap3A_39 {strides = array<i32>} : memref<128x16xf32, #tpu.memory_space<vmem>>, vector<1x16xf32>,
      %scan3A_40 = arith.constant 0 : i32
      scf.yield %scan3A_40 : i32
    }
    %scan3A_7 = arith.constant 128 : i32
    %mul3A_8 = arith.constant 8 : i32
    %mul3A_9 = arith.muli %arg1, %mul3A_8 : i32
    %lt3A = arith.constant 12 : i32
    %lt3A_10 = arith.cmpi slt, %arg1, %lt3A : i32
    %convert_element_type3A = arith.extui %lt3A_10 : i1 to i32
    %cond3A = arith.constant 0 : i32
    %cond3A_11 = arith.cmpi ne, %convert_element_type3A, %cond3A : i32
    scf.if %cond3A_11 {
      %add3A_34 = arith.constant 0 : i32
      %add3A_35 = arith.addi %mul3A_9, %add3A_34 : i32
      "tpu.region"() ({
        %run_scoped3A = tpu.sem_alloc : memref<!tpu.dma_semaphore, #tpu.memory_space<semaphore_mem>>
        %dma_start3A = arith.constant 0 : i32
        %dma_start3A_36 = arith.constant 0 : i32
        %dma_start3A_37 = tpu.memref_slice %arg6[%dma_start3A, %dma_start3A_36] : memref<128x16xf32, #tpu.memory_space<vmem>> -> memref<8x16xf32, #tpu.memory_space<vmem>>
        %dma_start3A_38 = arith.constant 0 : i32
        %dma_start3A_39 = tpu.memref_slice %arg4[%add3A_35, %dma_start3A_38] : memref<96x16xf32, #tpu.memory_space<vmem_shared>> -> memref<8x16xf32, #tpu.memory_space<vmem_shared>>
        %dma_start3A_40 = arith.constant 0 : i32
        %dma_start3A_41 = tpu.memref_slice %arg4[%add3A_35, %dma_start3A_40] : memref<96x16xf32, #tpu.memory_space<vmem_shared>> -> memref<8x16xf32, #tpu.memory_space<vmem_shared>>
        %dma_start3A_42 = arith.constant 0 : i32
        %dma_start3A_43 = arith.constant 0 : i32
        %dma_start3A_44 = tpu.memref_slice %arg6[%dma_start3A_42, %dma_start3A_43] : memref<128x16xf32, #tpu.memory_space<vmem>> -> memref<8x16xf32, #tpu.memory_space<vmem>>
        tpu.enqueue_dma source(%dma_start3A_44 : memref<8x16xf32, #tpu.memory_space<vmem>>) target(%dma_start3A_41 : memref<8x16xf32, #tpu.memory_space<vmem_shared>>) target_semaphore(%run_scoped3A : memref<!tpu.dma_semaphore, #tpu.memory_space<semaphore_mem>>)
        %dma_wait3A = arith.constant 0 : i32
        %dma_wait3A_45 = arith.constant 0 : i32
        %dma_wait3A_46 = tpu.memref_slice %arg6[%dma_wait3A, %dma_wait3A_45] : memref<128x16xf32, #tpu.memory_space<vmem>> -> memref<8x16xf32, #tpu.memory_space<vmem>>
        %dma_wait3A_47 = arith.constant 0 : i32
        %dma_wait3A_48 = tpu.memref_slice %arg4[%add3A_35, %dma_wait3A_47] : memref<96x16xf32, #tpu.memory_space<vmem_shared>> -> memref<8x16xf32, #tpu.memory_space<vmem_shared>>
        %dma_wait3A_49 = arith.constant 0 : i32
        %dma_wait3A_50 = tpu.memref_slice %arg4[%add3A_35, %dma_wait3A_49] : memref<96x16xf32, #tpu.memory_space<vmem_shared>> -> memref<8x16xf32, #tpu.memory_space<vmem_shared>>
        %dma_wait3A_51 = arith.constant 0 : i32
        %dma_wait3A_52 = arith.constant 0 : i32
        %dma_wait3A_53 = tpu.memref_slice %arg6[%dma_wait3A_51, %dma_wait3A_52] : memref<128x16xf32, #tpu.memory_space<vmem>> -> memref<8x16xf32, #tpu.memory_space<vmem>>
        tpu.wait_dma2 semaphore(%run_scoped3A : memref<!tpu.dma_semaphore, #tpu.memory_space<semaphore_mem>>) src(%dma_wait3A_53 : memref<8x16xf32, #tpu.memory_space<vmem>>) dst(%dma_wait3A_50 : memref<8x16xf32, #tpu.memory_space<vmem_shared>>)
        tpu.yield
      }) : () -> ()
    } else {
    }
    "tpu.region"() ({
      %run_scoped3A = tpu.sem_alloc : memref<!tpu.dma_semaphore, #tpu.memory_space<semaphore_mem>>
      %dma_start3A = arith.constant 0 : i32
      %dma_start3A_34 = arith.constant 0 : i32
      %dma_start3A_35 = tpu.memref_slice %arg2[%add3A, %dma_start3A, %dma_start3A_34] : memref<32x3x128xi32, #tpu.memory_space<hbm>> -> memref<1x3x128xi32, #tpu.memory_space<hbm>>
      %dma_start3A_36 = tpu.memref_squeeze %dma_start3A_35 : memref<1x3x128xi32, #tpu.memory_space<hbm>> -> memref<3x128xi32, #tpu.memory_space<hbm>>
      %dma_start3A_37 = arith.constant 0 : i32
      %dma_start3A_38 = arith.constant 0 : i32
      %dma_start3A_39 = tpu.memref_slice %arg2[%add3A, %dma_start3A_37, %dma_start3A_38] : memref<32x3x128xi32, #tpu.memory_space<hbm>> -> memref<1x3x128xi32, #tpu.memory_space<hbm>>
      %dma_start3A_40 = tpu.memref_squeeze %dma_start3A_39 : memref<1x3x128xi32, #tpu.memory_space<hbm>> -> memref<3x128xi32, #tpu.memory_space<hbm>>
      tpu.enqueue_dma source(%dma_start3A_40 : memref<3x128xi32, #tpu.memory_space<hbm>>) target(%arg5 : memref<3x128xi32, #tpu.memory_space<vmem>>) target_semaphore(%run_scoped3A : memref<!tpu.dma_semaphore, #tpu.memory_space<semaphore_mem>>)
      %dma_wait3A = arith.constant 0 : i32
      %dma_wait3A_41 = arith.constant 0 : i32
      %dma_wait3A_42 = tpu.memref_slice %arg2[%add3A, %dma_wait3A, %dma_wait3A_41] : memref<32x3x128xi32, #tpu.memory_space<hbm>> -> memref<1x3x128xi32, #tpu.memory_space<hbm>>
      %dma_wait3A_43 = tpu.memref_squeeze %dma_wait3A_42 : memref<1x3x128xi32, #tpu.memory_space<hbm>> -> memref<3x128xi32, #tpu.memory_space<hbm>>
      %dma_wait3A_44 = arith.constant 0 : i32
      %dma_wait3A_45 = arith.constant 0 : i32
      %dma_wait3A_46 = tpu.memref_slice %arg2[%add3A, %dma_wait3A_44, %dma_wait3A_45] : memref<32x3x128xi32, #tpu.memory_space<hbm>> -> memref<1x3x128xi32, #tpu.memory_space<hbm>>
      %dma_wait3A_47 = tpu.memref_squeeze %dma_wait3A_46 : memref<1x3x128xi32, #tpu.memory_space<hbm>> -> memref<3x128xi32, #tpu.memory_space<hbm>>
      tpu.wait_dma2 semaphore(%run_scoped3A : memref<!tpu.dma_semaphore, #tpu.memory_space<semaphore_mem>>) src(%dma_wait3A_47 : memref<3x128xi32, #tpu.memory_space<hbm>>) dst(%arg5 : memref<3x128xi32, #tpu.memory_space<vmem>>)
      tpu.yield
    }) : () -> ()
    %broadcast_in_dim3A_12 = arith.constant 1.000000e+00 : f32
    %broadcast_in_dim3A_13 = vector.broadcast %broadcast_in_dim3A_12 : f32 to vector<16xf32>
    %scan3A_14 = arith.constant 0 : i32
    %scan3A_15 = arith.constant 0 : i32
    %scan3A_16 = arith.constant 128 : i32
    %scan3A_17 = arith.addi %scan3A_15, %scan3A_16 : i32
    %scan3A_18 = arith.constant 1 : i32
    %scan3A_19 = scf.for %scan3A_34 = %scan3A_15 to %scan3A_17 step %scan3A_18 iter_args(%scan3A_35 = %scan3A_14) -> (i32)  : i32 {
      %swap3A = arith.index_cast %scan3A_34 : i32 to index
      %swap3A_36 = arith.constant 0 : index
      %swap3A_37 = tpu.vector_load %arg6[%swap3A, %swap3A_36] {strides = array<i32>} : memref<128x16xf32, #tpu.memory_space<vmem>>, vector<1x16xf32>,
      %swap3A_38 = vector.shape_cast %swap3A_37 : vector<1x16xf32> to vector<16xf32>
      %swap3A_39 = vector.shape_cast %broadcast_in_dim3A_13 : vector<16xf32> to vector<1x16xf32>
      tpu.vector_store %arg6[%swap3A, %swap3A_36], %swap3A_39 {strides = array<i32>} : memref<128x16xf32, #tpu.memory_space<vmem>>, vector<1x16xf32>,
      %scan3A_40 = arith.constant 0 : i32
      scf.yield %scan3A_40 : i32
    }
    %scan3A_20 = arith.constant 128 : i32
    %barrier3A = arith.constant 0 : index
    tpu.barrier barrier_id(%barrier3A)
    %scan3A_21 = arith.constant 0 : i32
    %scan3A_22 = arith.constant 0 : i32
    %scan3A_23 = arith.constant 3 : i32
    %scan3A_24 = arith.addi %scan3A_22, %scan3A_23 : i32
    %scan3A_25 = arith.constant 1 : i32
    %scan3A_26 = scf.for %scan3A_34 = %scan3A_22 to %scan3A_24 step %scan3A_25 iter_args(%scan3A_35 = %scan3A_21) -> (i32)  : i32 {
      "tpu.region"() ({
        %run_scoped3A = tpu.sem_alloc : memref<!tpu.dma_semaphore, #tpu.memory_space<semaphore_mem>>
        %dma_start3A = arith.constant 0 : i32
        %dma_start3A_37 = tpu.memref_slice %arg5[%scan3A_34, %dma_start3A] : memref<3x128xi32, #tpu.memory_space<vmem>> -> memref<1x128xi32, #tpu.memory_space<vmem>>
        %dma_start3A_38 = tpu.memref_squeeze %dma_start3A_37 : memref<1x128xi32, #tpu.memory_space<vmem>> -> memref<128xi32, #tpu.memory_space<vmem>>
        %dma_start3A_39 = arith.constant 0 : i32
        %dma_start3A_40 = arith.constant 0 : i32
        %dma_start3A_41 = tpu.memref_slice %arg4[%dma_start3A_39, %dma_start3A_40] : memref<96x16xf32, #tpu.memory_space<vmem_shared>> -> memref<96x16xf32, #tpu.memory_space<vmem_shared>>
        tpu.enqueue_indirect_dma source(%arg6 : memref<128x16xf32, #tpu.memory_space<vmem>>) target(%dma_start3A_41 : memref<96x16xf32, #tpu.memory_space<vmem_shared>>) offsets(%dma_start3A_38 : memref<128xi32, #tpu.memory_space<vmem>>) semaphore(%run_scoped3A : memref<!tpu.dma_semaphore, #tpu.memory_space<semaphore_mem>>) {add = true}
        %dma_wait3A = arith.constant 0 : i32
        %dma_wait3A_42 = tpu.memref_slice %arg5[%scan3A_34, %dma_wait3A] : memref<3x128xi32, #tpu.memory_space<vmem>> -> memref<1x128xi32, #tpu.memory_space<vmem>>
        %dma_wait3A_43 = tpu.memref_squeeze %dma_wait3A_42 : memref<1x128xi32, #tpu.memory_space<vmem>> -> memref<128xi32, #tpu.memory_space<vmem>>
        %dma_wait3A_44 = arith.constant 0 : i32
        %dma_wait3A_45 = arith.constant 0 : i32
        %dma_wait3A_46 = tpu.memref_slice %arg4[%dma_wait3A_44, %dma_wait3A_45] : memref<96x16xf32, #tpu.memory_space<vmem_shared>> -> memref<96x16xf32, #tpu.memory_space<vmem_shared>>
        tpu.wait_indirect_dma semaphore(%run_scoped3A : memref<!tpu.dma_semaphore, #tpu.memory_space<semaphore_mem>>) src(%arg6 : memref<128x16xf32, #tpu.memory_space<vmem>>) dst(%dma_wait3A_46 : memref<96x16xf32, #tpu.memory_space<vmem_shared>>)
        tpu.yield
      }) : () -> ()
      %scan3A_36 = arith.constant 0 : i32
      scf.yield %scan3A_36 : i32
    }
    %scan3A_27 = arith.constant 3 : i32
    %barrier3A_28 = arith.constant 0 : index
    tpu.barrier barrier_id(%barrier3A_28)
    %lt3A_29 = arith.constant 12 : i32
    %lt3A_30 = arith.cmpi slt, %arg1, %lt3A_29 : i32
    %convert_element_type3A_31 = arith.extui %lt3A_30 : i1 to i32
    %cond3A_32 = arith.constant 0 : i32
    %cond3A_33 = arith.cmpi ne, %convert_element_type3A_31, %cond3A_32 : i32
    scf.if %cond3A_33 {
      "tpu.region"() ({
        %run_scoped3A = tpu.sem_alloc : memref<!tpu.dma_semaphore, #tpu.memory_space<semaphore_mem>>
        %dma_start3A = arith.constant 0 : i32
        %dma_start3A_34 = tpu.memref_slice %arg3[%arg0, %mul3A_9, %dma_start3A] : memref<2x96x16xf32, #tpu.memory_space<hbm>> -> memref<1x8x16xf32, #tpu.memory_space<hbm>>
        %dma_start3A_35 = tpu.memref_squeeze %dma_start3A_34 : memref<1x8x16xf32, #tpu.memory_space<hbm>> -> memref<8x16xf32, #tpu.memory_space<hbm>>
        %dma_start3A_36 = arith.constant 0 : i32
        %dma_start3A_37 = tpu.memref_slice %arg4[%mul3A_9, %dma_start3A_36] : memref<96x16xf32, #tpu.memory_space<vmem_shared>> -> memref<8x16xf32, #tpu.memory_space<vmem_shared>>
        tpu.enqueue_dma source(%dma_start3A_37 : memref<8x16xf32, #tpu.memory_space<vmem_shared>>) target(%dma_start3A_35 : memref<8x16xf32, #tpu.memory_space<hbm>>) target_semaphore(%run_scoped3A : memref<!tpu.dma_semaphore, #tpu.memory_space<semaphore_mem>>)
        %dma_wait3A = arith.constant 0 : i32
        %dma_wait3A_38 = tpu.memref_slice %arg3[%arg0, %mul3A_9, %dma_wait3A] : memref<2x96x16xf32, #tpu.memory_space<hbm>> -> memref<1x8x16xf32, #tpu.memory_space<hbm>>
        %dma_wait3A_39 = tpu.memref_squeeze %dma_wait3A_38 : memref<1x8x16xf32, #tpu.memory_space<hbm>> -> memref<8x16xf32, #tpu.memory_space<hbm>>
        %dma_wait3A_40 = arith.constant 0 : i32
        %dma_wait3A_41 = tpu.memref_slice %arg4[%mul3A_9, %dma_wait3A_40] : memref<96x16xf32, #tpu.memory_space<vmem_shared>> -> memref<8x16xf32, #tpu.memory_space<vmem_shared>>
        tpu.wait_dma2 semaphore(%run_scoped3A : memref<!tpu.dma_semaphore, #tpu.memory_space<semaphore_mem>>) src(%dma_wait3A_41 : memref<8x16xf32, #tpu.memory_space<vmem_shared>>) dst(%dma_wait3A_39 : memref<8x16xf32, #tpu.memory_space<hbm>>)
        tpu.yield
      }) : () -> ()
    } else {
    }
    return
  }
}

#map = affine_map<(d0, d1) -> (0, 0)>
#map1 = affine_map<(d0, d1) -> (0, 0, 0, 0)>
#map2 = affine_map<(d0, d1) -> (0, 0, 0)>
module attributes {stable_mosaic.version = 14 : i64} {
  func.func @body(%arg0: i32, %arg1: i32, %arg2: memref<10000x128xf32, #tpu.memory_space<hbm>>, %arg3: memref<32x3x1x128xi32, #tpu.memory_space<hbm>>, %arg4: memref<32x3x128xi32, #tpu.memory_space<hbm>>, %arg5: memref<2x96x128xf32, #tpu.memory_space<hbm>>, %arg6: memref<96x128xf32, #tpu.memory_space<vmem_shared>>, %arg7: memref<3x128xi32, #tpu.memory_space<vmem>>, %arg8: memref<128x128xf32, #tpu.memory_space<vmem>>, %arg9: memref<!tpu.dma_semaphore, #tpu.memory_space<semaphore_mem>>, %arg10: memref<1x128xi32, #tpu.memory_space<vmem>>, %arg11: memref<1x128xi32, #tpu.memory_space<vmem>>, %arg12: memref<128x128xf32, #tpu.memory_space<vmem>>, %arg13: memref<!tpu.dma_semaphore, #tpu.memory_space<semaphore_mem>>, %arg14: memref<!tpu.dma_semaphore, #tpu.memory_space<semaphore_mem>>, %arg15: memref<!tpu.dma_semaphore, #tpu.memory_space<semaphore_mem>>, %arg16: memref<!tpu.dma_semaphore, #tpu.memory_space<semaphore_mem>>) attributes {dimension_semantics = [#tpu.dimension_semantics<core_parallel>, #tpu.dimension_semantics<subcore_parallel>], iteration_bounds = array<i64: 2, 16>, scalar_prefetch = 0 : i64, scratch_operands = 11 : i64, tpu.core_type = #tpu.core_type<sc_vector_subcore>, window_params = [{transform_indices = #map}, {transform_indices = #map1}, {transform_indices = #map2}, {transform_indices = #map2}]} {
    %mul3A = arith.constant 16 : i32
    %mul3A_0 = arith.muli %arg0, %mul3A : i32
    %add3A = arith.addi %mul3A_0, %arg1 : i32
    %broadcast_in_dim3A = arith.constant 0.000000e+00 : f32
    %broadcast_in_dim3A_1 = vector.broadcast %broadcast_in_dim3A : f32 to vector<16xf32>
    %scan3A = arith.constant 0 : i32
    %scan3A_2 = arith.constant 0 : i32
    %scan3A_3 = arith.constant 128 : i32
    %scan3A_4 = arith.addi %scan3A_2, %scan3A_3 : i32
    %scan3A_5 = arith.constant 1 : i32
    %scan3A_6 = scf.for %scan3A_171 = %scan3A_2 to %scan3A_4 step %scan3A_5 iter_args(%scan3A_172 = %scan3A) -> (i32)  : i32 {
      %swap3A = arith.index_cast %scan3A_171 : i32 to index
      %swap3A_173 = arith.constant 0 : index
      %swap3A_174 = tpu.vector_load %arg8[%swap3A, %swap3A_173] {strides = array<i32>} : memref<128x128xf32, #tpu.memory_space<vmem>>, vector<1x16xf32>,
      %swap3A_175 = vector.shape_cast %swap3A_174 : vector<1x16xf32> to vector<16xf32>
      %swap3A_176 = vector.shape_cast %broadcast_in_dim3A_1 : vector<16xf32> to vector<1x16xf32>
      tpu.vector_store %arg8[%swap3A, %swap3A_173], %swap3A_176 {strides = array<i32>} : memref<128x128xf32, #tpu.memory_space<vmem>>, vector<1x16xf32>,
      %swap3A_177 = arith.index_cast %scan3A_171 : i32 to index
      %swap3A_178 = arith.constant 16 : index
      %swap3A_179 = tpu.vector_load %arg8[%swap3A_177, %swap3A_178] {strides = array<i32>} : memref<128x128xf32, #tpu.memory_space<vmem>>, vector<1x16xf32>,
      %swap3A_180 = vector.shape_cast %swap3A_179 : vector<1x16xf32> to vector<16xf32>
      %swap3A_181 = vector.shape_cast %broadcast_in_dim3A_1 : vector<16xf32> to vector<1x16xf32>
      tpu.vector_store %arg8[%swap3A_177, %swap3A_178], %swap3A_181 {strides = array<i32>} : memref<128x128xf32, #tpu.memory_space<vmem>>, vector<1x16xf32>,
      %swap3A_182 = arith.index_cast %scan3A_171 : i32 to index
      %swap3A_183 = arith.constant 32 : index
      %swap3A_184 = tpu.vector_load %arg8[%swap3A_182, %swap3A_183] {strides = array<i32>} : memref<128x128xf32, #tpu.memory_space<vmem>>, vector<1x16xf32>,
      %swap3A_185 = vector.shape_cast %swap3A_184 : vector<1x16xf32> to vector<16xf32>
      %swap3A_186 = vector.shape_cast %broadcast_in_dim3A_1 : vector<16xf32> to vector<1x16xf32>
      tpu.vector_store %arg8[%swap3A_182, %swap3A_183], %swap3A_186 {strides = array<i32>} : memref<128x128xf32, #tpu.memory_space<vmem>>, vector<1x16xf32>,
      %swap3A_187 = arith.index_cast %scan3A_171 : i32 to index
      %swap3A_188 = arith.constant 48 : index
      %swap3A_189 = tpu.vector_load %arg8[%swap3A_187, %swap3A_188] {strides = array<i32>} : memref<128x128xf32, #tpu.memory_space<vmem>>, vector<1x16xf32>,
      %swap3A_190 = vector.shape_cast %swap3A_189 : vector<1x16xf32> to vector<16xf32>
      %swap3A_191 = vector.shape_cast %broadcast_in_dim3A_1 : vector<16xf32> to vector<1x16xf32>
      tpu.vector_store %arg8[%swap3A_187, %swap3A_188], %swap3A_191 {strides = array<i32>} : memref<128x128xf32, #tpu.memory_space<vmem>>, vector<1x16xf32>,
      %swap3A_192 = arith.index_cast %scan3A_171 : i32 to index
      %swap3A_193 = arith.constant 64 : index
      %swap3A_194 = tpu.vector_load %arg8[%swap3A_192, %swap3A_193] {strides = array<i32>} : memref<128x128xf32, #tpu.memory_space<vmem>>, vector<1x16xf32>,
      %swap3A_195 = vector.shape_cast %swap3A_194 : vector<1x16xf32> to vector<16xf32>
      %swap3A_196 = vector.shape_cast %broadcast_in_dim3A_1 : vector<16xf32> to vector<1x16xf32>
      tpu.vector_store %arg8[%swap3A_192, %swap3A_193], %swap3A_196 {strides = array<i32>} : memref<128x128xf32, #tpu.memory_space<vmem>>, vector<1x16xf32>,
      %swap3A_197 = arith.index_cast %scan3A_171 : i32 to index
      %swap3A_198 = arith.constant 80 : index
      %swap3A_199 = tpu.vector_load %arg8[%swap3A_197, %swap3A_198] {strides = array<i32>} : memref<128x128xf32, #tpu.memory_space<vmem>>, vector<1x16xf32>,
      %swap3A_200 = vector.shape_cast %swap3A_199 : vector<1x16xf32> to vector<16xf32>
      %swap3A_201 = vector.shape_cast %broadcast_in_dim3A_1 : vector<16xf32> to vector<1x16xf32>
      tpu.vector_store %arg8[%swap3A_197, %swap3A_198], %swap3A_201 {strides = array<i32>} : memref<128x128xf32, #tpu.memory_space<vmem>>, vector<1x16xf32>,
      %swap3A_202 = arith.index_cast %scan3A_171 : i32 to index
      %swap3A_203 = arith.constant 96 : index
      %swap3A_204 = tpu.vector_load %arg8[%swap3A_202, %swap3A_203] {strides = array<i32>} : memref<128x128xf32, #tpu.memory_space<vmem>>, vector<1x16xf32>,
      %swap3A_205 = vector.shape_cast %swap3A_204 : vector<1x16xf32> to vector<16xf32>
      %swap3A_206 = vector.shape_cast %broadcast_in_dim3A_1 : vector<16xf32> to vector<1x16xf32>
      tpu.vector_store %arg8[%swap3A_202, %swap3A_203], %swap3A_206 {strides = array<i32>} : memref<128x128xf32, #tpu.memory_space<vmem>>, vector<1x16xf32>,
      %swap3A_207 = arith.index_cast %scan3A_171 : i32 to index
      %swap3A_208 = arith.constant 112 : index
      %swap3A_209 = tpu.vector_load %arg8[%swap3A_207, %swap3A_208] {strides = array<i32>} : memref<128x128xf32, #tpu.memory_space<vmem>>, vector<1x16xf32>,
      %swap3A_210 = vector.shape_cast %swap3A_209 : vector<1x16xf32> to vector<16xf32>
      %swap3A_211 = vector.shape_cast %broadcast_in_dim3A_1 : vector<16xf32> to vector<1x16xf32>
      tpu.vector_store %arg8[%swap3A_207, %swap3A_208], %swap3A_211 {strides = array<i32>} : memref<128x128xf32, #tpu.memory_space<vmem>>, vector<1x16xf32>,
      %scan3A_212 = arith.constant 0 : i32
      scf.yield %scan3A_212 : i32
    }
    %scan3A_7 = arith.constant 128 : i32
    %mul3A_8 = arith.constant 8 : i32
    %mul3A_9 = arith.muli %arg1, %mul3A_8 : i32
    %lt3A = arith.constant 12 : i32
    %lt3A_10 = arith.cmpi slt, %arg1, %lt3A : i32
    %convert_element_type3A = arith.extui %lt3A_10 : i1 to i32
    %cond3A = arith.constant 0 : i32
    %cond3A_11 = arith.cmpi ne, %convert_element_type3A, %cond3A : i32
    scf.if %cond3A_11 {
      %add3A_171 = arith.constant 0 : i32
      %add3A_172 = arith.addi %mul3A_9, %add3A_171 : i32
      "tpu.region"() ({
        %run_scoped3A = tpu.sem_alloc : memref<!tpu.dma_semaphore, #tpu.memory_space<semaphore_mem>>
        %dma_start3A_173 = arith.constant 0 : i32
        %dma_start3A_174 = arith.constant 0 : i32
        %dma_start3A_175 = tpu.memref_slice %arg8[%dma_start3A_173, %dma_start3A_174] : memref<128x128xf32, #tpu.memory_space<vmem>> -> memref<8x128xf32, #tpu.memory_space<vmem>>
        %dma_start3A_176 = arith.constant 0 : i32
        %dma_start3A_177 = tpu.memref_slice %arg6[%add3A_172, %dma_start3A_176] : memref<96x128xf32, #tpu.memory_space<vmem_shared>> -> memref<8x128xf32, #tpu.memory_space<vmem_shared>>
        %dma_start3A_178 = arith.constant 0 : i32
        %dma_start3A_179 = tpu.memref_slice %arg6[%add3A_172, %dma_start3A_178] : memref<96x128xf32, #tpu.memory_space<vmem_shared>> -> memref<8x128xf32, #tpu.memory_space<vmem_shared>>
        %dma_start3A_180 = arith.constant 0 : i32
        %dma_start3A_181 = arith.constant 0 : i32
        %dma_start3A_182 = tpu.memref_slice %arg8[%dma_start3A_180, %dma_start3A_181] : memref<128x128xf32, #tpu.memory_space<vmem>> -> memref<8x128xf32, #tpu.memory_space<vmem>>
        tpu.enqueue_dma source(%dma_start3A_182 : memref<8x128xf32, #tpu.memory_space<vmem>>) target(%dma_start3A_179 : memref<8x128xf32, #tpu.memory_space<vmem_shared>>) target_semaphore(%run_scoped3A : memref<!tpu.dma_semaphore, #tpu.memory_space<semaphore_mem>>)
        %dma_wait3A_183 = arith.constant 0 : i32
        %dma_wait3A_184 = arith.constant 0 : i32
        %dma_wait3A_185 = tpu.memref_slice %arg8[%dma_wait3A_183, %dma_wait3A_184] : memref<128x128xf32, #tpu.memory_space<vmem>> -> memref<8x128xf32, #tpu.memory_space<vmem>>
        %dma_wait3A_186 = arith.constant 0 : i32
        %dma_wait3A_187 = tpu.memref_slice %arg6[%add3A_172, %dma_wait3A_186] : memref<96x128xf32, #tpu.memory_space<vmem_shared>> -> memref<8x128xf32, #tpu.memory_space<vmem_shared>>
        %dma_wait3A_188 = arith.constant 0 : i32
        %dma_wait3A_189 = tpu.memref_slice %arg6[%add3A_172, %dma_wait3A_188] : memref<96x128xf32, #tpu.memory_space<vmem_shared>> -> memref<8x128xf32, #tpu.memory_space<vmem_shared>>
        %dma_wait3A_190 = arith.constant 0 : i32
        %dma_wait3A_191 = arith.constant 0 : i32
        %dma_wait3A_192 = tpu.memref_slice %arg8[%dma_wait3A_190, %dma_wait3A_191] : memref<128x128xf32, #tpu.memory_space<vmem>> -> memref<8x128xf32, #tpu.memory_space<vmem>>
        tpu.wait_dma2 semaphore(%run_scoped3A : memref<!tpu.dma_semaphore, #tpu.memory_space<semaphore_mem>>) src(%dma_wait3A_192 : memref<8x128xf32, #tpu.memory_space<vmem>>) dst(%dma_wait3A_189 : memref<8x128xf32, #tpu.memory_space<vmem_shared>>)
        tpu.yield
      }) : () -> ()
    } else {
    }
    "tpu.region"() ({
      %run_scoped3A = tpu.sem_alloc : memref<!tpu.dma_semaphore, #tpu.memory_space<semaphore_mem>>
      %dma_start3A_171 = arith.constant 0 : i32
      %dma_start3A_172 = arith.constant 0 : i32
      %dma_start3A_173 = tpu.memref_slice %arg4[%add3A, %dma_start3A_171, %dma_start3A_172] : memref<32x3x128xi32, #tpu.memory_space<hbm>> -> memref<1x3x128xi32, #tpu.memory_space<hbm>>
      %dma_start3A_174 = tpu.memref_squeeze %dma_start3A_173 : memref<1x3x128xi32, #tpu.memory_space<hbm>> -> memref<3x128xi32, #tpu.memory_space<hbm>>
      %dma_start3A_175 = arith.constant 0 : i32
      %dma_start3A_176 = arith.constant 0 : i32
      %dma_start3A_177 = tpu.memref_slice %arg4[%add3A, %dma_start3A_175, %dma_start3A_176] : memref<32x3x128xi32, #tpu.memory_space<hbm>> -> memref<1x3x128xi32, #tpu.memory_space<hbm>>
      %dma_start3A_178 = tpu.memref_squeeze %dma_start3A_177 : memref<1x3x128xi32, #tpu.memory_space<hbm>> -> memref<3x128xi32, #tpu.memory_space<hbm>>
      tpu.enqueue_dma source(%dma_start3A_178 : memref<3x128xi32, #tpu.memory_space<hbm>>) target(%arg7 : memref<3x128xi32, #tpu.memory_space<vmem>>) target_semaphore(%run_scoped3A : memref<!tpu.dma_semaphore, #tpu.memory_space<semaphore_mem>>)
      %dma_wait3A_179 = arith.constant 0 : i32
      %dma_wait3A_180 = arith.constant 0 : i32
      %dma_wait3A_181 = tpu.memref_slice %arg4[%add3A, %dma_wait3A_179, %dma_wait3A_180] : memref<32x3x128xi32, #tpu.memory_space<hbm>> -> memref<1x3x128xi32, #tpu.memory_space<hbm>>
      %dma_wait3A_182 = tpu.memref_squeeze %dma_wait3A_181 : memref<1x3x128xi32, #tpu.memory_space<hbm>> -> memref<3x128xi32, #tpu.memory_space<hbm>>
      %dma_wait3A_183 = arith.constant 0 : i32
      %dma_wait3A_184 = arith.constant 0 : i32
      %dma_wait3A_185 = tpu.memref_slice %arg4[%add3A, %dma_wait3A_183, %dma_wait3A_184] : memref<32x3x128xi32, #tpu.memory_space<hbm>> -> memref<1x3x128xi32, #tpu.memory_space<hbm>>
      %dma_wait3A_186 = tpu.memref_squeeze %dma_wait3A_185 : memref<1x3x128xi32, #tpu.memory_space<hbm>> -> memref<3x128xi32, #tpu.memory_space<hbm>>
      tpu.wait_dma2 semaphore(%run_scoped3A : memref<!tpu.dma_semaphore, #tpu.memory_space<semaphore_mem>>) src(%dma_wait3A_186 : memref<3x128xi32, #tpu.memory_space<hbm>>) dst(%arg7 : memref<3x128xi32, #tpu.memory_space<vmem>>)
      tpu.yield
    }) : () -> ()
    %barrier3A = arith.constant 0 : index
    tpu.barrier barrier_id(%barrier3A)
    %dma_start3A = arith.constant 0 : i32
    %dma_start3A_12 = arith.constant 0 : i32
    %dma_start3A_13 = arith.constant 0 : i32
    %dma_start3A_14 = tpu.memref_slice %arg3[%add3A, %dma_start3A, %dma_start3A_12, %dma_start3A_13] : memref<32x3x1x128xi32, #tpu.memory_space<hbm>> -> memref<1x1x1x128xi32, #tpu.memory_space<hbm>>
    %dma_start3A_15 = tpu.memref_squeeze %dma_start3A_14 : memref<1x1x1x128xi32, #tpu.memory_space<hbm>> -> memref<1x128xi32, #tpu.memory_space<hbm>>
    %dma_start3A_16 = arith.constant 0 : i32
    %dma_start3A_17 = arith.constant 0 : i32
    %dma_start3A_18 = tpu.memref_slice %arg3[%add3A, %dma_start3A, %dma_start3A_16, %dma_start3A_17] : memref<32x3x1x128xi32, #tpu.memory_space<hbm>> -> memref<1x1x1x128xi32, #tpu.memory_space<hbm>>
    %dma_start3A_19 = tpu.memref_squeeze %dma_start3A_18 : memref<1x1x1x128xi32, #tpu.memory_space<hbm>> -> memref<1x128xi32, #tpu.memory_space<hbm>>
    tpu.enqueue_dma source(%dma_start3A_19 : memref<1x128xi32, #tpu.memory_space<hbm>>) target(%arg10 : memref<1x128xi32, #tpu.memory_space<vmem>>) target_semaphore(%arg15 : memref<!tpu.dma_semaphore, #tpu.memory_space<semaphore_mem>>)
    %dma_start3A_20 = arith.constant 1 : i32
    %dma_start3A_21 = arith.constant 0 : i32
    %dma_start3A_22 = arith.constant 0 : i32
    %dma_start3A_23 = tpu.memref_slice %arg3[%add3A, %dma_start3A_20, %dma_start3A_21, %dma_start3A_22] : memref<32x3x1x128xi32, #tpu.memory_space<hbm>> -> memref<1x1x1x128xi32, #tpu.memory_space<hbm>>
    %dma_start3A_24 = tpu.memref_squeeze %dma_start3A_23 : memref<1x1x1x128xi32, #tpu.memory_space<hbm>> -> memref<1x128xi32, #tpu.memory_space<hbm>>
    %dma_start3A_25 = arith.constant 0 : i32
    %dma_start3A_26 = arith.constant 0 : i32
    %dma_start3A_27 = tpu.memref_slice %arg3[%add3A, %dma_start3A_20, %dma_start3A_25, %dma_start3A_26] : memref<32x3x1x128xi32, #tpu.memory_space<hbm>> -> memref<1x1x1x128xi32, #tpu.memory_space<hbm>>
    %dma_start3A_28 = tpu.memref_squeeze %dma_start3A_27 : memref<1x1x1x128xi32, #tpu.memory_space<hbm>> -> memref<1x128xi32, #tpu.memory_space<hbm>>
    tpu.enqueue_dma source(%dma_start3A_28 : memref<1x128xi32, #tpu.memory_space<hbm>>) target(%arg11 : memref<1x128xi32, #tpu.memory_space<vmem>>) target_semaphore(%arg16 : memref<!tpu.dma_semaphore, #tpu.memory_space<semaphore_mem>>)
    %dma_wait3A = arith.constant 0 : i32
    %dma_wait3A_29 = arith.constant 0 : i32
    %dma_wait3A_30 = arith.constant 0 : i32
    %dma_wait3A_31 = tpu.memref_slice %arg3[%add3A, %dma_wait3A, %dma_wait3A_29, %dma_wait3A_30] : memref<32x3x1x128xi32, #tpu.memory_space<hbm>> -> memref<1x1x1x128xi32, #tpu.memory_space<hbm>>
    %dma_wait3A_32 = tpu.memref_squeeze %dma_wait3A_31 : memref<1x1x1x128xi32, #tpu.memory_space<hbm>> -> memref<1x128xi32, #tpu.memory_space<hbm>>
    %dma_wait3A_33 = arith.constant 0 : i32
    %dma_wait3A_34 = arith.constant 0 : i32
    %dma_wait3A_35 = tpu.memref_slice %arg3[%add3A, %dma_wait3A, %dma_wait3A_33, %dma_wait3A_34] : memref<32x3x1x128xi32, #tpu.memory_space<hbm>> -> memref<1x1x1x128xi32, #tpu.memory_space<hbm>>
    %dma_wait3A_36 = tpu.memref_squeeze %dma_wait3A_35 : memref<1x1x1x128xi32, #tpu.memory_space<hbm>> -> memref<1x128xi32, #tpu.memory_space<hbm>>
    tpu.wait_dma2 semaphore(%arg15 : memref<!tpu.dma_semaphore, #tpu.memory_space<semaphore_mem>>) src(%dma_wait3A_36 : memref<1x128xi32, #tpu.memory_space<hbm>>) dst(%arg10 : memref<1x128xi32, #tpu.memory_space<vmem>>)
    %dma_start3A_37 = arith.constant 0 : i32
    %dma_start3A_38 = arith.constant 0 : i32
    %dma_start3A_39 = tpu.memref_slice %arg10[%dma_start3A_37, %dma_start3A_38] : memref<1x128xi32, #tpu.memory_space<vmem>> -> memref<1x128xi32, #tpu.memory_space<vmem>>
    %dma_start3A_40 = tpu.memref_squeeze %dma_start3A_39 : memref<1x128xi32, #tpu.memory_space<vmem>> -> memref<128xi32, #tpu.memory_space<vmem>>
    %dma_start3A_41 = arith.constant 0 : i32
    %dma_start3A_42 = arith.constant 0 : i32
    %dma_start3A_43 = tpu.memref_slice %arg2[%dma_start3A_41, %dma_start3A_42] : memref<10000x128xf32, #tpu.memory_space<hbm>> -> memref<10000x128xf32, #tpu.memory_space<hbm>>
    tpu.enqueue_indirect_dma source(%dma_start3A_43 : memref<10000x128xf32, #tpu.memory_space<hbm>>) target(%arg8 : memref<128x128xf32, #tpu.memory_space<vmem>>) offsets(%dma_start3A_40 : memref<128xi32, #tpu.memory_space<vmem>>) semaphore(%arg9 : memref<!tpu.dma_semaphore, #tpu.memory_space<semaphore_mem>>)
    %scan3A_44 = arith.constant 0 : i32
    %scan3A_45 = arith.constant 0 : i32
    %mul3A_46 = arith.constant 2 : i32
    %mul3A_47 = arith.muli %mul3A_46, %scan3A_45 : i32
    %add3A_48 = arith.constant 1 : i32
    %add3A_49 = arith.addi %mul3A_47, %add3A_48 : i32
    %dma_wait3A_50 = arith.constant 0 : i32
    %dma_wait3A_51 = arith.constant 0 : i32
    %dma_wait3A_52 = tpu.memref_slice %arg10[%dma_wait3A_50, %dma_wait3A_51] : memref<1x128xi32, #tpu.memory_space<vmem>> -> memref<1x128xi32, #tpu.memory_space<vmem>>
    %dma_wait3A_53 = tpu.memref_squeeze %dma_wait3A_52 : memref<1x128xi32, #tpu.memory_space<vmem>> -> memref<128xi32, #tpu.memory_space<vmem>>
    %dma_wait3A_54 = arith.constant 0 : i32
    %dma_wait3A_55 = arith.constant 0 : i32
    %dma_wait3A_56 = tpu.memref_slice %arg2[%dma_wait3A_54, %dma_wait3A_55] : memref<10000x128xf32, #tpu.memory_space<hbm>> -> memref<10000x128xf32, #tpu.memory_space<hbm>>
    tpu.wait_indirect_dma semaphore(%arg9 : memref<!tpu.dma_semaphore, #tpu.memory_space<semaphore_mem>>) src(%dma_wait3A_56 : memref<10000x128xf32, #tpu.memory_space<hbm>>) dst(%arg8 : memref<128x128xf32, #tpu.memory_space<vmem>>)
    %add3A_57 = arith.constant 2 : i32
    %add3A_58 = arith.addi %mul3A_47, %add3A_57 : i32
    %dma_start3A_59 = arith.constant 0 : i32
    %dma_start3A_60 = arith.constant 0 : i32
    %dma_start3A_61 = tpu.memref_slice %arg3[%add3A, %add3A_58, %dma_start3A_59, %dma_start3A_60] : memref<32x3x1x128xi32, #tpu.memory_space<hbm>> -> memref<1x1x1x128xi32, #tpu.memory_space<hbm>>
    %dma_start3A_62 = tpu.memref_squeeze %dma_start3A_61 : memref<1x1x1x128xi32, #tpu.memory_space<hbm>> -> memref<1x128xi32, #tpu.memory_space<hbm>>
    %dma_start3A_63 = arith.constant 0 : i32
    %dma_start3A_64 = arith.constant 0 : i32
    %dma_start3A_65 = tpu.memref_slice %arg3[%add3A, %add3A_58, %dma_start3A_63, %dma_start3A_64] : memref<32x3x1x128xi32, #tpu.memory_space<hbm>> -> memref<1x1x1x128xi32, #tpu.memory_space<hbm>>
    %dma_start3A_66 = tpu.memref_squeeze %dma_start3A_65 : memref<1x1x1x128xi32, #tpu.memory_space<hbm>> -> memref<1x128xi32, #tpu.memory_space<hbm>>
    tpu.enqueue_dma source(%dma_start3A_66 : memref<1x128xi32, #tpu.memory_space<hbm>>) target(%arg10 : memref<1x128xi32, #tpu.memory_space<vmem>>) target_semaphore(%arg15 : memref<!tpu.dma_semaphore, #tpu.memory_space<semaphore_mem>>)
    %gt3A = arith.constant 0 : i32
    %gt3A_67 = arith.cmpi sgt, %scan3A_45, %gt3A : i32
    %convert_element_type3A_68 = arith.extui %gt3A_67 : i1 to i32
    %cond3A_69 = arith.constant 0 : i32
    %cond3A_70 = arith.cmpi ne, %convert_element_type3A_68, %cond3A_69 : i32
    scf.if %cond3A_70 {
      %sub3A = arith.constant 1 : i32
      %sub3A_171 = arith.subi %mul3A_47, %sub3A : i32
      %dma_wait3A_172 = arith.constant 0 : i32
      %dma_wait3A_173 = tpu.memref_slice %arg7[%sub3A_171, %dma_wait3A_172] : memref<3x128xi32, #tpu.memory_space<vmem>> -> memref<1x128xi32, #tpu.memory_space<vmem>>
      %dma_wait3A_174 = tpu.memref_squeeze %dma_wait3A_173 : memref<1x128xi32, #tpu.memory_space<vmem>> -> memref<128xi32, #tpu.memory_space<vmem>>
      %dma_wait3A_175 = arith.constant 0 : i32
      %dma_wait3A_176 = arith.constant 0 : i32
      %dma_wait3A_177 = tpu.memref_slice %arg6[%dma_wait3A_175, %dma_wait3A_176] : memref<96x128xf32, #tpu.memory_space<vmem_shared>> -> memref<96x128xf32, #tpu.memory_space<vmem_shared>>
      tpu.wait_indirect_dma semaphore(%arg14 : memref<!tpu.dma_semaphore, #tpu.memory_space<semaphore_mem>>) src(%arg12 : memref<128x128xf32, #tpu.memory_space<vmem>>) dst(%dma_wait3A_177 : memref<96x128xf32, #tpu.memory_space<vmem_shared>>)
    } else {
    }
    %dma_start3A_71 = arith.constant 0 : i32
    %dma_start3A_72 = tpu.memref_slice %arg7[%mul3A_47, %dma_start3A_71] : memref<3x128xi32, #tpu.memory_space<vmem>> -> memref<1x128xi32, #tpu.memory_space<vmem>>
    %dma_start3A_73 = tpu.memref_squeeze %dma_start3A_72 : memref<1x128xi32, #tpu.memory_space<vmem>> -> memref<128xi32, #tpu.memory_space<vmem>>
    %dma_start3A_74 = arith.constant 0 : i32
    %dma_start3A_75 = arith.constant 0 : i32
    %dma_start3A_76 = tpu.memref_slice %arg6[%dma_start3A_74, %dma_start3A_75] : memref<96x128xf32, #tpu.memory_space<vmem_shared>> -> memref<96x128xf32, #tpu.memory_space<vmem_shared>>
    tpu.enqueue_indirect_dma source(%arg8 : memref<128x128xf32, #tpu.memory_space<vmem>>) target(%dma_start3A_76 : memref<96x128xf32, #tpu.memory_space<vmem_shared>>) offsets(%dma_start3A_73 : memref<128xi32, #tpu.memory_space<vmem>>) semaphore(%arg14 : memref<!tpu.dma_semaphore, #tpu.memory_space<semaphore_mem>>) {add = true}
    %dma_wait3A_77 = arith.constant 0 : i32
    %dma_wait3A_78 = arith.constant 0 : i32
    %dma_wait3A_79 = tpu.memref_slice %arg3[%add3A, %add3A_49, %dma_wait3A_77, %dma_wait3A_78] : memref<32x3x1x128xi32, #tpu.memory_space<hbm>> -> memref<1x1x1x128xi32, #tpu.memory_space<hbm>>
    %dma_wait3A_80 = tpu.memref_squeeze %dma_wait3A_79 : memref<1x1x1x128xi32, #tpu.memory_space<hbm>> -> memref<1x128xi32, #tpu.memory_space<hbm>>
    %dma_wait3A_81 = arith.constant 0 : i32
    %dma_wait3A_82 = arith.constant 0 : i32
    %dma_wait3A_83 = tpu.memref_slice %arg3[%add3A, %add3A_49, %dma_wait3A_81, %dma_wait3A_82] : memref<32x3x1x128xi32, #tpu.memory_space<hbm>> -> memref<1x1x1x128xi32, #tpu.memory_space<hbm>>
    %dma_wait3A_84 = tpu.memref_squeeze %dma_wait3A_83 : memref<1x1x1x128xi32, #tpu.memory_space<hbm>> -> memref<1x128xi32, #tpu.memory_space<hbm>>
    tpu.wait_dma2 semaphore(%arg16 : memref<!tpu.dma_semaphore, #tpu.memory_space<semaphore_mem>>) src(%dma_wait3A_84 : memref<1x128xi32, #tpu.memory_space<hbm>>) dst(%arg11 : memref<1x128xi32, #tpu.memory_space<vmem>>)
    %dma_start3A_85 = arith.constant 0 : i32
    %dma_start3A_86 = arith.constant 0 : i32
    %dma_start3A_87 = tpu.memref_slice %arg11[%dma_start3A_85, %dma_start3A_86] : memref<1x128xi32, #tpu.memory_space<vmem>> -> memref<1x128xi32, #tpu.memory_space<vmem>>
    %dma_start3A_88 = tpu.memref_squeeze %dma_start3A_87 : memref<1x128xi32, #tpu.memory_space<vmem>> -> memref<128xi32, #tpu.memory_space<vmem>>
    %dma_start3A_89 = arith.constant 0 : i32
    %dma_start3A_90 = arith.constant 0 : i32
    %dma_start3A_91 = tpu.memref_slice %arg2[%dma_start3A_89, %dma_start3A_90] : memref<10000x128xf32, #tpu.memory_space<hbm>> -> memref<10000x128xf32, #tpu.memory_space<hbm>>
    tpu.enqueue_indirect_dma source(%dma_start3A_91 : memref<10000x128xf32, #tpu.memory_space<hbm>>) target(%arg12 : memref<128x128xf32, #tpu.memory_space<vmem>>) offsets(%dma_start3A_88 : memref<128xi32, #tpu.memory_space<vmem>>) semaphore(%arg13 : memref<!tpu.dma_semaphore, #tpu.memory_space<semaphore_mem>>)
    %dma_wait3A_92 = arith.constant 0 : i32
    %dma_wait3A_93 = arith.constant 0 : i32
    %dma_wait3A_94 = tpu.memref_slice %arg11[%dma_wait3A_92, %dma_wait3A_93] : memref<1x128xi32, #tpu.memory_space<vmem>> -> memref<1x128xi32, #tpu.memory_space<vmem>>
    %dma_wait3A_95 = tpu.memref_squeeze %dma_wait3A_94 : memref<1x128xi32, #tpu.memory_space<vmem>> -> memref<128xi32, #tpu.memory_space<vmem>>
    %dma_wait3A_96 = arith.constant 0 : i32
    %dma_wait3A_97 = arith.constant 0 : i32
    %dma_wait3A_98 = tpu.memref_slice %arg2[%dma_wait3A_96, %dma_wait3A_97] : memref<10000x128xf32, #tpu.memory_space<hbm>> -> memref<10000x128xf32, #tpu.memory_space<hbm>>
    tpu.wait_indirect_dma semaphore(%arg13 : memref<!tpu.dma_semaphore, #tpu.memory_space<semaphore_mem>>) src(%dma_wait3A_98 : memref<10000x128xf32, #tpu.memory_space<hbm>>) dst(%arg12 : memref<128x128xf32, #tpu.memory_space<vmem>>)
    %lt3A_99 = arith.constant 0 : i32
    %lt3A_100 = arith.cmpi slt, %scan3A_45, %lt3A_99 : i32
    %convert_element_type3A_101 = arith.extui %lt3A_100 : i1 to i32
    %cond3A_102 = arith.constant 0 : i32
    %cond3A_103 = arith.cmpi ne, %convert_element_type3A_101, %cond3A_102 : i32
    scf.if %cond3A_103 {
      %add3A_171 = arith.constant 2 : i32
      %add3A_172 = arith.addi %add3A_49, %add3A_171 : i32
      %dma_start3A_173 = arith.constant 0 : i32
      %dma_start3A_174 = arith.constant 0 : i32
      %dma_start3A_175 = tpu.memref_slice %arg3[%add3A, %add3A_172, %dma_start3A_173, %dma_start3A_174] : memref<32x3x1x128xi32, #tpu.memory_space<hbm>> -> memref<1x1x1x128xi32, #tpu.memory_space<hbm>>
      %dma_start3A_176 = tpu.memref_squeeze %dma_start3A_175 : memref<1x1x1x128xi32, #tpu.memory_space<hbm>> -> memref<1x128xi32, #tpu.memory_space<hbm>>
      %dma_start3A_177 = arith.constant 0 : i32
      %dma_start3A_178 = arith.constant 0 : i32
      %dma_start3A_179 = tpu.memref_slice %arg3[%add3A, %add3A_172, %dma_start3A_177, %dma_start3A_178] : memref<32x3x1x128xi32, #tpu.memory_space<hbm>> -> memref<1x1x1x128xi32, #tpu.memory_space<hbm>>
      %dma_start3A_180 = tpu.memref_squeeze %dma_start3A_179 : memref<1x1x1x128xi32, #tpu.memory_space<hbm>> -> memref<1x128xi32, #tpu.memory_space<hbm>>
      tpu.enqueue_dma source(%dma_start3A_180 : memref<1x128xi32, #tpu.memory_space<hbm>>) target(%arg11 : memref<1x128xi32, #tpu.memory_space<vmem>>) target_semaphore(%arg16 : memref<!tpu.dma_semaphore, #tpu.memory_space<semaphore_mem>>)
    } else {
    }
    %dma_wait3A_104 = arith.constant 0 : i32
    %dma_wait3A_105 = tpu.memref_slice %arg7[%mul3A_47, %dma_wait3A_104] : memref<3x128xi32, #tpu.memory_space<vmem>> -> memref<1x128xi32, #tpu.memory_space<vmem>>
    %dma_wait3A_106 = tpu.memref_squeeze %dma_wait3A_105 : memref<1x128xi32, #tpu.memory_space<vmem>> -> memref<128xi32, #tpu.memory_space<vmem>>
    %dma_wait3A_107 = arith.constant 0 : i32
    %dma_wait3A_108 = arith.constant 0 : i32
    %dma_wait3A_109 = tpu.memref_slice %arg6[%dma_wait3A_107, %dma_wait3A_108] : memref<96x128xf32, #tpu.memory_space<vmem_shared>> -> memref<96x128xf32, #tpu.memory_space<vmem_shared>>
    tpu.wait_indirect_dma semaphore(%arg14 : memref<!tpu.dma_semaphore, #tpu.memory_space<semaphore_mem>>) src(%arg8 : memref<128x128xf32, #tpu.memory_space<vmem>>) dst(%dma_wait3A_109 : memref<96x128xf32, #tpu.memory_space<vmem_shared>>)
    %dma_start3A_110 = arith.constant 0 : i32
    %dma_start3A_111 = tpu.memref_slice %arg7[%add3A_49, %dma_start3A_110] : memref<3x128xi32, #tpu.memory_space<vmem>> -> memref<1x128xi32, #tpu.memory_space<vmem>>
    %dma_start3A_112 = tpu.memref_squeeze %dma_start3A_111 : memref<1x128xi32, #tpu.memory_space<vmem>> -> memref<128xi32, #tpu.memory_space<vmem>>
    %dma_start3A_113 = arith.constant 0 : i32
    %dma_start3A_114 = arith.constant 0 : i32
    %dma_start3A_115 = tpu.memref_slice %arg6[%dma_start3A_113, %dma_start3A_114] : memref<96x128xf32, #tpu.memory_space<vmem_shared>> -> memref<96x128xf32, #tpu.memory_space<vmem_shared>>
    tpu.enqueue_indirect_dma source(%arg12 : memref<128x128xf32, #tpu.memory_space<vmem>>) target(%dma_start3A_115 : memref<96x128xf32, #tpu.memory_space<vmem_shared>>) offsets(%dma_start3A_112 : memref<128xi32, #tpu.memory_space<vmem>>) semaphore(%arg14 : memref<!tpu.dma_semaphore, #tpu.memory_space<semaphore_mem>>) {add = true}
    %add3A_116 = arith.constant 2 : i32
    %add3A_117 = arith.addi %mul3A_47, %add3A_116 : i32
    %dma_wait3A_118 = arith.constant 0 : i32
    %dma_wait3A_119 = arith.constant 0 : i32
    %dma_wait3A_120 = tpu.memref_slice %arg3[%add3A, %add3A_117, %dma_wait3A_118, %dma_wait3A_119] : memref<32x3x1x128xi32, #tpu.memory_space<hbm>> -> memref<1x1x1x128xi32, #tpu.memory_space<hbm>>
    %dma_wait3A_121 = tpu.memref_squeeze %dma_wait3A_120 : memref<1x1x1x128xi32, #tpu.memory_space<hbm>> -> memref<1x128xi32, #tpu.memory_space<hbm>>
    %dma_wait3A_122 = arith.constant 0 : i32
    %dma_wait3A_123 = arith.constant 0 : i32
    %dma_wait3A_124 = tpu.memref_slice %arg3[%add3A, %add3A_117, %dma_wait3A_122, %dma_wait3A_123] : memref<32x3x1x128xi32, #tpu.memory_space<hbm>> -> memref<1x1x1x128xi32, #tpu.memory_space<hbm>>
    %dma_wait3A_125 = tpu.memref_squeeze %dma_wait3A_124 : memref<1x1x1x128xi32, #tpu.memory_space<hbm>> -> memref<1x128xi32, #tpu.memory_space<hbm>>
    tpu.wait_dma2 semaphore(%arg15 : memref<!tpu.dma_semaphore, #tpu.memory_space<semaphore_mem>>) src(%dma_wait3A_125 : memref<1x128xi32, #tpu.memory_space<hbm>>) dst(%arg10 : memref<1x128xi32, #tpu.memory_space<vmem>>)
    %add3A_126 = arith.constant 2 : i32
    %add3A_127 = arith.addi %mul3A_47, %add3A_126 : i32
    %dma_start3A_128 = arith.constant 0 : i32
    %dma_start3A_129 = arith.constant 0 : i32
    %dma_start3A_130 = tpu.memref_slice %arg10[%dma_start3A_128, %dma_start3A_129] : memref<1x128xi32, #tpu.memory_space<vmem>> -> memref<1x128xi32, #tpu.memory_space<vmem>>
    %dma_start3A_131 = tpu.memref_squeeze %dma_start3A_130 : memref<1x128xi32, #tpu.memory_space<vmem>> -> memref<128xi32, #tpu.memory_space<vmem>>
    %dma_start3A_132 = arith.constant 0 : i32
    %dma_start3A_133 = arith.constant 0 : i32
    %dma_start3A_134 = tpu.memref_slice %arg2[%dma_start3A_132, %dma_start3A_133] : memref<10000x128xf32, #tpu.memory_space<hbm>> -> memref<10000x128xf32, #tpu.memory_space<hbm>>
    tpu.enqueue_indirect_dma source(%dma_start3A_134 : memref<10000x128xf32, #tpu.memory_space<hbm>>) target(%arg8 : memref<128x128xf32, #tpu.memory_space<vmem>>) offsets(%dma_start3A_131 : memref<128xi32, #tpu.memory_space<vmem>>) semaphore(%arg9 : memref<!tpu.dma_semaphore, #tpu.memory_space<semaphore_mem>>)
    %scan3A_135 = arith.constant 0 : i32
    %scan3A_136 = arith.constant 1 : i32
    %dma_wait3A_137 = arith.constant 0 : i32
    %dma_wait3A_138 = arith.constant 0 : i32
    %dma_wait3A_139 = tpu.memref_slice %arg10[%dma_wait3A_137, %dma_wait3A_138] : memref<1x128xi32, #tpu.memory_space<vmem>> -> memref<1x128xi32, #tpu.memory_space<vmem>>
    %dma_wait3A_140 = tpu.memref_squeeze %dma_wait3A_139 : memref<1x128xi32, #tpu.memory_space<vmem>> -> memref<128xi32, #tpu.memory_space<vmem>>
    %dma_wait3A_141 = arith.constant 0 : i32
    %dma_wait3A_142 = arith.constant 0 : i32
    %dma_wait3A_143 = tpu.memref_slice %arg2[%dma_wait3A_141, %dma_wait3A_142] : memref<10000x128xf32, #tpu.memory_space<hbm>> -> memref<10000x128xf32, #tpu.memory_space<hbm>>
    tpu.wait_indirect_dma semaphore(%arg9 : memref<!tpu.dma_semaphore, #tpu.memory_space<semaphore_mem>>) src(%dma_wait3A_143 : memref<10000x128xf32, #tpu.memory_space<hbm>>) dst(%arg8 : memref<128x128xf32, #tpu.memory_space<vmem>>)
    %dma_wait3A_144 = arith.constant 1 : i32
    %dma_wait3A_145 = arith.constant 0 : i32
    %dma_wait3A_146 = tpu.memref_slice %arg7[%dma_wait3A_144, %dma_wait3A_145] : memref<3x128xi32, #tpu.memory_space<vmem>> -> memref<1x128xi32, #tpu.memory_space<vmem>>
    %dma_wait3A_147 = tpu.memref_squeeze %dma_wait3A_146 : memref<1x128xi32, #tpu.memory_space<vmem>> -> memref<128xi32, #tpu.memory_space<vmem>>
    %dma_wait3A_148 = arith.constant 0 : i32
    %dma_wait3A_149 = arith.constant 0 : i32
    %dma_wait3A_150 = tpu.memref_slice %arg6[%dma_wait3A_148, %dma_wait3A_149] : memref<96x128xf32, #tpu.memory_space<vmem_shared>> -> memref<96x128xf32, #tpu.memory_space<vmem_shared>>
    tpu.wait_indirect_dma semaphore(%arg14 : memref<!tpu.dma_semaphore, #tpu.memory_space<semaphore_mem>>) src(%arg12 : memref<128x128xf32, #tpu.memory_space<vmem>>) dst(%dma_wait3A_150 : memref<96x128xf32, #tpu.memory_space<vmem_shared>>)
    %dma_start3A_151 = arith.constant 2 : i32
    %dma_start3A_152 = arith.constant 0 : i32
    %dma_start3A_153 = tpu.memref_slice %arg7[%dma_start3A_151, %dma_start3A_152] : memref<3x128xi32, #tpu.memory_space<vmem>> -> memref<1x128xi32, #tpu.memory_space<vmem>>
    %dma_start3A_154 = tpu.memref_squeeze %dma_start3A_153 : memref<1x128xi32, #tpu.memory_space<vmem>> -> memref<128xi32, #tpu.memory_space<vmem>>
    %dma_start3A_155 = arith.constant 0 : i32
    %dma_start3A_156 = arith.constant 0 : i32
    %dma_start3A_157 = tpu.memref_slice %arg6[%dma_start3A_155, %dma_start3A_156] : memref<96x128xf32, #tpu.memory_space<vmem_shared>> -> memref<96x128xf32, #tpu.memory_space<vmem_shared>>
    tpu.enqueue_indirect_dma source(%arg8 : memref<128x128xf32, #tpu.memory_space<vmem>>) target(%dma_start3A_157 : memref<96x128xf32, #tpu.memory_space<vmem_shared>>) offsets(%dma_start3A_154 : memref<128xi32, #tpu.memory_space<vmem>>) semaphore(%arg14 : memref<!tpu.dma_semaphore, #tpu.memory_space<semaphore_mem>>) {add = true}
    %dma_wait3A_158 = arith.constant 2 : i32
    %dma_wait3A_159 = arith.constant 0 : i32
    %dma_wait3A_160 = tpu.memref_slice %arg7[%dma_wait3A_158, %dma_wait3A_159] : memref<3x128xi32, #tpu.memory_space<vmem>> -> memref<1x128xi32, #tpu.memory_space<vmem>>
    %dma_wait3A_161 = tpu.memref_squeeze %dma_wait3A_160 : memref<1x128xi32, #tpu.memory_space<vmem>> -> memref<128xi32, #tpu.memory_space<vmem>>
    %dma_wait3A_162 = arith.constant 0 : i32
    %dma_wait3A_163 = arith.constant 0 : i32
    %dma_wait3A_164 = tpu.memref_slice %arg6[%dma_wait3A_162, %dma_wait3A_163] : memref<96x128xf32, #tpu.memory_space<vmem_shared>> -> memref<96x128xf32, #tpu.memory_space<vmem_shared>>
    tpu.wait_indirect_dma semaphore(%arg14 : memref<!tpu.dma_semaphore, #tpu.memory_space<semaphore_mem>>) src(%arg8 : memref<128x128xf32, #tpu.memory_space<vmem>>) dst(%dma_wait3A_164 : memref<96x128xf32, #tpu.memory_space<vmem_shared>>)
    %barrier3A_165 = arith.constant 0 : index
    tpu.barrier barrier_id(%barrier3A_165)
    %lt3A_166 = arith.constant 12 : i32
    %lt3A_167 = arith.cmpi slt, %arg1, %lt3A_166 : i32
    %convert_element_type3A_168 = arith.extui %lt3A_167 : i1 to i32
    %cond3A_169 = arith.constant 0 : i32
    %cond3A_170 = arith.cmpi ne, %convert_element_type3A_168, %cond3A_169 : i32
    scf.if %cond3A_170 {
      "tpu.region"() ({
        %run_scoped3A = tpu.sem_alloc : memref<!tpu.dma_semaphore, #tpu.memory_space<semaphore_mem>>
        %dma_start3A_171 = arith.constant 0 : i32
        %dma_start3A_172 = tpu.memref_slice %arg5[%arg0, %mul3A_9, %dma_start3A_171] : memref<2x96x128xf32, #tpu.memory_space<hbm>> -> memref<1x8x128xf32, #tpu.memory_space<hbm>>
        %dma_start3A_173 = tpu.memref_squeeze %dma_start3A_172 : memref<1x8x128xf32, #tpu.memory_space<hbm>> -> memref<8x128xf32, #tpu.memory_space<hbm>>
        %dma_start3A_174 = arith.constant 0 : i32
        %dma_start3A_175 = tpu.memref_slice %arg6[%mul3A_9, %dma_start3A_174] : memref<96x128xf32, #tpu.memory_space<vmem_shared>> -> memref<8x128xf32, #tpu.memory_space<vmem_shared>>
        tpu.enqueue_dma source(%dma_start3A_175 : memref<8x128xf32, #tpu.memory_space<vmem_shared>>) target(%dma_start3A_173 : memref<8x128xf32, #tpu.memory_space<hbm>>) target_semaphore(%run_scoped3A : memref<!tpu.dma_semaphore, #tpu.memory_space<semaphore_mem>>)
        %dma_wait3A_176 = arith.constant 0 : i32
        %dma_wait3A_177 = tpu.memref_slice %arg5[%arg0, %mul3A_9, %dma_wait3A_176] : memref<2x96x128xf32, #tpu.memory_space<hbm>> -> memref<1x8x128xf32, #tpu.memory_space<hbm>>
        %dma_wait3A_178 = tpu.memref_squeeze %dma_wait3A_177 : memref<1x8x128xf32, #tpu.memory_space<hbm>> -> memref<8x128xf32, #tpu.memory_space<hbm>>
        %dma_wait3A_179 = arith.constant 0 : i32
        %dma_wait3A_180 = tpu.memref_slice %arg6[%mul3A_9, %dma_wait3A_179] : memref<96x128xf32, #tpu.memory_space<vmem_shared>> -> memref<8x128xf32, #tpu.memory_space<vmem_shared>>
        tpu.wait_dma2 semaphore(%run_scoped3A : memref<!tpu.dma_semaphore, #tpu.memory_space<semaphore_mem>>) src(%dma_wait3A_180 : memref<8x128xf32, #tpu.memory_space<vmem_shared>>) dst(%dma_wait3A_178 : memref<8x128xf32, #tpu.memory_space<hbm>>)
        tpu.yield
      }) : () -> ()
    } else {
    }
    return
  }
}

module attributes {stable_mosaic.version = 14 : i64} {
  func.func @body(%arg0: i32, %arg1: memref<2x1000x128xf32, #tpu.memory_space<vmem>>, %arg2: memref<1000x128xf32, #tpu.memory_space<vmem>>, %arg3: memref<1000x1xf32, #tpu.memory_space<vmem>>, %arg4: memref<1x128xf32, #tpu.memory_space<vmem>>, %arg5: memref<1000x128xf32, #tpu.memory_space<vmem>>, %arg6: memref<8x128xf32, #tpu.memory_space<vmem>>, %arg7: memref<8x128xf32, #tpu.memory_space<vmem>>) attributes {dimension_semantics = [#tpu.dimension_semantics<arbitrary>], iteration_bounds = array<i64: 10>, scalar_prefetch = 0 : i64, scratch_operands = 1 : i64, tpu.core_type = #tpu.core_type<tc>, window_params = [{transform_indices = @transform_0, window_bounds = array<i64: 2, 1000, 128>}, {transform_indices = @transform_1, window_bounds = array<i64: 1000, 128>}, {transform_indices = @transform_2, window_bounds = array<i64: 1000, 1>}, {pipeline_mode = #tpu.pipeline_mode<synchronous>, transform_indices = @transform_3, window_bounds = array<i64: 1, 128>}, {transform_indices = @transform_4, window_bounds = array<i64: 1000, 128>}, {pipeline_mode = #tpu.pipeline_mode<synchronous>, transform_indices = @transform_5, window_bounds = array<i64: 8, 128>}]} {
    %get3A = arith.constant 0 : index
    %get3A_0 = arith.constant 0 : index
    %get3A_1 = arith.constant 0 : index
    %get3A_2 = vector.load %arg1[%get3A, %get3A_0, %get3A_1] : memref<2x1000x128xf32, #tpu.memory_space<vmem>>, vector<1x1000x128xf32>
    %get3A_3 = vector.shape_cast %get3A_2 : vector<1x1000x128xf32> to vector<1000x128xf32>
    %get3A_4 = arith.constant 1 : index
    %get3A_5 = arith.constant 0 : index
    %get3A_6 = arith.constant 0 : index
    %get3A_7 = vector.load %arg1[%get3A_4, %get3A_5, %get3A_6] : memref<2x1000x128xf32, #tpu.memory_space<vmem>>, vector<1x1000x128xf32>
    %get3A_8 = vector.shape_cast %get3A_7 : vector<1x1000x128xf32> to vector<1000x128xf32>
    %add3A = arith.addf %get3A_3, %get3A_8 : vector<1000x128xf32>
    %get3A_9 = arith.constant 0 : index
    %get3A_10 = arith.constant 0 : index
    %get3A_11 = vector.load %arg2[%get3A_9, %get3A_10] : memref<1000x128xf32, #tpu.memory_space<vmem>>, vector<1000x128xf32>
    %add3A_12 = arith.addf %add3A, %get3A_11 : vector<1000x128xf32>
    %get3A_13 = arith.constant 0 : index
    %get3A_14 = arith.constant 0 : index
    %get3A_15 = vector.load %arg3[%get3A_13, %get3A_14] : memref<1000x1xf32, #tpu.memory_space<vmem>>, vector<1000x1xf32>
    %mul3A = vector.broadcast %get3A_15 : vector<1000x1xf32> to vector<1000x128xf32>
    %mul3A_16 = arith.mulf %add3A_12, %mul3A : vector<1000x128xf32>
    %get3A_17 = arith.constant 0 : index
    %get3A_18 = arith.constant 0 : index
    %get3A_19 = vector.load %arg4[%get3A_17, %get3A_18] : memref<1x128xf32, #tpu.memory_space<vmem>>, vector<1x128xf32>
    %add3A_20 = vector.broadcast %get3A_19 : vector<1x128xf32> to vector<1000x128xf32>
    %add3A_21 = arith.addf %mul3A_16, %add3A_20 : vector<1000x128xf32>
    %swap3A = arith.constant 0 : index
    %swap3A_22 = arith.constant 0 : index
    %swap3A_23 = vector.load %arg5[%swap3A, %swap3A_22] : memref<1000x128xf32, #tpu.memory_space<vmem>>, vector<1000x128xf32>
    tpu.vector_store %arg5[%swap3A, %swap3A_22], %add3A_21 {strides = array<i32>} : memref<1000x128xf32, #tpu.memory_space<vmem>>, vector<1000x128xf32>,
    %eq3A = arith.constant 0 : i32
    %eq3A_24 = arith.cmpi eq, %arg0, %eq3A : i32
    %convert_element_type3A = arith.extui %eq3A_24 : i1 to i32
    %cond3A = arith.constant 0 : i32
    %cond3A_25 = arith.cmpi ne, %convert_element_type3A, %cond3A : i32
    scf.if %cond3A_25 {
      %broadcast_in_dim3A_50 = arith.constant 0.000000e+00 : f32
      %broadcast_in_dim3A_51 = vector.broadcast %broadcast_in_dim3A_50 : f32 to vector<8x128xf32>
      %swap3A_52 = arith.constant 0 : index
      %swap3A_53 = arith.constant 0 : index
      %swap3A_54 = vector.load %arg7[%swap3A_52, %swap3A_53] : memref<8x128xf32, #tpu.memory_space<vmem>>, vector<8x128xf32>
      tpu.vector_store %arg7[%swap3A_52, %swap3A_53], %broadcast_in_dim3A_51 {strides = array<i32>} : memref<8x128xf32, #tpu.memory_space<vmem>>, vector<8x128xf32>,
    } else {
    }
    %get3A_26 = arith.constant 0 : index
    %get3A_27 = arith.constant 0 : index
    %get3A_28 = vector.load %arg7[%get3A_26, %get3A_27] : memref<8x128xf32, #tpu.memory_space<vmem>>, vector<1x128xf32>
    %reduce_sum3A = arith.constant dense<0.000000e+00> : vector<128xf32>
    %reduce_sum3A_29 = vector.multi_reduction <add>, %add3A_21, %reduce_sum3A [0] : vector<1000x128xf32> to vector<128xf32>
    %broadcast_in_dim3A = vector.shape_cast %reduce_sum3A_29 : vector<128xf32> to vector<1x128xf32>
    %add3A_30 = arith.addf %get3A_28, %broadcast_in_dim3A : vector<1x128xf32>
    %swap3A_31 = arith.constant 0 : index
    %swap3A_32 = arith.constant 0 : index
    %swap3A_33 = vector.load %arg7[%swap3A_31, %swap3A_32] : memref<8x128xf32, #tpu.memory_space<vmem>>, vector<1x128xf32>
    tpu.vector_store %arg7[%swap3A_31, %swap3A_32], %add3A_30 {strides = array<i32>} : memref<8x128xf32, #tpu.memory_space<vmem>>, vector<1x128xf32>,
    %get3A_34 = arith.constant 1 : index
    %get3A_35 = arith.constant 0 : index
    %get3A_36 = vector.load %arg7[%get3A_34, %get3A_35] : memref<8x128xf32, #tpu.memory_space<vmem>>, vector<1x128xf32>
    %mul3A_37 = arith.mulf %add3A_21, %add3A_21 : vector<1000x128xf32>
    %reduce_sum3A_38 = arith.constant dense<0.000000e+00> : vector<128xf32>
    %reduce_sum3A_39 = vector.multi_reduction <add>, %mul3A_37, %reduce_sum3A_38 [0] : vector<1000x128xf32> to vector<128xf32>
    %broadcast_in_dim3A_40 = vector.shape_cast %reduce_sum3A_39 : vector<128xf32> to vector<1x128xf32>
    %add3A_41 = arith.addf %get3A_36, %broadcast_in_dim3A_40 : vector<1x128xf32>
    %swap3A_42 = arith.constant 1 : index
    %swap3A_43 = arith.constant 0 : index
    %swap3A_44 = vector.load %arg7[%swap3A_42, %swap3A_43] : memref<8x128xf32, #tpu.memory_space<vmem>>, vector<1x128xf32>
    tpu.vector_store %arg7[%swap3A_42, %swap3A_43], %add3A_41 {strides = array<i32>} : memref<8x128xf32, #tpu.memory_space<vmem>>, vector<1x128xf32>,
    %eq3A_45 = arith.constant 9 : i32
    %eq3A_46 = arith.cmpi eq, %arg0, %eq3A_45 : i32
    %convert_element_type3A_47 = arith.extui %eq3A_46 : i1 to i32
    %cond3A_48 = arith.constant 0 : i32
    %cond3A_49 = arith.cmpi ne, %convert_element_type3A_47, %cond3A_48 : i32
    scf.if %cond3A_49 {
      %get3A_50 = arith.constant 0 : index
      %get3A_51 = arith.constant 0 : index
      %get3A_52 = vector.load %arg7[%get3A_50, %get3A_51] : memref<8x128xf32, #tpu.memory_space<vmem>>, vector<8x128xf32>
      %swap3A_53 = arith.constant 0 : index
      %swap3A_54 = arith.constant 0 : index
      %swap3A_55 = vector.load %arg6[%swap3A_53, %swap3A_54] : memref<8x128xf32, #tpu.memory_space<vmem>>, vector<8x128xf32>
      tpu.vector_store %arg6[%swap3A_53, %swap3A_54], %get3A_52 {strides = array<i32>} : memref<8x128xf32, #tpu.memory_space<vmem>>, vector<8x128xf32>,
    } else {
    }
    return
  }
  func.func @transform_0(%arg0: i32) -> (i32, i32, i32) {
    %c0_i32 = arith.constant 0 : i32
    %c0_i32_0 = arith.constant 0 : i32
    %c0_i32_1 = arith.constant 0 : i32
    return %c0_i32, %arg0, %c0_i32_0 : i32, i32, i32
  }
  func.func @transform_1(%arg0: i32) -> (i32, i32) {
    %c0_i32 = arith.constant 0 : i32
    %c0_i32_0 = arith.constant 0 : i32
    return %arg0, %c0_i32 : i32, i32
  }
  func.func @transform_2(%arg0: i32) -> (i32, i32) {
    %c0_i32 = arith.constant 0 : i32
    %c0_i32_0 = arith.constant 0 : i32
    return %arg0, %c0_i32 : i32, i32
  }
  func.func @transform_3(%arg0: i32) -> (i32, i32) {
    %c0_i32 = arith.constant 0 : i32
    %c0_i32_0 = arith.constant 0 : i32
    %c0_i32_1 = arith.constant 0 : i32
    return %c0_i32, %c0_i32_0 : i32, i32
  }
  func.func @transform_4(%arg0: i32) -> (i32, i32) {
    %c0_i32 = arith.constant 0 : i32
    %c0_i32_0 = arith.constant 0 : i32
    return %arg0, %c0_i32 : i32, i32
  }
  func.func @transform_5(%arg0: i32) -> (i32, i32) {
    %c0_i32 = arith.constant 0 : i32
    %c0_i32_0 = arith.constant 0 : i32
    %c0_i32_1 = arith.constant 0 : i32
    return %c0_i32, %c0_i32_0 : i32, i32
  }
}

module attributes {stable_mosaic.version = 14 : i64} {
  func.func @body(%arg0: i32, %arg1: memref<2x1000x16xf32, #tpu.memory_space<vmem>>, %arg2: memref<1000x128xf32, #tpu.memory_space<vmem>>, %arg3: memref<128x128xf32, #tpu.memory_space<vmem>>, %arg4: memref<1000x128xf32, #tpu.memory_space<vmem>>, %arg5: memref<1000x1xf32, #tpu.memory_space<vmem>>) attributes {dimension_semantics = [#tpu.dimension_semantics<arbitrary>], iteration_bounds = array<i64: 10>, scalar_prefetch = 0 : i64, scratch_operands = 0 : i64, tpu.core_type = #tpu.core_type<tc>, window_params = [{transform_indices = @transform_0, window_bounds = array<i64: 2, 1000, 16>}, {transform_indices = @transform_1, window_bounds = array<i64: 1000, 128>}, {pipeline_mode = #tpu.pipeline_mode<synchronous>, transform_indices = @transform_2, window_bounds = array<i64: 128, 128>}, {transform_indices = @transform_3, window_bounds = array<i64: 1000, 128>}, {transform_indices = @transform_4, window_bounds = array<i64: 1000, 1>}]} {
    %get3A = arith.constant 0 : index
    %get3A_0 = arith.constant 0 : index
    %get3A_1 = arith.constant 0 : index
    %get3A_2 = vector.load %arg1[%get3A, %get3A_0, %get3A_1] : memref<2x1000x16xf32, #tpu.memory_space<vmem>>, vector<1x1000x1xf32>
    %get3A_3 = vector.shape_cast %get3A_2 : vector<1x1000x1xf32> to vector<1000x1xf32>
    %get3A_4 = arith.constant 1 : index
    %get3A_5 = arith.constant 0 : index
    %get3A_6 = arith.constant 0 : index
    %get3A_7 = vector.load %arg1[%get3A_4, %get3A_5, %get3A_6] : memref<2x1000x16xf32, #tpu.memory_space<vmem>>, vector<1x1000x1xf32>
    %get3A_8 = vector.shape_cast %get3A_7 : vector<1x1000x1xf32> to vector<1000x1xf32>
    %add3A = arith.addf %get3A_3, %get3A_8 : vector<1000x1xf32>
    %add3A_9 = arith.constant 1.000000e+00 : f32
    %add3A_10 = vector.broadcast %add3A_9 : f32 to vector<1000x1xf32>
    %add3A_11 = arith.addf %add3A, %add3A_10 : vector<1000x1xf32>
    %rsqrt3A = math.rsqrt %add3A_11 : vector<1000x1xf32>
    %get3A_12 = arith.constant 0 : index
    %get3A_13 = arith.constant 0 : index
    %get3A_14 = vector.load %arg2[%get3A_12, %get3A_13] : memref<1000x128xf32, #tpu.memory_space<vmem>>, vector<1000x128xf32>
    %get3A_15 = arith.constant 0 : index
    %get3A_16 = arith.constant 0 : index
    %get3A_17 = vector.load %arg3[%get3A_15, %get3A_16] : memref<128x128xf32, #tpu.memory_space<vmem>>, vector<128x128xf32>
    %dot_general3A = arith.constant dense<0.000000e+00> : vector<1000x128xf32>
    %dot_general3A_18 = tpu.matmul %get3A_14, %get3A_17, %dot_general3A {dimension_numbers = #tpu.dot_dimension_numbers<[1], [0], [0], [1], [0, 0, 1, 1], [], []>, transpose_lhs_hint = false} : vector<1000x128xf32>, vector<128x128xf32>, vector<1000x128xf32> -> vector<1000x128xf32>
    %mul3A = vector.broadcast %rsqrt3A : vector<1000x1xf32> to vector<1000x128xf32>
    %mul3A_19 = arith.mulf %dot_general3A_18, %mul3A : vector<1000x128xf32>
    %swap3A = arith.constant 0 : index
    %swap3A_20 = arith.constant 0 : index
    %swap3A_21 = vector.load %arg4[%swap3A, %swap3A_20] : memref<1000x128xf32, #tpu.memory_space<vmem>>, vector<1000x128xf32>
    tpu.vector_store %arg4[%swap3A, %swap3A_20], %mul3A_19 {strides = array<i32>} : memref<1000x128xf32, #tpu.memory_space<vmem>>, vector<1000x128xf32>,
    %swap3A_22 = arith.constant 0 : index
    %swap3A_23 = arith.constant 0 : index
    %swap3A_24 = vector.load %arg5[%swap3A_22, %swap3A_23] : memref<1000x1xf32, #tpu.memory_space<vmem>>, vector<1000x1xf32>
    tpu.vector_store %arg5[%swap3A_22, %swap3A_23], %rsqrt3A {strides = array<i32>} : memref<1000x1xf32, #tpu.memory_space<vmem>>, vector<1000x1xf32>,
    return
  }
  func.func @transform_0(%arg0: i32) -> (i32, i32, i32) {
    %c0_i32 = arith.constant 0 : i32
    %c0_i32_0 = arith.constant 0 : i32
    %c0_i32_1 = arith.constant 0 : i32
    return %c0_i32, %arg0, %c0_i32_0 : i32, i32, i32
  }
  func.func @transform_1(%arg0: i32) -> (i32, i32) {
    %c0_i32 = arith.constant 0 : i32
    %c0_i32_0 = arith.constant 0 : i32
    return %arg0, %c0_i32 : i32, i32
  }
  func.func @transform_2(%arg0: i32) -> (i32, i32) {
    %c0_i32 = arith.constant 0 : i32
    %c0_i32_0 = arith.constant 0 : i32
    %c0_i32_1 = arith.constant 0 : i32
    return %c0_i32, %c0_i32_0 : i32, i32
  }
  func.func @transform_3(%arg0: i32) -> (i32, i32) {
    %c0_i32 = arith.constant 0 : i32
    %c0_i32_0 = arith.constant 0 : i32
    return %arg0, %c0_i32 : i32, i32
  }
  func.func @transform_4(%arg0: i32) -> (i32, i32) {
    %c0_i32 = arith.constant 0 : i32
    %c0_i32_0 = arith.constant 0 : i32
    return %arg0, %c0_i32 : i32, i32
  }
}

module attributes {stable_mosaic.version = 14 : i64} {
  func.func @body(%arg0: i32, %arg1: memref<1000x128xf32, #tpu.memory_space<vmem>>, %arg2: memref<8x128xf32, #tpu.memory_space<vmem>>, %arg3: memref<1x128xf32, #tpu.memory_space<vmem>>, %arg4: memref<1x128xf32, #tpu.memory_space<vmem>>, %arg5: memref<1000x1xf32, #tpu.memory_space<vmem>>, %arg6: memref<128x128xf32, #tpu.memory_space<vmem>>, %arg7: memref<1000x128xf32, #tpu.memory_space<vmem>>) attributes {dimension_semantics = [#tpu.dimension_semantics<arbitrary>], iteration_bounds = array<i64: 10>, scalar_prefetch = 0 : i64, scratch_operands = 0 : i64, tpu.core_type = #tpu.core_type<tc>, window_params = [{transform_indices = @transform_0, window_bounds = array<i64: 1000, 128>}, {pipeline_mode = #tpu.pipeline_mode<synchronous>, transform_indices = @transform_1, window_bounds = array<i64: 8, 128>}, {pipeline_mode = #tpu.pipeline_mode<synchronous>, transform_indices = @transform_2, window_bounds = array<i64: 1, 128>}, {pipeline_mode = #tpu.pipeline_mode<synchronous>, transform_indices = @transform_3, window_bounds = array<i64: 1, 128>}, {transform_indices = @transform_4, window_bounds = array<i64: 1000, 1>}, {pipeline_mode = #tpu.pipeline_mode<synchronous>, transform_indices = @transform_5, window_bounds = array<i64: 128, 128>}, {transform_indices = @transform_6, window_bounds = array<i64: 1000, 128>}]} {
    %get3A = arith.constant 0 : index
    %get3A_0 = arith.constant 0 : index
    %get3A_1 = vector.load %arg2[%get3A, %get3A_0] : memref<8x128xf32, #tpu.memory_space<vmem>>, vector<1x128xf32>
    %div3A = arith.constant 1.000000e+04 : f32
    %div3A_2 = vector.broadcast %div3A : f32 to vector<1x128xf32>
    %div3A_3 = arith.divf %get3A_1, %div3A_2 : vector<1x128xf32>
    %get3A_4 = arith.constant 1 : index
    %get3A_5 = arith.constant 0 : index
    %get3A_6 = vector.load %arg2[%get3A_4, %get3A_5] : memref<8x128xf32, #tpu.memory_space<vmem>>, vector<1x128xf32>
    %div3A_7 = arith.constant 1.000000e+04 : f32
    %div3A_8 = vector.broadcast %div3A_7 : f32 to vector<1x128xf32>
    %div3A_9 = arith.divf %get3A_6, %div3A_8 : vector<1x128xf32>
    %mul3A = arith.mulf %div3A_3, %div3A_3 : vector<1x128xf32>
    %sub3A = arith.subf %div3A_9, %mul3A : vector<1x128xf32>
    %get3A_10 = arith.constant 0 : index
    %get3A_11 = arith.constant 0 : index
    %get3A_12 = vector.load %arg3[%get3A_10, %get3A_11] : memref<1x128xf32, #tpu.memory_space<vmem>>, vector<1x128xf32>
    %add3A = arith.constant 9.99999974E-6 : f32
    %add3A_13 = vector.broadcast %add3A : f32 to vector<1x128xf32>
    %add3A_14 = arith.addf %sub3A, %add3A_13 : vector<1x128xf32>
    %rsqrt3A = math.rsqrt %add3A_14 : vector<1x128xf32>
    %mul3A_15 = arith.mulf %get3A_12, %rsqrt3A : vector<1x128xf32>
    %get3A_16 = arith.constant 0 : index
    %get3A_17 = arith.constant 0 : index
    %get3A_18 = vector.load %arg4[%get3A_16, %get3A_17] : memref<1x128xf32, #tpu.memory_space<vmem>>, vector<1x128xf32>
    %mul3A_19 = arith.mulf %div3A_3, %mul3A_15 : vector<1x128xf32>
    %sub3A_20 = arith.subf %get3A_18, %mul3A_19 : vector<1x128xf32>
    %get3A_21 = arith.constant 0 : index
    %get3A_22 = arith.constant 0 : index
    %get3A_23 = vector.load %arg1[%get3A_21, %get3A_22] : memref<1000x128xf32, #tpu.memory_space<vmem>>, vector<1000x128xf32>
    %mul3A_24 = vector.broadcast %mul3A_15 : vector<1x128xf32> to vector<1000x128xf32>
    %mul3A_25 = arith.mulf %get3A_23, %mul3A_24 : vector<1000x128xf32>
    %add3A_26 = vector.broadcast %sub3A_20 : vector<1x128xf32> to vector<1000x128xf32>
    %add3A_27 = arith.addf %mul3A_25, %add3A_26 : vector<1000x128xf32>
    %max3A = arith.constant 0.000000e+00 : f32
    %max3A_28 = vector.broadcast %max3A : f32 to vector<1000x128xf32>
    %max3A_29 = arith.maximumf %add3A_27, %max3A_28 : vector<1000x128xf32>
    %get3A_30 = arith.constant 0 : index
    %get3A_31 = arith.constant 0 : index
    %get3A_32 = vector.load %arg6[%get3A_30, %get3A_31] : memref<128x128xf32, #tpu.memory_space<vmem>>, vector<128x128xf32>
    %dot_general3A = arith.constant dense<0.000000e+00> : vector<1000x128xf32>
    %dot_general3A_33 = tpu.matmul %max3A_29, %get3A_32, %dot_general3A {dimension_numbers = #tpu.dot_dimension_numbers<[1], [0], [0], [1], [0, 0, 1, 1], [], []>, transpose_lhs_hint = false} : vector<1000x128xf32>, vector<128x128xf32>, vector<1000x128xf32> -> vector<1000x128xf32>
    %get3A_34 = arith.constant 0 : index
    %get3A_35 = arith.constant 0 : index
    %get3A_36 = vector.load %arg5[%get3A_34, %get3A_35] : memref<1000x1xf32, #tpu.memory_space<vmem>>, vector<1000x1xf32>
    %mul3A_37 = vector.broadcast %get3A_36 : vector<1000x1xf32> to vector<1000x128xf32>
    %mul3A_38 = arith.mulf %dot_general3A_33, %mul3A_37 : vector<1000x128xf32>
    %swap3A = arith.constant 0 : index
    %swap3A_39 = arith.constant 0 : index
    %swap3A_40 = vector.load %arg7[%swap3A, %swap3A_39] : memref<1000x128xf32, #tpu.memory_space<vmem>>, vector<1000x128xf32>
    tpu.vector_store %arg7[%swap3A, %swap3A_39], %mul3A_38 {strides = array<i32>} : memref<1000x128xf32, #tpu.memory_space<vmem>>, vector<1000x128xf32>,
    return
  }
  func.func @transform_0(%arg0: i32) -> (i32, i32) {
    %c0_i32 = arith.constant 0 : i32
    %c0_i32_0 = arith.constant 0 : i32
    return %arg0, %c0_i32 : i32, i32
  }
  func.func @transform_1(%arg0: i32) -> (i32, i32) {
    %c0_i32 = arith.constant 0 : i32
    %c0_i32_0 = arith.constant 0 : i32
    %c0_i32_1 = arith.constant 0 : i32
    return %c0_i32, %c0_i32_0 : i32, i32
  }
  func.func @transform_2(%arg0: i32) -> (i32, i32) {
    %c0_i32 = arith.constant 0 : i32
    %c0_i32_0 = arith.constant 0 : i32
    %c0_i32_1 = arith.constant 0 : i32
    return %c0_i32, %c0_i32_0 : i32, i32
  }
  func.func @transform_3(%arg0: i32) -> (i32, i32) {
    %c0_i32 = arith.constant 0 : i32
    %c0_i32_0 = arith.constant 0 : i32
    %c0_i32_1 = arith.constant 0 : i32
    return %c0_i32, %c0_i32_0 : i32, i32
  }
  func.func @transform_4(%arg0: i32) -> (i32, i32) {
    %c0_i32 = arith.constant 0 : i32
    %c0_i32_0 = arith.constant 0 : i32
    return %arg0, %c0_i32 : i32, i32
  }
  func.func @transform_5(%arg0: i32) -> (i32, i32) {
    %c0_i32 = arith.constant 0 : i32
    %c0_i32_0 = arith.constant 0 : i32
    %c0_i32_1 = arith.constant 0 : i32
    return %c0_i32, %c0_i32_0 : i32, i32
  }
  func.func @transform_6(%arg0: i32) -> (i32, i32) {
    %c0_i32 = arith.constant 0 : i32
    %c0_i32_0 = arith.constant 0 : i32
    return %arg0, %c0_i32 : i32, i32
  }
}

module attributes {stable_mosaic.version = 14 : i64} {
  func.func @body(%arg0: i32, %arg1: memref<1000x128xf32, #tpu.memory_space<vmem>>, %arg2: memref<8x128xf32, #tpu.memory_space<vmem>>, %arg3: memref<1x128xf32, #tpu.memory_space<vmem>>, %arg4: memref<1x128xf32, #tpu.memory_space<vmem>>, %arg5: memref<1000x128xf32, #tpu.memory_space<vmem>>) attributes {dimension_semantics = [#tpu.dimension_semantics<arbitrary>], iteration_bounds = array<i64: 10>, scalar_prefetch = 0 : i64, scratch_operands = 0 : i64, tpu.core_type = #tpu.core_type<tc>, window_params = [{transform_indices = @transform_0, window_bounds = array<i64: 1000, 128>}, {pipeline_mode = #tpu.pipeline_mode<synchronous>, transform_indices = @transform_1, window_bounds = array<i64: 8, 128>}, {pipeline_mode = #tpu.pipeline_mode<synchronous>, transform_indices = @transform_2, window_bounds = array<i64: 1, 128>}, {pipeline_mode = #tpu.pipeline_mode<synchronous>, transform_indices = @transform_3, window_bounds = array<i64: 1, 128>}, {transform_indices = @transform_4, window_bounds = array<i64: 1000, 128>}]} {
    %get3A = arith.constant 0 : index
    %get3A_0 = arith.constant 0 : index
    %get3A_1 = vector.load %arg2[%get3A, %get3A_0] : memref<8x128xf32, #tpu.memory_space<vmem>>, vector<1x128xf32>
    %div3A = arith.constant 1.000000e+04 : f32
    %div3A_2 = vector.broadcast %div3A : f32 to vector<1x128xf32>
    %div3A_3 = arith.divf %get3A_1, %div3A_2 : vector<1x128xf32>
    %get3A_4 = arith.constant 1 : index
    %get3A_5 = arith.constant 0 : index
    %get3A_6 = vector.load %arg2[%get3A_4, %get3A_5] : memref<8x128xf32, #tpu.memory_space<vmem>>, vector<1x128xf32>
    %div3A_7 = arith.constant 1.000000e+04 : f32
    %div3A_8 = vector.broadcast %div3A_7 : f32 to vector<1x128xf32>
    %div3A_9 = arith.divf %get3A_6, %div3A_8 : vector<1x128xf32>
    %mul3A = arith.mulf %div3A_3, %div3A_3 : vector<1x128xf32>
    %sub3A = arith.subf %div3A_9, %mul3A : vector<1x128xf32>
    %get3A_10 = arith.constant 0 : index
    %get3A_11 = arith.constant 0 : index
    %get3A_12 = vector.load %arg3[%get3A_10, %get3A_11] : memref<1x128xf32, #tpu.memory_space<vmem>>, vector<1x128xf32>
    %add3A = arith.constant 9.99999974E-6 : f32
    %add3A_13 = vector.broadcast %add3A : f32 to vector<1x128xf32>
    %add3A_14 = arith.addf %sub3A, %add3A_13 : vector<1x128xf32>
    %rsqrt3A = math.rsqrt %add3A_14 : vector<1x128xf32>
    %mul3A_15 = arith.mulf %get3A_12, %rsqrt3A : vector<1x128xf32>
    %get3A_16 = arith.constant 0 : index
    %get3A_17 = arith.constant 0 : index
    %get3A_18 = vector.load %arg4[%get3A_16, %get3A_17] : memref<1x128xf32, #tpu.memory_space<vmem>>, vector<1x128xf32>
    %mul3A_19 = arith.mulf %div3A_3, %mul3A_15 : vector<1x128xf32>
    %sub3A_20 = arith.subf %get3A_18, %mul3A_19 : vector<1x128xf32>
    %get3A_21 = arith.constant 0 : index
    %get3A_22 = arith.constant 0 : index
    %get3A_23 = vector.load %arg1[%get3A_21, %get3A_22] : memref<1000x128xf32, #tpu.memory_space<vmem>>, vector<1000x128xf32>
    %mul3A_24 = vector.broadcast %mul3A_15 : vector<1x128xf32> to vector<1000x128xf32>
    %mul3A_25 = arith.mulf %get3A_23, %mul3A_24 : vector<1000x128xf32>
    %add3A_26 = vector.broadcast %sub3A_20 : vector<1x128xf32> to vector<1000x128xf32>
    %add3A_27 = arith.addf %mul3A_25, %add3A_26 : vector<1000x128xf32>
    %max3A = arith.constant 0.000000e+00 : f32
    %max3A_28 = vector.broadcast %max3A : f32 to vector<1000x128xf32>
    %max3A_29 = arith.maximumf %add3A_27, %max3A_28 : vector<1000x128xf32>
    %swap3A = arith.constant 0 : index
    %swap3A_30 = arith.constant 0 : index
    %swap3A_31 = vector.load %arg5[%swap3A, %swap3A_30] : memref<1000x128xf32, #tpu.memory_space<vmem>>, vector<1000x128xf32>
    tpu.vector_store %arg5[%swap3A, %swap3A_30], %max3A_29 {strides = array<i32>} : memref<1000x128xf32, #tpu.memory_space<vmem>>, vector<1000x128xf32>,
    return
  }
  func.func @transform_0(%arg0: i32) -> (i32, i32) {
    %c0_i32 = arith.constant 0 : i32
    %c0_i32_0 = arith.constant 0 : i32
    return %arg0, %c0_i32 : i32, i32
  }
  func.func @transform_1(%arg0: i32) -> (i32, i32) {
    %c0_i32 = arith.constant 0 : i32
    %c0_i32_0 = arith.constant 0 : i32
    %c0_i32_1 = arith.constant 0 : i32
    return %c0_i32, %c0_i32_0 : i32, i32
  }
  func.func @transform_2(%arg0: i32) -> (i32, i32) {
    %c0_i32 = arith.constant 0 : i32
    %c0_i32_0 = arith.constant 0 : i32
    %c0_i32_1 = arith.constant 0 : i32
    return %c0_i32, %c0_i32_0 : i32, i32
  }
  func.func @transform_3(%arg0: i32) -> (i32, i32) {
    %c0_i32 = arith.constant 0 : i32
    %c0_i32_0 = arith.constant 0 : i32
    %c0_i32_1 = arith.constant 0 : i32
    return %c0_i32, %c0_i32_0 : i32, i32
  }
  func.func @transform_4(%arg0: i32) -> (i32, i32) {
    %c0_i32 = arith.constant 0 : i32
    %c0_i32_0 = arith.constant 0 : i32
    return %arg0, %c0_i32 : i32, i32
  }
}

module attributes {stable_mosaic.version = 14 : i64} {
  func.func @body(%arg0: memref<2x96x128xf32, #tpu.memory_space<vmem>>, %arg1: memref<2x96x16xf32, #tpu.memory_space<vmem>>, %arg2: memref<128x4xf32, #tpu.memory_space<vmem>>, %arg3: memref<1x4xf32, #tpu.memory_space<vmem>>, %arg4: memref<64x4xf32, #tpu.memory_space<vmem>>) attributes {dimension_semantics = [], scalar_prefetch = 0 : i64, scratch_operands = 0 : i64, tpu.core_type = #tpu.core_type<tc>} {
    %get3A = arith.constant 0 : index
    %get3A_0 = arith.constant 0 : index
    %get3A_1 = arith.constant 0 : index
    %get3A_2 = vector.load %arg0[%get3A, %get3A_0, %get3A_1] : memref<2x96x128xf32, #tpu.memory_space<vmem>>, vector<1x64x128xf32>
    %get3A_3 = vector.shape_cast %get3A_2 : vector<1x64x128xf32> to vector<64x128xf32>
    %get3A_4 = arith.constant 1 : index
    %get3A_5 = arith.constant 0 : index
    %get3A_6 = arith.constant 0 : index
    %get3A_7 = vector.load %arg0[%get3A_4, %get3A_5, %get3A_6] : memref<2x96x128xf32, #tpu.memory_space<vmem>>, vector<1x64x128xf32>
    %get3A_8 = vector.shape_cast %get3A_7 : vector<1x64x128xf32> to vector<64x128xf32>
    %add3A = arith.addf %get3A_3, %get3A_8 : vector<64x128xf32>
    %get3A_9 = arith.constant 0 : index
    %get3A_10 = arith.constant 0 : index
    %get3A_11 = arith.constant 0 : index
    %get3A_12 = vector.load %arg1[%get3A_9, %get3A_10, %get3A_11] : memref<2x96x16xf32, #tpu.memory_space<vmem>>, vector<1x64x1xf32>
    %get3A_13 = vector.shape_cast %get3A_12 : vector<1x64x1xf32> to vector<64x1xf32>
    %get3A_14 = arith.constant 1 : index
    %get3A_15 = arith.constant 0 : index
    %get3A_16 = arith.constant 0 : index
    %get3A_17 = vector.load %arg1[%get3A_14, %get3A_15, %get3A_16] : memref<2x96x16xf32, #tpu.memory_space<vmem>>, vector<1x64x1xf32>
    %get3A_18 = vector.shape_cast %get3A_17 : vector<1x64x1xf32> to vector<64x1xf32>
    %add3A_19 = arith.addf %get3A_13, %get3A_18 : vector<64x1xf32>
    %max3A = arith.constant 1.000000e+00 : f32
    %max3A_20 = vector.broadcast %max3A : f32 to vector<64x1xf32>
    %max3A_21 = arith.maximumf %add3A_19, %max3A_20 : vector<64x1xf32>
    %div3A = vector.broadcast %max3A_21 : vector<64x1xf32> to vector<64x128xf32>
    %div3A_22 = arith.divf %add3A, %div3A : vector<64x128xf32>
    %get3A_23 = arith.constant 0 : index
    %get3A_24 = arith.constant 0 : index
    %get3A_25 = vector.load %arg2[%get3A_23, %get3A_24] : memref<128x4xf32, #tpu.memory_space<vmem>>, vector<128x4xf32>
    %dot_general3A = arith.constant dense<0.000000e+00> : vector<64x4xf32>
    %dot_general3A_26 = tpu.matmul %div3A_22, %get3A_25, %dot_general3A {dimension_numbers = #tpu.dot_dimension_numbers<[1], [0], [0], [1], [0, 0, 1, 1], [], []>, transpose_lhs_hint = false} : vector<64x128xf32>, vector<128x4xf32>, vector<64x4xf32> -> vector<64x4xf32>
    %get3A_27 = arith.constant 0 : index
    %get3A_28 = arith.constant 0 : index
    %get3A_29 = vector.load %arg3[%get3A_27, %get3A_28] : memref<1x4xf32, #tpu.memory_space<vmem>>, vector<1x4xf32>
    %add3A_30 = vector.broadcast %get3A_29 : vector<1x4xf32> to vector<64x4xf32>
    %add3A_31 = arith.addf %dot_general3A_26, %add3A_30 : vector<64x4xf32>
    %swap3A = arith.constant 0 : index
    %swap3A_32 = arith.constant 0 : index
    %swap3A_33 = vector.load %arg4[%swap3A, %swap3A_32] : memref<64x4xf32, #tpu.memory_space<vmem>>, vector<64x4xf32>
    tpu.vector_store %arg4[%swap3A, %swap3A_32], %add3A_31 {strides = array<i32>} : memref<64x4xf32, #tpu.memory_space<vmem>>, vector<64x4xf32>,
    return
  }
}

</mosaic_0001>

<sc_bundles>
// kernel: kernel.16.cloned.1.call-start
scs
__scs_entry_jumppad:
0x0: {  	(pc) =	sbr.rel $0x88, $3  }
0x1: {  	(tag) =	ssettag $0x0;
	lr =	simm.s32 $0x1  }
0x2: {  	[smem:$0x3F90] =	sst lr;
	_ =	strace $0xD0000000  }
0x3: {  	_ = 	snop  }
0x4: {  	_ = 	snop  }
0x5: {  	_ = 	snop  }
0x6: {  	_ = 	snop  }
0x7: {  	_ = 	snop  }
__scs_overlays_trampoline_lowered:
0x8: {  	[smem:$0x3F9F] =	sst s0  }
0x9: {  	[smem:$0x3FA0] =	sst s1  }
0xa: {  	[smem:$0x3FA1] =	sst s2  }
0xb: {  	[smem:$0x3FA2] =	sst s3  }
0xc: {  	[smem:$0x3FA3] =	sst s4  }
0xd: {  	[smem:$0x3FA4] =	sst s5  }
0xe: {  	[smem:$0x3FA5] =	sst s6  }
0xf: {  	[smem:$0x3FA6] =	sst s7  }
0x10: {  	[smem:$0x3FA7] =	sst s8  }
0x11: {  	[smem:$0x3FA8] =	sst s9;
	s0 =	simm.s32 @!p0 $0x0  }
0x12: {  	s1 =	sld [smem:$0x3F8E];
	s0 =	simm.s32 @p0 $0x1  }
0x13: {  	[smem:$0x3FA9] =	sst s0;
	s0 =	simm.s32 @!p1 $0x0  }
0x14: {  	s2 =	sld [smem:$0x3F8D];
	s0 =	simm.s32 @p1 $0x1  }
0x15: {  	[smem:$0x3FAA] =	sst s0;
	s0 =	simm.s32 @!p2 $0x0  }
0x16: {  	s3 =	sld [smem:$0x3FDB];
	s0 =	simm.s32 @p2 $0x1  }
0x17: {  	s4 =	simm.s32 $0x1BF5;
	[smem:$0x3FAC] =	sst s0  }
0x18: {  	s0 =	sld [smem:$0x3F8F];
	_ =	swait.ge [sflag:s4], $0x0  }
0x19: {  	s7 =	sld [smem:$0x3F90]  }
0x1a: {  	s8 =	sadd.s32 $0xFFFFE003, lr  }
0x1b: {  	s9 =	sadd.s32 $0xFFFFFEF7, lr;
	s5 =	simm.s32 $0xFFFFFFFF;
	p2 =	slt.u32 s8, $0xFFFFF086  }
0x1c: {  	p1 =	slt.u32 s9, $0xF7A;
	s5 =	simm.s32 @!p2 $0x0  }
0x1d: {  	s5 =	simm.s32 @p1 $0x1;
	p0 =	seq.s32 s7, s2  }
0x1e: {  	s7 =	smul.u32 @!p0 $0xF7A, s2;
	p2 =	seq.s32 @!p0 s5, $0x0  }
0x1f: {  	s9 =	smul.u32 $0xF7A, s1;
	s8 =	simm.s32 @!p0 $0x1BF5;
	p2 =	por !p2, p0  }
0x20: {  	[sflag:s8] =	ssyncset.s32 @!p0 $0xFFFFF086;
	s6 =	sadd.s32 @!p0 s3, s7;
	s7 =	simm.s32 @!p0 $0x108  }
0x21: {  	s3 =	sadd.s32 s3, s9;
	s6 =	sadd.s32 @!p0 $0x88, s6;
	s7 =	simm.s32 @p2 $0x1082  }
0x22: {  	[simem:s7], [sflag:s8] =	dma.local @!p0 [hbm:s6], $0xF7A  }
0x23: {  	s9 =	sor.u32 $0xD0000000, s2;
	s6 =	simm.s32 $0x108;
	_ =	swait.ge @!p0 [sflag:s8], $0x0  }
0x24: {  	s3 =	sadd.s32 $0x88, s3;
	s6 =	simm.s32 @!p1 $0x1082;
	[sflag:s4] =	ssyncset.s32 $0xFFFFF086  }
0x25: {  	[simem:s6], [sflag:s4] =	dma.local [hbm:s3], $0xF7A  }
0x26: {  	[smem:$0x3F90] =	sst s1;
	(tag) =	ssettag s2;
	_ =	strace s9  }
0x27: {  	s1 =	sld [smem:$0x3FA0]  }
0x28: {  	s2 =	sld [smem:$0x3FA1]  }
0x29: {  	s4 =	sld [smem:$0x3FA3]  }
0x2a: {  	p0 =	seq.s32 s5, $0x0;
	s5 =	sld [smem:$0x3FA4]  }
0x2b: {  	s6 =	sld [smem:$0x3FA5]  }
0x2c: {  	s7 =	sld [smem:$0x3FA6]  }
0x2d: {  	s3 =	simm.s32 $0x108;
	s8 =	sld [smem:$0x3FA7]  }
0x2e: {  	s3 =	simm.s32 @!p0 $0x1082;
	s9 =	sld [smem:$0x3FA8]  }
0x2f: {  	lr =	sadd.s32 s0, s3;
	s0 =	sld [smem:$0x3F9F]  }
0x30: {  	s3 =	sld [smem:$0x3FA2]  }
0x31: {  	[smem:$0x3FAB] =	sst s10  }
0x32: {  	s10 =	sld [smem:$0x3FA9];
	_ =	sdelay $0x3  }
0x33: {  	p0 =	seq.s32 s10, $0x1;
	s10 =	sld [smem:$0x3FAB];
	_ =	sdelay $0x3  }
0x34: {  	[smem:$0x3FAB] =	sst s10  }
0x35: {  	s10 =	sld [smem:$0x3FAA];
	_ =	sdelay $0x3  }
0x36: {  	p1 =	seq.s32 s10, $0x1;
	s10 =	sld [smem:$0x3FAB];
	_ =	sdelay $0x3  }
0x37: {  	[smem:$0x3FAB] =	sst s10  }
0x38: {  	s10 =	sld [smem:$0x3FAC]  }
0x39: {  	_ = 	snop;
	(pc) =	sbr.ind lr, $3  }
0x3a: {  	_ = 	snop  }
0x3b: {  	_ = 	snop  }
0x3c: {  	p2 =	seq.s32 s10, $0x1;
	s10 =	sld [smem:$0x3FAB]  }
0x3d: {  	_ =	shalt  }
0x3e: {  	_ =	shalt  }
0x3f: {  	_ =	shalt  }
0x40: {  	_ =	shalt  }
0x41: {  	_ =	shalt  }
0x42: {  	_ =	shalt  }
0x43: {  	_ =	shalt  }
0x44: {  	_ =	shalt  }
0x45: {  	_ =	shalt  }
0x46: {  	_ =	shalt  }
0x47: {  	_ =	shalt  }
0x48: {  	_ =	shalt  }
0x49: {  	_ =	shalt  }
0x4a: {  	_ =	shalt  }
0x4b: {  	_ =	shalt  }
0x4c: {  	_ =	shalt  }
0x4d: {  	_ =	shalt  }
0x4e: {  	_ =	shalt  }
0x4f: {  	_ =	shalt  }
0x50: {  	_ =	shalt  }
0x51: {  	_ =	shalt  }
0x52: {  	_ =	shalt  }
0x53: {  	_ =	shalt  }
0x54: {  	_ =	shalt  }
0x55: {  	_ =	shalt  }
0x56: {  	_ =	shalt  }
0x57: {  	_ =	shalt  }
0x58: {  	_ =	shalt  }
0x59: {  	_ =	shalt  }
0x5a: {  	_ =	shalt  }
0x5b: {  	_ =	shalt  }
0x5c: {  	_ =	shalt  }
0x5d: {  	_ =	shalt  }
0x5e: {  	_ =	shalt  }
0x5f: {  	_ =	shalt  }
0x60: {  	_ =	shalt  }
0x61: {  	_ =	shalt  }
0x62: {  	_ =	shalt  }
0x63: {  	_ =	shalt  }
0x64: {  	_ =	shalt  }
0x65: {  	_ =	shalt  }
0x66: {  	_ =	shalt  }
0x67: {  	_ =	shalt  }
0x68: {  	_ =	shalt  }
0x69: {  	_ =	shalt  }
0x6a: {  	_ =	shalt  }
0x6b: {  	_ =	shalt  }
0x6c: {  	_ =	shalt  }
0x6d: {  	_ =	shalt  }
0x6e: {  	_ =	shalt  }
0x6f: {  	_ =	shalt  }
0x70: {  	_ =	shalt  }
0x71: {  	_ =	shalt  }
0x72: {  	_ =	shalt  }
0x73: {  	_ =	shalt  }
0x74: {  	_ =	shalt  }
0x75: {  	_ =	shalt  }
0x76: {  	_ =	shalt  }
0x77: {  	_ =	shalt  }
0x78: {  	_ =	shalt  }
0x79: {  	_ =	shalt  }
0x7a: {  	_ =	shalt  }
0x7b: {  	_ =	shalt  }
0x7c: {  	_ =	shalt  }
0x7d: {  	_ =	shalt  }
0x7e: {  	_ =	shalt  }
0x7f: {  	_ =	shalt  }
0x80: {  	_ =	shalt  }
0x81: {  	_ =	shalt  }
0x82: {  	_ =	shalt  }
0x83: {  	_ =	shalt  }
0x84: {  	_ =	shalt  }
0x85: {  	_ =	shalt  }
0x86: {  	_ =	shalt  }
0x87: {  	_ =	shalt  }
.Lfunc_end0:
.L_simem_size_0:
called_computation_lowered:
.L_overlay_start_0:
0x88: {  	s2 =	sld [smem:$0x3FD9]  }
0x89: {  	s3 =	sld [smem:$0x3FFE];
	_ =	sdelay $0x1  }
0x8a: {  	s1 =	srdreg.scid  }
0x8b: {  	s0 =	sand.u32 $0x1, s1  }
0x8c: {  	s16 =	sshll.u32 s0, $0xA;
	s2 =	sadd.s32 s3, s2  }
0x8d: {  	s2 =	sadd.s32 s2, s16  }
0x8e: {  	[smem:$0x3FB7] =	sst s2  }
0x8f: {  	_ = 	snop  }
0x90: {  	(tm) =	ssettm $0x1  }
0x91: {  	s17 =	sld [smem:$0x3FFB];
	_ =	sdelay $0x3  }
0x92: {  	_ =	strace s17  }
0x93: {  	s2 =	sld [smem:$0x3FFC];
	_ =	sdelay $0x3  }
0x94: {  	_ =	strace s2  }
0x95: {  	s2 =	sld [smem:$0x3FFD];
	_ =	sdelay $0x3  }
0x96: {  	_ =	strace s2  }
0x97: {  	_ =	strace $0x8FFFFFFF  }
0x98: {  	s18 =	sld [smem:$0x3FDB];
	_ =	sdelay $0x1  }
0x99: {  	s19 =	simm.s32 $_scs_section_size  }
0x9a: {  	s4 =	simm.s32 $_size__tile_overlayer_lowered;
	s5 =	simm.s32 $_tile_overlayer_lowered  }
0x9b: {  	s22 =	simm.s32 $0x1BFF;
	s21 =	sshll.u32 s5, $0x1;
	s2 =	sadd.s32 s19, s18  }
0x9c: {  	s6 =	simm.s32 $0x0;
	s20 =	sshll.u32 s4, $0x1;
	s4 =	sadd.s32 s21, s2  }
0x9d: {  	[timem:s6], [sflag:s22] =	dma.local [hbm:s4], s20  }
0x9e: {  	_ =	swait.ge [sflag:s22], s20  }
0x9f: {  	s3 =	ssub.s32 $0x0, s20;
	[sflag:s22] =	ssyncset.done $0x0  }
0xa0: {  	[sflag:s22] =	ssyncadd.s32 s3;
	_ =	sdelay $0x1  }
0xa1: {  	s23 =	simm.s32 $0x1B8B  }
0xa2: {  	_ =	swait.ge [sflag:s23], $0x1  }
0xa3: {  	[sflag:s23] =	ssyncset.done $0x0  }
0xa4: {  	s25 =	simm.s32 $0x1B8E;
	s24 =	sld [smem:$0x3FFE];
	[sflag:s23] =	ssyncadd.s32 $0xFFFFFFFF  }
0xa5: {  	s26 =	simm.s32 $execute0_lowered;
	[smem:$0x3FD2] =	sst s25  }
0xa6: {  	s4 =	sshll.u32 s26, $0x1;
	_ =	strace $0x80000046;
	[dreg:$0x1] =	wrdreg $0xFFFFFFFF  }
0xa7: {  	s28 =	simm.s32 $_size_execute0_lowered;
	s2 =	sadd.s32 s2, s4;
	[dreg:$0x0] =	wrdreg $0x0  }
0xa8: {  	s4 =	sshll.u32 s28, $0x1;
	[dreg:$0x2] =	wrdreg s2  }
0xa9: {  	[dreg:$0x3] =	wrdreg s4  }
0xaa: {  	[dreg:$0x4] =	wrdreg $0xC0  }
0xab: {  	_ =	task [dreg:s6], $0x5FFFF  }
0xac: {  	[dreg:$0x1] =	wrdreg $0xFFFFFFFF  }
0xad: {  	[dreg:$0x0] =	wrdreg $0x60  }
0xae: {  	[dreg:$0x2] =	wrdreg s24  }
0xaf: {  	[dreg:$0x3] =	wrdreg $0x0  }
0xb0: {  	[dreg:$0x4] =	wrdreg $0x9  }
0xb1: {  	_ =	task.clear_ibuf [dreg:s6], $0x5FFFF;
	_ =	strace $0x90000046  }
0xb2: {  	s29 =	simm.s32 $0x9;
	_ =	strace $0x80000048  }
0xb3: {  	_ =	swait.ge [sflag:s29], $0x1  }
0xb4: {  	[sflag:s29] =	ssyncadd.s32 $0xFFFFFFFF  }
0xb5: {  	_ =	strace $0x90000048  }
0xb6: {  	_ =	sfence  }
0xb7: {  	s30 =	sld [smem:$0x0];
	_ =	sdelay $0x2  }
0xb8: {  	s31 =	sshll.u32 s1, $0xD;
	s1 =	sshrl.u32 s1, $0x2  }
0xb9: {  	s3 =	sand.u32 $0x4000, s31;
	s1 =	sadd.s32 s1, s30  }
0xba: {  	s0 =	sor.u32 s3, s0;
	s1 =	sshll.u32 s1, $0x11  }
0xbb: {  	s0 =	sor.u32 s1, s0  }
0xbc: {  	s0 =	sadd.s32 $0x8F2B, s0  }
0xbd: {  	[sflag:s0] =	ssyncadd.remote.s32 $0x1  }
0xbe: {  	_ =	sfence.sel $0xFFFF  }
0xbf: {  	[dreg:$0x0] =	wrdreg $0xFFFFFFFF;
	(pc) =	sbr.abs _section_cstart, $3  }
0xc0: {  	[dreg:$0x1] =	wrdreg $0xFFFFFFFF  }
0xc1: {  	_ =	task.clear_ibuf [dreg:s6], $0x2FFFF;
	_ =	strace $0x9FFFFFFF  }
0xc2: {  	(tm) =	ssettm $0x7FFFFFFF  }
0xc3: {  	_ =	shalt  }
tec
execute0_lowered:
.L_overlay_start_1:
0x0: {  	(tag) =	ssettag $0x1  }
0x1: {  	s0 =	srdreg.scid;
	s5 =	rddreg [dreg:$0x0]  }
0x2: {  	s2 =	rddreg [dreg:$0x1];
	s3 =	simm.s32 $0x0;
	s4 =	sand.u32 $0x1, s0  }
0x3: {  	s13 =	simm.s32 $0x1;
	s0 =	stileid.u32;
	s7 =	smul.u32 $0x140000, s4  }
0x4: {  	s14 =	simm.s32 $0x2800;
	s15 =	simm.s32 $0x80;
	s8 =	smul.u32 $0x14000, s0  }
0x5: {  	[smem:$0x7FF] =	sst s3;
	s1 =	sshll.u32 s4, $0x4;
	s9 =	smul.u32 $0x50000, s0  }
0x6: {  	s29 =	ssub.s32 $0x2, s4;
	s16 =	sshll.u32 s0, $0x6;
	s1 =	sor.u32 s0, s1  }
0x7: {  	s31 =	sshrl.u32 s29, $0x1;
	s16 =	sor.u32 $0x1C01, s16;
	s6 =	smul.u32 $0x500, s1  }
0x8: {  	s1 =	rddreg [dreg:$0x2];
	_ =	strace $0x80000047;
	s30 =	sshrl.u32 s9, $0x2  }
0x9: {  	s28 =	sadd.s32 s8, s7;
	s12 =	ssub.s32 s29, s31;
	s4 =	sadd.s32 s30, s2  }
0xa: {  	s10 =	sadd.s32 s6, s5;
	s6 =	sshrl.u32 s28, $0x3;
	s7 =	sadd.s32 $0xC000, s4  }
0xb: {  	s8 =	sadd.s32 $0x10000, s4;
	s17 =	sshrl.u32 s4, $0x3;
	s11 =	sadd.s32 s6, s5  }
0xc: {  	s5 =	sadd.s32 $0x4000, s4;
	s6 =	sadd.s32 $0x8000, s4;
	s9 =	sadd.s32 $0x5200, s10  }
0xd: {  	v0 =	vimm.f32 $0.0e+00;
	v1 =	vimm.f32 $1.000000000e+00;
	s10 =	sadd.s32 $0xF200, s11;
	s11 =	smax.u32 s12, $0x1;
	s12 =	simm.s32 $0x5000  }
.LBB2_1:
0xe: {  	s18 =	simm.s32 $0x200;
	s19 =	simm.s32 $0x0  }
.LBB2_2:
0xf: {  	p0 =	sne.s32 s18, $0xFE00;
	[tilespmem:s19+$0x5000] =	vst v0;
	s19 =	smov.u32 s18;
	s18 =	sadd.s32 $0x200, s18  }
.Ltmp0:
0x10: {  	(pc) =	sbr.rel @p0 .LBB2_2-.Ltmp0, $2  }
0x11: {  	_ =	sdelay $0x2  }
0x12: {  	s19 =	sshra.s32 s19, $0x2  }
0x13: {  	[tilespmem:s19+$0x5000] =	vst v0  }
0x14: {  	[spmem:s4] =	stream.linear.scatter [tilespmem:s12], [sflag:$0x1], $0x4000, $0x38;
	[tilespmem:$0x9000] =	vst v63  }
0x15: {  	_ =	swait.ge [sflag:s13], $0x4000  }
0x16: {  	[sflag:s13] =	ssyncset.done $0x0  }
0x17: {  	[sflag:s13] =	ssyncadd.s32 $0xFFFFC000  }
0x18: {  	[spmem:s5] =	stream.linear.scatter [tilespmem:s12], [sflag:$0x1], $0x4000, $0x38;
	[tilespmem:$0x9000] =	vst v63  }
0x19: {  	_ =	swait.ge [sflag:s13], $0x4000  }
0x1a: {  	[sflag:s13] =	ssyncset.done $0x0  }
0x1b: {  	[sflag:s13] =	ssyncadd.s32 $0xFFFFC000  }
0x1c: {  	[spmem:s6] =	stream.linear.scatter [tilespmem:s12], [sflag:$0x1], $0x4000, $0x38;
	[tilespmem:$0x9000] =	vst v63  }
0x1d: {  	_ =	swait.ge [sflag:s13], $0x4000  }
0x1e: {  	[sflag:s13] =	ssyncset.done $0x0  }
0x1f: {  	[sflag:s13] =	ssyncadd.s32 $0xFFFFC000  }
0x20: {  	[spmem:s7] =	stream.linear.scatter [tilespmem:s12], [sflag:$0x1], $0x4000, $0x38;
	[tilespmem:$0x9000] =	vst v63  }
0x21: {  	_ =	swait.ge [sflag:s13], $0x4000  }
0x22: {  	[sflag:s13] =	ssyncset.done $0x0  }
0x23: {  	[sflag:s13] =	ssyncadd.s32 $0xFFFFC000  }
0x24: {  	[spmem:s8] =	stream.linear.scatter [tilespmem:s12], [sflag:$0x1], $0x4000, $0x38;
	[tilespmem:$0x9000] =	vst v63  }
0x25: {  	_ =	swait.ge [sflag:s13], $0x4000  }
0x26: {  	[sflag:s13] =	ssyncset.done $0x0  }
0x27: {  	s18 =	simm.s32 $0x0;
	[sflag:s13] =	ssyncadd.s32 $0xFFFFC000  }
0x28: {  	[tilespmem:s14], [sflag:$0x1] =	stream.linear.gather [hbm4b:s9+s18], $0x2800, $0x38;
	[tilespmem:$0x9000] =	vst v63  }
0x29: {  	_ =	swait.ge [sflag:s13], $0x2800  }
0x2a: {  	[sflag:s13] =	ssyncset.done $0x0  }
0x2b: {  	s19 =	simm.s32 $0x0;
	s18 =	simm.s32 $0x200;
	[sflag:s13] =	ssyncadd.s32 $0xFFFFD800  }
.LBB2_4:
0x2c: {  	p0 =	sne.s32 s18, $0xFE00;
	[tilespmem:s19+$0x5000] =	vst v1;
	s19 =	smov.u32 s18;
	s18 =	sadd.s32 $0x200, s18  }
.Ltmp1:
0x2d: {  	(pc) =	sbr.rel @p0 .LBB2_4-.Ltmp1, $2  }
0x2e: {  	_ =	sdelay $0x2  }
0x2f: {  	s19 =	sshra.s32 s19, $0x2  }
0x30: {  	[tilespmem:s19+$0x5000] =	vst v1  }
0x31: {  	s18 =	simm.s32 $0x2800;
	[bflag:$0x0] =	sbarrier.arrive $0xFFFF  }
0x32: {  	[spmem:s2] =	stream.indirect.scatter.add.f32 [tilespmem:s12], [sflag:$0x1], $0x10, s18, s15, $0xb8;
	[tilespmem:$0x9000] =	vst v63  }
0x33: {  	s18 =	simm.s32 $0x200;
	_ =	swait.ge [sflag:s13], $0x800  }
.LBB2_6:
0x34: {  	s19 =	sshra.s32 s18, $0x2;
	[sflag:s13] =	ssyncset.done $0x0;
	p0 =	sne.s32 s18, $0x9E00  }
.Ltmp2:
0x35: {  	s19 =	sadd.s32 $0x2800, s19;
	[sflag:s13] =	ssyncadd.s32 $0xFFFFF800;
	(pc) =	sbr.rel @p0 .LBB2_6-.Ltmp2, $3  }
0x36: {  	[spmem:s2] =	stream.indirect.scatter.add.f32 [tilespmem:s12], [sflag:$0x1], $0x10, s19, s15, $0xb8;
	[tilespmem:$0x9000] =	vst v63  }
0x37: {  	s18 =	sadd.s32 $0x200, s18;
	_ =	sdelay $0x1  }
0x38: {  	_ =	swait.ge [sflag:s13], $0x800  }
0x39: {  	[sflag:s13] =	ssyncset.done $0x0;
	s3 =	sadd.s32 $0x1, s3  }
0x3a: {  	[sflag:s13] =	ssyncadd.s32 $0xFFFFF800;
	p0 =	sne.s32 s3, s11  }
.Ltmp3:
0x3b: {  	[bflag:$0x0] =	sbarrier.arrive $0xFFFF;
	(pc) =	sbr.rel @p0 .LBB2_1-.Ltmp3, $4  }
0x3c: {  	[hbm:s10], [sflag:s16] =	dma.local [spmem:s17], $0x2800  }
0x3d: {  	_ =	swait.ge [sflag:s13], $0x2800  }
0x3e: {  	[sflag:s13] =	ssyncset.done $0x0  }
0x3f: {  	[sflag:s13] =	ssyncadd.s32 $0xFFFFD800  }
0x40: {  	_ =	sfence.sel $0x180000  }
0x41: {  	[bflag:$0x0] =	sbarrier.arrive $0xFFFF  }
0x42: {  	p0 =	sne.s32 s0, $0x0;
	_ =	strace $0x90000047  }
0x43: {  	s0 =	sadd.s32 @!p0 $0x100000, s1;
	[bflag:$0x2] =	sbarrier.arrive $0xFFFF  }
0x44: {  	[sflag:s0] =	ssyncadd.tile.s32 @!p0 $0x1;
	_ =	shalt  }
.Lfunc_end2:
_tile_overlayer_lowered:
.L_overlay_start_2:
0x45: {  	(tag) =	ssettag $0x2  }
0x46: {  	s0 =	rddreg [dreg:$0x0];
	s2 =	stileid.u32  }
0x47: {  	s1 =	rddreg [dreg:$0x1];
	p0 =	sne.s32 s2, $0x0  }
0x48: {  	s3 =	rddreg [dreg:$0x2];
	[bflag:$0x3] =	sbarrier.arrive $0xFFFF;
	s2 =	simm.s32 @!p0 $0x1C01  }
0x49: {  	[timem:s3], [sflag:s2] =	dma.local @!p0 [hbm:s0], s1  }
0x4a: {  	s0 =	simm.s32 @!p0 $0x1  }
0x4b: {  	_ =	swait.ge @!p0 [sflag:s0], s1  }
0x4c: {  	s1 =	ssub.s32 @!p0 $0x0, s1;
	[sflag:s0] =	ssyncset.done @!p0 $0x0  }
0x4d: {  	[sflag:s0] =	ssyncadd.s32 @!p0 s1  }
0x4e: {  	[bflag:$0x3] =	sbarrier.arrive $0xFFFF  }
0x4f: {  	_ =	shalt  }

// kernel: kernel.19.cloned.1.call-start
scs
__scs_entry_jumppad:
0x0: {  	(pc) =	sbr.rel $0x88, $3  }
0x1: {  	(tag) =	ssettag $0x0;
	lr =	simm.s32 $0x1  }
0x2: {  	[smem:$0x3F90] =	sst lr;
	_ =	strace $0xD0000000  }
0x3: {  	_ = 	snop  }
0x4: {  	_ = 	snop  }
0x5: {  	_ = 	snop  }
0x6: {  	_ = 	snop  }
0x7: {  	_ = 	snop  }
__scs_overlays_trampoline_lowered:
0x8: {  	[smem:$0x3F9F] =	sst s0  }
0x9: {  	[smem:$0x3FA0] =	sst s1  }
0xa: {  	[smem:$0x3FA1] =	sst s2  }
0xb: {  	[smem:$0x3FA2] =	sst s3  }
0xc: {  	[smem:$0x3FA3] =	sst s4  }
0xd: {  	[smem:$0x3FA4] =	sst s5  }
0xe: {  	[smem:$0x3FA5] =	sst s6  }
0xf: {  	[smem:$0x3FA6] =	sst s7  }
0x10: {  	[smem:$0x3FA7] =	sst s8  }
0x11: {  	[smem:$0x3FA8] =	sst s9;
	s0 =	simm.s32 @!p0 $0x0  }
0x12: {  	s1 =	sld [smem:$0x3F8E];
	s0 =	simm.s32 @p0 $0x1  }
0x13: {  	[smem:$0x3FA9] =	sst s0;
	s0 =	simm.s32 @!p1 $0x0  }
0x14: {  	s2 =	sld [smem:$0x3F8D];
	s0 =	simm.s32 @p1 $0x1  }
0x15: {  	[smem:$0x3FAA] =	sst s0;
	s0 =	simm.s32 @!p2 $0x0  }
0x16: {  	s3 =	sld [smem:$0x3FDB];
	s0 =	simm.s32 @p2 $0x1  }
0x17: {  	s4 =	simm.s32 $0x1BF5;
	[smem:$0x3FAC] =	sst s0  }
0x18: {  	s0 =	sld [smem:$0x3F8F];
	_ =	swait.ge [sflag:s4], $0x0  }
0x19: {  	s7 =	sld [smem:$0x3F90]  }
0x1a: {  	s8 =	sadd.s32 $0xFFFFE003, lr  }
0x1b: {  	s9 =	sadd.s32 $0xFFFFFEF7, lr;
	s5 =	simm.s32 $0xFFFFFFFF;
	p2 =	slt.u32 s8, $0xFFFFF086  }
0x1c: {  	p1 =	slt.u32 s9, $0xF7A;
	s5 =	simm.s32 @!p2 $0x0  }
0x1d: {  	s5 =	simm.s32 @p1 $0x1;
	p0 =	seq.s32 s7, s2  }
0x1e: {  	s7 =	smul.u32 @!p0 $0xF7A, s2;
	p2 =	seq.s32 @!p0 s5, $0x0  }
0x1f: {  	s9 =	smul.u32 $0xF7A, s1;
	s8 =	simm.s32 @!p0 $0x1BF5;
	p2 =	por !p2, p0  }
0x20: {  	[sflag:s8] =	ssyncset.s32 @!p0 $0xFFFFF086;
	s6 =	sadd.s32 @!p0 s3, s7;
	s7 =	simm.s32 @!p0 $0x108  }
0x21: {  	s3 =	sadd.s32 s3, s9;
	s6 =	sadd.s32 @!p0 $0x88, s6;
	s7 =	simm.s32 @p2 $0x1082  }
0x22: {  	[simem:s7], [sflag:s8] =	dma.local @!p0 [hbm:s6], $0xF7A  }
0x23: {  	s9 =	sor.u32 $0xD0000000, s2;
	s6 =	simm.s32 $0x108;
	_ =	swait.ge @!p0 [sflag:s8], $0x0  }
0x24: {  	s3 =	sadd.s32 $0x88, s3;
	s6 =	simm.s32 @!p1 $0x1082;
	[sflag:s4] =	ssyncset.s32 $0xFFFFF086  }
0x25: {  	[simem:s6], [sflag:s4] =	dma.local [hbm:s3], $0xF7A  }
0x26: {  	[smem:$0x3F90] =	sst s1;
	(tag) =	ssettag s2;
	_ =	strace s9  }
0x27: {  	s1 =	sld [smem:$0x3FA0]  }
0x28: {  	s2 =	sld [smem:$0x3FA1]  }
0x29: {  	s4 =	sld [smem:$0x3FA3]  }
0x2a: {  	p0 =	seq.s32 s5, $0x0;
	s5 =	sld [smem:$0x3FA4]  }
0x2b: {  	s6 =	sld [smem:$0x3FA5]  }
0x2c: {  	s7 =	sld [smem:$0x3FA6]  }
0x2d: {  	s3 =	simm.s32 $0x108;
	s8 =	sld [smem:$0x3FA7]  }
0x2e: {  	s3 =	simm.s32 @!p0 $0x1082;
	s9 =	sld [smem:$0x3FA8]  }
0x2f: {  	lr =	sadd.s32 s0, s3;
	s0 =	sld [smem:$0x3F9F]  }
0x30: {  	s3 =	sld [smem:$0x3FA2]  }
0x31: {  	[smem:$0x3FAB] =	sst s10  }
0x32: {  	s10 =	sld [smem:$0x3FA9];
	_ =	sdelay $0x3  }
0x33: {  	p0 =	seq.s32 s10, $0x1;
	s10 =	sld [smem:$0x3FAB];
	_ =	sdelay $0x3  }
0x34: {  	[smem:$0x3FAB] =	sst s10  }
0x35: {  	s10 =	sld [smem:$0x3FAA];
	_ =	sdelay $0x3  }
0x36: {  	p1 =	seq.s32 s10, $0x1;
	s10 =	sld [smem:$0x3FAB];
	_ =	sdelay $0x3  }
0x37: {  	[smem:$0x3FAB] =	sst s10  }
0x38: {  	s10 =	sld [smem:$0x3FAC]  }
0x39: {  	_ = 	snop;
	(pc) =	sbr.ind lr, $3  }
0x3a: {  	_ = 	snop  }
0x3b: {  	_ = 	snop  }
0x3c: {  	p2 =	seq.s32 s10, $0x1;
	s10 =	sld [smem:$0x3FAB]  }
0x3d: {  	_ =	shalt  }
0x3e: {  	_ =	shalt  }
0x3f: {  	_ =	shalt  }
0x40: {  	_ =	shalt  }
0x41: {  	_ =	shalt  }
0x42: {  	_ =	shalt  }
0x43: {  	_ =	shalt  }
0x44: {  	_ =	shalt  }
0x45: {  	_ =	shalt  }
0x46: {  	_ =	shalt  }
0x47: {  	_ =	shalt  }
0x48: {  	_ =	shalt  }
0x49: {  	_ =	shalt  }
0x4a: {  	_ =	shalt  }
0x4b: {  	_ =	shalt  }
0x4c: {  	_ =	shalt  }
0x4d: {  	_ =	shalt  }
0x4e: {  	_ =	shalt  }
0x4f: {  	_ =	shalt  }
0x50: {  	_ =	shalt  }
0x51: {  	_ =	shalt  }
0x52: {  	_ =	shalt  }
0x53: {  	_ =	shalt  }
0x54: {  	_ =	shalt  }
0x55: {  	_ =	shalt  }
0x56: {  	_ =	shalt  }
0x57: {  	_ =	shalt  }
0x58: {  	_ =	shalt  }
0x59: {  	_ =	shalt  }
0x5a: {  	_ =	shalt  }
0x5b: {  	_ =	shalt  }
0x5c: {  	_ =	shalt  }
0x5d: {  	_ =	shalt  }
0x5e: {  	_ =	shalt  }
0x5f: {  	_ =	shalt  }
0x60: {  	_ =	shalt  }
0x61: {  	_ =	shalt  }
0x62: {  	_ =	shalt  }
0x63: {  	_ =	shalt  }
0x64: {  	_ =	shalt  }
0x65: {  	_ =	shalt  }
0x66: {  	_ =	shalt  }
0x67: {  	_ =	shalt  }
0x68: {  	_ =	shalt  }
0x69: {  	_ =	shalt  }
0x6a: {  	_ =	shalt  }
0x6b: {  	_ =	shalt  }
0x6c: {  	_ =	shalt  }
0x6d: {  	_ =	shalt  }
0x6e: {  	_ =	shalt  }
0x6f: {  	_ =	shalt  }
0x70: {  	_ =	shalt  }
0x71: {  	_ =	shalt  }
0x72: {  	_ =	shalt  }
0x73: {  	_ =	shalt  }
0x74: {  	_ =	shalt  }
0x75: {  	_ =	shalt  }
0x76: {  	_ =	shalt  }
0x77: {  	_ =	shalt  }
0x78: {  	_ =	shalt  }
0x79: {  	_ =	shalt  }
0x7a: {  	_ =	shalt  }
0x7b: {  	_ =	shalt  }
0x7c: {  	_ =	shalt  }
0x7d: {  	_ =	shalt  }
0x7e: {  	_ =	shalt  }
0x7f: {  	_ =	shalt  }
0x80: {  	_ =	shalt  }
0x81: {  	_ =	shalt  }
0x82: {  	_ =	shalt  }
0x83: {  	_ =	shalt  }
0x84: {  	_ =	shalt  }
0x85: {  	_ =	shalt  }
0x86: {  	_ =	shalt  }
0x87: {  	_ =	shalt  }
.Lfunc_end0:
.L_simem_size_0:
called_computation.1_lowered:
.L_overlay_start_0:
0x88: {  	s2 =	sld [smem:$0x3FD9]  }
0x89: {  	s3 =	sld [smem:$0x3FFE];
	_ =	sdelay $0x1  }
0x8a: {  	s1 =	srdreg.scid  }
0x8b: {  	s0 =	sand.u32 $0x1, s1  }
0x8c: {  	s17 =	sshll.u32 s0, $0xA;
	s2 =	sadd.s32 s3, s2  }
0x8d: {  	s2 =	sadd.s32 s2, s17  }
0x8e: {  	[smem:$0x3FB7] =	sst s2  }
0x8f: {  	_ = 	snop  }
0x90: {  	(tm) =	ssettm $0x1  }
0x91: {  	s18 =	sld [smem:$0x3FFB];
	_ =	sdelay $0x3  }
0x92: {  	_ =	strace s18  }
0x93: {  	s2 =	sld [smem:$0x3FFC];
	_ =	sdelay $0x3  }
0x94: {  	_ =	strace s2  }
0x95: {  	s2 =	sld [smem:$0x3FFD];
	_ =	sdelay $0x3  }
0x96: {  	_ =	strace s2  }
0x97: {  	_ =	strace $0x8FFFFFFF  }
0x98: {  	s19 =	sld [smem:$0x3FDB];
	_ =	sdelay $0x1  }
0x99: {  	s20 =	simm.s32 $_scs_section_size  }
0x9a: {  	s4 =	simm.s32 $_size__tile_overlayer_lowered;
	s5 =	simm.s32 $_tile_overlayer_lowered  }
0x9b: {  	s6 =	simm.s32 $0x1BFF;
	s21 =	sshll.u32 s5, $0x1;
	s3 =	sadd.s32 s20, s19  }
0x9c: {  	s22 =	simm.s32 $0x0;
	s4 =	sshll.u32 s4, $0x1;
	s5 =	sadd.s32 s21, s3  }
0x9d: {  	[timem:s22], [sflag:s6] =	dma.local [hbm:s5], s4  }
0x9e: {  	_ =	swait.ge [sflag:s6], s4  }
0x9f: {  	s4 =	ssub.s32 $0x0, s4;
	[sflag:s6] =	ssyncset.done $0x0  }
0xa0: {  	[sflag:s6] =	ssyncadd.s32 s4;
	_ =	sdelay $0x1  }
0xa1: {  	s23 =	simm.s32 $0x1B8B  }
0xa2: {  	_ =	swait.ge [sflag:s23], $0x1  }
0xa3: {  	[sflag:s23] =	ssyncset.done $0x0  }
0xa4: {  	[sflag:s23] =	ssyncadd.s32 $0xFFFFFFFF  }
0xa5: {  	s4 =	sld [smem:$0x0]  }
0xa6: {  	s5 =	sand.u32 $0xFFFFFFFE, s1  }
0xa7: {  	p0 =	sne.s32 s1, s5  }
0xa8: {  	s5 =	sshll.u32 @p0 s5, $0xE  }
0xa9: {  	s5 =	sadd.s32 @p0 $0x11B8D, s5;
	s6 =	sshll.u32 @p0 s4, $0x11  }
0xaa: {  	s5 =	sor.u32 @p0 s6, s5  }
0xab: {  	[sflag:s5] =	ssyncadd.remote.s32 @p0 $0x1;
	_ =	sdelay $0x1  }
0xac: {  	s5 =	simm.s32 @p0 $0x1B8D  }
0xad: {  	_ =	swait.eq @p0 [sflag:s5], $0x1  }
0xae: {  	[sflag:s5] =	ssyncadd.s32 @p0 $0xFFFFFFFF  }
0xaf: {  	s6 =	sshll.u32 @!p0 s1, $0xE  }
0xb0: {  	s6 =	sor.u32 @!p0 $0x4000, s6;
	s5 =	simm.s32 @!p0 $0x1B8D  }
0xb1: {  	s4 =	sshll.u32 @!p0 s4, $0x11;
	s6 =	sadd.s32 @!p0 $0x11B8D, s6;
	_ =	swait.eq @!p0 [sflag:s5], $0x1  }
0xb2: {  	s4 =	sor.u32 @!p0 s4, s6;
	[sflag:s5] =	ssyncadd.s32 @!p0 $0xFFFFFFFF  }
0xb3: {  	s25 =	simm.s32 $0x1B8E;
	s24 =	sld [smem:$0x3FFE];
	[sflag:s4] =	ssyncadd.remote.s32 @!p0 $0x1  }
0xb4: {  	s26 =	simm.s32 $execute0_lowered;
	[smem:$0x3FD2] =	sst s25  }
0xb5: {  	s5 =	sshll.u32 s26, $0x1;
	_ =	strace $0x80000052;
	[dreg:$0x1] =	wrdreg $0xFFFFFFFF  }
0xb6: {  	s28 =	simm.s32 $_size_execute0_lowered;
	s3 =	sadd.s32 s3, s5;
	[dreg:$0x0] =	wrdreg $0x0  }
0xb7: {  	s5 =	sshll.u32 s28, $0x1;
	[dreg:$0x2] =	wrdreg s3  }
0xb8: {  	[dreg:$0x3] =	wrdreg s5  }
0xb9: {  	[dreg:$0x4] =	wrdreg $0xC0  }
0xba: {  	_ =	task [dreg:s22], $0x5FFFF  }
0xbb: {  	[dreg:$0x1] =	wrdreg $0xFFFFFFFF  }
0xbc: {  	[dreg:$0x0] =	wrdreg $0x60  }
0xbd: {  	[dreg:$0x2] =	wrdreg s24  }
0xbe: {  	[dreg:$0x3] =	wrdreg $0x0  }
0xbf: {  	[dreg:$0x4] =	wrdreg $0x9  }
0xc0: {  	_ =	task.clear_ibuf [dreg:s22], $0x5FFFF;
	_ =	strace $0x90000052  }
0xc1: {  	s29 =	simm.s32 $0x9;
	_ =	strace $0x80000054  }
0xc2: {  	_ =	swait.ge [sflag:s29], $0x1  }
0xc3: {  	[sflag:s29] =	ssyncadd.s32 $0xFFFFFFFF  }
0xc4: {  	_ =	strace $0x90000054  }
0xc5: {  	_ =	sfence  }
0xc6: {  	s30 =	sld [smem:$0x0];
	_ =	sdelay $0x2  }
0xc7: {  	s31 =	sshll.u32 s1, $0xD;
	s1 =	sshrl.u32 s1, $0x2  }
0xc8: {  	s4 =	sand.u32 $0x4000, s31;
	s1 =	sadd.s32 s1, s30  }
0xc9: {  	s0 =	sor.u32 s4, s0;
	s1 =	sshll.u32 s1, $0x11  }
0xca: {  	s0 =	sor.u32 s1, s0  }
0xcb: {  	s0 =	sadd.s32 $0x8F2B, s0  }
0xcc: {  	[sflag:s0] =	ssyncadd.remote.s32 $0x1  }
0xcd: {  	_ =	sfence.sel $0xFFFF  }
0xce: {  	[dreg:$0x0] =	wrdreg $0xFFFFFFFF;
	(pc) =	sbr.abs _section_cstart, $3  }
0xcf: {  	[dreg:$0x1] =	wrdreg $0xFFFFFFFF  }
0xd0: {  	_ =	task.clear_ibuf [dreg:s22], $0x2FFFF;
	_ =	strace $0x9FFFFFFF  }
0xd1: {  	(tm) =	ssettm $0x7FFFFFFF  }
tec
execute0_lowered:
.L_overlay_start_1:
0x0: {  	(tag) =	ssettag $0x1  }
0x1: {  	s4 =	rddreg [dreg:$0x0]  }
0x2: {  	s1 =	rddreg [dreg:$0x1]  }
0x3: {  	s2 =	srdreg.scid;
	s0 =	rddreg [dreg:$0x2];
	s3 =	simm.s32 $0x0  }
0x4: {  	s10 =	simm.s32 $0x80;
	s11 =	simm.s32 $0x260;
	s12 =	simm.s32 $0xE0  }
0x5: {  	s13 =	simm.s32 $0x160;
	s5 =	sand.u32 $0x1, s2;
	s2 =	stileid.u32  }
0x6: {  	[smem:$0x7FF] =	sst s3;
	s6 =	smul.u32 $0x3000, s5;
	s7 =	sshll.u32 s2, $0x6  }
0x7: {  	s8 =	sshll.u32 s2, $0xA;
	_ =	strace $0x80000053;
	s9 =	ssub.s32 $0x2, s5  }
0x8: {  	s5 =	sshll.u32 s5, $0xA;
	p0 =	sgt.u32 s2, $0xB;
	s7 =	sadd.s32 s7, s4  }
0x9: {  	s30 =	sshrl.u32 s9, $0x1;
	s14 =	sshll.u32 @!p0 s2, $0x6;
	s6 =	sadd.s32 s8, s6  }
0xa: {  	s5 =	sadd.s32 s5, s7;
	s31 =	ssub.s32 s9, s30;
	s9 =	simm.s32 $0x1  }
0xb: {  	s14 =	sor.u32 @!p0 $0x1C01, s14;
	s6 =	sshrl.u32 s6, $0x3;
	s5 =	sadd.s32 $0x36400, s5  }
0xc: {  	s7 =	smax.u32 s31, $0x1;
	s6 =	sadd.s32 s6, s4;
	s4 =	sadd.s32 s8, s1  }
0xd: {  	v0 =	vimm.f32 $0.0e+00;
	v1 =	vimm.f32 $1.000000000e+00;
	s8 =	simm.s32 $0x60;
	s6 =	sadd.s32 $0x36C00, s6;
	s15 =	sshrl.u32 @!p0 s4, $0x3  }
.LBB2_1:
0xe: {  	s16 =	simm.s32 $0x200;
	s17 =	simm.s32 $0x0  }
.LBB2_2:
0xf: {  	p1 =	sne.s32 s16, $0xFE00;
	[tilespmem:s17+$0x260] =	vst v0;
	s17 =	smov.u32 s16;
	s16 =	sadd.s32 $0x200, s16  }
.Ltmp0:
0x10: {  	(pc) =	sbr.rel @p1 .LBB2_2-.Ltmp0, $2  }
0x11: {  	_ =	sdelay $0x2  }
0x12: {  	s17 =	sshra.s32 s17, $0x2  }
0x13: {  	[tilespmem:s17+$0x260] =	vst v0;
	s16 =	simm.s32 @!p0 $0x260  }
0x14: {  	[spmem:s4] =	stream.linear.scatter @!p0 [tilespmem:s16], [sflag:$0x1], $0x400, $0x38;
	[tilespmem:$0x4260] =	vst v63  }
0x15: {  	s16 =	simm.s32 @!p0 $0x1  }
0x16: {  	_ =	swait.ge @!p0 [sflag:s16], $0x400  }
0x17: {  	[sflag:s16] =	ssyncset.done @!p0 $0x0  }
0x18: {  	s31 =	simm.s32 $0x0;
	[sflag:s16] =	ssyncadd.s32 @!p0 $0xFFFFFC00  }
0x19: {  	[tilespmem:s8], [sflag:$0x1] =	stream.linear.gather [hbm4b:s5+s31], $0x180, $0x38;
	[tilespmem:$0x4260] =	vst v63  }
0x1a: {  	_ =	swait.ge [sflag:s9], $0x180  }
0x1b: {  	[sflag:s9] =	ssyncset.done $0x0  }
0x1c: {  	s17 =	simm.s32 $0x0;
	s16 =	simm.s32 $0x200;
	[sflag:s9] =	ssyncadd.s32 $0xFFFFFE80  }
.LBB2_4:
0x1d: {  	p1 =	sne.s32 s16, $0xFE00;
	[tilespmem:s17+$0x260] =	vst v1;
	s17 =	smov.u32 s16;
	s16 =	sadd.s32 $0x200, s16  }
.Ltmp1:
0x1e: {  	(pc) =	sbr.rel @p1 .LBB2_4-.Ltmp1, $2  }
0x1f: {  	_ =	sdelay $0x2  }
0x20: {  	s17 =	sshra.s32 s17, $0x2  }
0x21: {  	[tilespmem:s17+$0x260] =	vst v1  }
0x22: {  	[bflag:$0x0] =	sbarrier.arrive $0xFFFF  }
0x23: {  	[spmem:s1] =	stream.indirect.scatter.add.f32 [tilespmem:s11], [sflag:$0x1], $0x10, s8, s10, $0xb8;
	[tilespmem:$0x4260] =	vst v63  }
0x24: {  	_ =	swait.ge [sflag:s9], $0x800  }
0x25: {  	[sflag:s9] =	ssyncset.done $0x0  }
0x26: {  	[sflag:s9] =	ssyncadd.s32 $0xFFFFF800  }
0x27: {  	[spmem:s1] =	stream.indirect.scatter.add.f32 [tilespmem:s11], [sflag:$0x1], $0x10, s12, s10, $0xb8;
	[tilespmem:$0x4260] =	vst v63  }
0x28: {  	_ =	swait.ge [sflag:s9], $0x800  }
0x29: {  	[sflag:s9] =	ssyncset.done $0x0  }
0x2a: {  	[sflag:s9] =	ssyncadd.s32 $0xFFFFF800  }
0x2b: {  	[spmem:s1] =	stream.indirect.scatter.add.f32 [tilespmem:s11], [sflag:$0x1], $0x10, s13, s10, $0xb8;
	[tilespmem:$0x4260] =	vst v63  }
0x2c: {  	_ =	swait.ge [sflag:s9], $0x800  }
0x2d: {  	s3 =	sadd.s32 $0x1, s3;
	[sflag:s9] =	ssyncset.done $0x0  }
0x2e: {  	p1 =	sne.s32 s3, s7;
	[sflag:s9] =	ssyncadd.s32 $0xFFFFF800  }
.Ltmp2:
0x2f: {  	s16 =	simm.s32 @!p0 $0x1;
	[bflag:$0x0] =	sbarrier.arrive $0xFFFF;
	(pc) =	sbr.rel @p1 .LBB2_1-.Ltmp2, $4  }
0x30: {  	[hbm:s6], [sflag:s14] =	dma.local @!p0 [spmem:s15], $0x80  }
0x31: {  	_ =	swait.ge @!p0 [sflag:s16], $0x80  }
0x32: {  	[sflag:s16] =	ssyncset.done @!p0 $0x0  }
0x33: {  	[sflag:s16] =	ssyncadd.s32 @!p0 $0xFFFFFF80  }
0x34: {  	_ =	sfence.sel $0x180000  }
0x35: {  	[bflag:$0x0] =	sbarrier.arrive $0xFFFF  }
0x36: {  	p0 =	sne.s32 s2, $0x0;
	_ =	strace $0x90000053  }
0x37: {  	s0 =	sadd.s32 @!p0 $0x100000, s0;
	[bflag:$0x2] =	sbarrier.arrive $0xFFFF  }
0x38: {  	[sflag:s0] =	ssyncadd.tile.s32 @!p0 $0x1;
	_ =	shalt  }
.Lfunc_end2:
_tile_overlayer_lowered:
.L_overlay_start_2:
0x39: {  	(tag) =	ssettag $0x2  }
0x3a: {  	s0 =	rddreg [dreg:$0x0];
	s2 =	stileid.u32  }
0x3b: {  	s1 =	rddreg [dreg:$0x1];
	p0 =	sne.s32 s2, $0x0  }
0x3c: {  	s3 =	rddreg [dreg:$0x2];
	[bflag:$0x3] =	sbarrier.arrive $0xFFFF;
	s2 =	simm.s32 @!p0 $0x1C01  }
0x3d: {  	[timem:s3], [sflag:s2] =	dma.local @!p0 [hbm:s0], s1  }
0x3e: {  	s0 =	simm.s32 @!p0 $0x1  }
0x3f: {  	_ =	swait.ge @!p0 [sflag:s0], s1  }
0x40: {  	s1 =	ssub.s32 @!p0 $0x0, s1;
	[sflag:s0] =	ssyncset.done @!p0 $0x0  }
0x41: {  	[sflag:s0] =	ssyncadd.s32 @!p0 s1  }
0x42: {  	[bflag:$0x3] =	sbarrier.arrive $0xFFFF  }
0x43: {  	_ =	shalt  }

// kernel: kernel.22.cloned.1.call-start
scs
__scs_entry_jumppad:
0x0: {  	(pc) =	sbr.rel $0x88, $3  }
0x1: {  	(tag) =	ssettag $0x0;
	lr =	simm.s32 $0x1  }
0x2: {  	[smem:$0x3F90] =	sst lr;
	_ =	strace $0xD0000000  }
0x3: {  	_ = 	snop  }
0x4: {  	_ = 	snop  }
0x5: {  	_ = 	snop  }
0x6: {  	_ = 	snop  }
0x7: {  	_ = 	snop  }
__scs_overlays_trampoline_lowered:
0x8: {  	[smem:$0x3F9F] =	sst s0  }
0x9: {  	[smem:$0x3FA0] =	sst s1  }
0xa: {  	[smem:$0x3FA1] =	sst s2  }
0xb: {  	[smem:$0x3FA2] =	sst s3  }
0xc: {  	[smem:$0x3FA3] =	sst s4  }
0xd: {  	[smem:$0x3FA4] =	sst s5  }
0xe: {  	[smem:$0x3FA5] =	sst s6  }
0xf: {  	[smem:$0x3FA6] =	sst s7  }
0x10: {  	[smem:$0x3FA7] =	sst s8  }
0x11: {  	[smem:$0x3FA8] =	sst s9;
	s0 =	simm.s32 @!p0 $0x0  }
0x12: {  	s1 =	sld [smem:$0x3F8E];
	s0 =	simm.s32 @p0 $0x1  }
0x13: {  	[smem:$0x3FA9] =	sst s0;
	s0 =	simm.s32 @!p1 $0x0  }
0x14: {  	s2 =	sld [smem:$0x3F8D];
	s0 =	simm.s32 @p1 $0x1  }
0x15: {  	[smem:$0x3FAA] =	sst s0;
	s0 =	simm.s32 @!p2 $0x0  }
0x16: {  	s3 =	sld [smem:$0x3FDB];
	s0 =	simm.s32 @p2 $0x1  }
0x17: {  	s4 =	simm.s32 $0x1BF5;
	[smem:$0x3FAC] =	sst s0  }
0x18: {  	s0 =	sld [smem:$0x3F8F];
	_ =	swait.ge [sflag:s4], $0x0  }
0x19: {  	s7 =	sld [smem:$0x3F90]  }
0x1a: {  	s8 =	sadd.s32 $0xFFFFE003, lr  }
0x1b: {  	s9 =	sadd.s32 $0xFFFFFEF7, lr;
	s5 =	simm.s32 $0xFFFFFFFF;
	p2 =	slt.u32 s8, $0xFFFFF086  }
0x1c: {  	p1 =	slt.u32 s9, $0xF7A;
	s5 =	simm.s32 @!p2 $0x0  }
0x1d: {  	s5 =	simm.s32 @p1 $0x1;
	p0 =	seq.s32 s7, s2  }
0x1e: {  	s7 =	smul.u32 @!p0 $0xF7A, s2;
	p2 =	seq.s32 @!p0 s5, $0x0  }
0x1f: {  	s9 =	smul.u32 $0xF7A, s1;
	s8 =	simm.s32 @!p0 $0x1BF5;
	p2 =	por !p2, p0  }
0x20: {  	[sflag:s8] =	ssyncset.s32 @!p0 $0xFFFFF086;
	s6 =	sadd.s32 @!p0 s3, s7;
	s7 =	simm.s32 @!p0 $0x108  }
0x21: {  	s3 =	sadd.s32 s3, s9;
	s6 =	sadd.s32 @!p0 $0x88, s6;
	s7 =	simm.s32 @p2 $0x1082  }
0x22: {  	[simem:s7], [sflag:s8] =	dma.local @!p0 [hbm:s6], $0xF7A  }
0x23: {  	s9 =	sor.u32 $0xD0000000, s2;
	s6 =	simm.s32 $0x108;
	_ =	swait.ge @!p0 [sflag:s8], $0x0  }
0x24: {  	s3 =	sadd.s32 $0x88, s3;
	s6 =	simm.s32 @!p1 $0x1082;
	[sflag:s4] =	ssyncset.s32 $0xFFFFF086  }
0x25: {  	[simem:s6], [sflag:s4] =	dma.local [hbm:s3], $0xF7A  }
0x26: {  	[smem:$0x3F90] =	sst s1;
	(tag) =	ssettag s2;
	_ =	strace s9  }
0x27: {  	s1 =	sld [smem:$0x3FA0]  }
0x28: {  	s2 =	sld [smem:$0x3FA1]  }
0x29: {  	s4 =	sld [smem:$0x3FA3]  }
0x2a: {  	p0 =	seq.s32 s5, $0x0;
	s5 =	sld [smem:$0x3FA4]  }
0x2b: {  	s6 =	sld [smem:$0x3FA5]  }
0x2c: {  	s7 =	sld [smem:$0x3FA6]  }
0x2d: {  	s3 =	simm.s32 $0x108;
	s8 =	sld [smem:$0x3FA7]  }
0x2e: {  	s3 =	simm.s32 @!p0 $0x1082;
	s9 =	sld [smem:$0x3FA8]  }
0x2f: {  	lr =	sadd.s32 s0, s3;
	s0 =	sld [smem:$0x3F9F]  }
0x30: {  	s3 =	sld [smem:$0x3FA2]  }
0x31: {  	[smem:$0x3FAB] =	sst s10  }
0x32: {  	s10 =	sld [smem:$0x3FA9];
	_ =	sdelay $0x3  }
0x33: {  	p0 =	seq.s32 s10, $0x1;
	s10 =	sld [smem:$0x3FAB];
	_ =	sdelay $0x3  }
0x34: {  	[smem:$0x3FAB] =	sst s10  }
0x35: {  	s10 =	sld [smem:$0x3FAA];
	_ =	sdelay $0x3  }
0x36: {  	p1 =	seq.s32 s10, $0x1;
	s10 =	sld [smem:$0x3FAB];
	_ =	sdelay $0x3  }
0x37: {  	[smem:$0x3FAB] =	sst s10  }
0x38: {  	s10 =	sld [smem:$0x3FAC]  }
0x39: {  	_ = 	snop;
	(pc) =	sbr.ind lr, $3  }
0x3a: {  	_ = 	snop  }
0x3b: {  	_ = 	snop  }
0x3c: {  	p2 =	seq.s32 s10, $0x1;
	s10 =	sld [smem:$0x3FAB]  }
0x3d: {  	_ =	shalt  }
0x3e: {  	_ =	shalt  }
0x3f: {  	_ =	shalt  }
0x40: {  	_ =	shalt  }
0x41: {  	_ =	shalt  }
0x42: {  	_ =	shalt  }
0x43: {  	_ =	shalt  }
0x44: {  	_ =	shalt  }
0x45: {  	_ =	shalt  }
0x46: {  	_ =	shalt  }
0x47: {  	_ =	shalt  }
0x48: {  	_ =	shalt  }
0x49: {  	_ =	shalt  }
0x4a: {  	_ =	shalt  }
0x4b: {  	_ =	shalt  }
0x4c: {  	_ =	shalt  }
0x4d: {  	_ =	shalt  }
0x4e: {  	_ =	shalt  }
0x4f: {  	_ =	shalt  }
0x50: {  	_ =	shalt  }
0x51: {  	_ =	shalt  }
0x52: {  	_ =	shalt  }
0x53: {  	_ =	shalt  }
0x54: {  	_ =	shalt  }
0x55: {  	_ =	shalt  }
0x56: {  	_ =	shalt  }
0x57: {  	_ =	shalt  }
0x58: {  	_ =	shalt  }
0x59: {  	_ =	shalt  }
0x5a: {  	_ =	shalt  }
0x5b: {  	_ =	shalt  }
0x5c: {  	_ =	shalt  }
0x5d: {  	_ =	shalt  }
0x5e: {  	_ =	shalt  }
0x5f: {  	_ =	shalt  }
0x60: {  	_ =	shalt  }
0x61: {  	_ =	shalt  }
0x62: {  	_ =	shalt  }
0x63: {  	_ =	shalt  }
0x64: {  	_ =	shalt  }
0x65: {  	_ =	shalt  }
0x66: {  	_ =	shalt  }
0x67: {  	_ =	shalt  }
0x68: {  	_ =	shalt  }
0x69: {  	_ =	shalt  }
0x6a: {  	_ =	shalt  }
0x6b: {  	_ =	shalt  }
0x6c: {  	_ =	shalt  }
0x6d: {  	_ =	shalt  }
0x6e: {  	_ =	shalt  }
0x6f: {  	_ =	shalt  }
0x70: {  	_ =	shalt  }
0x71: {  	_ =	shalt  }
0x72: {  	_ =	shalt  }
0x73: {  	_ =	shalt  }
0x74: {  	_ =	shalt  }
0x75: {  	_ =	shalt  }
0x76: {  	_ =	shalt  }
0x77: {  	_ =	shalt  }
0x78: {  	_ =	shalt  }
0x79: {  	_ =	shalt  }
0x7a: {  	_ =	shalt  }
0x7b: {  	_ =	shalt  }
0x7c: {  	_ =	shalt  }
0x7d: {  	_ =	shalt  }
0x7e: {  	_ =	shalt  }
0x7f: {  	_ =	shalt  }
0x80: {  	_ =	shalt  }
0x81: {  	_ =	shalt  }
0x82: {  	_ =	shalt  }
0x83: {  	_ =	shalt  }
0x84: {  	_ =	shalt  }
0x85: {  	_ =	shalt  }
0x86: {  	_ =	shalt  }
0x87: {  	_ =	shalt  }
.Lfunc_end0:
.L_simem_size_0:
called_computation.2_lowered:
.L_overlay_start_0:
0x88: {  	s2 =	sld [smem:$0x3FD9]  }
0x89: {  	s3 =	sld [smem:$0x3FFE];
	_ =	sdelay $0x1  }
0x8a: {  	s1 =	srdreg.scid  }
0x8b: {  	s0 =	sand.u32 $0x1, s1  }
0x8c: {  	s16 =	sshll.u32 s0, $0xA;
	s2 =	sadd.s32 s3, s2  }
0x8d: {  	s2 =	sadd.s32 s2, s16  }
0x8e: {  	[smem:$0x3FB7] =	sst s2  }
0x8f: {  	_ = 	snop  }
0x90: {  	(tm) =	ssettm $0x1  }
0x91: {  	s17 =	sld [smem:$0x3FFB];
	_ =	sdelay $0x3  }
0x92: {  	_ =	strace s17  }
0x93: {  	s2 =	sld [smem:$0x3FFC];
	_ =	sdelay $0x3  }
0x94: {  	_ =	strace s2  }
0x95: {  	s2 =	sld [smem:$0x3FFD];
	_ =	sdelay $0x3  }
0x96: {  	_ =	strace s2  }
0x97: {  	_ =	strace $0x8FFFFFFF  }
0x98: {  	s18 =	sld [smem:$0x3FDB];
	_ =	sdelay $0x1  }
0x99: {  	s19 =	simm.s32 $_scs_section_size  }
0x9a: {  	s4 =	simm.s32 $_size__tile_overlayer_lowered;
	s5 =	simm.s32 $_tile_overlayer_lowered  }
0x9b: {  	s22 =	simm.s32 $0x1BFF;
	s21 =	sshll.u32 s5, $0x1;
	s2 =	sadd.s32 s19, s18  }
0x9c: {  	s6 =	simm.s32 $0x0;
	s20 =	sshll.u32 s4, $0x1;
	s4 =	sadd.s32 s21, s2  }
0x9d: {  	[timem:s6], [sflag:s22] =	dma.local [hbm:s4], s20  }
0x9e: {  	_ =	swait.ge [sflag:s22], s20  }
0x9f: {  	s3 =	ssub.s32 $0x0, s20;
	[sflag:s22] =	ssyncset.done $0x0  }
0xa0: {  	[sflag:s22] =	ssyncadd.s32 s3;
	_ =	sdelay $0x1  }
0xa1: {  	s23 =	simm.s32 $0x1B8B  }
0xa2: {  	_ =	swait.ge [sflag:s23], $0x1  }
0xa3: {  	[sflag:s23] =	ssyncset.done $0x0  }
0xa4: {  	s25 =	simm.s32 $0x1B8E;
	s24 =	sld [smem:$0x3FFE];
	[sflag:s23] =	ssyncadd.s32 $0xFFFFFFFF  }
0xa5: {  	s26 =	simm.s32 $execute0_lowered;
	[smem:$0x3FD2] =	sst s25  }
0xa6: {  	s4 =	sshll.u32 s26, $0x1;
	_ =	strace $0x80000049;
	[dreg:$0x1] =	wrdreg $0xFFFFFFFF  }
0xa7: {  	s28 =	simm.s32 $_size_execute0_lowered;
	s2 =	sadd.s32 s2, s4;
	[dreg:$0x0] =	wrdreg $0x0  }
0xa8: {  	s4 =	sshll.u32 s28, $0x1;
	[dreg:$0x2] =	wrdreg s2  }
0xa9: {  	[dreg:$0x3] =	wrdreg s4  }
0xaa: {  	[dreg:$0x4] =	wrdreg $0xC0  }
0xab: {  	_ =	task [dreg:s6], $0x5FFFF  }
0xac: {  	[dreg:$0x1] =	wrdreg $0xFFFFFFFF  }
0xad: {  	[dreg:$0x0] =	wrdreg $0x60  }
0xae: {  	[dreg:$0x2] =	wrdreg s24  }
0xaf: {  	[dreg:$0x3] =	wrdreg $0x0  }
0xb0: {  	[dreg:$0x4] =	wrdreg $0x9  }
0xb1: {  	_ =	task.clear_ibuf [dreg:s6], $0x5FFFF;
	_ =	strace $0x90000049  }
0xb2: {  	s29 =	simm.s32 $0x9;
	_ =	strace $0x8000004B  }
0xb3: {  	_ =	swait.ge [sflag:s29], $0x1  }
0xb4: {  	[sflag:s29] =	ssyncadd.s32 $0xFFFFFFFF  }
0xb5: {  	_ =	strace $0x9000004B  }
0xb6: {  	_ =	sfence  }
0xb7: {  	s30 =	sld [smem:$0x0];
	_ =	sdelay $0x2  }
0xb8: {  	s31 =	sshll.u32 s1, $0xD;
	s1 =	sshrl.u32 s1, $0x2  }
0xb9: {  	s3 =	sand.u32 $0x4000, s31;
	s1 =	sadd.s32 s1, s30  }
0xba: {  	s0 =	sor.u32 s3, s0;
	s1 =	sshll.u32 s1, $0x11  }
0xbb: {  	s0 =	sor.u32 s1, s0  }
0xbc: {  	s0 =	sadd.s32 $0x8F2B, s0  }
0xbd: {  	[sflag:s0] =	ssyncadd.remote.s32 $0x1  }
0xbe: {  	_ =	sfence.sel $0xFFFF  }
0xbf: {  	[dreg:$0x0] =	wrdreg $0xFFFFFFFF;
	(pc) =	sbr.abs _section_cstart, $3  }
0xc0: {  	[dreg:$0x1] =	wrdreg $0xFFFFFFFF  }
0xc1: {  	_ =	task.clear_ibuf [dreg:s6], $0x2FFFF;
	_ =	strace $0x9FFFFFFF  }
0xc2: {  	(tm) =	ssettm $0x7FFFFFFF  }
0xc3: {  	_ =	shalt  }
tec
execute0_lowered:
.L_overlay_start_1:
0x0: {  	(tag) =	ssettag $0x1  }
0x1: {  	s0 =	srdreg.scid;
	s1 =	rddreg [dreg:$0x0]  }
0x2: {  	s12 =	stileid.u32;
	s2 =	rddreg [dreg:$0x1];
	s19 =	simm.s32 $0x16800  }
0x3: {  	s28 =	simm.s32 $0x5;
	s29 =	simm.s32 $0x1A900;
	s7 =	smul.u32 $0x14000, s12  }
0x4: {  	s30 =	simm.s32 $0x2;
	s31 =	simm.s32 $0x3;
	s8 =	smul.u32 $0x50000, s12  }
0x5: {  	s0 =	sand.u32 $0x1, s0;
	s18 =	sadd.s32 $0x5F200, s1;
	s15 =	smul.u32 $0x2800, s12  }
0x6: {  	s3 =	sshll.u32 s0, $0x4;
	s5 =	smul.u32 $0x140000, s0;
	s20 =	ssub.s32 $0x2, s0  }
0x7: {  	s0 =	smul.u32 $0x28000, s0;
	s4 =	sor.u32 s12, s3;
	s3 =	simm.s32 $0x0  }
0x8: {  	s8 =	sshrl.u32 s8, $0x2;
	s9 =	sshrl.u32 s20, $0x1;
	s6 =	smul.u32 $0x2800, s4  }
0x9: {  	[smem:$0x7FF] =	sst s3;
	s4 =	sadd.s32 $0xF200, s1;
	s5 =	sadd.s32 s7, s5  }
0xa: {  	s14 =	ssub.s32 s20, s9;
	s0 =	sadd.s32 s15, s0;
	s20 =	simm.s32 $0x6  }
0xb: {  	_ =	strace $0x8000004A;
	s5 =	sshrl.u32 s5, $0x3;
	s14 =	smax.u32 s14, $0x1  }
0xc: {  	s26 =	sor.u32 $0x280, s0;
	s0 =	sor.u32 $0x200, s0;
	s11 =	sshrl.u32 s6, $0x3  }
0xd: {  	s16 =	sor.u32 $0x100, s6;
	s6 =	sor.u32 $0x180, s6;
	s0 =	sshrl.u32 s0, $0x3  }
0xe: {  	s10 =	sadd.s32 s11, s1;
	s1 =	sadd.s32 s5, s1;
	s5 =	sadd.s32 s8, s2  }
0xf: {  	s11 =	sadd.s32 s18, s11;
	s25 =	sshrl.u32 s16, $0x3;
	s6 =	sshrl.u32 s6, $0x3  }
0x10: {  	s21 =	sadd.s32 $0x4000, s5;
	s22 =	sadd.s32 $0x8000, s5;
	s23 =	sadd.s32 $0xC000, s5  }
0x11: {  	s24 =	sadd.s32 $0x10000, s5;
	s10 =	sadd.s32 $0x5200, s10;
	s12 =	sadd.s32 $0x10, s11  }
0x12: {  	s13 =	sadd.s32 $0x69200, s1;
	s15 =	sadd.s32 s18, s25;
	[dreg:$0x3] =	wrdreg s21  }
.Ltmp0:
0x13: {  	s1 =	sshrl.u32 s26, $0x3;
	[dreg:$0x4] =	wrdreg s22;
	(pc) =	sbr.rel .LBB2_1-.Ltmp0, $4  }
0x14: {  	s16 =	sadd.s32 s18, s6;
	s25 =	simm.s32 $0x80;
	[dreg:$0x5] =	wrdreg s23  }
0x15: {  	s26 =	simm.s32 $0x1;
	[dreg:$0x6] =	wrdreg s24;
	s17 =	sadd.s32 s1, s18  }
0x16: {  	s18 =	sadd.s32 s0, s18;
	s21 =	simm.s32 $0x14000;
	s22 =	simm.s32 $0x1A800  }
0x17: {  	v0 =	vimm.f32 $0.0e+00;
	s23 =	simm.s32 $0x1A880;
	s24 =	simm.s32 $0x4;
	s0 =	simm.s32 $0x0  }
.LBB2_6:
0x18: {  	_ =	swait.ge [sflag:s31], $0x4000  }
0x19: {  	[sflag:s31] =	ssyncset.done $0x0  }
0x1a: {  	[sflag:s31] =	ssyncadd.s32 $0xFFFFC000  }
0x1b: {  	[spmem:s2] =	stream.indirect.scatter.add.f32 [tilespmem:s29], [sflag:$0x3], $0x80, s6, s25, $0xb8;
	[tilespmem:$0x1E900] =	vst v63  }
0x1c: {  	s1 =	stileid.u32;
	_ =	swait.ge [sflag:s31], $0x4000  }
0x1d: {  	s9 =	sshrl.u32 s5, $0x3;
	s0 =	sadd.s32 $0x1, s0;
	[sflag:s31] =	ssyncset.done $0x0  }
0x1e: {  	s1 =	sshll.u32 s1, $0x6;
	p0 =	sne.s32 s0, s14;
	[sflag:s31] =	ssyncadd.s32 $0xFFFFC000  }
.Ltmp1:
0x1f: {  	s1 =	sor.u32 $0x1C06, s1;
	[bflag:$0x0] =	sbarrier.arrive $0xFFFF;
	(pc) =	sbr.rel @!p0 .LBB2_7-.Ltmp1, $4  }
0x20: {  	[hbm:s13], [sflag:s1] =	dma.local [spmem:s9], $0x2800  }
0x21: {  	_ =	swait.ge [sflag:s20], $0x2800  }
0x22: {  	[sflag:s20] =	ssyncset.done $0x0  }
0x23: {  	[sflag:s20] =	ssyncadd.s32 $0xFFFFD800  }
.LBB2_1:
0x24: {  	s1 =	simm.s32 $0x0;
	s6 =	simm.s32 $0x200  }
.LBB2_2:
0x25: {  	p0 =	sne.s32 s6, $0xFE00;
	[tilespmem:s1+$0x16870] =	vst v0  }
0x26: {  	[tilespmem:s1+$0x16800] =	vst v0  }
0x27: {  	[tilespmem:s1+$0x16810] =	vst v0  }
.Ltmp2:
0x28: {  	[tilespmem:s1+$0x16820] =	vst v0;
	(pc) =	sbr.rel @p0 .LBB2_2-.Ltmp2, $4  }
0x29: {  	[tilespmem:s1+$0x16830] =	vst v0  }
0x2a: {  	[tilespmem:s1+$0x16840] =	vst v0  }
0x2b: {  	[tilespmem:s1+$0x16850] =	vst v0  }
0x2c: {  	[tilespmem:s1+$0x16860] =	vst v0;
	s1 =	sshra.s32 s6, $0x2;
	s6 =	sadd.s32 $0x200, s6  }
0x2d: {  	[tilespmem:s1+$0x16870] =	vst v0  }
0x2e: {  	[tilespmem:s1+$0x16800] =	vst v0  }
0x2f: {  	[tilespmem:s1+$0x16810] =	vst v0  }
0x30: {  	[tilespmem:s1+$0x16820] =	vst v0  }
0x31: {  	[tilespmem:s1+$0x16830] =	vst v0  }
0x32: {  	[tilespmem:s1+$0x16840] =	vst v0  }
0x33: {  	[tilespmem:s1+$0x16850] =	vst v0  }
0x34: {  	[tilespmem:s1+$0x16860] =	vst v0  }
0x35: {  	[spmem:s5] =	stream.linear.scatter [tilespmem:s19], [sflag:$0x6], $0x4000, $0x38;
	[tilespmem:$0x1E900] =	vst v63  }
0x36: {  	_ =	swait.ge [sflag:s20], $0x4000  }
0x37: {  	[sflag:s20] =	ssyncset.done $0x0  }
0x38: {  	s6 =	rddreg [dreg:$0x3];
	[sflag:s20] =	ssyncadd.s32 $0xFFFFC000  }
0x39: {  	[spmem:s6] =	stream.linear.scatter [tilespmem:s19], [sflag:$0x6], $0x4000, $0x38;
	[tilespmem:$0x1E900] =	vst v63  }
0x3a: {  	_ =	swait.ge [sflag:s20], $0x4000  }
0x3b: {  	[sflag:s20] =	ssyncset.done $0x0  }
0x3c: {  	s7 =	rddreg [dreg:$0x4];
	[sflag:s20] =	ssyncadd.s32 $0xFFFFC000  }
0x3d: {  	[spmem:s7] =	stream.linear.scatter [tilespmem:s19], [sflag:$0x6], $0x4000, $0x38;
	[tilespmem:$0x1E900] =	vst v63  }
0x3e: {  	_ =	swait.ge [sflag:s20], $0x4000  }
0x3f: {  	[sflag:s20] =	ssyncset.done $0x0  }
0x40: {  	s8 =	rddreg [dreg:$0x5];
	[sflag:s20] =	ssyncadd.s32 $0xFFFFC000  }
0x41: {  	[spmem:s8] =	stream.linear.scatter [tilespmem:s19], [sflag:$0x6], $0x4000, $0x38;
	[tilespmem:$0x1E900] =	vst v63  }
0x42: {  	_ =	swait.ge [sflag:s20], $0x4000  }
0x43: {  	[sflag:s20] =	ssyncset.done $0x0  }
0x44: {  	s9 =	rddreg [dreg:$0x6];
	[sflag:s20] =	ssyncadd.s32 $0xFFFFC000  }
0x45: {  	[spmem:s9] =	stream.linear.scatter [tilespmem:s19], [sflag:$0x6], $0x4000, $0x38;
	[tilespmem:$0x1E900] =	vst v63  }
0x46: {  	_ =	swait.ge [sflag:s20], $0x4000  }
0x47: {  	[sflag:s20] =	ssyncset.done $0x0  }
0x48: {  	s1 =	simm.s32 $0x0;
	[sflag:s20] =	ssyncadd.s32 $0xFFFFC000  }
0x49: {  	[tilespmem:s21], [sflag:$0x6] =	stream.linear.gather [hbm4b:s10+s1], $0x2800, $0x38;
	[tilespmem:$0x1E900] =	vst v63  }
0x4a: {  	_ =	swait.ge [sflag:s20], $0x2800  }
0x4b: {  	[sflag:s20] =	ssyncset.done $0x0  }
0x4c: {  	[sflag:s20] =	ssyncadd.s32 $0xFFFFD800  }
0x4d: {  	[bflag:$0x0] =	sbarrier.arrive $0xFFFF  }
0x4e: {  	[tilespmem:s22], [sflag:$0x4] =	stream.linear.gather [hbm4b:s11+s1], $0x80, $0x38;
	[tilespmem:$0x1E900] =	vst v63  }
0x4f: {  	_ = 	snop  }
0x50: {  	[tilespmem:s23], [sflag:$0x5] =	stream.linear.gather [hbm4b:s12+s1], $0x80, $0x38;
	[tilespmem:$0x1E900] =	vst v63  }
0x51: {  	_ =	swait.ge [sflag:s24], $0x80  }
0x52: {  	[sflag:s24] =	ssyncset.done $0x0  }
0x53: {  	[sflag:s24] =	ssyncadd.s32 $0xFFFFFF80  }
0x54: {  	[tilespmem:s19], [sflag:$0x1] =	stream.indirect.gather [hbm4b:s4+s25], $0x80, s22, s25, $0xb8;
	[tilespmem:$0x1E900] =	vst v63  }
0x55: {  	_ =	swait.ge [sflag:s26], $0x4000  }
0x56: {  	[sflag:s26] =	ssyncset.done $0x0  }
0x57: {  	[sflag:s26] =	ssyncadd.s32 $0xFFFFC000  }
0x58: {  	[tilespmem:s22], [sflag:$0x4] =	stream.linear.gather [hbm4b:s15+s1], $0x80, $0x38;
	[tilespmem:$0x1E900] =	vst v63  }
0x59: {  	_ = 	snop  }
0x5a: {  	[spmem:s2] =	stream.indirect.scatter.add.f32 [tilespmem:s19], [sflag:$0x3], $0x80, s21, s25, $0xb8;
	[tilespmem:$0x1E900] =	vst v63  }
0x5b: {  	_ =	swait.ge [sflag:s28], $0x80  }
0x5c: {  	[sflag:s28] =	ssyncset.done $0x0  }
0x5d: {  	[sflag:s28] =	ssyncadd.s32 $0xFFFFFF80  }
0x5e: {  	[tilespmem:s29], [sflag:$0x2] =	stream.indirect.gather [hbm4b:s4+s25], $0x80, s23, s25, $0xb8;
	[tilespmem:$0x1E900] =	vst v63  }
0x5f: {  	_ =	swait.ge [sflag:s30], $0x4000  }
0x60: {  	[sflag:s30] =	ssyncset.done $0x0  }
0x61: {  	[sflag:s30] =	ssyncadd.s32 $0xFFFFC000  }
0x62: {  	[tilespmem:s23], [sflag:$0x5] =	stream.linear.gather [hbm4b:s16+s1], $0x80, $0x38;
	[tilespmem:$0x1E900] =	vst v63  }
0x63: {  	_ =	swait.ge [sflag:s31], $0x4000  }
0x64: {  	[sflag:s31] =	ssyncset.done $0x0  }
0x65: {  	s6 =	simm.s32 $0x14080;
	[sflag:s31] =	ssyncadd.s32 $0xFFFFC000  }
0x66: {  	[spmem:s2] =	stream.indirect.scatter.add.f32 [tilespmem:s29], [sflag:$0x3], $0x80, s6, s25, $0xb8;
	[tilespmem:$0x1E900] =	vst v63  }
0x67: {  	_ =	swait.ge [sflag:s24], $0x80  }
0x68: {  	[sflag:s24] =	ssyncset.done $0x0  }
0x69: {  	s6 =	simm.s32 $0x14180;
	[sflag:s24] =	ssyncadd.s32 $0xFFFFFF80  }
0x6a: {  	[tilespmem:s19], [sflag:$0x1] =	stream.indirect.gather [hbm4b:s4+s25], $0x80, s22, s25, $0xb8;
	[tilespmem:$0x1E900] =	vst v63  }
.LBB2_4:
0x6b: {  	_ =	swait.ge [sflag:s26], $0x4000;
	p0 =	seq.s32 s1, $0x4C0  }
0x6c: {  	[sflag:s26] =	ssyncset.done $0x0;
	s7 =	sadd.s32 @!p0 s1, s18  }
0x6d: {  	s8 =	simm.s32 @!p0 $0x0;
	s9 =	simm.s32 @!p0 $0x1A800;
	[sflag:s26] =	ssyncadd.s32 $0xFFFFC000  }
0x6e: {  	[tilespmem:s9], [sflag:$0x4] =	stream.linear.gather @!p0 [hbm4b:s7+s8], $0x80, $0x38;
	[tilespmem:$0x1E900] =	vst v63  }
0x6f: {  	_ =	swait.ge [sflag:s31], $0x4000  }
0x70: {  	[sflag:s31] =	ssyncset.done $0x0  }
0x71: {  	s9 =	sadd.s32 $0xFFFFFF80, s6;
	[sflag:s31] =	ssyncadd.s32 $0xFFFFC000  }
0x72: {  	[spmem:s2] =	stream.indirect.scatter.add.f32 [tilespmem:s19], [sflag:$0x3], $0x80, s9, s25, $0xb8;
	[tilespmem:$0x1E900] =	vst v63  }
0x73: {  	_ =	swait.ge [sflag:s28], $0x80  }
0x74: {  	[sflag:s28] =	ssyncset.done $0x0  }
.Ltmp3:
0x75: {  	[sflag:s28] =	ssyncadd.s32 $0xFFFFFF80;
	(pc) =	sbr.rel @p0 .LBB2_6-.Ltmp3, $4  }
0x76: {  	[tilespmem:s29], [sflag:$0x2] =	stream.indirect.gather [hbm4b:s4+s25], $0x80, s23, s25, $0xb8;
	[tilespmem:$0x1E900] =	vst v63  }
0x77: {  	_ =	swait.ge [sflag:s30], $0x4000  }
0x78: {  	[sflag:s30] =	ssyncset.done $0x0  }
0x79: {  	[sflag:s30] =	ssyncadd.s32 $0xFFFFC000  }
0x7a: {  	s7 =	sadd.s32 s1, s17  }
0x7b: {  	[tilespmem:s23], [sflag:$0x5] =	stream.linear.gather [hbm4b:s7+s3], $0x80, $0x38;
	[tilespmem:$0x1E900] =	vst v63  }
0x7c: {  	_ =	swait.ge [sflag:s31], $0x4000  }
0x7d: {  	[sflag:s31] =	ssyncset.done $0x0  }
0x7e: {  	[sflag:s31] =	ssyncadd.s32 $0xFFFFC000  }
0x7f: {  	[spmem:s2] =	stream.indirect.scatter.add.f32 [tilespmem:s29], [sflag:$0x3], $0x80, s6, s25, $0xb8;
	[tilespmem:$0x1E900] =	vst v63  }
.Ltmp4:
0x80: {  	_ = 	snop;
	(pc) =	sbr.rel .LBB2_4-.Ltmp4, $4  }
0x81: {  	_ =	swait.ge [sflag:s24], $0x80  }
0x82: {  	[sflag:s24] =	ssyncset.done $0x0  }
0x83: {  	s1 =	sadd.s32 $0x20, s1;
	s6 =	sadd.s32 $0x100, s6;
	[sflag:s24] =	ssyncadd.s32 $0xFFFFFF80  }
0x84: {  	[tilespmem:s19], [sflag:$0x1] =	stream.indirect.gather [hbm4b:s4+s25], $0x80, s22, s25, $0xb8;
	[tilespmem:$0x1E900] =	vst v63  }
.LBB2_7:
0x85: {  	_ =	sfence.sel $0x180000  }
0x86: {  	[bflag:$0x0] =	sbarrier.arrive $0xFFFF  }
0x87: {  	_ =	strace $0x9000004A  }
0x88: {  	s0 =	stileid.u32;
	[bflag:$0x2] =	sbarrier.arrive $0xFFFF  }
0x89: {  	p0 =	sne.s32 s0, $0x0;
	s0 =	rddreg [dreg:$0x2]  }
0x8a: {  	s0 =	sadd.s32 @!p0 $0x100000, s0  }
0x8b: {  	[sflag:s0] =	ssyncadd.tile.s32 @!p0 $0x1;
	_ =	shalt  }
.Lfunc_end2:
_tile_overlayer_lowered:
.L_overlay_start_2:
0x8c: {  	(tag) =	ssettag $0x2  }
0x8d: {  	s0 =	rddreg [dreg:$0x0];
	s2 =	stileid.u32  }
0x8e: {  	s1 =	rddreg [dreg:$0x1];
	p0 =	sne.s32 s2, $0x0  }
0x8f: {  	s3 =	rddreg [dreg:$0x2];
	[bflag:$0x3] =	sbarrier.arrive $0xFFFF;
	s2 =	simm.s32 @!p0 $0x1C06  }
0x90: {  	[timem:s3], [sflag:s2] =	dma.local @!p0 [hbm:s0], s1  }
0x91: {  	s0 =	simm.s32 @!p0 $0x6  }
0x92: {  	_ =	swait.ge @!p0 [sflag:s0], s1  }
0x93: {  	s1 =	ssub.s32 @!p0 $0x0, s1;
	[sflag:s0] =	ssyncset.done @!p0 $0x0  }
0x94: {  	[sflag:s0] =	ssyncadd.s32 @!p0 s1  }
0x95: {  	[bflag:$0x3] =	sbarrier.arrive $0xFFFF  }
0x96: {  	_ =	shalt  }

// kernel: kernel.25.cloned.1.call-start
scs
__scs_entry_jumppad:
0x0: {  	(pc) =	sbr.rel $0x88, $3  }
0x1: {  	(tag) =	ssettag $0x0;
	lr =	simm.s32 $0x1  }
0x2: {  	[smem:$0x3F90] =	sst lr;
	_ =	strace $0xD0000000  }
0x3: {  	_ = 	snop  }
0x4: {  	_ = 	snop  }
0x5: {  	_ = 	snop  }
0x6: {  	_ = 	snop  }
0x7: {  	_ = 	snop  }
__scs_overlays_trampoline_lowered:
0x8: {  	[smem:$0x3F9F] =	sst s0  }
0x9: {  	[smem:$0x3FA0] =	sst s1  }
0xa: {  	[smem:$0x3FA1] =	sst s2  }
0xb: {  	[smem:$0x3FA2] =	sst s3  }
0xc: {  	[smem:$0x3FA3] =	sst s4  }
0xd: {  	[smem:$0x3FA4] =	sst s5  }
0xe: {  	[smem:$0x3FA5] =	sst s6  }
0xf: {  	[smem:$0x3FA6] =	sst s7  }
0x10: {  	[smem:$0x3FA7] =	sst s8  }
0x11: {  	[smem:$0x3FA8] =	sst s9;
	s0 =	simm.s32 @!p0 $0x0  }
0x12: {  	s1 =	sld [smem:$0x3F8E];
	s0 =	simm.s32 @p0 $0x1  }
0x13: {  	[smem:$0x3FA9] =	sst s0;
	s0 =	simm.s32 @!p1 $0x0  }
0x14: {  	s2 =	sld [smem:$0x3F8D];
	s0 =	simm.s32 @p1 $0x1  }
0x15: {  	[smem:$0x3FAA] =	sst s0;
	s0 =	simm.s32 @!p2 $0x0  }
0x16: {  	s3 =	sld [smem:$0x3FDB];
	s0 =	simm.s32 @p2 $0x1  }
0x17: {  	s4 =	simm.s32 $0x1BF5;
	[smem:$0x3FAC] =	sst s0  }
0x18: {  	s0 =	sld [smem:$0x3F8F];
	_ =	swait.ge [sflag:s4], $0x0  }
0x19: {  	s7 =	sld [smem:$0x3F90]  }
0x1a: {  	s8 =	sadd.s32 $0xFFFFE003, lr  }
0x1b: {  	s9 =	sadd.s32 $0xFFFFFEF7, lr;
	s5 =	simm.s32 $0xFFFFFFFF;
	p2 =	slt.u32 s8, $0xFFFFF086  }
0x1c: {  	p1 =	slt.u32 s9, $0xF7A;
	s5 =	simm.s32 @!p2 $0x0  }
0x1d: {  	s5 =	simm.s32 @p1 $0x1;
	p0 =	seq.s32 s7, s2  }
0x1e: {  	s7 =	smul.u32 @!p0 $0xF7A, s2;
	p2 =	seq.s32 @!p0 s5, $0x0  }
0x1f: {  	s9 =	smul.u32 $0xF7A, s1;
	s8 =	simm.s32 @!p0 $0x1BF5;
	p2 =	por !p2, p0  }
0x20: {  	[sflag:s8] =	ssyncset.s32 @!p0 $0xFFFFF086;
	s6 =	sadd.s32 @!p0 s3, s7;
	s7 =	simm.s32 @!p0 $0x108  }
0x21: {  	s3 =	sadd.s32 s3, s9;
	s6 =	sadd.s32 @!p0 $0x88, s6;
	s7 =	simm.s32 @p2 $0x1082  }
0x22: {  	[simem:s7], [sflag:s8] =	dma.local @!p0 [hbm:s6], $0xF7A  }
0x23: {  	s9 =	sor.u32 $0xD0000000, s2;
	s6 =	simm.s32 $0x108;
	_ =	swait.ge @!p0 [sflag:s8], $0x0  }
0x24: {  	s3 =	sadd.s32 $0x88, s3;
	s6 =	simm.s32 @!p1 $0x1082;
	[sflag:s4] =	ssyncset.s32 $0xFFFFF086  }
0x25: {  	[simem:s6], [sflag:s4] =	dma.local [hbm:s3], $0xF7A  }
0x26: {  	[smem:$0x3F90] =	sst s1;
	(tag) =	ssettag s2;
	_ =	strace s9  }
0x27: {  	s1 =	sld [smem:$0x3FA0]  }
0x28: {  	s2 =	sld [smem:$0x3FA1]  }
0x29: {  	s4 =	sld [smem:$0x3FA3]  }
0x2a: {  	p0 =	seq.s32 s5, $0x0;
	s5 =	sld [smem:$0x3FA4]  }
0x2b: {  	s6 =	sld [smem:$0x3FA5]  }
0x2c: {  	s7 =	sld [smem:$0x3FA6]  }
0x2d: {  	s3 =	simm.s32 $0x108;
	s8 =	sld [smem:$0x3FA7]  }
0x2e: {  	s3 =	simm.s32 @!p0 $0x1082;
	s9 =	sld [smem:$0x3FA8]  }
0x2f: {  	lr =	sadd.s32 s0, s3;
	s0 =	sld [smem:$0x3F9F]  }
0x30: {  	s3 =	sld [smem:$0x3FA2]  }
0x31: {  	[smem:$0x3FAB] =	sst s10  }
0x32: {  	s10 =	sld [smem:$0x3FA9];
	_ =	sdelay $0x3  }
0x33: {  	p0 =	seq.s32 s10, $0x1;
	s10 =	sld [smem:$0x3FAB];
	_ =	sdelay $0x3  }
0x34: {  	[smem:$0x3FAB] =	sst s10  }
0x35: {  	s10 =	sld [smem:$0x3FAA];
	_ =	sdelay $0x3  }
0x36: {  	p1 =	seq.s32 s10, $0x1;
	s10 =	sld [smem:$0x3FAB];
	_ =	sdelay $0x3  }
0x37: {  	[smem:$0x3FAB] =	sst s10  }
0x38: {  	s10 =	sld [smem:$0x3FAC]  }
0x39: {  	_ = 	snop;
	(pc) =	sbr.ind lr, $3  }
0x3a: {  	_ = 	snop  }
0x3b: {  	_ = 	snop  }
0x3c: {  	p2 =	seq.s32 s10, $0x1;
	s10 =	sld [smem:$0x3FAB]  }
0x3d: {  	_ =	shalt  }
0x3e: {  	_ =	shalt  }
0x3f: {  	_ =	shalt  }
0x40: {  	_ =	shalt  }
0x41: {  	_ =	shalt  }
0x42: {  	_ =	shalt  }
0x43: {  	_ =	shalt  }
0x44: {  	_ =	shalt  }
0x45: {  	_ =	shalt  }
0x46: {  	_ =	shalt  }
0x47: {  	_ =	shalt  }
0x48: {  	_ =	shalt  }
0x49: {  	_ =	shalt  }
0x4a: {  	_ =	shalt  }
0x4b: {  	_ =	shalt  }
0x4c: {  	_ =	shalt  }
0x4d: {  	_ =	shalt  }
0x4e: {  	_ =	shalt  }
0x4f: {  	_ =	shalt  }
0x50: {  	_ =	shalt  }
0x51: {  	_ =	shalt  }
0x52: {  	_ =	shalt  }
0x53: {  	_ =	shalt  }
0x54: {  	_ =	shalt  }
0x55: {  	_ =	shalt  }
0x56: {  	_ =	shalt  }
0x57: {  	_ =	shalt  }
0x58: {  	_ =	shalt  }
0x59: {  	_ =	shalt  }
0x5a: {  	_ =	shalt  }
0x5b: {  	_ =	shalt  }
0x5c: {  	_ =	shalt  }
0x5d: {  	_ =	shalt  }
0x5e: {  	_ =	shalt  }
0x5f: {  	_ =	shalt  }
0x60: {  	_ =	shalt  }
0x61: {  	_ =	shalt  }
0x62: {  	_ =	shalt  }
0x63: {  	_ =	shalt  }
0x64: {  	_ =	shalt  }
0x65: {  	_ =	shalt  }
0x66: {  	_ =	shalt  }
0x67: {  	_ =	shalt  }
0x68: {  	_ =	shalt  }
0x69: {  	_ =	shalt  }
0x6a: {  	_ =	shalt  }
0x6b: {  	_ =	shalt  }
0x6c: {  	_ =	shalt  }
0x6d: {  	_ =	shalt  }
0x6e: {  	_ =	shalt  }
0x6f: {  	_ =	shalt  }
0x70: {  	_ =	shalt  }
0x71: {  	_ =	shalt  }
0x72: {  	_ =	shalt  }
0x73: {  	_ =	shalt  }
0x74: {  	_ =	shalt  }
0x75: {  	_ =	shalt  }
0x76: {  	_ =	shalt  }
0x77: {  	_ =	shalt  }
0x78: {  	_ =	shalt  }
0x79: {  	_ =	shalt  }
0x7a: {  	_ =	shalt  }
0x7b: {  	_ =	shalt  }
0x7c: {  	_ =	shalt  }
0x7d: {  	_ =	shalt  }
0x7e: {  	_ =	shalt  }
0x7f: {  	_ =	shalt  }
0x80: {  	_ =	shalt  }
0x81: {  	_ =	shalt  }
0x82: {  	_ =	shalt  }
0x83: {  	_ =	shalt  }
0x84: {  	_ =	shalt  }
0x85: {  	_ =	shalt  }
0x86: {  	_ =	shalt  }
0x87: {  	_ =	shalt  }
.Lfunc_end0:
.L_simem_size_0:
called_computation.3_lowered:
.L_overlay_start_0:
0x88: {  	s2 =	sld [smem:$0x3FD9]  }
0x89: {  	s3 =	sld [smem:$0x3FFE];
	_ =	sdelay $0x1  }
0x8a: {  	s1 =	srdreg.scid  }
0x8b: {  	s0 =	sand.u32 $0x1, s1  }
0x8c: {  	s16 =	sshll.u32 s0, $0xA;
	s2 =	sadd.s32 s3, s2  }
0x8d: {  	s2 =	sadd.s32 s2, s16  }
0x8e: {  	[smem:$0x3FB7] =	sst s2  }
0x8f: {  	_ = 	snop  }
0x90: {  	(tm) =	ssettm $0x1  }
0x91: {  	s17 =	sld [smem:$0x3FFB];
	_ =	sdelay $0x3  }
0x92: {  	_ =	strace s17  }
0x93: {  	s2 =	sld [smem:$0x3FFC];
	_ =	sdelay $0x3  }
0x94: {  	_ =	strace s2  }
0x95: {  	s2 =	sld [smem:$0x3FFD];
	_ =	sdelay $0x3  }
0x96: {  	_ =	strace s2  }
0x97: {  	_ =	strace $0x8FFFFFFF  }
0x98: {  	s18 =	sld [smem:$0x3FDB];
	_ =	sdelay $0x1  }
0x99: {  	s19 =	simm.s32 $_scs_section_size  }
0x9a: {  	s4 =	simm.s32 $_size__tile_overlayer_lowered;
	s5 =	simm.s32 $_tile_overlayer_lowered  }
0x9b: {  	s22 =	simm.s32 $0x1BFF;
	s21 =	sshll.u32 s5, $0x1;
	s2 =	sadd.s32 s19, s18  }
0x9c: {  	s6 =	simm.s32 $0x0;
	s20 =	sshll.u32 s4, $0x1;
	s4 =	sadd.s32 s21, s2  }
0x9d: {  	[timem:s6], [sflag:s22] =	dma.local [hbm:s4], s20  }
0x9e: {  	_ =	swait.ge [sflag:s22], s20  }
0x9f: {  	s3 =	ssub.s32 $0x0, s20;
	[sflag:s22] =	ssyncset.done $0x0  }
0xa0: {  	[sflag:s22] =	ssyncadd.s32 s3;
	_ =	sdelay $0x1  }
0xa1: {  	s23 =	simm.s32 $0x1B8B  }
0xa2: {  	_ =	swait.ge [sflag:s23], $0x1  }
0xa3: {  	[sflag:s23] =	ssyncset.done $0x0  }
0xa4: {  	s25 =	simm.s32 $0x1B8E;
	s24 =	sld [smem:$0x3FFE];
	[sflag:s23] =	ssyncadd.s32 $0xFFFFFFFF  }
0xa5: {  	s26 =	simm.s32 $execute0_lowered;
	[smem:$0x3FD2] =	sst s25  }
0xa6: {  	s4 =	sshll.u32 s26, $0x1;
	_ =	strace $0x8000004C;
	[dreg:$0x1] =	wrdreg $0xFFFFFFFF  }
0xa7: {  	s28 =	simm.s32 $_size_execute0_lowered;
	s2 =	sadd.s32 s2, s4;
	[dreg:$0x0] =	wrdreg $0x0  }
0xa8: {  	s4 =	sshll.u32 s28, $0x1;
	[dreg:$0x2] =	wrdreg s2  }
0xa9: {  	[dreg:$0x3] =	wrdreg s4  }
0xaa: {  	[dreg:$0x4] =	wrdreg $0xC0  }
0xab: {  	_ =	task [dreg:s6], $0x5FFFF  }
0xac: {  	[dreg:$0x1] =	wrdreg $0xFFFFFFFF  }
0xad: {  	[dreg:$0x0] =	wrdreg $0x60  }
0xae: {  	[dreg:$0x2] =	wrdreg s24  }
0xaf: {  	[dreg:$0x3] =	wrdreg $0x0  }
0xb0: {  	[dreg:$0x4] =	wrdreg $0x9  }
0xb1: {  	_ =	task.clear_ibuf [dreg:s6], $0x5FFFF;
	_ =	strace $0x9000004C  }
0xb2: {  	s29 =	simm.s32 $0x9;
	_ =	strace $0x8000004E  }
0xb3: {  	_ =	swait.ge [sflag:s29], $0x1  }
0xb4: {  	[sflag:s29] =	ssyncadd.s32 $0xFFFFFFFF  }
0xb5: {  	_ =	strace $0x9000004E  }
0xb6: {  	_ =	sfence  }
0xb7: {  	s30 =	sld [smem:$0x0];
	_ =	sdelay $0x2  }
0xb8: {  	s31 =	sshll.u32 s1, $0xD;
	s1 =	sshrl.u32 s1, $0x2  }
0xb9: {  	s3 =	sand.u32 $0x4000, s31;
	s1 =	sadd.s32 s1, s30  }
0xba: {  	s0 =	sor.u32 s3, s0;
	s1 =	sshll.u32 s1, $0x11  }
0xbb: {  	s0 =	sor.u32 s1, s0  }
0xbc: {  	s0 =	sadd.s32 $0x8F2B, s0  }
0xbd: {  	[sflag:s0] =	ssyncadd.remote.s32 $0x1  }
0xbe: {  	_ =	sfence.sel $0xFFFF  }
0xbf: {  	[dreg:$0x0] =	wrdreg $0xFFFFFFFF;
	(pc) =	sbr.abs _section_cstart, $3  }
0xc0: {  	[dreg:$0x1] =	wrdreg $0xFFFFFFFF  }
0xc1: {  	_ =	task.clear_ibuf [dreg:s6], $0x2FFFF;
	_ =	strace $0x9FFFFFFF  }
0xc2: {  	(tm) =	ssettm $0x7FFFFFFF  }
0xc3: {  	_ =	shalt  }
tec
execute0_lowered:
.L_overlay_start_1:
0x0: {  	(tag) =	ssettag $0x1  }
0x1: {  	s0 =	srdreg.scid;
	s1 =	rddreg [dreg:$0x0]  }
0x2: {  	s12 =	stileid.u32;
	s2 =	rddreg [dreg:$0x1];
	s19 =	simm.s32 $0x16800  }
0x3: {  	s28 =	simm.s32 $0x5;
	s29 =	simm.s32 $0x1A900;
	s7 =	smul.u32 $0x14000, s12  }
0x4: {  	s30 =	simm.s32 $0x2;
	s31 =	simm.s32 $0x3;
	s8 =	smul.u32 $0x50000, s12  }
0x5: {  	s0 =	sand.u32 $0x1, s0;
	s18 =	sadd.s32 $0x5F200, s1;
	s15 =	smul.u32 $0x2800, s12  }
0x6: {  	s3 =	sshll.u32 s0, $0x4;
	s5 =	smul.u32 $0x140000, s0;
	s20 =	ssub.s32 $0x2, s0  }
0x7: {  	s0 =	smul.u32 $0x28000, s0;
	s4 =	sor.u32 s12, s3;
	s3 =	simm.s32 $0x0  }
0x8: {  	s8 =	sshrl.u32 s8, $0x2;
	s9 =	sshrl.u32 s20, $0x1;
	s6 =	smul.u32 $0x2800, s4  }
0x9: {  	[smem:$0x7FF] =	sst s3;
	s4 =	sadd.s32 $0xF200, s1;
	s5 =	sadd.s32 s7, s5  }
0xa: {  	s14 =	ssub.s32 s20, s9;
	s0 =	sadd.s32 s15, s0;
	s20 =	simm.s32 $0x6  }
0xb: {  	_ =	strace $0x8000004D;
	s5 =	sshrl.u32 s5, $0x3;
	s14 =	smax.u32 s14, $0x1  }
0xc: {  	s26 =	sor.u32 $0x280, s0;
	s0 =	sor.u32 $0x200, s0;
	s11 =	sshrl.u32 s6, $0x3  }
0xd: {  	s16 =	sor.u32 $0x100, s6;
	s6 =	sor.u32 $0x180, s6;
	s0 =	sshrl.u32 s0, $0x3  }
0xe: {  	s10 =	sadd.s32 s11, s1;
	s1 =	sadd.s32 s5, s1;
	s5 =	sadd.s32 s8, s2  }
0xf: {  	s11 =	sadd.s32 s18, s11;
	s25 =	sshrl.u32 s16, $0x3;
	s6 =	sshrl.u32 s6, $0x3  }
0x10: {  	s21 =	sadd.s32 $0x4000, s5;
	s22 =	sadd.s32 $0x8000, s5;
	s23 =	sadd.s32 $0xC000, s5  }
0x11: {  	s24 =	sadd.s32 $0x10000, s5;
	s10 =	sadd.s32 $0x5200, s10;
	s12 =	sadd.s32 $0x10, s11  }
0x12: {  	s13 =	sadd.s32 $0x69200, s1;
	s15 =	sadd.s32 s18, s25;
	[dreg:$0x3] =	wrdreg s21  }
.Ltmp0:
0x13: {  	s1 =	sshrl.u32 s26, $0x3;
	[dreg:$0x4] =	wrdreg s22;
	(pc) =	sbr.rel .LBB2_1-.Ltmp0, $4  }
0x14: {  	s16 =	sadd.s32 s18, s6;
	s25 =	simm.s32 $0x80;
	[dreg:$0x5] =	wrdreg s23  }
0x15: {  	s26 =	simm.s32 $0x1;
	[dreg:$0x6] =	wrdreg s24;
	s17 =	sadd.s32 s1, s18  }
0x16: {  	s18 =	sadd.s32 s0, s18;
	s21 =	simm.s32 $0x14000;
	s22 =	simm.s32 $0x1A800  }
0x17: {  	v0 =	vimm.f32 $0.0e+00;
	s23 =	simm.s32 $0x1A880;
	s24 =	simm.s32 $0x4;
	s0 =	simm.s32 $0x0  }
.LBB2_6:
0x18: {  	_ =	swait.ge [sflag:s31], $0x4000  }
0x19: {  	[sflag:s31] =	ssyncset.done $0x0  }
0x1a: {  	[sflag:s31] =	ssyncadd.s32 $0xFFFFC000  }
0x1b: {  	[spmem:s2] =	stream.indirect.scatter.add.f32 [tilespmem:s29], [sflag:$0x3], $0x80, s6, s25, $0xb8;
	[tilespmem:$0x1E900] =	vst v63  }
0x1c: {  	s1 =	stileid.u32;
	_ =	swait.ge [sflag:s31], $0x4000  }
0x1d: {  	s9 =	sshrl.u32 s5, $0x3;
	s0 =	sadd.s32 $0x1, s0;
	[sflag:s31] =	ssyncset.done $0x0  }
0x1e: {  	s1 =	sshll.u32 s1, $0x6;
	p0 =	sne.s32 s0, s14;
	[sflag:s31] =	ssyncadd.s32 $0xFFFFC000  }
.Ltmp1:
0x1f: {  	s1 =	sor.u32 $0x1C06, s1;
	[bflag:$0x0] =	sbarrier.arrive $0xFFFF;
	(pc) =	sbr.rel @!p0 .LBB2_7-.Ltmp1, $4  }
0x20: {  	[hbm:s13], [sflag:s1] =	dma.local [spmem:s9], $0x2800  }
0x21: {  	_ =	swait.ge [sflag:s20], $0x2800  }
0x22: {  	[sflag:s20] =	ssyncset.done $0x0  }
0x23: {  	[sflag:s20] =	ssyncadd.s32 $0xFFFFD800  }
.LBB2_1:
0x24: {  	s1 =	simm.s32 $0x0;
	s6 =	simm.s32 $0x200  }
.LBB2_2:
0x25: {  	p0 =	sne.s32 s6, $0xFE00;
	[tilespmem:s1+$0x16870] =	vst v0  }
0x26: {  	[tilespmem:s1+$0x16800] =	vst v0  }
0x27: {  	[tilespmem:s1+$0x16810] =	vst v0  }
.Ltmp2:
0x28: {  	[tilespmem:s1+$0x16820] =	vst v0;
	(pc) =	sbr.rel @p0 .LBB2_2-.Ltmp2, $4  }
0x29: {  	[tilespmem:s1+$0x16830] =	vst v0  }
0x2a: {  	[tilespmem:s1+$0x16840] =	vst v0  }
0x2b: {  	[tilespmem:s1+$0x16850] =	vst v0  }
0x2c: {  	[tilespmem:s1+$0x16860] =	vst v0;
	s1 =	sshra.s32 s6, $0x2;
	s6 =	sadd.s32 $0x200, s6  }
0x2d: {  	[tilespmem:s1+$0x16870] =	vst v0  }
0x2e: {  	[tilespmem:s1+$0x16800] =	vst v0  }
0x2f: {  	[tilespmem:s1+$0x16810] =	vst v0  }
0x30: {  	[tilespmem:s1+$0x16820] =	vst v0  }
0x31: {  	[tilespmem:s1+$0x16830] =	vst v0  }
0x32: {  	[tilespmem:s1+$0x16840] =	vst v0  }
0x33: {  	[tilespmem:s1+$0x16850] =	vst v0  }
0x34: {  	[tilespmem:s1+$0x16860] =	vst v0  }
0x35: {  	[spmem:s5] =	stream.linear.scatter [tilespmem:s19], [sflag:$0x6], $0x4000, $0x38;
	[tilespmem:$0x1E900] =	vst v63  }
0x36: {  	_ =	swait.ge [sflag:s20], $0x4000  }
0x37: {  	[sflag:s20] =	ssyncset.done $0x0  }
0x38: {  	s6 =	rddreg [dreg:$0x3];
	[sflag:s20] =	ssyncadd.s32 $0xFFFFC000  }
0x39: {  	[spmem:s6] =	stream.linear.scatter [tilespmem:s19], [sflag:$0x6], $0x4000, $0x38;
	[tilespmem:$0x1E900] =	vst v63  }
0x3a: {  	_ =	swait.ge [sflag:s20], $0x4000  }
0x3b: {  	[sflag:s20] =	ssyncset.done $0x0  }
0x3c: {  	s7 =	rddreg [dreg:$0x4];
	[sflag:s20] =	ssyncadd.s32 $0xFFFFC000  }
0x3d: {  	[spmem:s7] =	stream.linear.scatter [tilespmem:s19], [sflag:$0x6], $0x4000, $0x38;
	[tilespmem:$0x1E900] =	vst v63  }
0x3e: {  	_ =	swait.ge [sflag:s20], $0x4000  }
0x3f: {  	[sflag:s20] =	ssyncset.done $0x0  }
0x40: {  	s8 =	rddreg [dreg:$0x5];
	[sflag:s20] =	ssyncadd.s32 $0xFFFFC000  }
0x41: {  	[spmem:s8] =	stream.linear.scatter [tilespmem:s19], [sflag:$0x6], $0x4000, $0x38;
	[tilespmem:$0x1E900] =	vst v63  }
0x42: {  	_ =	swait.ge [sflag:s20], $0x4000  }
0x43: {  	[sflag:s20] =	ssyncset.done $0x0  }
0x44: {  	s9 =	rddreg [dreg:$0x6];
	[sflag:s20] =	ssyncadd.s32 $0xFFFFC000  }
0x45: {  	[spmem:s9] =	stream.linear.scatter [tilespmem:s19], [sflag:$0x6], $0x4000, $0x38;
	[tilespmem:$0x1E900] =	vst v63  }
0x46: {  	_ =	swait.ge [sflag:s20], $0x4000  }
0x47: {  	[sflag:s20] =	ssyncset.done $0x0  }
0x48: {  	s1 =	simm.s32 $0x0;
	[sflag:s20] =	ssyncadd.s32 $0xFFFFC000  }
0x49: {  	[tilespmem:s21], [sflag:$0x6] =	stream.linear.gather [hbm4b:s10+s1], $0x2800, $0x38;
	[tilespmem:$0x1E900] =	vst v63  }
0x4a: {  	_ =	swait.ge [sflag:s20], $0x2800  }
0x4b: {  	[sflag:s20] =	ssyncset.done $0x0  }
0x4c: {  	[sflag:s20] =	ssyncadd.s32 $0xFFFFD800  }
0x4d: {  	[bflag:$0x0] =	sbarrier.arrive $0xFFFF  }
0x4e: {  	[tilespmem:s22], [sflag:$0x4] =	stream.linear.gather [hbm4b:s11+s1], $0x80, $0x38;
	[tilespmem:$0x1E900] =	vst v63  }
0x4f: {  	_ = 	snop  }
0x50: {  	[tilespmem:s23], [sflag:$0x5] =	stream.linear.gather [hbm4b:s12+s1], $0x80, $0x38;
	[tilespmem:$0x1E900] =	vst v63  }
0x51: {  	_ =	swait.ge [sflag:s24], $0x80  }
0x52: {  	[sflag:s24] =	ssyncset.done $0x0  }
0x53: {  	[sflag:s24] =	ssyncadd.s32 $0xFFFFFF80  }
0x54: {  	[tilespmem:s19], [sflag:$0x1] =	stream.indirect.gather [hbm4b:s4+s25], $0x80, s22, s25, $0xb8;
	[tilespmem:$0x1E900] =	vst v63  }
0x55: {  	_ =	swait.ge [sflag:s26], $0x4000  }
0x56: {  	[sflag:s26] =	ssyncset.done $0x0  }
0x57: {  	[sflag:s26] =	ssyncadd.s32 $0xFFFFC000  }
0x58: {  	[tilespmem:s22], [sflag:$0x4] =	stream.linear.gather [hbm4b:s15+s1], $0x80, $0x38;
	[tilespmem:$0x1E900] =	vst v63  }
0x59: {  	_ = 	snop  }
0x5a: {  	[spmem:s2] =	stream.indirect.scatter.add.f32 [tilespmem:s19], [sflag:$0x3], $0x80, s21, s25, $0xb8;
	[tilespmem:$0x1E900] =	vst v63  }
0x5b: {  	_ =	swait.ge [sflag:s28], $0x80  }
0x5c: {  	[sflag:s28] =	ssyncset.done $0x0  }
0x5d: {  	[sflag:s28] =	ssyncadd.s32 $0xFFFFFF80  }
0x5e: {  	[tilespmem:s29], [sflag:$0x2] =	stream.indirect.gather [hbm4b:s4+s25], $0x80, s23, s25, $0xb8;
	[tilespmem:$0x1E900] =	vst v63  }
0x5f: {  	_ =	swait.ge [sflag:s30], $0x4000  }
0x60: {  	[sflag:s30] =	ssyncset.done $0x0  }
0x61: {  	[sflag:s30] =	ssyncadd.s32 $0xFFFFC000  }
0x62: {  	[tilespmem:s23], [sflag:$0x5] =	stream.linear.gather [hbm4b:s16+s1], $0x80, $0x38;
	[tilespmem:$0x1E900] =	vst v63  }
0x63: {  	_ =	swait.ge [sflag:s31], $0x4000  }
0x64: {  	[sflag:s31] =	ssyncset.done $0x0  }
0x65: {  	s6 =	simm.s32 $0x14080;
	[sflag:s31] =	ssyncadd.s32 $0xFFFFC000  }
0x66: {  	[spmem:s2] =	stream.indirect.scatter.add.f32 [tilespmem:s29], [sflag:$0x3], $0x80, s6, s25, $0xb8;
	[tilespmem:$0x1E900] =	vst v63  }
0x67: {  	_ =	swait.ge [sflag:s24], $0x80  }
0x68: {  	[sflag:s24] =	ssyncset.done $0x0  }
0x69: {  	s6 =	simm.s32 $0x14180;
	[sflag:s24] =	ssyncadd.s32 $0xFFFFFF80  }
0x6a: {  	[tilespmem:s19], [sflag:$0x1] =	stream.indirect.gather [hbm4b:s4+s25], $0x80, s22, s25, $0xb8;
	[tilespmem:$0x1E900] =	vst v63  }
.LBB2_4:
0x6b: {  	_ =	swait.ge [sflag:s26], $0x4000;
	p0 =	seq.s32 s1, $0x4C0  }
0x6c: {  	[sflag:s26] =	ssyncset.done $0x0;
	s7 =	sadd.s32 @!p0 s1, s18  }
0x6d: {  	s8 =	simm.s32 @!p0 $0x0;
	s9 =	simm.s32 @!p0 $0x1A800;
	[sflag:s26] =	ssyncadd.s32 $0xFFFFC000  }
0x6e: {  	[tilespmem:s9], [sflag:$0x4] =	stream.linear.gather @!p0 [hbm4b:s7+s8], $0x80, $0x38;
	[tilespmem:$0x1E900] =	vst v63  }
0x6f: {  	_ =	swait.ge [sflag:s31], $0x4000  }
0x70: {  	[sflag:s31] =	ssyncset.done $0x0  }
0x71: {  	s9 =	sadd.s32 $0xFFFFFF80, s6;
	[sflag:s31] =	ssyncadd.s32 $0xFFFFC000  }
0x72: {  	[spmem:s2] =	stream.indirect.scatter.add.f32 [tilespmem:s19], [sflag:$0x3], $0x80, s9, s25, $0xb8;
	[tilespmem:$0x1E900] =	vst v63  }
0x73: {  	_ =	swait.ge [sflag:s28], $0x80  }
0x74: {  	[sflag:s28] =	ssyncset.done $0x0  }
.Ltmp3:
0x75: {  	[sflag:s28] =	ssyncadd.s32 $0xFFFFFF80;
	(pc) =	sbr.rel @p0 .LBB2_6-.Ltmp3, $4  }
0x76: {  	[tilespmem:s29], [sflag:$0x2] =	stream.indirect.gather [hbm4b:s4+s25], $0x80, s23, s25, $0xb8;
	[tilespmem:$0x1E900] =	vst v63  }
0x77: {  	_ =	swait.ge [sflag:s30], $0x4000  }
0x78: {  	[sflag:s30] =	ssyncset.done $0x0  }
0x79: {  	[sflag:s30] =	ssyncadd.s32 $0xFFFFC000  }
0x7a: {  	s7 =	sadd.s32 s1, s17  }
0x7b: {  	[tilespmem:s23], [sflag:$0x5] =	stream.linear.gather [hbm4b:s7+s3], $0x80, $0x38;
	[tilespmem:$0x1E900] =	vst v63  }
0x7c: {  	_ =	swait.ge [sflag:s31], $0x4000  }
0x7d: {  	[sflag:s31] =	ssyncset.done $0x0  }
0x7e: {  	[sflag:s31] =	ssyncadd.s32 $0xFFFFC000  }
0x7f: {  	[spmem:s2] =	stream.indirect.scatter.add.f32 [tilespmem:s29], [sflag:$0x3], $0x80, s6, s25, $0xb8;
	[tilespmem:$0x1E900] =	vst v63  }
.Ltmp4:
0x80: {  	_ = 	snop;
	(pc) =	sbr.rel .LBB2_4-.Ltmp4, $4  }
0x81: {  	_ =	swait.ge [sflag:s24], $0x80  }
0x82: {  	[sflag:s24] =	ssyncset.done $0x0  }
0x83: {  	s1 =	sadd.s32 $0x20, s1;
	s6 =	sadd.s32 $0x100, s6;
	[sflag:s24] =	ssyncadd.s32 $0xFFFFFF80  }
0x84: {  	[tilespmem:s19], [sflag:$0x1] =	stream.indirect.gather [hbm4b:s4+s25], $0x80, s22, s25, $0xb8;
	[tilespmem:$0x1E900] =	vst v63  }
.LBB2_7:
0x85: {  	_ =	sfence.sel $0x180000  }
0x86: {  	[bflag:$0x0] =	sbarrier.arrive $0xFFFF  }
0x87: {  	_ =	strace $0x9000004D  }
0x88: {  	s0 =	stileid.u32;
	[bflag:$0x2] =	sbarrier.arrive $0xFFFF  }
0x89: {  	p0 =	sne.s32 s0, $0x0;
	s0 =	rddreg [dreg:$0x2]  }
0x8a: {  	s0 =	sadd.s32 @!p0 $0x100000, s0  }
0x8b: {  	[sflag:s0] =	ssyncadd.tile.s32 @!p0 $0x1;
	_ =	shalt  }
.Lfunc_end2:
_tile_overlayer_lowered:
.L_overlay_start_2:
0x8c: {  	(tag) =	ssettag $0x2  }
0x8d: {  	s0 =	rddreg [dreg:$0x0];
	s2 =	stileid.u32  }
0x8e: {  	s1 =	rddreg [dreg:$0x1];
	p0 =	sne.s32 s2, $0x0  }
0x8f: {  	s3 =	rddreg [dreg:$0x2];
	[bflag:$0x3] =	sbarrier.arrive $0xFFFF;
	s2 =	simm.s32 @!p0 $0x1C06  }
0x90: {  	[timem:s3], [sflag:s2] =	dma.local @!p0 [hbm:s0], s1  }
0x91: {  	s0 =	simm.s32 @!p0 $0x6  }
0x92: {  	_ =	swait.ge @!p0 [sflag:s0], s1  }
0x93: {  	s1 =	ssub.s32 @!p0 $0x0, s1;
	[sflag:s0] =	ssyncset.done @!p0 $0x0  }
0x94: {  	[sflag:s0] =	ssyncadd.s32 @!p0 s1  }
0x95: {  	[bflag:$0x3] =	sbarrier.arrive $0xFFFF  }
0x96: {  	_ =	shalt  }

// kernel: kernel.28.cloned.1.call-start
scs
__scs_entry_jumppad:
0x0: {  	(pc) =	sbr.rel $0x88, $3  }
0x1: {  	(tag) =	ssettag $0x0;
	lr =	simm.s32 $0x1  }
0x2: {  	[smem:$0x3F90] =	sst lr;
	_ =	strace $0xD0000000  }
0x3: {  	_ = 	snop  }
0x4: {  	_ = 	snop  }
0x5: {  	_ = 	snop  }
0x6: {  	_ = 	snop  }
0x7: {  	_ = 	snop  }
__scs_overlays_trampoline_lowered:
0x8: {  	[smem:$0x3F9F] =	sst s0  }
0x9: {  	[smem:$0x3FA0] =	sst s1  }
0xa: {  	[smem:$0x3FA1] =	sst s2  }
0xb: {  	[smem:$0x3FA2] =	sst s3  }
0xc: {  	[smem:$0x3FA3] =	sst s4  }
0xd: {  	[smem:$0x3FA4] =	sst s5  }
0xe: {  	[smem:$0x3FA5] =	sst s6  }
0xf: {  	[smem:$0x3FA6] =	sst s7  }
0x10: {  	[smem:$0x3FA7] =	sst s8  }
0x11: {  	[smem:$0x3FA8] =	sst s9;
	s0 =	simm.s32 @!p0 $0x0  }
0x12: {  	s1 =	sld [smem:$0x3F8E];
	s0 =	simm.s32 @p0 $0x1  }
0x13: {  	[smem:$0x3FA9] =	sst s0;
	s0 =	simm.s32 @!p1 $0x0  }
0x14: {  	s2 =	sld [smem:$0x3F8D];
	s0 =	simm.s32 @p1 $0x1  }
0x15: {  	[smem:$0x3FAA] =	sst s0;
	s0 =	simm.s32 @!p2 $0x0  }
0x16: {  	s3 =	sld [smem:$0x3FDB];
	s0 =	simm.s32 @p2 $0x1  }
0x17: {  	s4 =	simm.s32 $0x1BF5;
	[smem:$0x3FAC] =	sst s0  }
0x18: {  	s0 =	sld [smem:$0x3F8F];
	_ =	swait.ge [sflag:s4], $0x0  }
0x19: {  	s7 =	sld [smem:$0x3F90]  }
0x1a: {  	s8 =	sadd.s32 $0xFFFFE003, lr  }
0x1b: {  	s9 =	sadd.s32 $0xFFFFFEF7, lr;
	s5 =	simm.s32 $0xFFFFFFFF;
	p2 =	slt.u32 s8, $0xFFFFF086  }
0x1c: {  	p1 =	slt.u32 s9, $0xF7A;
	s5 =	simm.s32 @!p2 $0x0  }
0x1d: {  	s5 =	simm.s32 @p1 $0x1;
	p0 =	seq.s32 s7, s2  }
0x1e: {  	s7 =	smul.u32 @!p0 $0xF7A, s2;
	p2 =	seq.s32 @!p0 s5, $0x0  }
0x1f: {  	s9 =	smul.u32 $0xF7A, s1;
	s8 =	simm.s32 @!p0 $0x1BF5;
	p2 =	por !p2, p0  }
0x20: {  	[sflag:s8] =	ssyncset.s32 @!p0 $0xFFFFF086;
	s6 =	sadd.s32 @!p0 s3, s7;
	s7 =	simm.s32 @!p0 $0x108  }
0x21: {  	s3 =	sadd.s32 s3, s9;
	s6 =	sadd.s32 @!p0 $0x88, s6;
	s7 =	simm.s32 @p2 $0x1082  }
0x22: {  	[simem:s7], [sflag:s8] =	dma.local @!p0 [hbm:s6], $0xF7A  }
0x23: {  	s9 =	sor.u32 $0xD0000000, s2;
	s6 =	simm.s32 $0x108;
	_ =	swait.ge @!p0 [sflag:s8], $0x0  }
0x24: {  	s3 =	sadd.s32 $0x88, s3;
	s6 =	simm.s32 @!p1 $0x1082;
	[sflag:s4] =	ssyncset.s32 $0xFFFFF086  }
0x25: {  	[simem:s6], [sflag:s4] =	dma.local [hbm:s3], $0xF7A  }
0x26: {  	[smem:$0x3F90] =	sst s1;
	(tag) =	ssettag s2;
	_ =	strace s9  }
0x27: {  	s1 =	sld [smem:$0x3FA0]  }
0x28: {  	s2 =	sld [smem:$0x3FA1]  }
0x29: {  	s4 =	sld [smem:$0x3FA3]  }
0x2a: {  	p0 =	seq.s32 s5, $0x0;
	s5 =	sld [smem:$0x3FA4]  }
0x2b: {  	s6 =	sld [smem:$0x3FA5]  }
0x2c: {  	s7 =	sld [smem:$0x3FA6]  }
0x2d: {  	s3 =	simm.s32 $0x108;
	s8 =	sld [smem:$0x3FA7]  }
0x2e: {  	s3 =	simm.s32 @!p0 $0x1082;
	s9 =	sld [smem:$0x3FA8]  }
0x2f: {  	lr =	sadd.s32 s0, s3;
	s0 =	sld [smem:$0x3F9F]  }
0x30: {  	s3 =	sld [smem:$0x3FA2]  }
0x31: {  	[smem:$0x3FAB] =	sst s10  }
0x32: {  	s10 =	sld [smem:$0x3FA9];
	_ =	sdelay $0x3  }
0x33: {  	p0 =	seq.s32 s10, $0x1;
	s10 =	sld [smem:$0x3FAB];
	_ =	sdelay $0x3  }
0x34: {  	[smem:$0x3FAB] =	sst s10  }
0x35: {  	s10 =	sld [smem:$0x3FAA];
	_ =	sdelay $0x3  }
0x36: {  	p1 =	seq.s32 s10, $0x1;
	s10 =	sld [smem:$0x3FAB];
	_ =	sdelay $0x3  }
0x37: {  	[smem:$0x3FAB] =	sst s10  }
0x38: {  	s10 =	sld [smem:$0x3FAC]  }
0x39: {  	_ = 	snop;
	(pc) =	sbr.ind lr, $3  }
0x3a: {  	_ = 	snop  }
0x3b: {  	_ = 	snop  }
0x3c: {  	p2 =	seq.s32 s10, $0x1;
	s10 =	sld [smem:$0x3FAB]  }
0x3d: {  	_ =	shalt  }
0x3e: {  	_ =	shalt  }
0x3f: {  	_ =	shalt  }
0x40: {  	_ =	shalt  }
0x41: {  	_ =	shalt  }
0x42: {  	_ =	shalt  }
0x43: {  	_ =	shalt  }
0x44: {  	_ =	shalt  }
0x45: {  	_ =	shalt  }
0x46: {  	_ =	shalt  }
0x47: {  	_ =	shalt  }
0x48: {  	_ =	shalt  }
0x49: {  	_ =	shalt  }
0x4a: {  	_ =	shalt  }
0x4b: {  	_ =	shalt  }
0x4c: {  	_ =	shalt  }
0x4d: {  	_ =	shalt  }
0x4e: {  	_ =	shalt  }
0x4f: {  	_ =	shalt  }
0x50: {  	_ =	shalt  }
0x51: {  	_ =	shalt  }
0x52: {  	_ =	shalt  }
0x53: {  	_ =	shalt  }
0x54: {  	_ =	shalt  }
0x55: {  	_ =	shalt  }
0x56: {  	_ =	shalt  }
0x57: {  	_ =	shalt  }
0x58: {  	_ =	shalt  }
0x59: {  	_ =	shalt  }
0x5a: {  	_ =	shalt  }
0x5b: {  	_ =	shalt  }
0x5c: {  	_ =	shalt  }
0x5d: {  	_ =	shalt  }
0x5e: {  	_ =	shalt  }
0x5f: {  	_ =	shalt  }
0x60: {  	_ =	shalt  }
0x61: {  	_ =	shalt  }
0x62: {  	_ =	shalt  }
0x63: {  	_ =	shalt  }
0x64: {  	_ =	shalt  }
0x65: {  	_ =	shalt  }
0x66: {  	_ =	shalt  }
0x67: {  	_ =	shalt  }
0x68: {  	_ =	shalt  }
0x69: {  	_ =	shalt  }
0x6a: {  	_ =	shalt  }
0x6b: {  	_ =	shalt  }
0x6c: {  	_ =	shalt  }
0x6d: {  	_ =	shalt  }
0x6e: {  	_ =	shalt  }
0x6f: {  	_ =	shalt  }
0x70: {  	_ =	shalt  }
0x71: {  	_ =	shalt  }
0x72: {  	_ =	shalt  }
0x73: {  	_ =	shalt  }
0x74: {  	_ =	shalt  }
0x75: {  	_ =	shalt  }
0x76: {  	_ =	shalt  }
0x77: {  	_ =	shalt  }
0x78: {  	_ =	shalt  }
0x79: {  	_ =	shalt  }
0x7a: {  	_ =	shalt  }
0x7b: {  	_ =	shalt  }
0x7c: {  	_ =	shalt  }
0x7d: {  	_ =	shalt  }
0x7e: {  	_ =	shalt  }
0x7f: {  	_ =	shalt  }
0x80: {  	_ =	shalt  }
0x81: {  	_ =	shalt  }
0x82: {  	_ =	shalt  }
0x83: {  	_ =	shalt  }
0x84: {  	_ =	shalt  }
0x85: {  	_ =	shalt  }
0x86: {  	_ =	shalt  }
0x87: {  	_ =	shalt  }
.Lfunc_end0:
.L_simem_size_0:
called_computation.4_lowered:
.L_overlay_start_0:
0x88: {  	s2 =	sld [smem:$0x3FD9]  }
0x89: {  	s3 =	sld [smem:$0x3FFE];
	_ =	sdelay $0x1  }
0x8a: {  	s1 =	srdreg.scid  }
0x8b: {  	s0 =	sand.u32 $0x1, s1  }
0x8c: {  	s16 =	sshll.u32 s0, $0xA;
	s2 =	sadd.s32 s3, s2  }
0x8d: {  	s2 =	sadd.s32 s2, s16  }
0x8e: {  	[smem:$0x3FB7] =	sst s2  }
0x8f: {  	_ = 	snop  }
0x90: {  	(tm) =	ssettm $0x1  }
0x91: {  	s17 =	sld [smem:$0x3FFB];
	_ =	sdelay $0x3  }
0x92: {  	_ =	strace s17  }
0x93: {  	s2 =	sld [smem:$0x3FFC];
	_ =	sdelay $0x3  }
0x94: {  	_ =	strace s2  }
0x95: {  	s2 =	sld [smem:$0x3FFD];
	_ =	sdelay $0x3  }
0x96: {  	_ =	strace s2  }
0x97: {  	_ =	strace $0x8FFFFFFF  }
0x98: {  	s18 =	sld [smem:$0x3FDB];
	_ =	sdelay $0x1  }
0x99: {  	s19 =	simm.s32 $_scs_section_size  }
0x9a: {  	s4 =	simm.s32 $_size__tile_overlayer_lowered;
	s5 =	simm.s32 $_tile_overlayer_lowered  }
0x9b: {  	s22 =	simm.s32 $0x1BFF;
	s21 =	sshll.u32 s5, $0x1;
	s2 =	sadd.s32 s19, s18  }
0x9c: {  	s6 =	simm.s32 $0x0;
	s20 =	sshll.u32 s4, $0x1;
	s4 =	sadd.s32 s21, s2  }
0x9d: {  	[timem:s6], [sflag:s22] =	dma.local [hbm:s4], s20  }
0x9e: {  	_ =	swait.ge [sflag:s22], s20  }
0x9f: {  	s3 =	ssub.s32 $0x0, s20;
	[sflag:s22] =	ssyncset.done $0x0  }
0xa0: {  	[sflag:s22] =	ssyncadd.s32 s3;
	_ =	sdelay $0x1  }
0xa1: {  	s23 =	simm.s32 $0x1B8B  }
0xa2: {  	_ =	swait.ge [sflag:s23], $0x1  }
0xa3: {  	[sflag:s23] =	ssyncset.done $0x0  }
0xa4: {  	s25 =	simm.s32 $0x1B8E;
	s24 =	sld [smem:$0x3FFE];
	[sflag:s23] =	ssyncadd.s32 $0xFFFFFFFF  }
0xa5: {  	s26 =	simm.s32 $execute0_lowered;
	[smem:$0x3FD2] =	sst s25  }
0xa6: {  	s4 =	sshll.u32 s26, $0x1;
	_ =	strace $0x8000004F;
	[dreg:$0x1] =	wrdreg $0xFFFFFFFF  }
0xa7: {  	s28 =	simm.s32 $_size_execute0_lowered;
	s2 =	sadd.s32 s2, s4;
	[dreg:$0x0] =	wrdreg $0x0  }
0xa8: {  	s4 =	sshll.u32 s28, $0x1;
	[dreg:$0x2] =	wrdreg s2  }
0xa9: {  	[dreg:$0x3] =	wrdreg s4  }
0xaa: {  	[dreg:$0x4] =	wrdreg $0xC0  }
0xab: {  	_ =	task [dreg:s6], $0x5FFFF  }
0xac: {  	[dreg:$0x1] =	wrdreg $0xFFFFFFFF  }
0xad: {  	[dreg:$0x0] =	wrdreg $0x60  }
0xae: {  	[dreg:$0x2] =	wrdreg s24  }
0xaf: {  	[dreg:$0x3] =	wrdreg $0x0  }
0xb0: {  	[dreg:$0x4] =	wrdreg $0xA  }
0xb1: {  	_ =	task.clear_ibuf [dreg:s6], $0x5FFFF;
	_ =	strace $0x9000004F  }
0xb2: {  	s29 =	simm.s32 $0xA;
	_ =	strace $0x80000051  }
0xb3: {  	_ =	swait.ge [sflag:s29], $0x1  }
0xb4: {  	[sflag:s29] =	ssyncadd.s32 $0xFFFFFFFF  }
0xb5: {  	_ =	strace $0x90000051  }
0xb6: {  	_ =	sfence  }
0xb7: {  	s30 =	sld [smem:$0x0];
	_ =	sdelay $0x2  }
0xb8: {  	s31 =	sshll.u32 s1, $0xD;
	s1 =	sshrl.u32 s1, $0x2  }
0xb9: {  	s3 =	sand.u32 $0x4000, s31;
	s1 =	sadd.s32 s1, s30  }
0xba: {  	s0 =	sor.u32 s3, s0;
	s1 =	sshll.u32 s1, $0x11  }
0xbb: {  	s0 =	sor.u32 s1, s0  }
0xbc: {  	s0 =	sadd.s32 $0x8F2B, s0  }
0xbd: {  	[sflag:s0] =	ssyncadd.remote.s32 $0x1  }
0xbe: {  	_ =	sfence.sel $0xFFFF  }
0xbf: {  	[dreg:$0x0] =	wrdreg $0xFFFFFFFF;
	(pc) =	sbr.abs _section_cstart, $3  }
0xc0: {  	[dreg:$0x1] =	wrdreg $0xFFFFFFFF  }
0xc1: {  	_ =	task.clear_ibuf [dreg:s6], $0x2FFFF;
	_ =	strace $0x9FFFFFFF  }
0xc2: {  	(tm) =	ssettm $0x7FFFFFFF  }
0xc3: {  	_ =	shalt  }
tec
execute0_lowered:
.L_overlay_start_1:
0x0: {  	(tag) =	ssettag $0x1  }
0x1: {  	s0 =	srdreg.scid;
	s1 =	rddreg [dreg:$0x0]  }
0x2: {  	s12 =	stileid.u32;
	s2 =	rddreg [dreg:$0x1];
	s19 =	simm.s32 $0x16800  }
0x3: {  	s28 =	simm.s32 $0x5;
	s29 =	simm.s32 $0x1A900;
	s7 =	smul.u32 $0x14000, s12  }
0x4: {  	s30 =	simm.s32 $0x2;
	s31 =	simm.s32 $0x3;
	s8 =	smul.u32 $0x50000, s12  }
0x5: {  	s0 =	sand.u32 $0x1, s0;
	s18 =	sadd.s32 $0x5F200, s1;
	s15 =	smul.u32 $0x2800, s12  }
0x6: {  	s3 =	sshll.u32 s0, $0x4;
	s5 =	smul.u32 $0x140000, s0;
	s20 =	ssub.s32 $0x2, s0  }
0x7: {  	s0 =	smul.u32 $0x28000, s0;
	s4 =	sor.u32 s12, s3;
	s3 =	simm.s32 $0x0  }
0x8: {  	s8 =	sshrl.u32 s8, $0x2;
	s9 =	sshrl.u32 s20, $0x1;
	s6 =	smul.u32 $0x2800, s4  }
0x9: {  	[smem:$0x7FF] =	sst s3;
	s4 =	sadd.s32 $0xF200, s1;
	s5 =	sadd.s32 s7, s5  }
0xa: {  	s14 =	ssub.s32 s20, s9;
	s0 =	sadd.s32 s15, s0;
	s20 =	simm.s32 $0x6  }
0xb: {  	_ =	strace $0x80000050;
	s5 =	sshrl.u32 s5, $0x3;
	s14 =	smax.u32 s14, $0x1  }
0xc: {  	s26 =	sor.u32 $0x280, s0;
	s0 =	sor.u32 $0x200, s0;
	s11 =	sshrl.u32 s6, $0x3  }
0xd: {  	s16 =	sor.u32 $0x100, s6;
	s6 =	sor.u32 $0x180, s6;
	s0 =	sshrl.u32 s0, $0x3  }
0xe: {  	s10 =	sadd.s32 s11, s1;
	s1 =	sadd.s32 s5, s1;
	s5 =	sadd.s32 s8, s2  }
0xf: {  	s11 =	sadd.s32 s18, s11;
	s25 =	sshrl.u32 s16, $0x3;
	s6 =	sshrl.u32 s6, $0x3  }
0x10: {  	s21 =	sadd.s32 $0x4000, s5;
	s22 =	sadd.s32 $0x8000, s5;
	s23 =	sadd.s32 $0xC000, s5  }
0x11: {  	s24 =	sadd.s32 $0x10000, s5;
	s10 =	sadd.s32 $0x5200, s10;
	s12 =	sadd.s32 $0x10, s11  }
0x12: {  	s13 =	sadd.s32 $0x69200, s1;
	s15 =	sadd.s32 s18, s25;
	[dreg:$0x3] =	wrdreg s21  }
.Ltmp0:
0x13: {  	s1 =	sshrl.u32 s26, $0x3;
	[dreg:$0x4] =	wrdreg s22;
	(pc) =	sbr.rel .LBB2_1-.Ltmp0, $4  }
0x14: {  	s16 =	sadd.s32 s18, s6;
	s25 =	simm.s32 $0x80;
	[dreg:$0x5] =	wrdreg s23  }
0x15: {  	s26 =	simm.s32 $0x1;
	[dreg:$0x6] =	wrdreg s24;
	s17 =	sadd.s32 s1, s18  }
0x16: {  	s18 =	sadd.s32 s0, s18;
	s21 =	simm.s32 $0x14000;
	s22 =	simm.s32 $0x1A800  }
0x17: {  	v0 =	vimm.f32 $0.0e+00;
	s23 =	simm.s32 $0x1A880;
	s24 =	simm.s32 $0x4;
	s0 =	simm.s32 $0x0  }
.LBB2_6:
0x18: {  	_ =	swait.ge [sflag:s31], $0x4000  }
0x19: {  	[sflag:s31] =	ssyncset.done $0x0  }
0x1a: {  	[sflag:s31] =	ssyncadd.s32 $0xFFFFC000  }
0x1b: {  	[spmem:s2] =	stream.indirect.scatter.add.f32 [tilespmem:s29], [sflag:$0x3], $0x80, s6, s25, $0xb8;
	[tilespmem:$0x1E900] =	vst v63  }
0x1c: {  	s1 =	stileid.u32;
	_ =	swait.ge [sflag:s31], $0x4000  }
0x1d: {  	s9 =	sshrl.u32 s5, $0x3;
	s0 =	sadd.s32 $0x1, s0;
	[sflag:s31] =	ssyncset.done $0x0  }
0x1e: {  	s1 =	sshll.u32 s1, $0x6;
	p0 =	sne.s32 s0, s14;
	[sflag:s31] =	ssyncadd.s32 $0xFFFFC000  }
.Ltmp1:
0x1f: {  	s1 =	sor.u32 $0x1C06, s1;
	[bflag:$0x0] =	sbarrier.arrive $0xFFFF;
	(pc) =	sbr.rel @!p0 .LBB2_7-.Ltmp1, $4  }
0x20: {  	[hbm:s13], [sflag:s1] =	dma.local [spmem:s9], $0x2800  }
0x21: {  	_ =	swait.ge [sflag:s20], $0x2800  }
0x22: {  	[sflag:s20] =	ssyncset.done $0x0  }
0x23: {  	[sflag:s20] =	ssyncadd.s32 $0xFFFFD800  }
.LBB2_1:
0x24: {  	s1 =	simm.s32 $0x0;
	s6 =	simm.s32 $0x200  }
.LBB2_2:
0x25: {  	p0 =	sne.s32 s6, $0xFE00;
	[tilespmem:s1+$0x16870] =	vst v0  }
0x26: {  	[tilespmem:s1+$0x16800] =	vst v0  }
0x27: {  	[tilespmem:s1+$0x16810] =	vst v0  }
.Ltmp2:
0x28: {  	[tilespmem:s1+$0x16820] =	vst v0;
	(pc) =	sbr.rel @p0 .LBB2_2-.Ltmp2, $4  }
0x29: {  	[tilespmem:s1+$0x16830] =	vst v0  }
0x2a: {  	[tilespmem:s1+$0x16840] =	vst v0  }
0x2b: {  	[tilespmem:s1+$0x16850] =	vst v0  }
0x2c: {  	[tilespmem:s1+$0x16860] =	vst v0;
	s1 =	sshra.s32 s6, $0x2;
	s6 =	sadd.s32 $0x200, s6  }
0x2d: {  	[tilespmem:s1+$0x16870] =	vst v0  }
0x2e: {  	[tilespmem:s1+$0x16800] =	vst v0  }
0x2f: {  	[tilespmem:s1+$0x16810] =	vst v0  }
0x30: {  	[tilespmem:s1+$0x16820] =	vst v0  }
0x31: {  	[tilespmem:s1+$0x16830] =	vst v0  }
0x32: {  	[tilespmem:s1+$0x16840] =	vst v0  }
0x33: {  	[tilespmem:s1+$0x16850] =	vst v0  }
0x34: {  	[tilespmem:s1+$0x16860] =	vst v0  }
0x35: {  	[spmem:s5] =	stream.linear.scatter [tilespmem:s19], [sflag:$0x6], $0x4000, $0x38;
	[tilespmem:$0x1E900] =	vst v63  }
0x36: {  	_ =	swait.ge [sflag:s20], $0x4000  }
0x37: {  	[sflag:s20] =	ssyncset.done $0x0  }
0x38: {  	s6 =	rddreg [dreg:$0x3];
	[sflag:s20] =	ssyncadd.s32 $0xFFFFC000  }
0x39: {  	[spmem:s6] =	stream.linear.scatter [tilespmem:s19], [sflag:$0x6], $0x4000, $0x38;
	[tilespmem:$0x1E900] =	vst v63  }
0x3a: {  	_ =	swait.ge [sflag:s20], $0x4000  }
0x3b: {  	[sflag:s20] =	ssyncset.done $0x0  }
0x3c: {  	s7 =	rddreg [dreg:$0x4];
	[sflag:s20] =	ssyncadd.s32 $0xFFFFC000  }
0x3d: {  	[spmem:s7] =	stream.linear.scatter [tilespmem:s19], [sflag:$0x6], $0x4000, $0x38;
	[tilespmem:$0x1E900] =	vst v63  }
0x3e: {  	_ =	swait.ge [sflag:s20], $0x4000  }
0x3f: {  	[sflag:s20] =	ssyncset.done $0x0  }
0x40: {  	s8 =	rddreg [dreg:$0x5];
	[sflag:s20] =	ssyncadd.s32 $0xFFFFC000  }
0x41: {  	[spmem:s8] =	stream.linear.scatter [tilespmem:s19], [sflag:$0x6], $0x4000, $0x38;
	[tilespmem:$0x1E900] =	vst v63  }
0x42: {  	_ =	swait.ge [sflag:s20], $0x4000  }
0x43: {  	[sflag:s20] =	ssyncset.done $0x0  }
0x44: {  	s9 =	rddreg [dreg:$0x6];
	[sflag:s20] =	ssyncadd.s32 $0xFFFFC000  }
0x45: {  	[spmem:s9] =	stream.linear.scatter [tilespmem:s19], [sflag:$0x6], $0x4000, $0x38;
	[tilespmem:$0x1E900] =	vst v63  }
0x46: {  	_ =	swait.ge [sflag:s20], $0x4000  }
0x47: {  	[sflag:s20] =	ssyncset.done $0x0  }
0x48: {  	s1 =	simm.s32 $0x0;
	[sflag:s20] =	ssyncadd.s32 $0xFFFFC000  }
0x49: {  	[tilespmem:s21], [sflag:$0x6] =	stream.linear.gather [hbm4b:s10+s1], $0x2800, $0x38;
	[tilespmem:$0x1E900] =	vst v63  }
0x4a: {  	_ =	swait.ge [sflag:s20], $0x2800  }
0x4b: {  	[sflag:s20] =	ssyncset.done $0x0  }
0x4c: {  	[sflag:s20] =	ssyncadd.s32 $0xFFFFD800  }
0x4d: {  	[bflag:$0x0] =	sbarrier.arrive $0xFFFF  }
0x4e: {  	[tilespmem:s22], [sflag:$0x4] =	stream.linear.gather [hbm4b:s11+s1], $0x80, $0x38;
	[tilespmem:$0x1E900] =	vst v63  }
0x4f: {  	_ = 	snop  }
0x50: {  	[tilespmem:s23], [sflag:$0x5] =	stream.linear.gather [hbm4b:s12+s1], $0x80, $0x38;
	[tilespmem:$0x1E900] =	vst v63  }
0x51: {  	_ =	swait.ge [sflag:s24], $0x80  }
0x52: {  	[sflag:s24] =	ssyncset.done $0x0  }
0x53: {  	[sflag:s24] =	ssyncadd.s32 $0xFFFFFF80  }
0x54: {  	[tilespmem:s19], [sflag:$0x1] =	stream.indirect.gather [hbm4b:s4+s25], $0x80, s22, s25, $0xb8;
	[tilespmem:$0x1E900] =	vst v63  }
0x55: {  	_ =	swait.ge [sflag:s26], $0x4000  }
0x56: {  	[sflag:s26] =	ssyncset.done $0x0  }
0x57: {  	[sflag:s26] =	ssyncadd.s32 $0xFFFFC000  }
0x58: {  	[tilespmem:s22], [sflag:$0x4] =	stream.linear.gather [hbm4b:s15+s1], $0x80, $0x38;
	[tilespmem:$0x1E900] =	vst v63  }
0x59: {  	_ = 	snop  }
0x5a: {  	[spmem:s2] =	stream.indirect.scatter.add.f32 [tilespmem:s19], [sflag:$0x3], $0x80, s21, s25, $0xb8;
	[tilespmem:$0x1E900] =	vst v63  }
0x5b: {  	_ =	swait.ge [sflag:s28], $0x80  }
0x5c: {  	[sflag:s28] =	ssyncset.done $0x0  }
0x5d: {  	[sflag:s28] =	ssyncadd.s32 $0xFFFFFF80  }
0x5e: {  	[tilespmem:s29], [sflag:$0x2] =	stream.indirect.gather [hbm4b:s4+s25], $0x80, s23, s25, $0xb8;
	[tilespmem:$0x1E900] =	vst v63  }
0x5f: {  	_ =	swait.ge [sflag:s30], $0x4000  }
0x60: {  	[sflag:s30] =	ssyncset.done $0x0  }
0x61: {  	[sflag:s30] =	ssyncadd.s32 $0xFFFFC000  }
0x62: {  	[tilespmem:s23], [sflag:$0x5] =	stream.linear.gather [hbm4b:s16+s1], $0x80, $0x38;
	[tilespmem:$0x1E900] =	vst v63  }
0x63: {  	_ =	swait.ge [sflag:s31], $0x4000  }
0x64: {  	[sflag:s31] =	ssyncset.done $0x0  }
0x65: {  	s6 =	simm.s32 $0x14080;
	[sflag:s31] =	ssyncadd.s32 $0xFFFFC000  }
0x66: {  	[spmem:s2] =	stream.indirect.scatter.add.f32 [tilespmem:s29], [sflag:$0x3], $0x80, s6, s25, $0xb8;
	[tilespmem:$0x1E900] =	vst v63  }
0x67: {  	_ =	swait.ge [sflag:s24], $0x80  }
0x68: {  	[sflag:s24] =	ssyncset.done $0x0  }
0x69: {  	s6 =	simm.s32 $0x14180;
	[sflag:s24] =	ssyncadd.s32 $0xFFFFFF80  }
0x6a: {  	[tilespmem:s19], [sflag:$0x1] =	stream.indirect.gather [hbm4b:s4+s25], $0x80, s22, s25, $0xb8;
	[tilespmem:$0x1E900] =	vst v63  }
.LBB2_4:
0x6b: {  	_ =	swait.ge [sflag:s26], $0x4000;
	p0 =	seq.s32 s1, $0x4C0  }
0x6c: {  	[sflag:s26] =	ssyncset.done $0x0;
	s7 =	sadd.s32 @!p0 s1, s18  }
0x6d: {  	s8 =	simm.s32 @!p0 $0x0;
	s9 =	simm.s32 @!p0 $0x1A800;
	[sflag:s26] =	ssyncadd.s32 $0xFFFFC000  }
0x6e: {  	[tilespmem:s9], [sflag:$0x4] =	stream.linear.gather @!p0 [hbm4b:s7+s8], $0x80, $0x38;
	[tilespmem:$0x1E900] =	vst v63  }
0x6f: {  	_ =	swait.ge [sflag:s31], $0x4000  }
0x70: {  	[sflag:s31] =	ssyncset.done $0x0  }
0x71: {  	s9 =	sadd.s32 $0xFFFFFF80, s6;
	[sflag:s31] =	ssyncadd.s32 $0xFFFFC000  }
0x72: {  	[spmem:s2] =	stream.indirect.scatter.add.f32 [tilespmem:s19], [sflag:$0x3], $0x80, s9, s25, $0xb8;
	[tilespmem:$0x1E900] =	vst v63  }
0x73: {  	_ =	swait.ge [sflag:s28], $0x80  }
0x74: {  	[sflag:s28] =	ssyncset.done $0x0  }
.Ltmp3:
0x75: {  	[sflag:s28] =	ssyncadd.s32 $0xFFFFFF80;
	(pc) =	sbr.rel @p0 .LBB2_6-.Ltmp3, $4  }
0x76: {  	[tilespmem:s29], [sflag:$0x2] =	stream.indirect.gather [hbm4b:s4+s25], $0x80, s23, s25, $0xb8;
	[tilespmem:$0x1E900] =	vst v63  }
0x77: {  	_ =	swait.ge [sflag:s30], $0x4000  }
0x78: {  	[sflag:s30] =	ssyncset.done $0x0  }
0x79: {  	[sflag:s30] =	ssyncadd.s32 $0xFFFFC000  }
0x7a: {  	s7 =	sadd.s32 s1, s17  }
0x7b: {  	[tilespmem:s23], [sflag:$0x5] =	stream.linear.gather [hbm4b:s7+s3], $0x80, $0x38;
	[tilespmem:$0x1E900] =	vst v63  }
0x7c: {  	_ =	swait.ge [sflag:s31], $0x4000  }
0x7d: {  	[sflag:s31] =	ssyncset.done $0x0  }
0x7e: {  	[sflag:s31] =	ssyncadd.s32 $0xFFFFC000  }
0x7f: {  	[spmem:s2] =	stream.indirect.scatter.add.f32 [tilespmem:s29], [sflag:$0x3], $0x80, s6, s25, $0xb8;
	[tilespmem:$0x1E900] =	vst v63  }
.Ltmp4:
0x80: {  	_ = 	snop;
	(pc) =	sbr.rel .LBB2_4-.Ltmp4, $4  }
0x81: {  	_ =	swait.ge [sflag:s24], $0x80  }
0x82: {  	[sflag:s24] =	ssyncset.done $0x0  }
0x83: {  	s1 =	sadd.s32 $0x20, s1;
	s6 =	sadd.s32 $0x100, s6;
	[sflag:s24] =	ssyncadd.s32 $0xFFFFFF80  }
0x84: {  	[tilespmem:s19], [sflag:$0x1] =	stream.indirect.gather [hbm4b:s4+s25], $0x80, s22, s25, $0xb8;
	[tilespmem:$0x1E900] =	vst v63  }
.LBB2_7:
0x85: {  	_ =	sfence.sel $0x180000  }
0x86: {  	[bflag:$0x0] =	sbarrier.arrive $0xFFFF  }
0x87: {  	_ =	strace $0x90000050  }
0x88: {  	s0 =	stileid.u32;
	[bflag:$0x2] =	sbarrier.arrive $0xFFFF  }
0x89: {  	p0 =	sne.s32 s0, $0x0;
	s0 =	rddreg [dreg:$0x2]  }
0x8a: {  	s0 =	sadd.s32 @!p0 $0x100000, s0  }
0x8b: {  	[sflag:s0] =	ssyncadd.tile.s32 @!p0 $0x1;
	_ =	shalt  }
.Lfunc_end2:
_tile_overlayer_lowered:
.L_overlay_start_2:
0x8c: {  	(tag) =	ssettag $0x2  }
0x8d: {  	s0 =	rddreg [dreg:$0x0];
	s2 =	stileid.u32  }
0x8e: {  	s1 =	rddreg [dreg:$0x1];
	p0 =	sne.s32 s2, $0x0  }
0x8f: {  	s3 =	rddreg [dreg:$0x2];
	[bflag:$0x3] =	sbarrier.arrive $0xFFFF;
	s2 =	simm.s32 @!p0 $0x1C06  }
0x90: {  	[timem:s3], [sflag:s2] =	dma.local @!p0 [hbm:s0], s1  }
0x91: {  	s0 =	simm.s32 @!p0 $0x6  }
0x92: {  	_ =	swait.ge @!p0 [sflag:s0], s1  }
0x93: {  	s1 =	ssub.s32 @!p0 $0x0, s1;
	[sflag:s0] =	ssyncset.done @!p0 $0x0  }
0x94: {  	[sflag:s0] =	ssyncadd.s32 @!p0 s1  }
0x95: {  	[bflag:$0x3] =	sbarrier.arrive $0xFFFF  }
0x96: {  	_ =	shalt  }

// kernel: kernel.31.cloned.1.call-start
scs
__scs_entry_jumppad:
0x0: {  	(pc) =	sbr.rel $0x88, $3  }
0x1: {  	(tag) =	ssettag $0x0;
	lr =	simm.s32 $0x1  }
0x2: {  	[smem:$0x3F90] =	sst lr;
	_ =	strace $0xD0000000  }
0x3: {  	_ = 	snop  }
0x4: {  	_ = 	snop  }
0x5: {  	_ = 	snop  }
0x6: {  	_ = 	snop  }
0x7: {  	_ = 	snop  }
__scs_overlays_trampoline_lowered:
0x8: {  	[smem:$0x3F9F] =	sst s0  }
0x9: {  	[smem:$0x3FA0] =	sst s1  }
0xa: {  	[smem:$0x3FA1] =	sst s2  }
0xb: {  	[smem:$0x3FA2] =	sst s3  }
0xc: {  	[smem:$0x3FA3] =	sst s4  }
0xd: {  	[smem:$0x3FA4] =	sst s5  }
0xe: {  	[smem:$0x3FA5] =	sst s6  }
0xf: {  	[smem:$0x3FA6] =	sst s7  }
0x10: {  	[smem:$0x3FA7] =	sst s8  }
0x11: {  	[smem:$0x3FA8] =	sst s9;
	s0 =	simm.s32 @!p0 $0x0  }
0x12: {  	s1 =	sld [smem:$0x3F8E];
	s0 =	simm.s32 @p0 $0x1  }
0x13: {  	[smem:$0x3FA9] =	sst s0;
	s0 =	simm.s32 @!p1 $0x0  }
0x14: {  	s2 =	sld [smem:$0x3F8D];
	s0 =	simm.s32 @p1 $0x1  }
0x15: {  	[smem:$0x3FAA] =	sst s0;
	s0 =	simm.s32 @!p2 $0x0  }
0x16: {  	s3 =	sld [smem:$0x3FDB];
	s0 =	simm.s32 @p2 $0x1  }
0x17: {  	s4 =	simm.s32 $0x1BF5;
	[smem:$0x3FAC] =	sst s0  }
0x18: {  	s0 =	sld [smem:$0x3F8F];
	_ =	swait.ge [sflag:s4], $0x0  }
0x19: {  	s7 =	sld [smem:$0x3F90]  }
0x1a: {  	s8 =	sadd.s32 $0xFFFFE003, lr  }
0x1b: {  	s9 =	sadd.s32 $0xFFFFFEF7, lr;
	s5 =	simm.s32 $0xFFFFFFFF;
	p2 =	slt.u32 s8, $0xFFFFF086  }
0x1c: {  	p1 =	slt.u32 s9, $0xF7A;
	s5 =	simm.s32 @!p2 $0x0  }
0x1d: {  	s5 =	simm.s32 @p1 $0x1;
	p0 =	seq.s32 s7, s2  }
0x1e: {  	s7 =	smul.u32 @!p0 $0xF7A, s2;
	p2 =	seq.s32 @!p0 s5, $0x0  }
0x1f: {  	s9 =	smul.u32 $0xF7A, s1;
	s8 =	simm.s32 @!p0 $0x1BF5;
	p2 =	por !p2, p0  }
0x20: {  	[sflag:s8] =	ssyncset.s32 @!p0 $0xFFFFF086;
	s6 =	sadd.s32 @!p0 s3, s7;
	s7 =	simm.s32 @!p0 $0x108  }
0x21: {  	s3 =	sadd.s32 s3, s9;
	s6 =	sadd.s32 @!p0 $0x88, s6;
	s7 =	simm.s32 @p2 $0x1082  }
0x22: {  	[simem:s7], [sflag:s8] =	dma.local @!p0 [hbm:s6], $0xF7A  }
0x23: {  	s9 =	sor.u32 $0xD0000000, s2;
	s6 =	simm.s32 $0x108;
	_ =	swait.ge @!p0 [sflag:s8], $0x0  }
0x24: {  	s3 =	sadd.s32 $0x88, s3;
	s6 =	simm.s32 @!p1 $0x1082;
	[sflag:s4] =	ssyncset.s32 $0xFFFFF086  }
0x25: {  	[simem:s6], [sflag:s4] =	dma.local [hbm:s3], $0xF7A  }
0x26: {  	[smem:$0x3F90] =	sst s1;
	(tag) =	ssettag s2;
	_ =	strace s9  }
0x27: {  	s1 =	sld [smem:$0x3FA0]  }
0x28: {  	s2 =	sld [smem:$0x3FA1]  }
0x29: {  	s4 =	sld [smem:$0x3FA3]  }
0x2a: {  	p0 =	seq.s32 s5, $0x0;
	s5 =	sld [smem:$0x3FA4]  }
0x2b: {  	s6 =	sld [smem:$0x3FA5]  }
0x2c: {  	s7 =	sld [smem:$0x3FA6]  }
0x2d: {  	s3 =	simm.s32 $0x108;
	s8 =	sld [smem:$0x3FA7]  }
0x2e: {  	s3 =	simm.s32 @!p0 $0x1082;
	s9 =	sld [smem:$0x3FA8]  }
0x2f: {  	lr =	sadd.s32 s0, s3;
	s0 =	sld [smem:$0x3F9F]  }
0x30: {  	s3 =	sld [smem:$0x3FA2]  }
0x31: {  	[smem:$0x3FAB] =	sst s10  }
0x32: {  	s10 =	sld [smem:$0x3FA9];
	_ =	sdelay $0x3  }
0x33: {  	p0 =	seq.s32 s10, $0x1;
	s10 =	sld [smem:$0x3FAB];
	_ =	sdelay $0x3  }
0x34: {  	[smem:$0x3FAB] =	sst s10  }
0x35: {  	s10 =	sld [smem:$0x3FAA];
	_ =	sdelay $0x3  }
0x36: {  	p1 =	seq.s32 s10, $0x1;
	s10 =	sld [smem:$0x3FAB];
	_ =	sdelay $0x3  }
0x37: {  	[smem:$0x3FAB] =	sst s10  }
0x38: {  	s10 =	sld [smem:$0x3FAC]  }
0x39: {  	_ = 	snop;
	(pc) =	sbr.ind lr, $3  }
0x3a: {  	_ = 	snop  }
0x3b: {  	_ = 	snop  }
0x3c: {  	p2 =	seq.s32 s10, $0x1;
	s10 =	sld [smem:$0x3FAB]  }
0x3d: {  	_ =	shalt  }
0x3e: {  	_ =	shalt  }
0x3f: {  	_ =	shalt  }
0x40: {  	_ =	shalt  }
0x41: {  	_ =	shalt  }
0x42: {  	_ =	shalt  }
0x43: {  	_ =	shalt  }
0x44: {  	_ =	shalt  }
0x45: {  	_ =	shalt  }
0x46: {  	_ =	shalt  }
0x47: {  	_ =	shalt  }
0x48: {  	_ =	shalt  }
0x49: {  	_ =	shalt  }
0x4a: {  	_ =	shalt  }
0x4b: {  	_ =	shalt  }
0x4c: {  	_ =	shalt  }
0x4d: {  	_ =	shalt  }
0x4e: {  	_ =	shalt  }
0x4f: {  	_ =	shalt  }
0x50: {  	_ =	shalt  }
0x51: {  	_ =	shalt  }
0x52: {  	_ =	shalt  }
0x53: {  	_ =	shalt  }
0x54: {  	_ =	shalt  }
0x55: {  	_ =	shalt  }
0x56: {  	_ =	shalt  }
0x57: {  	_ =	shalt  }
0x58: {  	_ =	shalt  }
0x59: {  	_ =	shalt  }
0x5a: {  	_ =	shalt  }
0x5b: {  	_ =	shalt  }
0x5c: {  	_ =	shalt  }
0x5d: {  	_ =	shalt  }
0x5e: {  	_ =	shalt  }
0x5f: {  	_ =	shalt  }
0x60: {  	_ =	shalt  }
0x61: {  	_ =	shalt  }
0x62: {  	_ =	shalt  }
0x63: {  	_ =	shalt  }
0x64: {  	_ =	shalt  }
0x65: {  	_ =	shalt  }
0x66: {  	_ =	shalt  }
0x67: {  	_ =	shalt  }
0x68: {  	_ =	shalt  }
0x69: {  	_ =	shalt  }
0x6a: {  	_ =	shalt  }
0x6b: {  	_ =	shalt  }
0x6c: {  	_ =	shalt  }
0x6d: {  	_ =	shalt  }
0x6e: {  	_ =	shalt  }
0x6f: {  	_ =	shalt  }
0x70: {  	_ =	shalt  }
0x71: {  	_ =	shalt  }
0x72: {  	_ =	shalt  }
0x73: {  	_ =	shalt  }
0x74: {  	_ =	shalt  }
0x75: {  	_ =	shalt  }
0x76: {  	_ =	shalt  }
0x77: {  	_ =	shalt  }
0x78: {  	_ =	shalt  }
0x79: {  	_ =	shalt  }
0x7a: {  	_ =	shalt  }
0x7b: {  	_ =	shalt  }
0x7c: {  	_ =	shalt  }
0x7d: {  	_ =	shalt  }
0x7e: {  	_ =	shalt  }
0x7f: {  	_ =	shalt  }
0x80: {  	_ =	shalt  }
0x81: {  	_ =	shalt  }
0x82: {  	_ =	shalt  }
0x83: {  	_ =	shalt  }
0x84: {  	_ =	shalt  }
0x85: {  	_ =	shalt  }
0x86: {  	_ =	shalt  }
0x87: {  	_ =	shalt  }
.Lfunc_end0:
.L_simem_size_0:
called_computation.5_lowered:
.L_overlay_start_0:
0x88: {  	s2 =	sld [smem:$0x3FD9]  }
0x89: {  	s3 =	sld [smem:$0x3FFE];
	_ =	sdelay $0x1  }
0x8a: {  	s1 =	srdreg.scid  }
0x8b: {  	s0 =	sand.u32 $0x1, s1  }
0x8c: {  	s17 =	sshll.u32 s0, $0xA;
	s2 =	sadd.s32 s3, s2  }
0x8d: {  	s2 =	sadd.s32 s2, s17  }
0x8e: {  	[smem:$0x3FB7] =	sst s2  }
0x8f: {  	_ = 	snop  }
0x90: {  	(tm) =	ssettm $0x1  }
0x91: {  	s18 =	sld [smem:$0x3FFB];
	_ =	sdelay $0x3  }
0x92: {  	_ =	strace s18  }
0x93: {  	s2 =	sld [smem:$0x3FFC];
	_ =	sdelay $0x3  }
0x94: {  	_ =	strace s2  }
0x95: {  	s2 =	sld [smem:$0x3FFD];
	_ =	sdelay $0x3  }
0x96: {  	_ =	strace s2  }
0x97: {  	_ =	strace $0x8FFFFFFF  }
0x98: {  	s19 =	sld [smem:$0x3FDB];
	_ =	sdelay $0x1  }
0x99: {  	s20 =	simm.s32 $_scs_section_size  }
0x9a: {  	s4 =	simm.s32 $_size__tile_overlayer_lowered;
	s5 =	simm.s32 $_tile_overlayer_lowered  }
0x9b: {  	s6 =	simm.s32 $0x1BFF;
	s21 =	sshll.u32 s5, $0x1;
	s3 =	sadd.s32 s20, s19  }
0x9c: {  	s22 =	simm.s32 $0x0;
	s4 =	sshll.u32 s4, $0x1;
	s5 =	sadd.s32 s21, s3  }
0x9d: {  	[timem:s22], [sflag:s6] =	dma.local [hbm:s5], s4  }
0x9e: {  	_ =	swait.ge [sflag:s6], s4  }
0x9f: {  	s4 =	ssub.s32 $0x0, s4;
	[sflag:s6] =	ssyncset.done $0x0  }
0xa0: {  	[sflag:s6] =	ssyncadd.s32 s4;
	_ =	sdelay $0x1  }
0xa1: {  	s23 =	simm.s32 $0x1B8B  }
0xa2: {  	_ =	swait.ge [sflag:s23], $0x1  }
0xa3: {  	[sflag:s23] =	ssyncset.done $0x0  }
0xa4: {  	[sflag:s23] =	ssyncadd.s32 $0xFFFFFFFF  }
0xa5: {  	s4 =	sld [smem:$0x0]  }
0xa6: {  	s5 =	sand.u32 $0xFFFFFFFE, s1  }
0xa7: {  	p0 =	sne.s32 s1, s5  }
0xa8: {  	s5 =	sshll.u32 @p0 s5, $0xE  }
0xa9: {  	s5 =	sadd.s32 @p0 $0x11B8D, s5;
	s6 =	sshll.u32 @p0 s4, $0x11  }
0xaa: {  	s5 =	sor.u32 @p0 s6, s5  }
0xab: {  	[sflag:s5] =	ssyncadd.remote.s32 @p0 $0x1;
	_ =	sdelay $0x1  }
0xac: {  	s5 =	simm.s32 @p0 $0x1B8D  }
0xad: {  	_ =	swait.eq @p0 [sflag:s5], $0x1  }
0xae: {  	[sflag:s5] =	ssyncadd.s32 @p0 $0xFFFFFFFF  }
0xaf: {  	s6 =	sshll.u32 @!p0 s1, $0xE  }
0xb0: {  	s6 =	sor.u32 @!p0 $0x4000, s6;
	s5 =	simm.s32 @!p0 $0x1B8D  }
0xb1: {  	s4 =	sshll.u32 @!p0 s4, $0x11;
	s6 =	sadd.s32 @!p0 $0x11B8D, s6;
	_ =	swait.eq @!p0 [sflag:s5], $0x1  }
0xb2: {  	s4 =	sor.u32 @!p0 s4, s6;
	[sflag:s5] =	ssyncadd.s32 @!p0 $0xFFFFFFFF  }
0xb3: {  	s25 =	simm.s32 $0x1B8E;
	s24 =	sld [smem:$0x3FFE];
	[sflag:s4] =	ssyncadd.remote.s32 @!p0 $0x1  }
0xb4: {  	s26 =	simm.s32 $execute0_lowered;
	[smem:$0x3FD2] =	sst s25  }
0xb5: {  	s5 =	sshll.u32 s26, $0x1;
	_ =	strace $0x80000055;
	[dreg:$0x1] =	wrdreg $0xFFFFFFFF  }
0xb6: {  	s28 =	simm.s32 $_size_execute0_lowered;
	s3 =	sadd.s32 s3, s5;
	[dreg:$0x0] =	wrdreg $0x0  }
0xb7: {  	s5 =	sshll.u32 s28, $0x1;
	[dreg:$0x2] =	wrdreg s3  }
0xb8: {  	[dreg:$0x3] =	wrdreg s5  }
0xb9: {  	[dreg:$0x4] =	wrdreg $0xC0  }
0xba: {  	_ =	task [dreg:s22], $0x5FFFF  }
0xbb: {  	[dreg:$0x1] =	wrdreg $0xFFFFFFFF  }
0xbc: {  	[dreg:$0x0] =	wrdreg $0x60  }
0xbd: {  	[dreg:$0x2] =	wrdreg s24  }
0xbe: {  	[dreg:$0x3] =	wrdreg $0x0  }
0xbf: {  	[dreg:$0x4] =	wrdreg $0xA  }
0xc0: {  	_ =	task.clear_ibuf [dreg:s22], $0x5FFFF;
	_ =	strace $0x90000055  }
0xc1: {  	s29 =	simm.s32 $0xA;
	_ =	strace $0x80000057  }
0xc2: {  	_ =	swait.ge [sflag:s29], $0x1  }
0xc3: {  	[sflag:s29] =	ssyncadd.s32 $0xFFFFFFFF  }
0xc4: {  	_ =	strace $0x90000057  }
0xc5: {  	_ =	sfence  }
0xc6: {  	s30 =	sld [smem:$0x0];
	_ =	sdelay $0x2  }
0xc7: {  	s31 =	sshll.u32 s1, $0xD;
	s1 =	sshrl.u32 s1, $0x2  }
0xc8: {  	s4 =	sand.u32 $0x4000, s31;
	s1 =	sadd.s32 s1, s30  }
0xc9: {  	s0 =	sor.u32 s4, s0;
	s1 =	sshll.u32 s1, $0x11  }
0xca: {  	s0 =	sor.u32 s1, s0  }
0xcb: {  	s0 =	sadd.s32 $0x8F2B, s0  }
0xcc: {  	[sflag:s0] =	ssyncadd.remote.s32 $0x1  }
0xcd: {  	_ =	sfence.sel $0xFFFF  }
0xce: {  	[dreg:$0x0] =	wrdreg $0xFFFFFFFF;
	(pc) =	sbr.abs _section_cstart, $3  }
0xcf: {  	[dreg:$0x1] =	wrdreg $0xFFFFFFFF  }
0xd0: {  	_ =	task.clear_ibuf [dreg:s22], $0x2FFFF;
	_ =	strace $0x9FFFFFFF  }
0xd1: {  	(tm) =	ssettm $0x7FFFFFFF  }
tec
execute0_lowered:
.L_overlay_start_1:
0x0: {  	(tag) =	ssettag $0x1  }
0x1: {  	s6 =	rddreg [dreg:$0x0]  }
0x2: {  	s0 =	srdreg.scid;
	s2 =	rddreg [dreg:$0x1]  }
0x3: {  	s3 =	simm.s32 $0x0;
	s13 =	simm.s32 $0x6;
	s14 =	simm.s32 $0x4500  }
0x4: {  	s15 =	simm.s32 $0x4580;
	s16 =	simm.s32 $0x4;
	s17 =	simm.s32 $0x80  }
0x5: {  	s18 =	simm.s32 $0x500;
	s19 =	simm.s32 $0x1;
	s20 =	simm.s32 $0x5  }
0x6: {  	s21 =	simm.s32 $0x4600;
	s22 =	simm.s32 $0x2;
	s23 =	simm.s32 $0x3  }
0x7: {  	s24 =	simm.s32 $0x380;
	s25 =	simm.s32 $0x400;
	s26 =	simm.s32 $0x0  }
0x8: {  	s5 =	sand.u32 $0x1, s0;
	s0 =	stileid.u32;
	[smem:$0x7FF] =	sst s3  }
0x9: {  	s1 =	sshll.u32 s5, $0x4;
	s8 =	smul.u32 $0x3000, s5;
	s10 =	sshll.u32 s0, $0xA  }
0xa: {  	s5 =	ssub.s32 $0x2, s5;
	p0 =	sgt.u32 s0, $0xB;
	s7 =	sor.u32 s0, s1  }
0xb: {  	s1 =	rddreg [dreg:$0x2];
	_ =	strace $0x80000056;
	s31 =	sshrl.u32 s5, $0x1  }
0xc: {  	s4 =	smul.u32 $0x180, s7;
	s8 =	sadd.s32 s10, s8;
	s7 =	sshll.u32 s7, $0x6  }
0xd: {  	s12 =	ssub.s32 s5, s31;
	s5 =	sadd.s32 s10, s2;
	s8 =	sshrl.u32 s8, $0x3  }
0xe: {  	s7 =	sadd.s32 s7, s6;
	s9 =	sshrl.u32 s4, $0x3;
	s4 =	sadd.s32 $0x5200, s6  }
0xf: {  	s11 =	sadd.s32 s8, s6;
	s9 =	sadd.s32 s9, s6;
	s6 =	sadd.s32 $0x36400, s7  }
0x10: {  	s10 =	sadd.s32 $0x2CA00, s11;
	s11 =	smax.u32 s12, $0x1;
	s12 =	simm.s32 $0x300  }
0x11: {  	v0 =	vimm.f32 $0.0e+00;
	s7 =	sadd.s32 $0x2C400, s9;
	s8 =	sadd.s32 $0x2C410, s9;
	s9 =	sadd.s32 $0x2C420, s9  }
.LBB2_1:
0x12: {  	s28 =	simm.s32 $0x0;
	s29 =	simm.s32 $0x200  }
.LBB2_2:
0x13: {  	p1 =	sne.s32 s29, $0xFE00;
	[tilespmem:s28+$0x570] =	vst v0  }
0x14: {  	[tilespmem:s28+$0x500] =	vst v0  }
0x15: {  	[tilespmem:s28+$0x510] =	vst v0  }
.Ltmp0:
0x16: {  	[tilespmem:s28+$0x520] =	vst v0;
	(pc) =	sbr.rel @p1 .LBB2_2-.Ltmp0, $4  }
0x17: {  	[tilespmem:s28+$0x530] =	vst v0  }
0x18: {  	[tilespmem:s28+$0x540] =	vst v0  }
0x19: {  	[tilespmem:s28+$0x550] =	vst v0  }
0x1a: {  	[tilespmem:s28+$0x560] =	vst v0;
	s28 =	sshra.s32 s29, $0x2;
	s29 =	sadd.s32 $0x200, s29  }
0x1b: {  	[tilespmem:s28+$0x570] =	vst v0  }
0x1c: {  	[tilespmem:s28+$0x500] =	vst v0  }
0x1d: {  	[tilespmem:s28+$0x510] =	vst v0  }
0x1e: {  	[tilespmem:s28+$0x520] =	vst v0  }
0x1f: {  	[tilespmem:s28+$0x530] =	vst v0  }
0x20: {  	[tilespmem:s28+$0x540] =	vst v0  }
0x21: {  	[tilespmem:s28+$0x550] =	vst v0  }
0x22: {  	[tilespmem:s28+$0x560] =	vst v0;
	s28 =	simm.s32 @!p0 $0x500  }
0x23: {  	[spmem:s5] =	stream.linear.scatter @!p0 [tilespmem:s28], [sflag:$0x6], $0x400, $0x38;
	[tilespmem:$0x8600] =	vst v63  }
0x24: {  	s28 =	simm.s32 @!p0 $0x6  }
0x25: {  	_ =	swait.ge @!p0 [sflag:s28], $0x400  }
0x26: {  	[sflag:s28] =	ssyncset.done @!p0 $0x0  }
0x27: {  	[sflag:s28] =	ssyncadd.s32 @!p0 $0xFFFFFC00  }
0x28: {  	[tilespmem:s12], [sflag:$0x6] =	stream.linear.gather [hbm4b:s6+s3], $0x180, $0x38;
	[tilespmem:$0x8600] =	vst v63  }
0x29: {  	_ =	swait.ge [sflag:s13], $0x180  }
0x2a: {  	[sflag:s13] =	ssyncset.done $0x0  }
0x2b: {  	[sflag:s13] =	ssyncadd.s32 $0xFFFFFE80  }
0x2c: {  	[bflag:$0x0] =	sbarrier.arrive $0xFFFF  }
0x2d: {  	[tilespmem:s14], [sflag:$0x4] =	stream.linear.gather [hbm4b:s7+s3], $0x80, $0x38;
	[tilespmem:$0x8600] =	vst v63  }
0x2e: {  	_ = 	snop  }
0x2f: {  	[tilespmem:s15], [sflag:$0x5] =	stream.linear.gather [hbm4b:s8+s3], $0x80, $0x38;
	[tilespmem:$0x8600] =	vst v63  }
0x30: {  	_ =	swait.ge [sflag:s16], $0x80  }
0x31: {  	[sflag:s16] =	ssyncset.done $0x0  }
0x32: {  	[sflag:s16] =	ssyncadd.s32 $0xFFFFFF80  }
0x33: {  	[tilespmem:s18], [sflag:$0x1] =	stream.indirect.gather [hbm4b:s4+s17], $0x80, s14, s17, $0xb8;
	[tilespmem:$0x8600] =	vst v63  }
0x34: {  	_ =	swait.ge [sflag:s19], $0x4000  }
0x35: {  	[sflag:s19] =	ssyncset.done $0x0  }
0x36: {  	[sflag:s19] =	ssyncadd.s32 $0xFFFFC000  }
0x37: {  	[tilespmem:s14], [sflag:$0x4] =	stream.linear.gather [hbm4b:s9+s3], $0x80, $0x38;
	[tilespmem:$0x8600] =	vst v63  }
0x38: {  	_ = 	snop  }
0x39: {  	[spmem:s2] =	stream.indirect.scatter.add.f32 [tilespmem:s18], [sflag:$0x3], $0x80, s12, s17, $0xb8;
	[tilespmem:$0x8600] =	vst v63  }
0x3a: {  	_ =	swait.ge [sflag:s20], $0x80  }
0x3b: {  	[sflag:s20] =	ssyncset.done $0x0  }
0x3c: {  	[sflag:s20] =	ssyncadd.s32 $0xFFFFFF80  }
0x3d: {  	[tilespmem:s21], [sflag:$0x2] =	stream.indirect.gather [hbm4b:s4+s17], $0x80, s15, s17, $0xb8;
	[tilespmem:$0x8600] =	vst v63  }
0x3e: {  	_ =	swait.ge [sflag:s22], $0x4000  }
0x3f: {  	[sflag:s22] =	ssyncset.done $0x0  }
0x40: {  	[sflag:s22] =	ssyncadd.s32 $0xFFFFC000  }
0x41: {  	_ =	swait.ge [sflag:s23], $0x4000  }
0x42: {  	[sflag:s23] =	ssyncset.done $0x0  }
0x43: {  	[sflag:s23] =	ssyncadd.s32 $0xFFFFC000  }
0x44: {  	[spmem:s2] =	stream.indirect.scatter.add.f32 [tilespmem:s21], [sflag:$0x3], $0x80, s24, s17, $0xb8;
	[tilespmem:$0x8600] =	vst v63  }
0x45: {  	_ =	swait.ge [sflag:s16], $0x80  }
0x46: {  	[sflag:s16] =	ssyncset.done $0x0  }
0x47: {  	[sflag:s16] =	ssyncadd.s32 $0xFFFFFF80  }
0x48: {  	[tilespmem:s18], [sflag:$0x1] =	stream.indirect.gather [hbm4b:s4+s17], $0x80, s14, s17, $0xb8;
	[tilespmem:$0x8600] =	vst v63  }
0x49: {  	_ =	swait.ge [sflag:s19], $0x4000  }
0x4a: {  	[sflag:s19] =	ssyncset.done $0x0  }
0x4b: {  	[sflag:s19] =	ssyncadd.s32 $0xFFFFC000  }
0x4c: {  	_ =	swait.ge [sflag:s23], $0x4000  }
0x4d: {  	[sflag:s23] =	ssyncset.done $0x0  }
0x4e: {  	[sflag:s23] =	ssyncadd.s32 $0xFFFFC000  }
0x4f: {  	[spmem:s2] =	stream.indirect.scatter.add.f32 [tilespmem:s18], [sflag:$0x3], $0x80, s25, s17, $0xb8;
	[tilespmem:$0x8600] =	vst v63  }
0x50: {  	_ =	swait.ge [sflag:s23], $0x4000  }
0x51: {  	s29 =	sshll.u32 @!p0 s0, $0x6;
	s26 =	sadd.s32 $0x1, s26;
	[sflag:s23] =	ssyncset.done $0x0  }
0x52: {  	s30 =	sshrl.u32 @!p0 s5, $0x3;
	p1 =	sne.s32 s26, s11;
	[sflag:s23] =	ssyncadd.s32 $0xFFFFC000  }
.Ltmp1:
0x53: {  	s29 =	sor.u32 @!p0 $0x1C06, s29;
	[bflag:$0x0] =	sbarrier.arrive $0xFFFF;
	(pc) =	sbr.rel @p1 .LBB2_1-.Ltmp1, $4  }
0x54: {  	[hbm:s10], [sflag:s29] =	dma.local @!p0 [spmem:s30], $0x80  }
0x55: {  	_ =	swait.ge @!p0 [sflag:s28], $0x80  }
0x56: {  	[sflag:s28] =	ssyncset.done @!p0 $0x0  }
0x57: {  	[sflag:s28] =	ssyncadd.s32 @!p0 $0xFFFFFF80  }
0x58: {  	_ =	sfence.sel $0x180000  }
0x59: {  	[bflag:$0x0] =	sbarrier.arrive $0xFFFF  }
0x5a: {  	p0 =	sne.s32 s0, $0x0;
	_ =	strace $0x90000056  }
0x5b: {  	s0 =	sadd.s32 @!p0 $0x100000, s1;
	[bflag:$0x2] =	sbarrier.arrive $0xFFFF  }
0x5c: {  	[sflag:s0] =	ssyncadd.tile.s32 @!p0 $0x1;
	_ =	shalt  }
.Lfunc_end2:
_tile_overlayer_lowered:
.L_overlay_start_2:
0x5d: {  	(tag) =	ssettag $0x2  }
0x5e: {  	s0 =	rddreg [dreg:$0x0];
	s2 =	stileid.u32  }
0x5f: {  	s1 =	rddreg [dreg:$0x1];
	p0 =	sne.s32 s2, $0x0  }
0x60: {  	s3 =	rddreg [dreg:$0x2];
	[bflag:$0x3] =	sbarrier.arrive $0xFFFF;
	s2 =	simm.s32 @!p0 $0x1C06  }
0x61: {  	[timem:s3], [sflag:s2] =	dma.local @!p0 [hbm:s0], s1  }
0x62: {  	s0 =	simm.s32 @!p0 $0x6  }
0x63: {  	_ =	swait.ge @!p0 [sflag:s0], s1  }
0x64: {  	s1 =	ssub.s32 @!p0 $0x0, s1;
	[sflag:s0] =	ssyncset.done @!p0 $0x0  }
0x65: {  	[sflag:s0] =	ssyncadd.s32 @!p0 s1  }
0x66: {  	[bflag:$0x3] =	sbarrier.arrive $0xFFFF  }
0x67: {  	_ =	shalt  }

</sc_bundles>
